<compile_context>
chip_gen: v7x
topology: tpu7x:2x2x1
jax: 0.10.2.dev20260603
libtpu: 0.0.44.dev20260713+nightly
codegen_flags: <defaults>
</compile_context>

<pallas_src>
import functools

import jax
import jax.numpy as jnp
from jax import lax
from jax.experimental import pallas as pl
from jax.experimental.pallas import tpu as pltpu
from jax.experimental.pallas import tpu_sc as plsc

N_NODES = 10000
N_EDGES = 320000
D = 128
NW = 32
ROWS_PER_W = 320
N_PAD = NW * ROWS_PER_W
EC = 4000
N_CHUNKS = N_EDGES // EC
N_GROUPS = EC // 16
KSEG = D // 16

_mesh = plsc.VectorSubcoreMesh(core_axis_name="c", subcore_axis_name="s")


@functools.partial(
    pl.kernel,
    out_type=jax.ShapeDtypeStruct((N_PAD, D), jnp.float32),
    mesh=_mesh,
    scratch_types=[
        pltpu.VMEM((EC,), jnp.int32),
        pltpu.VMEM((EC,), jnp.int32),
        pltpu.VMEM((EC,), jnp.float32),
        pltpu.VMEM((EC + 16,), jnp.int32),
        pltpu.VMEM((EC + 16,), jnp.int32),
        pltpu.VMEM((EC + 16,), jnp.float32),
        pltpu.VMEM((16, D), jnp.float32),
        pltpu.VMEM((ROWS_PER_W + 1, D), jnp.float32),
        pltpu.SemaphoreType.DMA,
    ],
    compiler_params=pltpu.CompilerParams(needs_layout_passes=False),
)
def _agg_kernel(x_hbm, src_hbm, dst_hbm, ts_hbm, out_hbm,
                dstv, srcv, tsv, msrc, mdl, mts, rows, agg, sem):
    wid = lax.axis_index("s") * 2 + lax.axis_index("c")
    lo = wid * ROWS_PER_W
    hi = lo + ROWS_PER_W
    lov = jnp.full((16,), lo, dtype=jnp.int32)
    hiv = jnp.full((16,), hi, dtype=jnp.int32)

    neg_inf = jnp.full((16,), -jnp.inf, dtype=jnp.float32)

    def init_body(r, carry):
        for k in range(KSEG):
            agg[r, pl.ds(k * 16, 16)] = neg_inf
        return carry

    lax.fori_loop(0, ROWS_PER_W + 1, init_body, 0)

    def chunk_body(c, carry):
        base = c * EC
        pltpu.sync_copy(dst_hbm.at[pl.ds(base, EC)], dstv)
        pltpu.sync_copy(src_hbm.at[pl.ds(base, EC)], srcv)
        pltpu.sync_copy(ts_hbm.at[pl.ds(base, EC)], tsv)

        def scan_body(g, cnt):
            d = dstv[pl.ds(g * 16, 16)]
            m = (d >= lov) & (d < hiv)
            csum = plsc.cumsum(m.astype(jnp.int32))
            nm = csum[15]

            def do_pack(cnt_in):
                s = srcv[pl.ds(g * 16, 16)]
                t = tsv[pl.ds(g * 16, 16)]
                pos = cnt_in + csum - 1
                plsc.store_scatter(msrc, [pos], s, mask=m)
                plsc.store_scatter(mdl, [pos], d - lo, mask=m)
                plsc.store_scatter(mts, [pos], t, mask=m)
                return cnt_in + nm

            return lax.cond(nm > 0, do_pack, lambda cnt_in: cnt_in, cnt)

        mcnt = lax.fori_loop(0, N_GROUPS, scan_body, 0)

        padpos = mcnt + lax.iota(jnp.int32, 16)
        plsc.store_scatter(msrc, [padpos], jnp.zeros((16,), jnp.int32))
        plsc.store_scatter(mdl, [padpos],
                           jnp.full((16,), ROWS_PER_W, dtype=jnp.int32))
        plsc.store_scatter(mts, [padpos], jnp.zeros((16,), jnp.float32))
        ngroups = (mcnt + 15) // 16

        def grp_body(g, carry2):
            idxv = msrc[pl.ds(g * 16, 16)]
            pltpu.async_copy(x_hbm.at[idxv], rows, sem).wait()
            dlv = mdl[pl.ds(g * 16, 16)]
            tv = mts[pl.ds(g * 16, 16)]
            for j in range(16):
                dl = dlv[j]
                t = tv[j]
                for k in range(KSEG):
                    seg = rows[j, pl.ds(k * 16, 16)] * t
                    cur = agg[dl, pl.ds(k * 16, 16)]
                    agg[dl, pl.ds(k * 16, 16)] = jnp.maximum(cur, seg)
            return carry2

        lax.fori_loop(0, ngroups, grp_body, 0)
        return carry

    lax.fori_loop(0, N_CHUNKS, chunk_body, 0)

    pltpu.sync_copy(agg.at[pl.ds(0, ROWS_PER_W)],
                    out_hbm.at[pl.ds(lo, ROWS_PER_W)])


def _linear_body(agg_ref, w_ref, b_ref, o_ref):
    a = agg_ref[...]
    a = jnp.where(jnp.isfinite(a), a, 0.0)
    o_ref[...] = lax.dot_general(
        a, w_ref[...], (((1,), (1,)), ((), ())),
        preferred_element_type=jnp.float32) + b_ref[...]


_ROW_BLK = 400


def _linear_call(agg, W, b):
    return pl.pallas_call(
        _linear_body,
        grid=(N_NODES // _ROW_BLK,),
        in_specs=[
            pl.BlockSpec((_ROW_BLK, D), lambda i: (i, 0)),
            pl.BlockSpec((D, D), lambda i: (0, 0)),
            pl.BlockSpec((1, D), lambda i: (0, 0)),
        ],
        out_specs=pl.BlockSpec((_ROW_BLK, D), lambda i: (i, 0)),
        out_shape=jax.ShapeDtypeStruct((N_NODES, D), jnp.float32),
    )(agg, W, b.reshape(1, D))


def kernel(x, edge_index, edge_timestamp, W, b):
    src = edge_index[0]
    dst = edge_index[1]
    agg_pad = _agg_kernel(x, src, dst, edge_timestamp)
    return _linear_call(agg_pad[:N_NODES], W, b)

# --- scband reference (transcript-rebuilt; emitter-appended) ---
"""Pipeline reference for scband-gcnlayer-16295105921345 (READ-ONLY COPY).

The authoritative reference and input builder live on the scoring server;
editing this copy changes nothing except your own understanding.
"""

import jax, jax.numpy as jnp
import numpy as np

N_NODES = 10000
N_EDGES = 320000
D_IN = 128
D_OUT = 128

def setup_inputs(seed: int = 0) -> dict:
    key = jax.random.key(seed)
    k1, k2, k3, k4, k5 = jax.random.split(key, 5)
    x = jax.random.normal(k1, (N_NODES, D_IN), dtype=jnp.float32)
    edge_index = jax.random.randint(k2, (2, N_EDGES), 0, N_NODES, dtype=jnp.int32)
    edge_timestamp = jax.random.uniform(k3, (N_EDGES,), dtype=jnp.float32)
    # linear layer params (nn.Linear(in_feats, out_feats)): W [out, in], b [out]
    W = jax.random.normal(k4, (D_OUT, D_IN), dtype=jnp.float32) * (1.0 / np.sqrt(D_IN))
    b = jax.random.normal(k5, (D_OUT,), dtype=jnp.float32) * 0.01
    return {"x": x, "edge_index": edge_index, "edge_timestamp": edge_timestamp, "W": W, "b": b}

def reference(x, edge_index, edge_timestamp, W, b):
    # DGL: g.update_all(fn.u_mul_e('feat','timestamp','msg'), fn.max('msg','feat'))
    src = edge_index[0]
    dst = edge_index[1]
    # message per edge: src node feature * scalar edge timestamp
    msg = jnp.take(x, src, axis=0) * edge_timestamp[:, None]
    # max-reduce messages into destination nodes
    agg = jax.ops.segment_max(msg, dst, num_segments=N_NODES)
    # DGL fills nodes with no in-edges with 0; segment_max yields -inf there
    agg = jnp.where(jnp.isfinite(agg), agg, 0.0)
    # h = Linear(agg)
    return agg @ W.T + b

if __name__ == "__main__":
    import jax
    _d = setup_inputs()
    print(jax.jit(kernel)(*tuple(_d.values())))

</pallas_src>

<mosaic_0001>
#map = affine_map<(d0, d1) -> (0, 0)>
#map1 = affine_map<(d0, d1) -> (0)>
module attributes {stable_mosaic.version = 14 : i64} {
  func.func @_agg_kernel(%arg0: i32, %arg1: i32, %arg2: memref<10000x128xf32, #tpu.memory_space<hbm>>, %arg3: memref<320000xi32, #tpu.memory_space<hbm>>, %arg4: memref<320000xi32, #tpu.memory_space<hbm>>, %arg5: memref<320000xf32, #tpu.memory_space<hbm>>, %arg6: memref<10240x128xf32, #tpu.memory_space<hbm>>, %arg7: memref<4000xi32, #tpu.memory_space<vmem>>, %arg8: memref<4000xi32, #tpu.memory_space<vmem>>, %arg9: memref<4000xf32, #tpu.memory_space<vmem>>, %arg10: memref<4016xi32, #tpu.memory_space<vmem>>, %arg11: memref<4016xi32, #tpu.memory_space<vmem>>, %arg12: memref<4016xf32, #tpu.memory_space<vmem>>, %arg13: memref<16x128xf32, #tpu.memory_space<vmem>>, %arg14: memref<321x128xf32, #tpu.memory_space<vmem>>, %arg15: memref<!tpu.dma_semaphore, #tpu.memory_space<semaphore_mem>>) attributes {dimension_semantics = [#tpu.dimension_semantics<core_parallel>, #tpu.dimension_semantics<subcore_parallel>], iteration_bounds = array<i64: 2, 16>, scalar_prefetch = 0 : i64, scratch_operands = 9 : i64, tpu.core_type = #tpu.core_type<sc_vector_subcore>, window_params = [{transform_indices = #map}, {transform_indices = #map1}, {transform_indices = #map1}, {transform_indices = #map1}, {transform_indices = #map}]} {
    %mul3A = arith.constant 2 : i32
    %mul3A_0 = arith.muli %arg1, %mul3A : i32
    %add3A = arith.addi %mul3A_0, %arg0 : i32
    %mul3A_1 = arith.constant 320 : i32
    %mul3A_2 = arith.muli %add3A, %mul3A_1 : i32
    %add3A_3 = arith.constant 320 : i32
    %add3A_4 = arith.addi %mul3A_2, %add3A_3 : i32
    %broadcast_in_dim3A = vector.broadcast %mul3A_2 : i32 to vector<16xi32>
    %broadcast_in_dim3A_5 = vector.broadcast %add3A_4 : i32 to vector<16xi32>
    %broadcast_in_dim3A_6 = arith.constant 0xFF800000 : f32
    %broadcast_in_dim3A_7 = vector.broadcast %broadcast_in_dim3A_6 : f32 to vector<16xf32>
    %scan3A = arith.constant 0 : i32
    %scan3A_8 = arith.constant 0 : i32
    %scan3A_9 = arith.constant 321 : i32
    %scan3A_10 = arith.addi %scan3A_8, %scan3A_9 : i32
    %scan3A_11 = arith.constant 1 : i32
    scf.for %scan3A_19 = %scan3A_8 to %scan3A_10 step %scan3A_11  : i32 {
      %swap3A = arith.index_cast %scan3A_19 : i32 to index
      %swap3A_20 = arith.constant 0 : index
      %swap3A_21 = tpu.vector_load %arg14[%swap3A, %swap3A_20] {strides = array<i32>} : memref<321x128xf32, #tpu.memory_space<vmem>>, vector<16xf32>,
      tpu.vector_store %arg14[%swap3A, %swap3A_20], %broadcast_in_dim3A_7 {strides = array<i32>} : memref<321x128xf32, #tpu.memory_space<vmem>>, vector<16xf32>,
      %swap3A_22 = arith.index_cast %scan3A_19 : i32 to index
      %swap3A_23 = arith.constant 16 : index
      %swap3A_24 = tpu.vector_load %arg14[%swap3A_22, %swap3A_23] {strides = array<i32>} : memref<321x128xf32, #tpu.memory_space<vmem>>, vector<16xf32>,
      tpu.vector_store %arg14[%swap3A_22, %swap3A_23], %broadcast_in_dim3A_7 {strides = array<i32>} : memref<321x128xf32, #tpu.memory_space<vmem>>, vector<16xf32>,
      %swap3A_25 = arith.index_cast %scan3A_19 : i32 to index
      %swap3A_26 = arith.constant 32 : index
      %swap3A_27 = tpu.vector_load %arg14[%swap3A_25, %swap3A_26] {strides = array<i32>} : memref<321x128xf32, #tpu.memory_space<vmem>>, vector<16xf32>,
      tpu.vector_store %arg14[%swap3A_25, %swap3A_26], %broadcast_in_dim3A_7 {strides = array<i32>} : memref<321x128xf32, #tpu.memory_space<vmem>>, vector<16xf32>,
      %swap3A_28 = arith.index_cast %scan3A_19 : i32 to index
      %swap3A_29 = arith.constant 48 : index
      %swap3A_30 = tpu.vector_load %arg14[%swap3A_28, %swap3A_29] {strides = array<i32>} : memref<321x128xf32, #tpu.memory_space<vmem>>, vector<16xf32>,
      tpu.vector_store %arg14[%swap3A_28, %swap3A_29], %broadcast_in_dim3A_7 {strides = array<i32>} : memref<321x128xf32, #tpu.memory_space<vmem>>, vector<16xf32>,
      %swap3A_31 = arith.index_cast %scan3A_19 : i32 to index
      %swap3A_32 = arith.constant 64 : index
      %swap3A_33 = tpu.vector_load %arg14[%swap3A_31, %swap3A_32] {strides = array<i32>} : memref<321x128xf32, #tpu.memory_space<vmem>>, vector<16xf32>,
      tpu.vector_store %arg14[%swap3A_31, %swap3A_32], %broadcast_in_dim3A_7 {strides = array<i32>} : memref<321x128xf32, #tpu.memory_space<vmem>>, vector<16xf32>,
      %swap3A_34 = arith.index_cast %scan3A_19 : i32 to index
      %swap3A_35 = arith.constant 80 : index
      %swap3A_36 = tpu.vector_load %arg14[%swap3A_34, %swap3A_35] {strides = array<i32>} : memref<321x128xf32, #tpu.memory_space<vmem>>, vector<16xf32>,
      tpu.vector_store %arg14[%swap3A_34, %swap3A_35], %broadcast_in_dim3A_7 {strides = array<i32>} : memref<321x128xf32, #tpu.memory_space<vmem>>, vector<16xf32>,
      %swap3A_37 = arith.index_cast %scan3A_19 : i32 to index
      %swap3A_38 = arith.constant 96 : index
      %swap3A_39 = tpu.vector_load %arg14[%swap3A_37, %swap3A_38] {strides = array<i32>} : memref<321x128xf32, #tpu.memory_space<vmem>>, vector<16xf32>,
      tpu.vector_store %arg14[%swap3A_37, %swap3A_38], %broadcast_in_dim3A_7 {strides = array<i32>} : memref<321x128xf32, #tpu.memory_space<vmem>>, vector<16xf32>,
      %swap3A_40 = arith.index_cast %scan3A_19 : i32 to index
      %swap3A_41 = arith.constant 112 : index
      %swap3A_42 = tpu.vector_load %arg14[%swap3A_40, %swap3A_41] {strides = array<i32>} : memref<321x128xf32, #tpu.memory_space<vmem>>, vector<16xf32>,
      tpu.vector_store %arg14[%swap3A_40, %swap3A_41], %broadcast_in_dim3A_7 {strides = array<i32>} : memref<321x128xf32, #tpu.memory_space<vmem>>, vector<16xf32>,
    }
    %scan3A_12 = arith.constant 321 : i32
    %scan3A_13 = arith.constant 0 : i32
    %scan3A_14 = arith.constant 0 : i32
    %scan3A_15 = arith.constant 80 : i32
    %scan3A_16 = arith.addi %scan3A_14, %scan3A_15 : i32
    %scan3A_17 = arith.constant 1 : i32
    scf.for %scan3A_19 = %scan3A_14 to %scan3A_16 step %scan3A_17  : i32 {
      %mul3A_20 = arith.constant 4000 : i32
      %mul3A_21 = arith.muli %scan3A_19, %mul3A_20 : i32
      "tpu.region"() ({
        %run_scoped3A = tpu.sem_alloc : memref<!tpu.dma_semaphore, #tpu.memory_space<semaphore_mem>>
        %dma_start3A = tpu.memref_slice %arg4[%mul3A_21] : memref<320000xi32, #tpu.memory_space<hbm>> -> memref<4000xi32, #tpu.memory_space<hbm>>
        %dma_start3A_64 = tpu.memref_slice %arg4[%mul3A_21] : memref<320000xi32, #tpu.memory_space<hbm>> -> memref<4000xi32, #tpu.memory_space<hbm>>
        tpu.enqueue_dma source(%dma_start3A_64 : memref<4000xi32, #tpu.memory_space<hbm>>) target(%arg7 : memref<4000xi32, #tpu.memory_space<vmem>>) target_semaphore(%run_scoped3A : memref<!tpu.dma_semaphore, #tpu.memory_space<semaphore_mem>>)
        %dma_wait3A = tpu.memref_slice %arg4[%mul3A_21] : memref<320000xi32, #tpu.memory_space<hbm>> -> memref<4000xi32, #tpu.memory_space<hbm>>
        %dma_wait3A_65 = tpu.memref_slice %arg4[%mul3A_21] : memref<320000xi32, #tpu.memory_space<hbm>> -> memref<4000xi32, #tpu.memory_space<hbm>>
        tpu.wait_dma2 semaphore(%run_scoped3A : memref<!tpu.dma_semaphore, #tpu.memory_space<semaphore_mem>>) src(%dma_wait3A_65 : memref<4000xi32, #tpu.memory_space<hbm>>) dst(%arg7 : memref<4000xi32, #tpu.memory_space<vmem>>)
        tpu.yield
      }) : () -> ()
      "tpu.region"() ({
        %run_scoped3A = tpu.sem_alloc : memref<!tpu.dma_semaphore, #tpu.memory_space<semaphore_mem>>
        %dma_start3A = tpu.memref_slice %arg3[%mul3A_21] : memref<320000xi32, #tpu.memory_space<hbm>> -> memref<4000xi32, #tpu.memory_space<hbm>>
        %dma_start3A_64 = tpu.memref_slice %arg3[%mul3A_21] : memref<320000xi32, #tpu.memory_space<hbm>> -> memref<4000xi32, #tpu.memory_space<hbm>>
        tpu.enqueue_dma source(%dma_start3A_64 : memref<4000xi32, #tpu.memory_space<hbm>>) target(%arg8 : memref<4000xi32, #tpu.memory_space<vmem>>) target_semaphore(%run_scoped3A : memref<!tpu.dma_semaphore, #tpu.memory_space<semaphore_mem>>)
        %dma_wait3A = tpu.memref_slice %arg3[%mul3A_21] : memref<320000xi32, #tpu.memory_space<hbm>> -> memref<4000xi32, #tpu.memory_space<hbm>>
        %dma_wait3A_65 = tpu.memref_slice %arg3[%mul3A_21] : memref<320000xi32, #tpu.memory_space<hbm>> -> memref<4000xi32, #tpu.memory_space<hbm>>
        tpu.wait_dma2 semaphore(%run_scoped3A : memref<!tpu.dma_semaphore, #tpu.memory_space<semaphore_mem>>) src(%dma_wait3A_65 : memref<4000xi32, #tpu.memory_space<hbm>>) dst(%arg8 : memref<4000xi32, #tpu.memory_space<vmem>>)
        tpu.yield
      }) : () -> ()
      "tpu.region"() ({
        %run_scoped3A = tpu.sem_alloc : memref<!tpu.dma_semaphore, #tpu.memory_space<semaphore_mem>>
        %dma_start3A = tpu.memref_slice %arg5[%mul3A_21] : memref<320000xf32, #tpu.memory_space<hbm>> -> memref<4000xf32, #tpu.memory_space<hbm>>
        %dma_start3A_64 = tpu.memref_slice %arg5[%mul3A_21] : memref<320000xf32, #tpu.memory_space<hbm>> -> memref<4000xf32, #tpu.memory_space<hbm>>
        tpu.enqueue_dma source(%dma_start3A_64 : memref<4000xf32, #tpu.memory_space<hbm>>) target(%arg9 : memref<4000xf32, #tpu.memory_space<vmem>>) target_semaphore(%run_scoped3A : memref<!tpu.dma_semaphore, #tpu.memory_space<semaphore_mem>>)
        %dma_wait3A = tpu.memref_slice %arg5[%mul3A_21] : memref<320000xf32, #tpu.memory_space<hbm>> -> memref<4000xf32, #tpu.memory_space<hbm>>
        %dma_wait3A_65 = tpu.memref_slice %arg5[%mul3A_21] : memref<320000xf32, #tpu.memory_space<hbm>> -> memref<4000xf32, #tpu.memory_space<hbm>>
        tpu.wait_dma2 semaphore(%run_scoped3A : memref<!tpu.dma_semaphore, #tpu.memory_space<semaphore_mem>>) src(%dma_wait3A_65 : memref<4000xf32, #tpu.memory_space<hbm>>) dst(%arg9 : memref<4000xf32, #tpu.memory_space<vmem>>)
        tpu.yield
      }) : () -> ()
      %scan3A_22 = arith.constant 0 : i32
      %scan3A_23 = arith.constant 0 : i32
      %scan3A_24 = arith.constant 250 : i32
      %scan3A_25 = arith.addi %scan3A_23, %scan3A_24 : i32
      %scan3A_26 = arith.constant 1 : i32
      %scan3A_27 = scf.for %scan3A_64 = %scan3A_23 to %scan3A_25 step %scan3A_26 iter_args(%scan3A_65 = %scan3A_22) -> (i32)  : i32 {
        %mul3A_66 = arith.constant 16 : i32
        %mul3A_67 = arith.muli %scan3A_64, %mul3A_66 : i32
        %get3A = arith.index_cast %mul3A_67 : i32 to index
        %get3A_68 = tpu.vector_load %arg7[%get3A] {strides = array<i32>} : memref<4000xi32, #tpu.memory_space<vmem>>, vector<16xi32>,
        %ge3A = arith.cmpi sge, %get3A_68, %broadcast_in_dim3A : vector<16xi32>
        %lt3A = arith.cmpi slt, %get3A_68, %broadcast_in_dim3A_5 : vector<16xi32>
        %and3A_69 = arith.andi %ge3A, %lt3A : vector<16xi1>
        %convert_element_type3A = arith.extui %and3A_69 : vector<16xi1> to vector<16xi32>
        %broadcast_in_dim3A_70 = arith.constant true
        %broadcast_in_dim3A_71 = vector.broadcast %broadcast_in_dim3A_70 : i1 to vector<16xi1>
        %masked_cumsum3A = tpu.scan <sum>, %convert_element_type3A masked %broadcast_in_dim3A_71 : vector<16xi32>, vector<16xi1> -> vector<16xi32>
        %slice3A = vector.extract_strided_slice %masked_cumsum3A {offsets = [15], sizes = [1], strides = [1]} : vector<16xi32> to vector<1xi32>
        %squeeze3A = vector.extract %slice3A[0] : i32 from vector<1xi32>
        %gt3A = arith.constant 0 : i32
        %gt3A_72 = arith.cmpi sgt, %squeeze3A, %gt3A : i32
        %convert_element_type3A_73 = arith.extui %gt3A_72 : i1 to i32
        %cond3A = arith.constant 0 : i32
        %cond3A_74 = arith.cmpi ne, %convert_element_type3A_73, %cond3A : i32
        %cond3A_75 = scf.if %cond3A_74 -> (i32) {
          %mul3A_76 = arith.constant 16 : i32
          %mul3A_77 = arith.muli %scan3A_64, %mul3A_76 : i32
          %get3A_78 = arith.index_cast %mul3A_77 : i32 to index
          %get3A_79 = tpu.vector_load %arg8[%get3A_78] {strides = array<i32>} : memref<4000xi32, #tpu.memory_space<vmem>>, vector<16xi32>,
          %mul3A_80 = arith.constant 16 : i32
          %mul3A_81 = arith.muli %scan3A_64, %mul3A_80 : i32
          %get3A_82 = arith.index_cast %mul3A_81 : i32 to index
          %get3A_83 = tpu.vector_load %arg9[%get3A_82] {strides = array<i32>} : memref<4000xf32, #tpu.memory_space<vmem>>, vector<16xf32>,
          %add3A_84 = vector.broadcast %scan3A_65 : i32 to vector<16xi32>
          %add3A_85 = arith.addi %add3A_84, %masked_cumsum3A : vector<16xi32>
          %sub3A_86 = arith.constant 1 : i32
          %sub3A_87 = vector.broadcast %sub3A_86 : i32 to vector<16xi32>
          %sub3A_88 = arith.subi %add3A_85, %sub3A_87 : vector<16xi32>
          tpu.vector_store_idx %arg10[%sub3A_88], %get3A_79 masked %and3A_69 : memref<4016xi32, #tpu.memory_space<vmem>>[vector<16xi32>], vector<16xi32>, vector<16xi1>
          %sub3A_89 = vector.broadcast %mul3A_2 : i32 to vector<16xi32>
          %sub3A_90 = arith.subi %get3A_68, %sub3A_89 : vector<16xi32>
          tpu.vector_store_idx %arg11[%sub3A_88], %sub3A_90 masked %and3A_69 : memref<4016xi32, #tpu.memory_space<vmem>>[vector<16xi32>], vector<16xi32>, vector<16xi1>
          tpu.vector_store_idx %arg12[%sub3A_88], %get3A_83 masked %and3A_69 : memref<4016xf32, #tpu.memory_space<vmem>>[vector<16xi32>], vector<16xf32>, vector<16xi1>
          %add3A_91 = arith.addi %scan3A_65, %squeeze3A : i32
          scf.yield %add3A_91 : i32
        } else {
          scf.yield %scan3A_65 : i32
        }
        scf.yield %cond3A_75 : i32
      }
      %scan3A_28 = arith.constant 250 : i32
      %iota3A = tpu.iota {dimensions = array<i32: 0>} : vector<16xi32>
      %add3A_29 = vector.broadcast %scan3A_27 : i32 to vector<16xi32>
      %add3A_30 = arith.addi %add3A_29, %iota3A : vector<16xi32>
      %broadcast_in_dim3A_31 = arith.constant 0 : i32
      %broadcast_in_dim3A_32 = vector.broadcast %broadcast_in_dim3A_31 : i32 to vector<16xi32>
      tpu.vector_store_idx %arg10[%add3A_30], %broadcast_in_dim3A_32 : memref<4016xi32, #tpu.memory_space<vmem>>[vector<16xi32>], vector<16xi32>,
      %broadcast_in_dim3A_33 = arith.constant 320 : i32
      %broadcast_in_dim3A_34 = vector.broadcast %broadcast_in_dim3A_33 : i32 to vector<16xi32>
      tpu.vector_store_idx %arg11[%add3A_30], %broadcast_in_dim3A_34 : memref<4016xi32, #tpu.memory_space<vmem>>[vector<16xi32>], vector<16xi32>,
      %broadcast_in_dim3A_35 = arith.constant 0.000000e+00 : f32
      %broadcast_in_dim3A_36 = vector.broadcast %broadcast_in_dim3A_35 : f32 to vector<16xf32>
      tpu.vector_store_idx %arg12[%add3A_30], %broadcast_in_dim3A_36 : memref<4016xf32, #tpu.memory_space<vmem>>[vector<16xi32>], vector<16xf32>,
      %add3A_37 = arith.constant 15 : i32
      %add3A_38 = arith.addi %scan3A_27, %add3A_37 : i32
      %jit3A = arith.constant 16 : i32
      %div3A = arith.divsi %add3A_38, %jit3A : i32
      %sign3A = arith.constant 0 : i32
      %sign3A_39 = arith.cmpi sgt, %add3A_38, %sign3A : i32
      %sign3A_40 = arith.extui %sign3A_39 : i1 to i32
      %sign3A_41 = arith.constant 0 : i32
      %sign3A_42 = arith.cmpi slt, %add3A_38, %sign3A_41 : i32
      %sign3A_43 = arith.extui %sign3A_42 : i1 to i32
      %sign3A_44 = arith.subi %sign3A_40, %sign3A_43 : i32
      %sign3A_45 = arith.constant 0 : i32
      %sign3A_46 = arith.cmpi sgt, %jit3A, %sign3A_45 : i32
      %sign3A_47 = arith.extui %sign3A_46 : i1 to i32
      %sign3A_48 = arith.constant 0 : i32
      %sign3A_49 = arith.cmpi slt, %jit3A, %sign3A_48 : i32
      %sign3A_50 = arith.extui %sign3A_49 : i1 to i32
      %sign3A_51 = arith.subi %sign3A_47, %sign3A_50 : i32
      %ne3A = arith.cmpi ne, %sign3A_44, %sign3A_51 : i32
      %rem3A = arith.remsi %add3A_38, %jit3A : i32
      %ne3A_52 = arith.constant 0 : i32
      %ne3A_53 = arith.cmpi ne, %rem3A, %ne3A_52 : i32
      %and3A = arith.andi %ne3A, %ne3A_53 : i1
      %sub3A = arith.constant 1 : i32
      %sub3A_54 = arith.subi %div3A, %sub3A : i32
      %select_n3A = arith.select %and3A, %sub3A_54, %div3A : i32
      %while3A = arith.constant 0 : i32
      %while3A_55 = arith.constant 0 : i32
      %while3A_56 = arith.subi %select_n3A, %while3A_55 : i32
      %while3A_57 = arith.addi %while3A_55, %while3A_56 : i32
      %while3A_58 = arith.constant 1 : i32
      %while3A_59 = arith.divsi %while3A_56, %while3A_58 : i32
      %while3A_60 = arith.muli %while3A_59, %while3A_58 : i32
      %while3A_61 = arith.addi %while3A_55, %while3A_60 : i32
      %while3A_62 = arith.constant 1 : i32
      scf.for %while3A_64 = %while3A_55 to %while3A_61 step %while3A_62  : i32 {
        %mul3A_65 = arith.constant 16 : i32
        %mul3A_66 = arith.muli %while3A_64, %mul3A_65 : i32
        %get3A = arith.index_cast %mul3A_66 : i32 to index
        %get3A_67 = tpu.vector_load %arg10[%get3A] {strides = array<i32>} : memref<4016xi32, #tpu.memory_space<vmem>>, vector<16xi32>,
        %dma_start3A = arith.constant 0 : i32
        %dma_start3A_68 = arith.constant 0 : i32
        %dma_start3A_69 = tpu.memref_slice %arg2[%dma_start3A, %dma_start3A_68] : memref<10000x128xf32, #tpu.memory_space<hbm>> -> memref<10000x128xf32, #tpu.memory_space<hbm>>
        tpu.enqueue_indirect_dma source(%dma_start3A_69 : memref<10000x128xf32, #tpu.memory_space<hbm>>) target(%arg13 : memref<16x128xf32, #tpu.memory_space<vmem>>) offsets(%get3A_67 : vector<16xi32>) semaphore(%arg15 : memref<!tpu.dma_semaphore, #tpu.memory_space<semaphore_mem>>)
        %dma_wait3A = arith.constant 0 : i32
        %dma_wait3A_70 = arith.constant 0 : i32
        %dma_wait3A_71 = tpu.memref_slice %arg2[%dma_wait3A, %dma_wait3A_70] : memref<10000x128xf32, #tpu.memory_space<hbm>> -> memref<10000x128xf32, #tpu.memory_space<hbm>>
        tpu.wait_indirect_dma semaphore(%arg15 : memref<!tpu.dma_semaphore, #tpu.memory_space<semaphore_mem>>) src(%dma_wait3A_71 : memref<10000x128xf32, #tpu.memory_space<hbm>>) dst(%arg13 : memref<16x128xf32, #tpu.memory_space<vmem>>)
        %mul3A_72 = arith.constant 16 : i32
        %mul3A_73 = arith.muli %while3A_64, %mul3A_72 : i32
        %get3A_74 = arith.index_cast %mul3A_73 : i32 to index
        %get3A_75 = tpu.vector_load %arg11[%get3A_74] {strides = array<i32>} : memref<4016xi32, #tpu.memory_space<vmem>>, vector<16xi32>,
        %mul3A_76 = arith.constant 16 : i32
        %mul3A_77 = arith.muli %while3A_64, %mul3A_76 : i32
        %get3A_78 = arith.index_cast %mul3A_77 : i32 to index
        %get3A_79 = tpu.vector_load %arg12[%get3A_78] {strides = array<i32>} : memref<4016xf32, #tpu.memory_space<vmem>>, vector<16xf32>,
        %slice3A = vector.extract_strided_slice %get3A_75 {offsets = [0], sizes = [1], strides = [1]} : vector<16xi32> to vector<1xi32>
        %squeeze3A = vector.extract %slice3A[0] : i32 from vector<1xi32>
        %slice3A_80 = vector.extract_strided_slice %get3A_79 {offsets = [0], sizes = [1], strides = [1]} : vector<16xf32> to vector<1xf32>
        %squeeze3A_81 = vector.extract %slice3A_80[0] : f32 from vector<1xf32>
        %get3A_82 = arith.constant 0 : i32
        %get3A_83 = arith.index_cast %get3A_82 : i32 to index
        %get3A_84 = arith.constant 0 : index
        %get3A_85 = tpu.vector_load %arg13[%get3A_83, %get3A_84] {strides = array<i32>} : memref<16x128xf32, #tpu.memory_space<vmem>>, vector<16xf32>,
        %mul3A_86 = vector.broadcast %squeeze3A_81 : f32 to vector<16xf32>
        %mul3A_87 = arith.mulf %get3A_85, %mul3A_86 : vector<16xf32>
        %get3A_88 = arith.index_cast %squeeze3A : i32 to index
        %get3A_89 = arith.constant 0 : index
        %get3A_90 = tpu.vector_load %arg14[%get3A_88, %get3A_89] {strides = array<i32>} : memref<321x128xf32, #tpu.memory_space<vmem>>, vector<16xf32>,
        %max3A = arith.maximumf %get3A_90, %mul3A_87 : vector<16xf32>
        %swap3A = arith.index_cast %squeeze3A : i32 to index
        %swap3A_91 = arith.constant 0 : index
        %swap3A_92 = tpu.vector_load %arg14[%swap3A, %swap3A_91] {strides = array<i32>} : memref<321x128xf32, #tpu.memory_space<vmem>>, vector<16xf32>,
        tpu.vector_store %arg14[%swap3A, %swap3A_91], %max3A {strides = array<i32>} : memref<321x128xf32, #tpu.memory_space<vmem>>, vector<16xf32>,
        %get3A_93 = arith.constant 0 : i32
        %get3A_94 = arith.index_cast %get3A_93 : i32 to index
        %get3A_95 = arith.constant 16 : index
        %get3A_96 = tpu.vector_load %arg13[%get3A_94, %get3A_95] {strides = array<i32>} : memref<16x128xf32, #tpu.memory_space<vmem>>, vector<16xf32>,
        %mul3A_97 = vector.broadcast %squeeze3A_81 : f32 to vector<16xf32>
        %mul3A_98 = arith.mulf %get3A_96, %mul3A_97 : vector<16xf32>
        %get3A_99 = arith.index_cast %squeeze3A : i32 to index
        %get3A_100 = arith.constant 16 : index
        %get3A_101 = tpu.vector_load %arg14[%get3A_99, %get3A_100] {strides = array<i32>} : memref<321x128xf32, #tpu.memory_space<vmem>>, vector<16xf32>,
        %max3A_102 = arith.maximumf %get3A_101, %mul3A_98 : vector<16xf32>
        %swap3A_103 = arith.index_cast %squeeze3A : i32 to index
        %swap3A_104 = arith.constant 16 : index
        %swap3A_105 = tpu.vector_load %arg14[%swap3A_103, %swap3A_104] {strides = array<i32>} : memref<321x128xf32, #tpu.memory_space<vmem>>, vector<16xf32>,
        tpu.vector_store %arg14[%swap3A_103, %swap3A_104], %max3A_102 {strides = array<i32>} : memref<321x128xf32, #tpu.memory_space<vmem>>, vector<16xf32>,
        %get3A_106 = arith.constant 0 : i32
        %get3A_107 = arith.index_cast %get3A_106 : i32 to index
        %get3A_108 = arith.constant 32 : index
        %get3A_109 = tpu.vector_load %arg13[%get3A_107, %get3A_108] {strides = array<i32>} : memref<16x128xf32, #tpu.memory_space<vmem>>, vector<16xf32>,
        %mul3A_110 = vector.broadcast %squeeze3A_81 : f32 to vector<16xf32>
        %mul3A_111 = arith.mulf %get3A_109, %mul3A_110 : vector<16xf32>
        %get3A_112 = arith.index_cast %squeeze3A : i32 to index
        %get3A_113 = arith.constant 32 : index
        %get3A_114 = tpu.vector_load %arg14[%get3A_112, %get3A_113] {strides = array<i32>} : memref<321x128xf32, #tpu.memory_space<vmem>>, vector<16xf32>,
        %max3A_115 = arith.maximumf %get3A_114, %mul3A_111 : vector<16xf32>
        %swap3A_116 = arith.index_cast %squeeze3A : i32 to index
        %swap3A_117 = arith.constant 32 : index
        %swap3A_118 = tpu.vector_load %arg14[%swap3A_116, %swap3A_117] {strides = array<i32>} : memref<321x128xf32, #tpu.memory_space<vmem>>, vector<16xf32>,
        tpu.vector_store %arg14[%swap3A_116, %swap3A_117], %max3A_115 {strides = array<i32>} : memref<321x128xf32, #tpu.memory_space<vmem>>, vector<16xf32>,
        %get3A_119 = arith.constant 0 : i32
        %get3A_120 = arith.index_cast %get3A_119 : i32 to index
        %get3A_121 = arith.constant 48 : index
        %get3A_122 = tpu.vector_load %arg13[%get3A_120, %get3A_121] {strides = array<i32>} : memref<16x128xf32, #tpu.memory_space<vmem>>, vector<16xf32>,
        %mul3A_123 = vector.broadcast %squeeze3A_81 : f32 to vector<16xf32>
        %mul3A_124 = arith.mulf %get3A_122, %mul3A_123 : vector<16xf32>
        %get3A_125 = arith.index_cast %squeeze3A : i32 to index
        %get3A_126 = arith.constant 48 : index
        %get3A_127 = tpu.vector_load %arg14[%get3A_125, %get3A_126] {strides = array<i32>} : memref<321x128xf32, #tpu.memory_space<vmem>>, vector<16xf32>,
        %max3A_128 = arith.maximumf %get3A_127, %mul3A_124 : vector<16xf32>
        %swap3A_129 = arith.index_cast %squeeze3A : i32 to index
        %swap3A_130 = arith.constant 48 : index
        %swap3A_131 = tpu.vector_load %arg14[%swap3A_129, %swap3A_130] {strides = array<i32>} : memref<321x128xf32, #tpu.memory_space<vmem>>, vector<16xf32>,
        tpu.vector_store %arg14[%swap3A_129, %swap3A_130], %max3A_128 {strides = array<i32>} : memref<321x128xf32, #tpu.memory_space<vmem>>, vector<16xf32>,
        %get3A_132 = arith.constant 0 : i32
        %get3A_133 = arith.index_cast %get3A_132 : i32 to index
        %get3A_134 = arith.constant 64 : index
        %get3A_135 = tpu.vector_load %arg13[%get3A_133, %get3A_134] {strides = array<i32>} : memref<16x128xf32, #tpu.memory_space<vmem>>, vector<16xf32>,
        %mul3A_136 = vector.broadcast %squeeze3A_81 : f32 to vector<16xf32>
        %mul3A_137 = arith.mulf %get3A_135, %mul3A_136 : vector<16xf32>
        %get3A_138 = arith.index_cast %squeeze3A : i32 to index
        %get3A_139 = arith.constant 64 : index
        %get3A_140 = tpu.vector_load %arg14[%get3A_138, %get3A_139] {strides = array<i32>} : memref<321x128xf32, #tpu.memory_space<vmem>>, vector<16xf32>,
        %max3A_141 = arith.maximumf %get3A_140, %mul3A_137 : vector<16xf32>
        %swap3A_142 = arith.index_cast %squeeze3A : i32 to index
        %swap3A_143 = arith.constant 64 : index
        %swap3A_144 = tpu.vector_load %arg14[%swap3A_142, %swap3A_143] {strides = array<i32>} : memref<321x128xf32, #tpu.memory_space<vmem>>, vector<16xf32>,
        tpu.vector_store %arg14[%swap3A_142, %swap3A_143], %max3A_141 {strides = array<i32>} : memref<321x128xf32, #tpu.memory_space<vmem>>, vector<16xf32>,
        %get3A_145 = arith.constant 0 : i32
        %get3A_146 = arith.index_cast %get3A_145 : i32 to index
        %get3A_147 = arith.constant 80 : index
        %get3A_148 = tpu.vector_load %arg13[%get3A_146, %get3A_147] {strides = array<i32>} : memref<16x128xf32, #tpu.memory_space<vmem>>, vector<16xf32>,
        %mul3A_149 = vector.broadcast %squeeze3A_81 : f32 to vector<16xf32>
        %mul3A_150 = arith.mulf %get3A_148, %mul3A_149 : vector<16xf32>
        %get3A_151 = arith.index_cast %squeeze3A : i32 to index
        %get3A_152 = arith.constant 80 : index
        %get3A_153 = tpu.vector_load %arg14[%get3A_151, %get3A_152] {strides = array<i32>} : memref<321x128xf32, #tpu.memory_space<vmem>>, vector<16xf32>,
        %max3A_154 = arith.maximumf %get3A_153, %mul3A_150 : vector<16xf32>
        %swap3A_155 = arith.index_cast %squeeze3A : i32 to index
        %swap3A_156 = arith.constant 80 : index
        %swap3A_157 = tpu.vector_load %arg14[%swap3A_155, %swap3A_156] {strides = array<i32>} : memref<321x128xf32, #tpu.memory_space<vmem>>, vector<16xf32>,
        tpu.vector_store %arg14[%swap3A_155, %swap3A_156], %max3A_154 {strides = array<i32>} : memref<321x128xf32, #tpu.memory_space<vmem>>, vector<16xf32>,
        %get3A_158 = arith.constant 0 : i32
        %get3A_159 = arith.index_cast %get3A_158 : i32 to index
        %get3A_160 = arith.constant 96 : index
        %get3A_161 = tpu.vector_load %arg13[%get3A_159, %get3A_160] {strides = array<i32>} : memref<16x128xf32, #tpu.memory_space<vmem>>, vector<16xf32>,
        %mul3A_162 = vector.broadcast %squeeze3A_81 : f32 to vector<16xf32>
        %mul3A_163 = arith.mulf %get3A_161, %mul3A_162 : vector<16xf32>
        %get3A_164 = arith.index_cast %squeeze3A : i32 to index
        %get3A_165 = arith.constant 96 : index
        %get3A_166 = tpu.vector_load %arg14[%get3A_164, %get3A_165] {strides = array<i32>} : memref<321x128xf32, #tpu.memory_space<vmem>>, vector<16xf32>,
        %max3A_167 = arith.maximumf %get3A_166, %mul3A_163 : vector<16xf32>
        %swap3A_168 = arith.index_cast %squeeze3A : i32 to index
        %swap3A_169 = arith.constant 96 : index
        %swap3A_170 = tpu.vector_load %arg14[%swap3A_168, %swap3A_169] {strides = array<i32>} : memref<321x128xf32, #tpu.memory_space<vmem>>, vector<16xf32>,
        tpu.vector_store %arg14[%swap3A_168, %swap3A_169], %max3A_167 {strides = array<i32>} : memref<321x128xf32, #tpu.memory_space<vmem>>, vector<16xf32>,
        %get3A_171 = arith.constant 0 : i32
        %get3A_172 = arith.index_cast %get3A_171 : i32 to index
        %get3A_173 = arith.constant 112 : index
        %get3A_174 = tpu.vector_load %arg13[%get3A_172, %get3A_173] {strides = array<i32>} : memref<16x128xf32, #tpu.memory_space<vmem>>, vector<16xf32>,
        %mul3A_175 = vector.broadcast %squeeze3A_81 : f32 to vector<16xf32>
        %mul3A_176 = arith.mulf %get3A_174, %mul3A_175 : vector<16xf32>
        %get3A_177 = arith.index_cast %squeeze3A : i32 to index
        %get3A_178 = arith.constant 112 : index
        %get3A_179 = tpu.vector_load %arg14[%get3A_177, %get3A_178] {strides = array<i32>} : memref<321x128xf32, #tpu.memory_space<vmem>>, vector<16xf32>,
        %max3A_180 = arith.maximumf %get3A_179, %mul3A_176 : vector<16xf32>
        %swap3A_181 = arith.index_cast %squeeze3A : i32 to index
        %swap3A_182 = arith.constant 112 : index
        %swap3A_183 = tpu.vector_load %arg14[%swap3A_181, %swap3A_182] {strides = array<i32>} : memref<321x128xf32, #tpu.memory_space<vmem>>, vector<16xf32>,
        tpu.vector_store %arg14[%swap3A_181, %swap3A_182], %max3A_180 {strides = array<i32>} : memref<321x128xf32, #tpu.memory_space<vmem>>, vector<16xf32>,
        %slice3A_184 = vector.extract_strided_slice %get3A_75 {offsets = [1], sizes = [1], strides = [1]} : vector<16xi32> to vector<1xi32>
        %squeeze3A_185 = vector.extract %slice3A_184[0] : i32 from vector<1xi32>
        %slice3A_186 = vector.extract_strided_slice %get3A_79 {offsets = [1], sizes = [1], strides = [1]} : vector<16xf32> to vector<1xf32>
        %squeeze3A_187 = vector.extract %slice3A_186[0] : f32 from vector<1xf32>
        %get3A_188 = arith.constant 1 : i32
        %get3A_189 = arith.index_cast %get3A_188 : i32 to index
        %get3A_190 = arith.constant 0 : index
        %get3A_191 = tpu.vector_load %arg13[%get3A_189, %get3A_190] {strides = array<i32>} : memref<16x128xf32, #tpu.memory_space<vmem>>, vector<16xf32>,
        %mul3A_192 = vector.broadcast %squeeze3A_187 : f32 to vector<16xf32>
        %mul3A_193 = arith.mulf %get3A_191, %mul3A_192 : vector<16xf32>
        %get3A_194 = arith.index_cast %squeeze3A_185 : i32 to index
        %get3A_195 = arith.constant 0 : index
        %get3A_196 = tpu.vector_load %arg14[%get3A_194, %get3A_195] {strides = array<i32>} : memref<321x128xf32, #tpu.memory_space<vmem>>, vector<16xf32>,
        %max3A_197 = arith.maximumf %get3A_196, %mul3A_193 : vector<16xf32>
        %swap3A_198 = arith.index_cast %squeeze3A_185 : i32 to index
        %swap3A_199 = arith.constant 0 : index
        %swap3A_200 = tpu.vector_load %arg14[%swap3A_198, %swap3A_199] {strides = array<i32>} : memref<321x128xf32, #tpu.memory_space<vmem>>, vector<16xf32>,
        tpu.vector_store %arg14[%swap3A_198, %swap3A_199], %max3A_197 {strides = array<i32>} : memref<321x128xf32, #tpu.memory_space<vmem>>, vector<16xf32>,
        %get3A_201 = arith.constant 1 : i32
        %get3A_202 = arith.index_cast %get3A_201 : i32 to index
        %get3A_203 = arith.constant 16 : index
        %get3A_204 = tpu.vector_load %arg13[%get3A_202, %get3A_203] {strides = array<i32>} : memref<16x128xf32, #tpu.memory_space<vmem>>, vector<16xf32>,
        %mul3A_205 = vector.broadcast %squeeze3A_187 : f32 to vector<16xf32>
        %mul3A_206 = arith.mulf %get3A_204, %mul3A_205 : vector<16xf32>
        %get3A_207 = arith.index_cast %squeeze3A_185 : i32 to index
        %get3A_208 = arith.constant 16 : index
        %get3A_209 = tpu.vector_load %arg14[%get3A_207, %get3A_208] {strides = array<i32>} : memref<321x128xf32, #tpu.memory_space<vmem>>, vector<16xf32>,
        %max3A_210 = arith.maximumf %get3A_209, %mul3A_206 : vector<16xf32>
        %swap3A_211 = arith.index_cast %squeeze3A_185 : i32 to index
        %swap3A_212 = arith.constant 16 : index
        %swap3A_213 = tpu.vector_load %arg14[%swap3A_211, %swap3A_212] {strides = array<i32>} : memref<321x128xf32, #tpu.memory_space<vmem>>, vector<16xf32>,
        tpu.vector_store %arg14[%swap3A_211, %swap3A_212], %max3A_210 {strides = array<i32>} : memref<321x128xf32, #tpu.memory_space<vmem>>, vector<16xf32>,
        %get3A_214 = arith.constant 1 : i32
        %get3A_215 = arith.index_cast %get3A_214 : i32 to index
        %get3A_216 = arith.constant 32 : index
        %get3A_217 = tpu.vector_load %arg13[%get3A_215, %get3A_216] {strides = array<i32>} : memref<16x128xf32, #tpu.memory_space<vmem>>, vector<16xf32>,
        %mul3A_218 = vector.broadcast %squeeze3A_187 : f32 to vector<16xf32>
        %mul3A_219 = arith.mulf %get3A_217, %mul3A_218 : vector<16xf32>
        %get3A_220 = arith.index_cast %squeeze3A_185 : i32 to index
        %get3A_221 = arith.constant 32 : index
        %get3A_222 = tpu.vector_load %arg14[%get3A_220, %get3A_221] {strides = array<i32>} : memref<321x128xf32, #tpu.memory_space<vmem>>, vector<16xf32>,
        %max3A_223 = arith.maximumf %get3A_222, %mul3A_219 : vector<16xf32>
        %swap3A_224 = arith.index_cast %squeeze3A_185 : i32 to index
        %swap3A_225 = arith.constant 32 : index
        %swap3A_226 = tpu.vector_load %arg14[%swap3A_224, %swap3A_225] {strides = array<i32>} : memref<321x128xf32, #tpu.memory_space<vmem>>, vector<16xf32>,
        tpu.vector_store %arg14[%swap3A_224, %swap3A_225], %max3A_223 {strides = array<i32>} : memref<321x128xf32, #tpu.memory_space<vmem>>, vector<16xf32>,
        %get3A_227 = arith.constant 1 : i32
        %get3A_228 = arith.index_cast %get3A_227 : i32 to index
        %get3A_229 = arith.constant 48 : index
        %get3A_230 = tpu.vector_load %arg13[%get3A_228, %get3A_229] {strides = array<i32>} : memref<16x128xf32, #tpu.memory_space<vmem>>, vector<16xf32>,
        %mul3A_231 = vector.broadcast %squeeze3A_187 : f32 to vector<16xf32>
        %mul3A_232 = arith.mulf %get3A_230, %mul3A_231 : vector<16xf32>
        %get3A_233 = arith.index_cast %squeeze3A_185 : i32 to index
        %get3A_234 = arith.constant 48 : index
        %get3A_235 = tpu.vector_load %arg14[%get3A_233, %get3A_234] {strides = array<i32>} : memref<321x128xf32, #tpu.memory_space<vmem>>, vector<16xf32>,
        %max3A_236 = arith.maximumf %get3A_235, %mul3A_232 : vector<16xf32>
        %swap3A_237 = arith.index_cast %squeeze3A_185 : i32 to index
        %swap3A_238 = arith.constant 48 : index
        %swap3A_239 = tpu.vector_load %arg14[%swap3A_237, %swap3A_238] {strides = array<i32>} : memref<321x128xf32, #tpu.memory_space<vmem>>, vector<16xf32>,
        tpu.vector_store %arg14[%swap3A_237, %swap3A_238], %max3A_236 {strides = array<i32>} : memref<321x128xf32, #tpu.memory_space<vmem>>, vector<16xf32>,
        %get3A_240 = arith.constant 1 : i32
        %get3A_241 = arith.index_cast %get3A_240 : i32 to index
        %get3A_242 = arith.constant 64 : index
        %get3A_243 = tpu.vector_load %arg13[%get3A_241, %get3A_242] {strides = array<i32>} : memref<16x128xf32, #tpu.memory_space<vmem>>, vector<16xf32>,
        %mul3A_244 = vector.broadcast %squeeze3A_187 : f32 to vector<16xf32>
        %mul3A_245 = arith.mulf %get3A_243, %mul3A_244 : vector<16xf32>
        %get3A_246 = arith.index_cast %squeeze3A_185 : i32 to index
        %get3A_247 = arith.constant 64 : index
        %get3A_248 = tpu.vector_load %arg14[%get3A_246, %get3A_247] {strides = array<i32>} : memref<321x128xf32, #tpu.memory_space<vmem>>, vector<16xf32>,
        %max3A_249 = arith.maximumf %get3A_248, %mul3A_245 : vector<16xf32>
        %swap3A_250 = arith.index_cast %squeeze3A_185 : i32 to index
        %swap3A_251 = arith.constant 64 : index
        %swap3A_252 = tpu.vector_load %arg14[%swap3A_250, %swap3A_251] {strides = array<i32>} : memref<321x128xf32, #tpu.memory_space<vmem>>, vector<16xf32>,
        tpu.vector_store %arg14[%swap3A_250, %swap3A_251], %max3A_249 {strides = array<i32>} : memref<321x128xf32, #tpu.memory_space<vmem>>, vector<16xf32>,
        %get3A_253 = arith.constant 1 : i32
        %get3A_254 = arith.index_cast %get3A_253 : i32 to index
        %get3A_255 = arith.constant 80 : index
        %get3A_256 = tpu.vector_load %arg13[%get3A_254, %get3A_255] {strides = array<i32>} : memref<16x128xf32, #tpu.memory_space<vmem>>, vector<16xf32>,
        %mul3A_257 = vector.broadcast %squeeze3A_187 : f32 to vector<16xf32>
        %mul3A_258 = arith.mulf %get3A_256, %mul3A_257 : vector<16xf32>
        %get3A_259 = arith.index_cast %squeeze3A_185 : i32 to index
        %get3A_260 = arith.constant 80 : index
        %get3A_261 = tpu.vector_load %arg14[%get3A_259, %get3A_260] {strides = array<i32>} : memref<321x128xf32, #tpu.memory_space<vmem>>, vector<16xf32>,
        %max3A_262 = arith.maximumf %get3A_261, %mul3A_258 : vector<16xf32>
        %swap3A_263 = arith.index_cast %squeeze3A_185 : i32 to index
        %swap3A_264 = arith.constant 80 : index
        %swap3A_265 = tpu.vector_load %arg14[%swap3A_263, %swap3A_264] {strides = array<i32>} : memref<321x128xf32, #tpu.memory_space<vmem>>, vector<16xf32>,
        tpu.vector_store %arg14[%swap3A_263, %swap3A_264], %max3A_262 {strides = array<i32>} : memref<321x128xf32, #tpu.memory_space<vmem>>, vector<16xf32>,
        %get3A_266 = arith.constant 1 : i32
        %get3A_267 = arith.index_cast %get3A_266 : i32 to index
        %get3A_268 = arith.constant 96 : index
        %get3A_269 = tpu.vector_load %arg13[%get3A_267, %get3A_268] {strides = array<i32>} : memref<16x128xf32, #tpu.memory_space<vmem>>, vector<16xf32>,
        %mul3A_270 = vector.broadcast %squeeze3A_187 : f32 to vector<16xf32>
        %mul3A_271 = arith.mulf %get3A_269, %mul3A_270 : vector<16xf32>
        %get3A_272 = arith.index_cast %squeeze3A_185 : i32 to index
        %get3A_273 = arith.constant 96 : index
        %get3A_274 = tpu.vector_load %arg14[%get3A_272, %get3A_273] {strides = array<i32>} : memref<321x128xf32, #tpu.memory_space<vmem>>, vector<16xf32>,
        %max3A_275 = arith.maximumf %get3A_274, %mul3A_271 : vector<16xf32>
        %swap3A_276 = arith.index_cast %squeeze3A_185 : i32 to index
        %swap3A_277 = arith.constant 96 : index
        %swap3A_278 = tpu.vector_load %arg14[%swap3A_276, %swap3A_277] {strides = array<i32>} : memref<321x128xf32, #tpu.memory_space<vmem>>, vector<16xf32>,
        tpu.vector_store %arg14[%swap3A_276, %swap3A_277], %max3A_275 {strides = array<i32>} : memref<321x128xf32, #tpu.memory_space<vmem>>, vector<16xf32>,
        %get3A_279 = arith.constant 1 : i32
        %get3A_280 = arith.index_cast %get3A_279 : i32 to index
        %get3A_281 = arith.constant 112 : index
        %get3A_282 = tpu.vector_load %arg13[%get3A_280, %get3A_281] {strides = array<i32>} : memref<16x128xf32, #tpu.memory_space<vmem>>, vector<16xf32>,
        %mul3A_283 = vector.broadcast %squeeze3A_187 : f32 to vector<16xf32>
        %mul3A_284 = arith.mulf %get3A_282, %mul3A_283 : vector<16xf32>
        %get3A_285 = arith.index_cast %squeeze3A_185 : i32 to index
        %get3A_286 = arith.constant 112 : index
        %get3A_287 = tpu.vector_load %arg14[%get3A_285, %get3A_286] {strides = array<i32>} : memref<321x128xf32, #tpu.memory_space<vmem>>, vector<16xf32>,
        %max3A_288 = arith.maximumf %get3A_287, %mul3A_284 : vector<16xf32>
        %swap3A_289 = arith.index_cast %squeeze3A_185 : i32 to index
        %swap3A_290 = arith.constant 112 : index
        %swap3A_291 = tpu.vector_load %arg14[%swap3A_289, %swap3A_290] {strides = array<i32>} : memref<321x128xf32, #tpu.memory_space<vmem>>, vector<16xf32>,
        tpu.vector_store %arg14[%swap3A_289, %swap3A_290], %max3A_288 {strides = array<i32>} : memref<321x128xf32, #tpu.memory_space<vmem>>, vector<16xf32>,
        %slice3A_292 = vector.extract_strided_slice %get3A_75 {offsets = [2], sizes = [1], strides = [1]} : vector<16xi32> to vector<1xi32>
        %squeeze3A_293 = vector.extract %slice3A_292[0] : i32 from vector<1xi32>
        %slice3A_294 = vector.extract_strided_slice %get3A_79 {offsets = [2], sizes = [1], strides = [1]} : vector<16xf32> to vector<1xf32>
        %squeeze3A_295 = vector.extract %slice3A_294[0] : f32 from vector<1xf32>
        %get3A_296 = arith.constant 2 : i32
        %get3A_297 = arith.index_cast %get3A_296 : i32 to index
        %get3A_298 = arith.constant 0 : index
        %get3A_299 = tpu.vector_load %arg13[%get3A_297, %get3A_298] {strides = array<i32>} : memref<16x128xf32, #tpu.memory_space<vmem>>, vector<16xf32>,
        %mul3A_300 = vector.broadcast %squeeze3A_295 : f32 to vector<16xf32>
        %mul3A_301 = arith.mulf %get3A_299, %mul3A_300 : vector<16xf32>
        %get3A_302 = arith.index_cast %squeeze3A_293 : i32 to index
        %get3A_303 = arith.constant 0 : index
        %get3A_304 = tpu.vector_load %arg14[%get3A_302, %get3A_303] {strides = array<i32>} : memref<321x128xf32, #tpu.memory_space<vmem>>, vector<16xf32>,
        %max3A_305 = arith.maximumf %get3A_304, %mul3A_301 : vector<16xf32>
        %swap3A_306 = arith.index_cast %squeeze3A_293 : i32 to index
        %swap3A_307 = arith.constant 0 : index
        %swap3A_308 = tpu.vector_load %arg14[%swap3A_306, %swap3A_307] {strides = array<i32>} : memref<321x128xf32, #tpu.memory_space<vmem>>, vector<16xf32>,
        tpu.vector_store %arg14[%swap3A_306, %swap3A_307], %max3A_305 {strides = array<i32>} : memref<321x128xf32, #tpu.memory_space<vmem>>, vector<16xf32>,
        %get3A_309 = arith.constant 2 : i32
        %get3A_310 = arith.index_cast %get3A_309 : i32 to index
        %get3A_311 = arith.constant 16 : index
        %get3A_312 = tpu.vector_load %arg13[%get3A_310, %get3A_311] {strides = array<i32>} : memref<16x128xf32, #tpu.memory_space<vmem>>, vector<16xf32>,
        %mul3A_313 = vector.broadcast %squeeze3A_295 : f32 to vector<16xf32>
        %mul3A_314 = arith.mulf %get3A_312, %mul3A_313 : vector<16xf32>
        %get3A_315 = arith.index_cast %squeeze3A_293 : i32 to index
        %get3A_316 = arith.constant 16 : index
        %get3A_317 = tpu.vector_load %arg14[%get3A_315, %get3A_316] {strides = array<i32>} : memref<321x128xf32, #tpu.memory_space<vmem>>, vector<16xf32>,
        %max3A_318 = arith.maximumf %get3A_317, %mul3A_314 : vector<16xf32>
        %swap3A_319 = arith.index_cast %squeeze3A_293 : i32 to index
        %swap3A_320 = arith.constant 16 : index
        %swap3A_321 = tpu.vector_load %arg14[%swap3A_319, %swap3A_320] {strides = array<i32>} : memref<321x128xf32, #tpu.memory_space<vmem>>, vector<16xf32>,
        tpu.vector_store %arg14[%swap3A_319, %swap3A_320], %max3A_318 {strides = array<i32>} : memref<321x128xf32, #tpu.memory_space<vmem>>, vector<16xf32>,
        %get3A_322 = arith.constant 2 : i32
        %get3A_323 = arith.index_cast %get3A_322 : i32 to index
        %get3A_324 = arith.constant 32 : index
        %get3A_325 = tpu.vector_load %arg13[%get3A_323, %get3A_324] {strides = array<i32>} : memref<16x128xf32, #tpu.memory_space<vmem>>, vector<16xf32>,
        %mul3A_326 = vector.broadcast %squeeze3A_295 : f32 to vector<16xf32>
        %mul3A_327 = arith.mulf %get3A_325, %mul3A_326 : vector<16xf32>
        %get3A_328 = arith.index_cast %squeeze3A_293 : i32 to index
        %get3A_329 = arith.constant 32 : index
        %get3A_330 = tpu.vector_load %arg14[%get3A_328, %get3A_329] {strides = array<i32>} : memref<321x128xf32, #tpu.memory_space<vmem>>, vector<16xf32>,
        %max3A_331 = arith.maximumf %get3A_330, %mul3A_327 : vector<16xf32>
        %swap3A_332 = arith.index_cast %squeeze3A_293 : i32 to index
        %swap3A_333 = arith.constant 32 : index
        %swap3A_334 = tpu.vector_load %arg14[%swap3A_332, %swap3A_333] {strides = array<i32>} : memref<321x128xf32, #tpu.memory_space<vmem>>, vector<16xf32>,
        tpu.vector_store %arg14[%swap3A_332, %swap3A_333], %max3A_331 {strides = array<i32>} : memref<321x128xf32, #tpu.memory_space<vmem>>, vector<16xf32>,
        %get3A_335 = arith.constant 2 : i32
        %get3A_336 = arith.index_cast %get3A_335 : i32 to index
        %get3A_337 = arith.constant 48 : index
        %get3A_338 = tpu.vector_load %arg13[%get3A_336, %get3A_337] {strides = array<i32>} : memref<16x128xf32, #tpu.memory_space<vmem>>, vector<16xf32>,
        %mul3A_339 = vector.broadcast %squeeze3A_295 : f32 to vector<16xf32>
        %mul3A_340 = arith.mulf %get3A_338, %mul3A_339 : vector<16xf32>
        %get3A_341 = arith.index_cast %squeeze3A_293 : i32 to index
        %get3A_342 = arith.constant 48 : index
        %get3A_343 = tpu.vector_load %arg14[%get3A_341, %get3A_342] {strides = array<i32>} : memref<321x128xf32, #tpu.memory_space<vmem>>, vector<16xf32>,
        %max3A_344 = arith.maximumf %get3A_343, %mul3A_340 : vector<16xf32>
        %swap3A_345 = arith.index_cast %squeeze3A_293 : i32 to index
        %swap3A_346 = arith.constant 48 : index
        %swap3A_347 = tpu.vector_load %arg14[%swap3A_345, %swap3A_346] {strides = array<i32>} : memref<321x128xf32, #tpu.memory_space<vmem>>, vector<16xf32>,
        tpu.vector_store %arg14[%swap3A_345, %swap3A_346], %max3A_344 {strides = array<i32>} : memref<321x128xf32, #tpu.memory_space<vmem>>, vector<16xf32>,
        %get3A_348 = arith.constant 2 : i32
        %get3A_349 = arith.index_cast %get3A_348 : i32 to index
        %get3A_350 = arith.constant 64 : index
        %get3A_351 = tpu.vector_load %arg13[%get3A_349, %get3A_350] {strides = array<i32>} : memref<16x128xf32, #tpu.memory_space<vmem>>, vector<16xf32>,
        %mul3A_352 = vector.broadcast %squeeze3A_295 : f32 to vector<16xf32>
        %mul3A_353 = arith.mulf %get3A_351, %mul3A_352 : vector<16xf32>
        %get3A_354 = arith.index_cast %squeeze3A_293 : i32 to index
        %get3A_355 = arith.constant 64 : index
        %get3A_356 = tpu.vector_load %arg14[%get3A_354, %get3A_355] {strides = array<i32>} : memref<321x128xf32, #tpu.memory_space<vmem>>, vector<16xf32>,
        %max3A_357 = arith.maximumf %get3A_356, %mul3A_353 : vector<16xf32>
        %swap3A_358 = arith.index_cast %squeeze3A_293 : i32 to index
        %swap3A_359 = arith.constant 64 : index
        %swap3A_360 = tpu.vector_load %arg14[%swap3A_358, %swap3A_359] {strides = array<i32>} : memref<321x128xf32, #tpu.memory_space<vmem>>, vector<16xf32>,
        tpu.vector_store %arg14[%swap3A_358, %swap3A_359], %max3A_357 {strides = array<i32>} : memref<321x128xf32, #tpu.memory_space<vmem>>, vector<16xf32>,
        %get3A_361 = arith.constant 2 : i32
        %get3A_362 = arith.index_cast %get3A_361 : i32 to index
        %get3A_363 = arith.constant 80 : index
        %get3A_364 = tpu.vector_load %arg13[%get3A_362, %get3A_363] {strides = array<i32>} : memref<16x128xf32, #tpu.memory_space<vmem>>, vector<16xf32>,
        %mul3A_365 = vector.broadcast %squeeze3A_295 : f32 to vector<16xf32>
        %mul3A_366 = arith.mulf %get3A_364, %mul3A_365 : vector<16xf32>
        %get3A_367 = arith.index_cast %squeeze3A_293 : i32 to index
        %get3A_368 = arith.constant 80 : index
        %get3A_369 = tpu.vector_load %arg14[%get3A_367, %get3A_368] {strides = array<i32>} : memref<321x128xf32, #tpu.memory_space<vmem>>, vector<16xf32>,
        %max3A_370 = arith.maximumf %get3A_369, %mul3A_366 : vector<16xf32>
        %swap3A_371 = arith.index_cast %squeeze3A_293 : i32 to index
        %swap3A_372 = arith.constant 80 : index
        %swap3A_373 = tpu.vector_load %arg14[%swap3A_371, %swap3A_372] {strides = array<i32>} : memref<321x128xf32, #tpu.memory_space<vmem>>, vector<16xf32>,
        tpu.vector_store %arg14[%swap3A_371, %swap3A_372], %max3A_370 {strides = array<i32>} : memref<321x128xf32, #tpu.memory_space<vmem>>, vector<16xf32>,
        %get3A_374 = arith.constant 2 : i32
        %get3A_375 = arith.index_cast %get3A_374 : i32 to index
        %get3A_376 = arith.constant 96 : index
        %get3A_377 = tpu.vector_load %arg13[%get3A_375, %get3A_376] {strides = array<i32>} : memref<16x128xf32, #tpu.memory_space<vmem>>, vector<16xf32>,
        %mul3A_378 = vector.broadcast %squeeze3A_295 : f32 to vector<16xf32>
        %mul3A_379 = arith.mulf %get3A_377, %mul3A_378 : vector<16xf32>
        %get3A_380 = arith.index_cast %squeeze3A_293 : i32 to index
        %get3A_381 = arith.constant 96 : index
        %get3A_382 = tpu.vector_load %arg14[%get3A_380, %get3A_381] {strides = array<i32>} : memref<321x128xf32, #tpu.memory_space<vmem>>, vector<16xf32>,
        %max3A_383 = arith.maximumf %get3A_382, %mul3A_379 : vector<16xf32>
        %swap3A_384 = arith.index_cast %squeeze3A_293 : i32 to index
        %swap3A_385 = arith.constant 96 : index
        %swap3A_386 = tpu.vector_load %arg14[%swap3A_384, %swap3A_385] {strides = array<i32>} : memref<321x128xf32, #tpu.memory_space<vmem>>, vector<16xf32>,
        tpu.vector_store %arg14[%swap3A_384, %swap3A_385], %max3A_383 {strides = array<i32>} : memref<321x128xf32, #tpu.memory_space<vmem>>, vector<16xf32>,
        %get3A_387 = arith.constant 2 : i32
        %get3A_388 = arith.index_cast %get3A_387 : i32 to index
        %get3A_389 = arith.constant 112 : index
        %get3A_390 = tpu.vector_load %arg13[%get3A_388, %get3A_389] {strides = array<i32>} : memref<16x128xf32, #tpu.memory_space<vmem>>, vector<16xf32>,
        %mul3A_391 = vector.broadcast %squeeze3A_295 : f32 to vector<16xf32>
        %mul3A_392 = arith.mulf %get3A_390, %mul3A_391 : vector<16xf32>
        %get3A_393 = arith.index_cast %squeeze3A_293 : i32 to index
        %get3A_394 = arith.constant 112 : index
        %get3A_395 = tpu.vector_load %arg14[%get3A_393, %get3A_394] {strides = array<i32>} : memref<321x128xf32, #tpu.memory_space<vmem>>, vector<16xf32>,
        %max3A_396 = arith.maximumf %get3A_395, %mul3A_392 : vector<16xf32>
        %swap3A_397 = arith.index_cast %squeeze3A_293 : i32 to index
        %swap3A_398 = arith.constant 112 : index
        %swap3A_399 = tpu.vector_load %arg14[%swap3A_397, %swap3A_398] {strides = array<i32>} : memref<321x128xf32, #tpu.memory_space<vmem>>, vector<16xf32>,
        tpu.vector_store %arg14[%swap3A_397, %swap3A_398], %max3A_396 {strides = array<i32>} : memref<321x128xf32, #tpu.memory_space<vmem>>, vector<16xf32>,
        %slice3A_400 = vector.extract_strided_slice %get3A_75 {offsets = [3], sizes = [1], strides = [1]} : vector<16xi32> to vector<1xi32>
        %squeeze3A_401 = vector.extract %slice3A_400[0] : i32 from vector<1xi32>
        %slice3A_402 = vector.extract_strided_slice %get3A_79 {offsets = [3], sizes = [1], strides = [1]} : vector<16xf32> to vector<1xf32>
        %squeeze3A_403 = vector.extract %slice3A_402[0] : f32 from vector<1xf32>
        %get3A_404 = arith.constant 3 : i32
        %get3A_405 = arith.index_cast %get3A_404 : i32 to index
        %get3A_406 = arith.constant 0 : index
        %get3A_407 = tpu.vector_load %arg13[%get3A_405, %get3A_406] {strides = array<i32>} : memref<16x128xf32, #tpu.memory_space<vmem>>, vector<16xf32>,
        %mul3A_408 = vector.broadcast %squeeze3A_403 : f32 to vector<16xf32>
        %mul3A_409 = arith.mulf %get3A_407, %mul3A_408 : vector<16xf32>
        %get3A_410 = arith.index_cast %squeeze3A_401 : i32 to index
        %get3A_411 = arith.constant 0 : index
        %get3A_412 = tpu.vector_load %arg14[%get3A_410, %get3A_411] {strides = array<i32>} : memref<321x128xf32, #tpu.memory_space<vmem>>, vector<16xf32>,
        %max3A_413 = arith.maximumf %get3A_412, %mul3A_409 : vector<16xf32>
        %swap3A_414 = arith.index_cast %squeeze3A_401 : i32 to index
        %swap3A_415 = arith.constant 0 : index
        %swap3A_416 = tpu.vector_load %arg14[%swap3A_414, %swap3A_415] {strides = array<i32>} : memref<321x128xf32, #tpu.memory_space<vmem>>, vector<16xf32>,
        tpu.vector_store %arg14[%swap3A_414, %swap3A_415], %max3A_413 {strides = array<i32>} : memref<321x128xf32, #tpu.memory_space<vmem>>, vector<16xf32>,
        %get3A_417 = arith.constant 3 : i32
        %get3A_418 = arith.index_cast %get3A_417 : i32 to index
        %get3A_419 = arith.constant 16 : index
        %get3A_420 = tpu.vector_load %arg13[%get3A_418, %get3A_419] {strides = array<i32>} : memref<16x128xf32, #tpu.memory_space<vmem>>, vector<16xf32>,
        %mul3A_421 = vector.broadcast %squeeze3A_403 : f32 to vector<16xf32>
        %mul3A_422 = arith.mulf %get3A_420, %mul3A_421 : vector<16xf32>
        %get3A_423 = arith.index_cast %squeeze3A_401 : i32 to index
        %get3A_424 = arith.constant 16 : index
        %get3A_425 = tpu.vector_load %arg14[%get3A_423, %get3A_424] {strides = array<i32>} : memref<321x128xf32, #tpu.memory_space<vmem>>, vector<16xf32>,
        %max3A_426 = arith.maximumf %get3A_425, %mul3A_422 : vector<16xf32>
        %swap3A_427 = arith.index_cast %squeeze3A_401 : i32 to index
        %swap3A_428 = arith.constant 16 : index
        %swap3A_429 = tpu.vector_load %arg14[%swap3A_427, %swap3A_428] {strides = array<i32>} : memref<321x128xf32, #tpu.memory_space<vmem>>, vector<16xf32>,
        tpu.vector_store %arg14[%swap3A_427, %swap3A_428], %max3A_426 {strides = array<i32>} : memref<321x128xf32, #tpu.memory_space<vmem>>, vector<16xf32>,
        %get3A_430 = arith.constant 3 : i32
        %get3A_431 = arith.index_cast %get3A_430 : i32 to index
        %get3A_432 = arith.constant 32 : index
        %get3A_433 = tpu.vector_load %arg13[%get3A_431, %get3A_432] {strides = array<i32>} : memref<16x128xf32, #tpu.memory_space<vmem>>, vector<16xf32>,
        %mul3A_434 = vector.broadcast %squeeze3A_403 : f32 to vector<16xf32>
        %mul3A_435 = arith.mulf %get3A_433, %mul3A_434 : vector<16xf32>
        %get3A_436 = arith.index_cast %squeeze3A_401 : i32 to index
        %get3A_437 = arith.constant 32 : index
        %get3A_438 = tpu.vector_load %arg14[%get3A_436, %get3A_437] {strides = array<i32>} : memref<321x128xf32, #tpu.memory_space<vmem>>, vector<16xf32>,
        %max3A_439 = arith.maximumf %get3A_438, %mul3A_435 : vector<16xf32>
        %swap3A_440 = arith.index_cast %squeeze3A_401 : i32 to index
        %swap3A_441 = arith.constant 32 : index
        %swap3A_442 = tpu.vector_load %arg14[%swap3A_440, %swap3A_441] {strides = array<i32>} : memref<321x128xf32, #tpu.memory_space<vmem>>, vector<16xf32>,
        tpu.vector_store %arg14[%swap3A_440, %swap3A_441], %max3A_439 {strides = array<i32>} : memref<321x128xf32, #tpu.memory_space<vmem>>, vector<16xf32>,
        %get3A_443 = arith.constant 3 : i32
        %get3A_444 = arith.index_cast %get3A_443 : i32 to index
        %get3A_445 = arith.constant 48 : index
        %get3A_446 = tpu.vector_load %arg13[%get3A_444, %get3A_445] {strides = array<i32>} : memref<16x128xf32, #tpu.memory_space<vmem>>, vector<16xf32>,
        %mul3A_447 = vector.broadcast %squeeze3A_403 : f32 to vector<16xf32>
        %mul3A_448 = arith.mulf %get3A_446, %mul3A_447 : vector<16xf32>
        %get3A_449 = arith.index_cast %squeeze3A_401 : i32 to index
        %get3A_450 = arith.constant 48 : index
        %get3A_451 = tpu.vector_load %arg14[%get3A_449, %get3A_450] {strides = array<i32>} : memref<321x128xf32, #tpu.memory_space<vmem>>, vector<16xf32>,
        %max3A_452 = arith.maximumf %get3A_451, %mul3A_448 : vector<16xf32>
        %swap3A_453 = arith.index_cast %squeeze3A_401 : i32 to index
        %swap3A_454 = arith.constant 48 : index
        %swap3A_455 = tpu.vector_load %arg14[%swap3A_453, %swap3A_454] {strides = array<i32>} : memref<321x128xf32, #tpu.memory_space<vmem>>, vector<16xf32>,
        tpu.vector_store %arg14[%swap3A_453, %swap3A_454], %max3A_452 {strides = array<i32>} : memref<321x128xf32, #tpu.memory_space<vmem>>, vector<16xf32>,
        %get3A_456 = arith.constant 3 : i32
        %get3A_457 = arith.index_cast %get3A_456 : i32 to index
        %get3A_458 = arith.constant 64 : index
        %get3A_459 = tpu.vector_load %arg13[%get3A_457, %get3A_458] {strides = array<i32>} : memref<16x128xf32, #tpu.memory_space<vmem>>, vector<16xf32>,
        %mul3A_460 = vector.broadcast %squeeze3A_403 : f32 to vector<16xf32>
        %mul3A_461 = arith.mulf %get3A_459, %mul3A_460 : vector<16xf32>
        %get3A_462 = arith.index_cast %squeeze3A_401 : i32 to index
        %get3A_463 = arith.constant 64 : index
        %get3A_464 = tpu.vector_load %arg14[%get3A_462, %get3A_463] {strides = array<i32>} : memref<321x128xf32, #tpu.memory_space<vmem>>, vector<16xf32>,
        %max3A_465 = arith.maximumf %get3A_464, %mul3A_461 : vector<16xf32>
        %swap3A_466 = arith.index_cast %squeeze3A_401 : i32 to index
        %swap3A_467 = arith.constant 64 : index
        %swap3A_468 = tpu.vector_load %arg14[%swap3A_466, %swap3A_467] {strides = array<i32>} : memref<321x128xf32, #tpu.memory_space<vmem>>, vector<16xf32>,
        tpu.vector_store %arg14[%swap3A_466, %swap3A_467], %max3A_465 {strides = array<i32>} : memref<321x128xf32, #tpu.memory_space<vmem>>, vector<16xf32>,
        %get3A_469 = arith.constant 3 : i32
        %get3A_470 = arith.index_cast %get3A_469 : i32 to index
        %get3A_471 = arith.constant 80 : index
        %get3A_472 = tpu.vector_load %arg13[%get3A_470, %get3A_471] {strides = array<i32>} : memref<16x128xf32, #tpu.memory_space<vmem>>, vector<16xf32>,
        %mul3A_473 = vector.broadcast %squeeze3A_403 : f32 to vector<16xf32>
        %mul3A_474 = arith.mulf %get3A_472, %mul3A_473 : vector<16xf32>
        %get3A_475 = arith.index_cast %squeeze3A_401 : i32 to index
        %get3A_476 = arith.constant 80 : index
        %get3A_477 = tpu.vector_load %arg14[%get3A_475, %get3A_476] {strides = array<i32>} : memref<321x128xf32, #tpu.memory_space<vmem>>, vector<16xf32>,
        %max3A_478 = arith.maximumf %get3A_477, %mul3A_474 : vector<16xf32>
        %swap3A_479 = arith.index_cast %squeeze3A_401 : i32 to index
        %swap3A_480 = arith.constant 80 : index
        %swap3A_481 = tpu.vector_load %arg14[%swap3A_479, %swap3A_480] {strides = array<i32>} : memref<321x128xf32, #tpu.memory_space<vmem>>, vector<16xf32>,
        tpu.vector_store %arg14[%swap3A_479, %swap3A_480], %max3A_478 {strides = array<i32>} : memref<321x128xf32, #tpu.memory_space<vmem>>, vector<16xf32>,
        %get3A_482 = arith.constant 3 : i32
        %get3A_483 = arith.index_cast %get3A_482 : i32 to index
        %get3A_484 = arith.constant 96 : index
        %get3A_485 = tpu.vector_load %arg13[%get3A_483, %get3A_484] {strides = array<i32>} : memref<16x128xf32, #tpu.memory_space<vmem>>, vector<16xf32>,
        %mul3A_486 = vector.broadcast %squeeze3A_403 : f32 to vector<16xf32>
        %mul3A_487 = arith.mulf %get3A_485, %mul3A_486 : vector<16xf32>
        %get3A_488 = arith.index_cast %squeeze3A_401 : i32 to index
        %get3A_489 = arith.constant 96 : index
        %get3A_490 = tpu.vector_load %arg14[%get3A_488, %get3A_489] {strides = array<i32>} : memref<321x128xf32, #tpu.memory_space<vmem>>, vector<16xf32>,
        %max3A_491 = arith.maximumf %get3A_490, %mul3A_487 : vector<16xf32>
        %swap3A_492 = arith.index_cast %squeeze3A_401 : i32 to index
        %swap3A_493 = arith.constant 96 : index
        %swap3A_494 = tpu.vector_load %arg14[%swap3A_492, %swap3A_493] {strides = array<i32>} : memref<321x128xf32, #tpu.memory_space<vmem>>, vector<16xf32>,
        tpu.vector_store %arg14[%swap3A_492, %swap3A_493], %max3A_491 {strides = array<i32>} : memref<321x128xf32, #tpu.memory_space<vmem>>, vector<16xf32>,
        %get3A_495 = arith.constant 3 : i32
        %get3A_496 = arith.index_cast %get3A_495 : i32 to index
        %get3A_497 = arith.constant 112 : index
        %get3A_498 = tpu.vector_load %arg13[%get3A_496, %get3A_497] {strides = array<i32>} : memref<16x128xf32, #tpu.memory_space<vmem>>, vector<16xf32>,
        %mul3A_499 = vector.broadcast %squeeze3A_403 : f32 to vector<16xf32>
        %mul3A_500 = arith.mulf %get3A_498, %mul3A_499 : vector<16xf32>
        %get3A_501 = arith.index_cast %squeeze3A_401 : i32 to index
        %get3A_502 = arith.constant 112 : index
        %get3A_503 = tpu.vector_load %arg14[%get3A_501, %get3A_502] {strides = array<i32>} : memref<321x128xf32, #tpu.memory_space<vmem>>, vector<16xf32>,
        %max3A_504 = arith.maximumf %get3A_503, %mul3A_500 : vector<16xf32>
        %swap3A_505 = arith.index_cast %squeeze3A_401 : i32 to index
        %swap3A_506 = arith.constant 112 : index
        %swap3A_507 = tpu.vector_load %arg14[%swap3A_505, %swap3A_506] {strides = array<i32>} : memref<321x128xf32, #tpu.memory_space<vmem>>, vector<16xf32>,
        tpu.vector_store %arg14[%swap3A_505, %swap3A_506], %max3A_504 {strides = array<i32>} : memref<321x128xf32, #tpu.memory_space<vmem>>, vector<16xf32>,
        %slice3A_508 = vector.extract_strided_slice %get3A_75 {offsets = [4], sizes = [1], strides = [1]} : vector<16xi32> to vector<1xi32>
        %squeeze3A_509 = vector.extract %slice3A_508[0] : i32 from vector<1xi32>
        %slice3A_510 = vector.extract_strided_slice %get3A_79 {offsets = [4], sizes = [1], strides = [1]} : vector<16xf32> to vector<1xf32>
        %squeeze3A_511 = vector.extract %slice3A_510[0] : f32 from vector<1xf32>
        %get3A_512 = arith.constant 4 : i32
        %get3A_513 = arith.index_cast %get3A_512 : i32 to index
        %get3A_514 = arith.constant 0 : index
        %get3A_515 = tpu.vector_load %arg13[%get3A_513, %get3A_514] {strides = array<i32>} : memref<16x128xf32, #tpu.memory_space<vmem>>, vector<16xf32>,
        %mul3A_516 = vector.broadcast %squeeze3A_511 : f32 to vector<16xf32>
        %mul3A_517 = arith.mulf %get3A_515, %mul3A_516 : vector<16xf32>
        %get3A_518 = arith.index_cast %squeeze3A_509 : i32 to index
        %get3A_519 = arith.constant 0 : index
        %get3A_520 = tpu.vector_load %arg14[%get3A_518, %get3A_519] {strides = array<i32>} : memref<321x128xf32, #tpu.memory_space<vmem>>, vector<16xf32>,
        %max3A_521 = arith.maximumf %get3A_520, %mul3A_517 : vector<16xf32>
        %swap3A_522 = arith.index_cast %squeeze3A_509 : i32 to index
        %swap3A_523 = arith.constant 0 : index
        %swap3A_524 = tpu.vector_load %arg14[%swap3A_522, %swap3A_523] {strides = array<i32>} : memref<321x128xf32, #tpu.memory_space<vmem>>, vector<16xf32>,
        tpu.vector_store %arg14[%swap3A_522, %swap3A_523], %max3A_521 {strides = array<i32>} : memref<321x128xf32, #tpu.memory_space<vmem>>, vector<16xf32>,
        %get3A_525 = arith.constant 4 : i32
        %get3A_526 = arith.index_cast %get3A_525 : i32 to index
        %get3A_527 = arith.constant 16 : index
        %get3A_528 = tpu.vector_load %arg13[%get3A_526, %get3A_527] {strides = array<i32>} : memref<16x128xf32, #tpu.memory_space<vmem>>, vector<16xf32>,
        %mul3A_529 = vector.broadcast %squeeze3A_511 : f32 to vector<16xf32>
        %mul3A_530 = arith.mulf %get3A_528, %mul3A_529 : vector<16xf32>
        %get3A_531 = arith.index_cast %squeeze3A_509 : i32 to index
        %get3A_532 = arith.constant 16 : index
        %get3A_533 = tpu.vector_load %arg14[%get3A_531, %get3A_532] {strides = array<i32>} : memref<321x128xf32, #tpu.memory_space<vmem>>, vector<16xf32>,
        %max3A_534 = arith.maximumf %get3A_533, %mul3A_530 : vector<16xf32>
        %swap3A_535 = arith.index_cast %squeeze3A_509 : i32 to index
        %swap3A_536 = arith.constant 16 : index
        %swap3A_537 = tpu.vector_load %arg14[%swap3A_535, %swap3A_536] {strides = array<i32>} : memref<321x128xf32, #tpu.memory_space<vmem>>, vector<16xf32>,
        tpu.vector_store %arg14[%swap3A_535, %swap3A_536], %max3A_534 {strides = array<i32>} : memref<321x128xf32, #tpu.memory_space<vmem>>, vector<16xf32>,
        %get3A_538 = arith.constant 4 : i32
        %get3A_539 = arith.index_cast %get3A_538 : i32 to index
        %get3A_540 = arith.constant 32 : index
        %get3A_541 = tpu.vector_load %arg13[%get3A_539, %get3A_540] {strides = array<i32>} : memref<16x128xf32, #tpu.memory_space<vmem>>, vector<16xf32>,
        %mul3A_542 = vector.broadcast %squeeze3A_511 : f32 to vector<16xf32>
        %mul3A_543 = arith.mulf %get3A_541, %mul3A_542 : vector<16xf32>
        %get3A_544 = arith.index_cast %squeeze3A_509 : i32 to index
        %get3A_545 = arith.constant 32 : index
        %get3A_546 = tpu.vector_load %arg14[%get3A_544, %get3A_545] {strides = array<i32>} : memref<321x128xf32, #tpu.memory_space<vmem>>, vector<16xf32>,
        %max3A_547 = arith.maximumf %get3A_546, %mul3A_543 : vector<16xf32>
        %swap3A_548 = arith.index_cast %squeeze3A_509 : i32 to index
        %swap3A_549 = arith.constant 32 : index
        %swap3A_550 = tpu.vector_load %arg14[%swap3A_548, %swap3A_549] {strides = array<i32>} : memref<321x128xf32, #tpu.memory_space<vmem>>, vector<16xf32>,
        tpu.vector_store %arg14[%swap3A_548, %swap3A_549], %max3A_547 {strides = array<i32>} : memref<321x128xf32, #tpu.memory_space<vmem>>, vector<16xf32>,
        %get3A_551 = arith.constant 4 : i32
        %get3A_552 = arith.index_cast %get3A_551 : i32 to index
        %get3A_553 = arith.constant 48 : index
        %get3A_554 = tpu.vector_load %arg13[%get3A_552, %get3A_553] {strides = array<i32>} : memref<16x128xf32, #tpu.memory_space<vmem>>, vector<16xf32>,
        %mul3A_555 = vector.broadcast %squeeze3A_511 : f32 to vector<16xf32>
        %mul3A_556 = arith.mulf %get3A_554, %mul3A_555 : vector<16xf32>
        %get3A_557 = arith.index_cast %squeeze3A_509 : i32 to index
        %get3A_558 = arith.constant 48 : index
        %get3A_559 = tpu.vector_load %arg14[%get3A_557, %get3A_558] {strides = array<i32>} : memref<321x128xf32, #tpu.memory_space<vmem>>, vector<16xf32>,
        %max3A_560 = arith.maximumf %get3A_559, %mul3A_556 : vector<16xf32>
        %swap3A_561 = arith.index_cast %squeeze3A_509 : i32 to index
        %swap3A_562 = arith.constant 48 : index
        %swap3A_563 = tpu.vector_load %arg14[%swap3A_561, %swap3A_562] {strides = array<i32>} : memref<321x128xf32, #tpu.memory_space<vmem>>, vector<16xf32>,
        tpu.vector_store %arg14[%swap3A_561, %swap3A_562], %max3A_560 {strides = array<i32>} : memref<321x128xf32, #tpu.memory_space<vmem>>, vector<16xf32>,
        %get3A_564 = arith.constant 4 : i32
        %get3A_565 = arith.index_cast %get3A_564 : i32 to index
        %get3A_566 = arith.constant 64 : index
        %get3A_567 = tpu.vector_load %arg13[%get3A_565, %get3A_566] {strides = array<i32>} : memref<16x128xf32, #tpu.memory_space<vmem>>, vector<16xf32>,
        %mul3A_568 = vector.broadcast %squeeze3A_511 : f32 to vector<16xf32>
        %mul3A_569 = arith.mulf %get3A_567, %mul3A_568 : vector<16xf32>
        %get3A_570 = arith.index_cast %squeeze3A_509 : i32 to index
        %get3A_571 = arith.constant 64 : index
        %get3A_572 = tpu.vector_load %arg14[%get3A_570, %get3A_571] {strides = array<i32>} : memref<321x128xf32, #tpu.memory_space<vmem>>, vector<16xf32>,
        %max3A_573 = arith.maximumf %get3A_572, %mul3A_569 : vector<16xf32>
        %swap3A_574 = arith.index_cast %squeeze3A_509 : i32 to index
        %swap3A_575 = arith.constant 64 : index
        %swap3A_576 = tpu.vector_load %arg14[%swap3A_574, %swap3A_575] {strides = array<i32>} : memref<321x128xf32, #tpu.memory_space<vmem>>, vector<16xf32>,
        tpu.vector_store %arg14[%swap3A_574, %swap3A_575], %max3A_573 {strides = array<i32>} : memref<321x128xf32, #tpu.memory_space<vmem>>, vector<16xf32>,
        %get3A_577 = arith.constant 4 : i32
        %get3A_578 = arith.index_cast %get3A_577 : i32 to index
        %get3A_579 = arith.constant 80 : index
        %get3A_580 = tpu.vector_load %arg13[%get3A_578, %get3A_579] {strides = array<i32>} : memref<16x128xf32, #tpu.memory_space<vmem>>, vector<16xf32>,
        %mul3A_581 = vector.broadcast %squeeze3A_511 : f32 to vector<16xf32>
        %mul3A_582 = arith.mulf %get3A_580, %mul3A_581 : vector<16xf32>
        %get3A_583 = arith.index_cast %squeeze3A_509 : i32 to index
        %get3A_584 = arith.constant 80 : index
        %get3A_585 = tpu.vector_load %arg14[%get3A_583, %get3A_584] {strides = array<i32>} : memref<321x128xf32, #tpu.memory_space<vmem>>, vector<16xf32>,
        %max3A_586 = arith.maximumf %get3A_585, %mul3A_582 : vector<16xf32>
        %swap3A_587 = arith.index_cast %squeeze3A_509 : i32 to index
        %swap3A_588 = arith.constant 80 : index
        %swap3A_589 = tpu.vector_load %arg14[%swap3A_587, %swap3A_588] {strides = array<i32>} : memref<321x128xf32, #tpu.memory_space<vmem>>, vector<16xf32>,
        tpu.vector_store %arg14[%swap3A_587, %swap3A_588], %max3A_586 {strides = array<i32>} : memref<321x128xf32, #tpu.memory_space<vmem>>, vector<16xf32>,
        %get3A_590 = arith.constant 4 : i32
        %get3A_591 = arith.index_cast %get3A_590 : i32 to index
        %get3A_592 = arith.constant 96 : index
        %get3A_593 = tpu.vector_load %arg13[%get3A_591, %get3A_592] {strides = array<i32>} : memref<16x128xf32, #tpu.memory_space<vmem>>, vector<16xf32>,
        %mul3A_594 = vector.broadcast %squeeze3A_511 : f32 to vector<16xf32>
        %mul3A_595 = arith.mulf %get3A_593, %mul3A_594 : vector<16xf32>
        %get3A_596 = arith.index_cast %squeeze3A_509 : i32 to index
        %get3A_597 = arith.constant 96 : index
        %get3A_598 = tpu.vector_load %arg14[%get3A_596, %get3A_597] {strides = array<i32>} : memref<321x128xf32, #tpu.memory_space<vmem>>, vector<16xf32>,
        %max3A_599 = arith.maximumf %get3A_598, %mul3A_595 : vector<16xf32>
        %swap3A_600 = arith.index_cast %squeeze3A_509 : i32 to index
        %swap3A_601 = arith.constant 96 : index
        %swap3A_602 = tpu.vector_load %arg14[%swap3A_600, %swap3A_601] {strides = array<i32>} : memref<321x128xf32, #tpu.memory_space<vmem>>, vector<16xf32>,
        tpu.vector_store %arg14[%swap3A_600, %swap3A_601], %max3A_599 {strides = array<i32>} : memref<321x128xf32, #tpu.memory_space<vmem>>, vector<16xf32>,
        %get3A_603 = arith.constant 4 : i32
        %get3A_604 = arith.index_cast %get3A_603 : i32 to index
        %get3A_605 = arith.constant 112 : index
        %get3A_606 = tpu.vector_load %arg13[%get3A_604, %get3A_605] {strides = array<i32>} : memref<16x128xf32, #tpu.memory_space<vmem>>, vector<16xf32>,
        %mul3A_607 = vector.broadcast %squeeze3A_511 : f32 to vector<16xf32>
        %mul3A_608 = arith.mulf %get3A_606, %mul3A_607 : vector<16xf32>
        %get3A_609 = arith.index_cast %squeeze3A_509 : i32 to index
        %get3A_610 = arith.constant 112 : index
        %get3A_611 = tpu.vector_load %arg14[%get3A_609, %get3A_610] {strides = array<i32>} : memref<321x128xf32, #tpu.memory_space<vmem>>, vector<16xf32>,
        %max3A_612 = arith.maximumf %get3A_611, %mul3A_608 : vector<16xf32>
        %swap3A_613 = arith.index_cast %squeeze3A_509 : i32 to index
        %swap3A_614 = arith.constant 112 : index
        %swap3A_615 = tpu.vector_load %arg14[%swap3A_613, %swap3A_614] {strides = array<i32>} : memref<321x128xf32, #tpu.memory_space<vmem>>, vector<16xf32>,
        tpu.vector_store %arg14[%swap3A_613, %swap3A_614], %max3A_612 {strides = array<i32>} : memref<321x128xf32, #tpu.memory_space<vmem>>, vector<16xf32>,
        %slice3A_616 = vector.extract_strided_slice %get3A_75 {offsets = [5], sizes = [1], strides = [1]} : vector<16xi32> to vector<1xi32>
        %squeeze3A_617 = vector.extract %slice3A_616[0] : i32 from vector<1xi32>
        %slice3A_618 = vector.extract_strided_slice %get3A_79 {offsets = [5], sizes = [1], strides = [1]} : vector<16xf32> to vector<1xf32>
        %squeeze3A_619 = vector.extract %slice3A_618[0] : f32 from vector<1xf32>
        %get3A_620 = arith.constant 5 : i32
        %get3A_621 = arith.index_cast %get3A_620 : i32 to index
        %get3A_622 = arith.constant 0 : index
        %get3A_623 = tpu.vector_load %arg13[%get3A_621, %get3A_622] {strides = array<i32>} : memref<16x128xf32, #tpu.memory_space<vmem>>, vector<16xf32>,
        %mul3A_624 = vector.broadcast %squeeze3A_619 : f32 to vector<16xf32>
        %mul3A_625 = arith.mulf %get3A_623, %mul3A_624 : vector<16xf32>
        %get3A_626 = arith.index_cast %squeeze3A_617 : i32 to index
        %get3A_627 = arith.constant 0 : index
        %get3A_628 = tpu.vector_load %arg14[%get3A_626, %get3A_627] {strides = array<i32>} : memref<321x128xf32, #tpu.memory_space<vmem>>, vector<16xf32>,
        %max3A_629 = arith.maximumf %get3A_628, %mul3A_625 : vector<16xf32>
        %swap3A_630 = arith.index_cast %squeeze3A_617 : i32 to index
        %swap3A_631 = arith.constant 0 : index
        %swap3A_632 = tpu.vector_load %arg14[%swap3A_630, %swap3A_631] {strides = array<i32>} : memref<321x128xf32, #tpu.memory_space<vmem>>, vector<16xf32>,
        tpu.vector_store %arg14[%swap3A_630, %swap3A_631], %max3A_629 {strides = array<i32>} : memref<321x128xf32, #tpu.memory_space<vmem>>, vector<16xf32>,
        %get3A_633 = arith.constant 5 : i32
        %get3A_634 = arith.index_cast %get3A_633 : i32 to index
        %get3A_635 = arith.constant 16 : index
        %get3A_636 = tpu.vector_load %arg13[%get3A_634, %get3A_635] {strides = array<i32>} : memref<16x128xf32, #tpu.memory_space<vmem>>, vector<16xf32>,
        %mul3A_637 = vector.broadcast %squeeze3A_619 : f32 to vector<16xf32>
        %mul3A_638 = arith.mulf %get3A_636, %mul3A_637 : vector<16xf32>
        %get3A_639 = arith.index_cast %squeeze3A_617 : i32 to index
        %get3A_640 = arith.constant 16 : index
        %get3A_641 = tpu.vector_load %arg14[%get3A_639, %get3A_640] {strides = array<i32>} : memref<321x128xf32, #tpu.memory_space<vmem>>, vector<16xf32>,
        %max3A_642 = arith.maximumf %get3A_641, %mul3A_638 : vector<16xf32>
        %swap3A_643 = arith.index_cast %squeeze3A_617 : i32 to index
        %swap3A_644 = arith.constant 16 : index
        %swap3A_645 = tpu.vector_load %arg14[%swap3A_643, %swap3A_644] {strides = array<i32>} : memref<321x128xf32, #tpu.memory_space<vmem>>, vector<16xf32>,
        tpu.vector_store %arg14[%swap3A_643, %swap3A_644], %max3A_642 {strides = array<i32>} : memref<321x128xf32, #tpu.memory_space<vmem>>, vector<16xf32>,
        %get3A_646 = arith.constant 5 : i32
        %get3A_647 = arith.index_cast %get3A_646 : i32 to index
        %get3A_648 = arith.constant 32 : index
        %get3A_649 = tpu.vector_load %arg13[%get3A_647, %get3A_648] {strides = array<i32>} : memref<16x128xf32, #tpu.memory_space<vmem>>, vector<16xf32>,
        %mul3A_650 = vector.broadcast %squeeze3A_619 : f32 to vector<16xf32>
        %mul3A_651 = arith.mulf %get3A_649, %mul3A_650 : vector<16xf32>
        %get3A_652 = arith.index_cast %squeeze3A_617 : i32 to index
        %get3A_653 = arith.constant 32 : index
        %get3A_654 = tpu.vector_load %arg14[%get3A_652, %get3A_653] {strides = array<i32>} : memref<321x128xf32, #tpu.memory_space<vmem>>, vector<16xf32>,
        %max3A_655 = arith.maximumf %get3A_654, %mul3A_651 : vector<16xf32>
        %swap3A_656 = arith.index_cast %squeeze3A_617 : i32 to index
        %swap3A_657 = arith.constant 32 : index
        %swap3A_658 = tpu.vector_load %arg14[%swap3A_656, %swap3A_657] {strides = array<i32>} : memref<321x128xf32, #tpu.memory_space<vmem>>, vector<16xf32>,
        tpu.vector_store %arg14[%swap3A_656, %swap3A_657], %max3A_655 {strides = array<i32>} : memref<321x128xf32, #tpu.memory_space<vmem>>, vector<16xf32>,
        %get3A_659 = arith.constant 5 : i32
        %get3A_660 = arith.index_cast %get3A_659 : i32 to index
        %get3A_661 = arith.constant 48 : index
        %get3A_662 = tpu.vector_load %arg13[%get3A_660, %get3A_661] {strides = array<i32>} : memref<16x128xf32, #tpu.memory_space<vmem>>, vector<16xf32>,
        %mul3A_663 = vector.broadcast %squeeze3A_619 : f32 to vector<16xf32>
        %mul3A_664 = arith.mulf %get3A_662, %mul3A_663 : vector<16xf32>
        %get3A_665 = arith.index_cast %squeeze3A_617 : i32 to index
        %get3A_666 = arith.constant 48 : index
        %get3A_667 = tpu.vector_load %arg14[%get3A_665, %get3A_666] {strides = array<i32>} : memref<321x128xf32, #tpu.memory_space<vmem>>, vector<16xf32>,
        %max3A_668 = arith.maximumf %get3A_667, %mul3A_664 : vector<16xf32>
        %swap3A_669 = arith.index_cast %squeeze3A_617 : i32 to index
        %swap3A_670 = arith.constant 48 : index
        %swap3A_671 = tpu.vector_load %arg14[%swap3A_669, %swap3A_670] {strides = array<i32>} : memref<321x128xf32, #tpu.memory_space<vmem>>, vector<16xf32>,
        tpu.vector_store %arg14[%swap3A_669, %swap3A_670], %max3A_668 {strides = array<i32>} : memref<321x128xf32, #tpu.memory_space<vmem>>, vector<16xf32>,
        %get3A_672 = arith.constant 5 : i32
        %get3A_673 = arith.index_cast %get3A_672 : i32 to index
        %get3A_674 = arith.constant 64 : index
        %get3A_675 = tpu.vector_load %arg13[%get3A_673, %get3A_674] {strides = array<i32>} : memref<16x128xf32, #tpu.memory_space<vmem>>, vector<16xf32>,
        %mul3A_676 = vector.broadcast %squeeze3A_619 : f32 to vector<16xf32>
        %mul3A_677 = arith.mulf %get3A_675, %mul3A_676 : vector<16xf32>
        %get3A_678 = arith.index_cast %squeeze3A_617 : i32 to index
        %get3A_679 = arith.constant 64 : index
        %get3A_680 = tpu.vector_load %arg14[%get3A_678, %get3A_679] {strides = array<i32>} : memref<321x128xf32, #tpu.memory_space<vmem>>, vector<16xf32>,
        %max3A_681 = arith.maximumf %get3A_680, %mul3A_677 : vector<16xf32>
        %swap3A_682 = arith.index_cast %squeeze3A_617 : i32 to index
        %swap3A_683 = arith.constant 64 : index
        %swap3A_684 = tpu.vector_load %arg14[%swap3A_682, %swap3A_683] {strides = array<i32>} : memref<321x128xf32, #tpu.memory_space<vmem>>, vector<16xf32>,
        tpu.vector_store %arg14[%swap3A_682, %swap3A_683], %max3A_681 {strides = array<i32>} : memref<321x128xf32, #tpu.memory_space<vmem>>, vector<16xf32>,
        %get3A_685 = arith.constant 5 : i32
        %get3A_686 = arith.index_cast %get3A_685 : i32 to index
        %get3A_687 = arith.constant 80 : index
        %get3A_688 = tpu.vector_load %arg13[%get3A_686, %get3A_687] {strides = array<i32>} : memref<16x128xf32, #tpu.memory_space<vmem>>, vector<16xf32>,
        %mul3A_689 = vector.broadcast %squeeze3A_619 : f32 to vector<16xf32>
        %mul3A_690 = arith.mulf %get3A_688, %mul3A_689 : vector<16xf32>
        %get3A_691 = arith.index_cast %squeeze3A_617 : i32 to index
        %get3A_692 = arith.constant 80 : index
        %get3A_693 = tpu.vector_load %arg14[%get3A_691, %get3A_692] {strides = array<i32>} : memref<321x128xf32, #tpu.memory_space<vmem>>, vector<16xf32>,
        %max3A_694 = arith.maximumf %get3A_693, %mul3A_690 : vector<16xf32>
        %swap3A_695 = arith.index_cast %squeeze3A_617 : i32 to index
        %swap3A_696 = arith.constant 80 : index
        %swap3A_697 = tpu.vector_load %arg14[%swap3A_695, %swap3A_696] {strides = array<i32>} : memref<321x128xf32, #tpu.memory_space<vmem>>, vector<16xf32>,
        tpu.vector_store %arg14[%swap3A_695, %swap3A_696], %max3A_694 {strides = array<i32>} : memref<321x128xf32, #tpu.memory_space<vmem>>, vector<16xf32>,
        %get3A_698 = arith.constant 5 : i32
        %get3A_699 = arith.index_cast %get3A_698 : i32 to index
        %get3A_700 = arith.constant 96 : index
        %get3A_701 = tpu.vector_load %arg13[%get3A_699, %get3A_700] {strides = array<i32>} : memref<16x128xf32, #tpu.memory_space<vmem>>, vector<16xf32>,
        %mul3A_702 = vector.broadcast %squeeze3A_619 : f32 to vector<16xf32>
        %mul3A_703 = arith.mulf %get3A_701, %mul3A_702 : vector<16xf32>
        %get3A_704 = arith.index_cast %squeeze3A_617 : i32 to index
        %get3A_705 = arith.constant 96 : index
        %get3A_706 = tpu.vector_load %arg14[%get3A_704, %get3A_705] {strides = array<i32>} : memref<321x128xf32, #tpu.memory_space<vmem>>, vector<16xf32>,
        %max3A_707 = arith.maximumf %get3A_706, %mul3A_703 : vector<16xf32>
        %swap3A_708 = arith.index_cast %squeeze3A_617 : i32 to index
        %swap3A_709 = arith.constant 96 : index
        %swap3A_710 = tpu.vector_load %arg14[%swap3A_708, %swap3A_709] {strides = array<i32>} : memref<321x128xf32, #tpu.memory_space<vmem>>, vector<16xf32>,
        tpu.vector_store %arg14[%swap3A_708, %swap3A_709], %max3A_707 {strides = array<i32>} : memref<321x128xf32, #tpu.memory_space<vmem>>, vector<16xf32>,
        %get3A_711 = arith.constant 5 : i32
        %get3A_712 = arith.index_cast %get3A_711 : i32 to index
        %get3A_713 = arith.constant 112 : index
        %get3A_714 = tpu.vector_load %arg13[%get3A_712, %get3A_713] {strides = array<i32>} : memref<16x128xf32, #tpu.memory_space<vmem>>, vector<16xf32>,
        %mul3A_715 = vector.broadcast %squeeze3A_619 : f32 to vector<16xf32>
        %mul3A_716 = arith.mulf %get3A_714, %mul3A_715 : vector<16xf32>
        %get3A_717 = arith.index_cast %squeeze3A_617 : i32 to index
        %get3A_718 = arith.constant 112 : index
        %get3A_719 = tpu.vector_load %arg14[%get3A_717, %get3A_718] {strides = array<i32>} : memref<321x128xf32, #tpu.memory_space<vmem>>, vector<16xf32>,
        %max3A_720 = arith.maximumf %get3A_719, %mul3A_716 : vector<16xf32>
        %swap3A_721 = arith.index_cast %squeeze3A_617 : i32 to index
        %swap3A_722 = arith.constant 112 : index
        %swap3A_723 = tpu.vector_load %arg14[%swap3A_721, %swap3A_722] {strides = array<i32>} : memref<321x128xf32, #tpu.memory_space<vmem>>, vector<16xf32>,
        tpu.vector_store %arg14[%swap3A_721, %swap3A_722], %max3A_720 {strides = array<i32>} : memref<321x128xf32, #tpu.memory_space<vmem>>, vector<16xf32>,
        %slice3A_724 = vector.extract_strided_slice %get3A_75 {offsets = [6], sizes = [1], strides = [1]} : vector<16xi32> to vector<1xi32>
        %squeeze3A_725 = vector.extract %slice3A_724[0] : i32 from vector<1xi32>
        %slice3A_726 = vector.extract_strided_slice %get3A_79 {offsets = [6], sizes = [1], strides = [1]} : vector<16xf32> to vector<1xf32>
        %squeeze3A_727 = vector.extract %slice3A_726[0] : f32 from vector<1xf32>
        %get3A_728 = arith.constant 6 : i32
        %get3A_729 = arith.index_cast %get3A_728 : i32 to index
        %get3A_730 = arith.constant 0 : index
        %get3A_731 = tpu.vector_load %arg13[%get3A_729, %get3A_730] {strides = array<i32>} : memref<16x128xf32, #tpu.memory_space<vmem>>, vector<16xf32>,
        %mul3A_732 = vector.broadcast %squeeze3A_727 : f32 to vector<16xf32>
        %mul3A_733 = arith.mulf %get3A_731, %mul3A_732 : vector<16xf32>
        %get3A_734 = arith.index_cast %squeeze3A_725 : i32 to index
        %get3A_735 = arith.constant 0 : index
        %get3A_736 = tpu.vector_load %arg14[%get3A_734, %get3A_735] {strides = array<i32>} : memref<321x128xf32, #tpu.memory_space<vmem>>, vector<16xf32>,
        %max3A_737 = arith.maximumf %get3A_736, %mul3A_733 : vector<16xf32>
        %swap3A_738 = arith.index_cast %squeeze3A_725 : i32 to index
        %swap3A_739 = arith.constant 0 : index
        %swap3A_740 = tpu.vector_load %arg14[%swap3A_738, %swap3A_739] {strides = array<i32>} : memref<321x128xf32, #tpu.memory_space<vmem>>, vector<16xf32>,
        tpu.vector_store %arg14[%swap3A_738, %swap3A_739], %max3A_737 {strides = array<i32>} : memref<321x128xf32, #tpu.memory_space<vmem>>, vector<16xf32>,
        %get3A_741 = arith.constant 6 : i32
        %get3A_742 = arith.index_cast %get3A_741 : i32 to index
        %get3A_743 = arith.constant 16 : index
        %get3A_744 = tpu.vector_load %arg13[%get3A_742, %get3A_743] {strides = array<i32>} : memref<16x128xf32, #tpu.memory_space<vmem>>, vector<16xf32>,
        %mul3A_745 = vector.broadcast %squeeze3A_727 : f32 to vector<16xf32>
        %mul3A_746 = arith.mulf %get3A_744, %mul3A_745 : vector<16xf32>
        %get3A_747 = arith.index_cast %squeeze3A_725 : i32 to index
        %get3A_748 = arith.constant 16 : index
        %get3A_749 = tpu.vector_load %arg14[%get3A_747, %get3A_748] {strides = array<i32>} : memref<321x128xf32, #tpu.memory_space<vmem>>, vector<16xf32>,
        %max3A_750 = arith.maximumf %get3A_749, %mul3A_746 : vector<16xf32>
        %swap3A_751 = arith.index_cast %squeeze3A_725 : i32 to index
        %swap3A_752 = arith.constant 16 : index
        %swap3A_753 = tpu.vector_load %arg14[%swap3A_751, %swap3A_752] {strides = array<i32>} : memref<321x128xf32, #tpu.memory_space<vmem>>, vector<16xf32>,
        tpu.vector_store %arg14[%swap3A_751, %swap3A_752], %max3A_750 {strides = array<i32>} : memref<321x128xf32, #tpu.memory_space<vmem>>, vector<16xf32>,
        %get3A_754 = arith.constant 6 : i32
        %get3A_755 = arith.index_cast %get3A_754 : i32 to index
        %get3A_756 = arith.constant 32 : index
        %get3A_757 = tpu.vector_load %arg13[%get3A_755, %get3A_756] {strides = array<i32>} : memref<16x128xf32, #tpu.memory_space<vmem>>, vector<16xf32>,
        %mul3A_758 = vector.broadcast %squeeze3A_727 : f32 to vector<16xf32>
        %mul3A_759 = arith.mulf %get3A_757, %mul3A_758 : vector<16xf32>
        %get3A_760 = arith.index_cast %squeeze3A_725 : i32 to index
        %get3A_761 = arith.constant 32 : index
        %get3A_762 = tpu.vector_load %arg14[%get3A_760, %get3A_761] {strides = array<i32>} : memref<321x128xf32, #tpu.memory_space<vmem>>, vector<16xf32>,
        %max3A_763 = arith.maximumf %get3A_762, %mul3A_759 : vector<16xf32>
        %swap3A_764 = arith.index_cast %squeeze3A_725 : i32 to index
        %swap3A_765 = arith.constant 32 : index
        %swap3A_766 = tpu.vector_load %arg14[%swap3A_764, %swap3A_765] {strides = array<i32>} : memref<321x128xf32, #tpu.memory_space<vmem>>, vector<16xf32>,
        tpu.vector_store %arg14[%swap3A_764, %swap3A_765], %max3A_763 {strides = array<i32>} : memref<321x128xf32, #tpu.memory_space<vmem>>, vector<16xf32>,
        %get3A_767 = arith.constant 6 : i32
        %get3A_768 = arith.index_cast %get3A_767 : i32 to index
        %get3A_769 = arith.constant 48 : index
        %get3A_770 = tpu.vector_load %arg13[%get3A_768, %get3A_769] {strides = array<i32>} : memref<16x128xf32, #tpu.memory_space<vmem>>, vector<16xf32>,
        %mul3A_771 = vector.broadcast %squeeze3A_727 : f32 to vector<16xf32>
        %mul3A_772 = arith.mulf %get3A_770, %mul3A_771 : vector<16xf32>
        %get3A_773 = arith.index_cast %squeeze3A_725 : i32 to index
        %get3A_774 = arith.constant 48 : index
        %get3A_775 = tpu.vector_load %arg14[%get3A_773, %get3A_774] {strides = array<i32>} : memref<321x128xf32, #tpu.memory_space<vmem>>, vector<16xf32>,
        %max3A_776 = arith.maximumf %get3A_775, %mul3A_772 : vector<16xf32>
        %swap3A_777 = arith.index_cast %squeeze3A_725 : i32 to index
        %swap3A_778 = arith.constant 48 : index
        %swap3A_779 = tpu.vector_load %arg14[%swap3A_777, %swap3A_778] {strides = array<i32>} : memref<321x128xf32, #tpu.memory_space<vmem>>, vector<16xf32>,
        tpu.vector_store %arg14[%swap3A_777, %swap3A_778], %max3A_776 {strides = array<i32>} : memref<321x128xf32, #tpu.memory_space<vmem>>, vector<16xf32>,
        %get3A_780 = arith.constant 6 : i32
        %get3A_781 = arith.index_cast %get3A_780 : i32 to index
        %get3A_782 = arith.constant 64 : index
        %get3A_783 = tpu.vector_load %arg13[%get3A_781, %get3A_782] {strides = array<i32>} : memref<16x128xf32, #tpu.memory_space<vmem>>, vector<16xf32>,
        %mul3A_784 = vector.broadcast %squeeze3A_727 : f32 to vector<16xf32>
        %mul3A_785 = arith.mulf %get3A_783, %mul3A_784 : vector<16xf32>
        %get3A_786 = arith.index_cast %squeeze3A_725 : i32 to index
        %get3A_787 = arith.constant 64 : index
        %get3A_788 = tpu.vector_load %arg14[%get3A_786, %get3A_787] {strides = array<i32>} : memref<321x128xf32, #tpu.memory_space<vmem>>, vector<16xf32>,
        %max3A_789 = arith.maximumf %get3A_788, %mul3A_785 : vector<16xf32>
        %swap3A_790 = arith.index_cast %squeeze3A_725 : i32 to index
        %swap3A_791 = arith.constant 64 : index
        %swap3A_792 = tpu.vector_load %arg14[%swap3A_790, %swap3A_791] {strides = array<i32>} : memref<321x128xf32, #tpu.memory_space<vmem>>, vector<16xf32>,
        tpu.vector_store %arg14[%swap3A_790, %swap3A_791], %max3A_789 {strides = array<i32>} : memref<321x128xf32, #tpu.memory_space<vmem>>, vector<16xf32>,
        %get3A_793 = arith.constant 6 : i32
        %get3A_794 = arith.index_cast %get3A_793 : i32 to index
        %get3A_795 = arith.constant 80 : index
        %get3A_796 = tpu.vector_load %arg13[%get3A_794, %get3A_795] {strides = array<i32>} : memref<16x128xf32, #tpu.memory_space<vmem>>, vector<16xf32>,
        %mul3A_797 = vector.broadcast %squeeze3A_727 : f32 to vector<16xf32>
        %mul3A_798 = arith.mulf %get3A_796, %mul3A_797 : vector<16xf32>
        %get3A_799 = arith.index_cast %squeeze3A_725 : i32 to index
        %get3A_800 = arith.constant 80 : index
        %get3A_801 = tpu.vector_load %arg14[%get3A_799, %get3A_800] {strides = array<i32>} : memref<321x128xf32, #tpu.memory_space<vmem>>, vector<16xf32>,
        %max3A_802 = arith.maximumf %get3A_801, %mul3A_798 : vector<16xf32>
        %swap3A_803 = arith.index_cast %squeeze3A_725 : i32 to index
        %swap3A_804 = arith.constant 80 : index
        %swap3A_805 = tpu.vector_load %arg14[%swap3A_803, %swap3A_804] {strides = array<i32>} : memref<321x128xf32, #tpu.memory_space<vmem>>, vector<16xf32>,
        tpu.vector_store %arg14[%swap3A_803, %swap3A_804], %max3A_802 {strides = array<i32>} : memref<321x128xf32, #tpu.memory_space<vmem>>, vector<16xf32>,
        %get3A_806 = arith.constant 6 : i32
        %get3A_807 = arith.index_cast %get3A_806 : i32 to index
        %get3A_808 = arith.constant 96 : index
        %get3A_809 = tpu.vector_load %arg13[%get3A_807, %get3A_808] {strides = array<i32>} : memref<16x128xf32, #tpu.memory_space<vmem>>, vector<16xf32>,
        %mul3A_810 = vector.broadcast %squeeze3A_727 : f32 to vector<16xf32>
        %mul3A_811 = arith.mulf %get3A_809, %mul3A_810 : vector<16xf32>
        %get3A_812 = arith.index_cast %squeeze3A_725 : i32 to index
        %get3A_813 = arith.constant 96 : index
        %get3A_814 = tpu.vector_load %arg14[%get3A_812, %get3A_813] {strides = array<i32>} : memref<321x128xf32, #tpu.memory_space<vmem>>, vector<16xf32>,
        %max3A_815 = arith.maximumf %get3A_814, %mul3A_811 : vector<16xf32>
        %swap3A_816 = arith.index_cast %squeeze3A_725 : i32 to index
        %swap3A_817 = arith.constant 96 : index
        %swap3A_818 = tpu.vector_load %arg14[%swap3A_816, %swap3A_817] {strides = array<i32>} : memref<321x128xf32, #tpu.memory_space<vmem>>, vector<16xf32>,
        tpu.vector_store %arg14[%swap3A_816, %swap3A_817], %max3A_815 {strides = array<i32>} : memref<321x128xf32, #tpu.memory_space<vmem>>, vector<16xf32>,
        %get3A_819 = arith.constant 6 : i32
        %get3A_820 = arith.index_cast %get3A_819 : i32 to index
        %get3A_821 = arith.constant 112 : index
        %get3A_822 = tpu.vector_load %arg13[%get3A_820, %get3A_821] {strides = array<i32>} : memref<16x128xf32, #tpu.memory_space<vmem>>, vector<16xf32>,
        %mul3A_823 = vector.broadcast %squeeze3A_727 : f32 to vector<16xf32>
        %mul3A_824 = arith.mulf %get3A_822, %mul3A_823 : vector<16xf32>
        %get3A_825 = arith.index_cast %squeeze3A_725 : i32 to index
        %get3A_826 = arith.constant 112 : index
        %get3A_827 = tpu.vector_load %arg14[%get3A_825, %get3A_826] {strides = array<i32>} : memref<321x128xf32, #tpu.memory_space<vmem>>, vector<16xf32>,
        %max3A_828 = arith.maximumf %get3A_827, %mul3A_824 : vector<16xf32>
        %swap3A_829 = arith.index_cast %squeeze3A_725 : i32 to index
        %swap3A_830 = arith.constant 112 : index
        %swap3A_831 = tpu.vector_load %arg14[%swap3A_829, %swap3A_830] {strides = array<i32>} : memref<321x128xf32, #tpu.memory_space<vmem>>, vector<16xf32>,
        tpu.vector_store %arg14[%swap3A_829, %swap3A_830], %max3A_828 {strides = array<i32>} : memref<321x128xf32, #tpu.memory_space<vmem>>, vector<16xf32>,
        %slice3A_832 = vector.extract_strided_slice %get3A_75 {offsets = [7], sizes = [1], strides = [1]} : vector<16xi32> to vector<1xi32>
        %squeeze3A_833 = vector.extract %slice3A_832[0] : i32 from vector<1xi32>
        %slice3A_834 = vector.extract_strided_slice %get3A_79 {offsets = [7], sizes = [1], strides = [1]} : vector<16xf32> to vector<1xf32>
        %squeeze3A_835 = vector.extract %slice3A_834[0] : f32 from vector<1xf32>
        %get3A_836 = arith.constant 7 : i32
        %get3A_837 = arith.index_cast %get3A_836 : i32 to index
        %get3A_838 = arith.constant 0 : index
        %get3A_839 = tpu.vector_load %arg13[%get3A_837, %get3A_838] {strides = array<i32>} : memref<16x128xf32, #tpu.memory_space<vmem>>, vector<16xf32>,
        %mul3A_840 = vector.broadcast %squeeze3A_835 : f32 to vector<16xf32>
        %mul3A_841 = arith.mulf %get3A_839, %mul3A_840 : vector<16xf32>
        %get3A_842 = arith.index_cast %squeeze3A_833 : i32 to index
        %get3A_843 = arith.constant 0 : index
        %get3A_844 = tpu.vector_load %arg14[%get3A_842, %get3A_843] {strides = array<i32>} : memref<321x128xf32, #tpu.memory_space<vmem>>, vector<16xf32>,
        %max3A_845 = arith.maximumf %get3A_844, %mul3A_841 : vector<16xf32>
        %swap3A_846 = arith.index_cast %squeeze3A_833 : i32 to index
        %swap3A_847 = arith.constant 0 : index
        %swap3A_848 = tpu.vector_load %arg14[%swap3A_846, %swap3A_847] {strides = array<i32>} : memref<321x128xf32, #tpu.memory_space<vmem>>, vector<16xf32>,
        tpu.vector_store %arg14[%swap3A_846, %swap3A_847], %max3A_845 {strides = array<i32>} : memref<321x128xf32, #tpu.memory_space<vmem>>, vector<16xf32>,
        %get3A_849 = arith.constant 7 : i32
        %get3A_850 = arith.index_cast %get3A_849 : i32 to index
        %get3A_851 = arith.constant 16 : index
        %get3A_852 = tpu.vector_load %arg13[%get3A_850, %get3A_851] {strides = array<i32>} : memref<16x128xf32, #tpu.memory_space<vmem>>, vector<16xf32>,
        %mul3A_853 = vector.broadcast %squeeze3A_835 : f32 to vector<16xf32>
        %mul3A_854 = arith.mulf %get3A_852, %mul3A_853 : vector<16xf32>
        %get3A_855 = arith.index_cast %squeeze3A_833 : i32 to index
        %get3A_856 = arith.constant 16 : index
        %get3A_857 = tpu.vector_load %arg14[%get3A_855, %get3A_856] {strides = array<i32>} : memref<321x128xf32, #tpu.memory_space<vmem>>, vector<16xf32>,
        %max3A_858 = arith.maximumf %get3A_857, %mul3A_854 : vector<16xf32>
        %swap3A_859 = arith.index_cast %squeeze3A_833 : i32 to index
        %swap3A_860 = arith.constant 16 : index
        %swap3A_861 = tpu.vector_load %arg14[%swap3A_859, %swap3A_860] {strides = array<i32>} : memref<321x128xf32, #tpu.memory_space<vmem>>, vector<16xf32>,
        tpu.vector_store %arg14[%swap3A_859, %swap3A_860], %max3A_858 {strides = array<i32>} : memref<321x128xf32, #tpu.memory_space<vmem>>, vector<16xf32>,
        %get3A_862 = arith.constant 7 : i32
        %get3A_863 = arith.index_cast %get3A_862 : i32 to index
        %get3A_864 = arith.constant 32 : index
        %get3A_865 = tpu.vector_load %arg13[%get3A_863, %get3A_864] {strides = array<i32>} : memref<16x128xf32, #tpu.memory_space<vmem>>, vector<16xf32>,
        %mul3A_866 = vector.broadcast %squeeze3A_835 : f32 to vector<16xf32>
        %mul3A_867 = arith.mulf %get3A_865, %mul3A_866 : vector<16xf32>
        %get3A_868 = arith.index_cast %squeeze3A_833 : i32 to index
        %get3A_869 = arith.constant 32 : index
        %get3A_870 = tpu.vector_load %arg14[%get3A_868, %get3A_869] {strides = array<i32>} : memref<321x128xf32, #tpu.memory_space<vmem>>, vector<16xf32>,
        %max3A_871 = arith.maximumf %get3A_870, %mul3A_867 : vector<16xf32>
        %swap3A_872 = arith.index_cast %squeeze3A_833 : i32 to index
        %swap3A_873 = arith.constant 32 : index
        %swap3A_874 = tpu.vector_load %arg14[%swap3A_872, %swap3A_873] {strides = array<i32>} : memref<321x128xf32, #tpu.memory_space<vmem>>, vector<16xf32>,
        tpu.vector_store %arg14[%swap3A_872, %swap3A_873], %max3A_871 {strides = array<i32>} : memref<321x128xf32, #tpu.memory_space<vmem>>, vector<16xf32>,
        %get3A_875 = arith.constant 7 : i32
        %get3A_876 = arith.index_cast %get3A_875 : i32 to index
        %get3A_877 = arith.constant 48 : index
        %get3A_878 = tpu.vector_load %arg13[%get3A_876, %get3A_877] {strides = array<i32>} : memref<16x128xf32, #tpu.memory_space<vmem>>, vector<16xf32>,
        %mul3A_879 = vector.broadcast %squeeze3A_835 : f32 to vector<16xf32>
        %mul3A_880 = arith.mulf %get3A_878, %mul3A_879 : vector<16xf32>
        %get3A_881 = arith.index_cast %squeeze3A_833 : i32 to index
        %get3A_882 = arith.constant 48 : index
        %get3A_883 = tpu.vector_load %arg14[%get3A_881, %get3A_882] {strides = array<i32>} : memref<321x128xf32, #tpu.memory_space<vmem>>, vector<16xf32>,
        %max3A_884 = arith.maximumf %get3A_883, %mul3A_880 : vector<16xf32>
        %swap3A_885 = arith.index_cast %squeeze3A_833 : i32 to index
        %swap3A_886 = arith.constant 48 : index
        %swap3A_887 = tpu.vector_load %arg14[%swap3A_885, %swap3A_886] {strides = array<i32>} : memref<321x128xf32, #tpu.memory_space<vmem>>, vector<16xf32>,
        tpu.vector_store %arg14[%swap3A_885, %swap3A_886], %max3A_884 {strides = array<i32>} : memref<321x128xf32, #tpu.memory_space<vmem>>, vector<16xf32>,
        %get3A_888 = arith.constant 7 : i32
        %get3A_889 = arith.index_cast %get3A_888 : i32 to index
        %get3A_890 = arith.constant 64 : index
        %get3A_891 = tpu.vector_load %arg13[%get3A_889, %get3A_890] {strides = array<i32>} : memref<16x128xf32, #tpu.memory_space<vmem>>, vector<16xf32>,
        %mul3A_892 = vector.broadcast %squeeze3A_835 : f32 to vector<16xf32>
        %mul3A_893 = arith.mulf %get3A_891, %mul3A_892 : vector<16xf32>
        %get3A_894 = arith.index_cast %squeeze3A_833 : i32 to index
        %get3A_895 = arith.constant 64 : index
        %get3A_896 = tpu.vector_load %arg14[%get3A_894, %get3A_895] {strides = array<i32>} : memref<321x128xf32, #tpu.memory_space<vmem>>, vector<16xf32>,
        %max3A_897 = arith.maximumf %get3A_896, %mul3A_893 : vector<16xf32>
        %swap3A_898 = arith.index_cast %squeeze3A_833 : i32 to index
        %swap3A_899 = arith.constant 64 : index
        %swap3A_900 = tpu.vector_load %arg14[%swap3A_898, %swap3A_899] {strides = array<i32>} : memref<321x128xf32, #tpu.memory_space<vmem>>, vector<16xf32>,
        tpu.vector_store %arg14[%swap3A_898, %swap3A_899], %max3A_897 {strides = array<i32>} : memref<321x128xf32, #tpu.memory_space<vmem>>, vector<16xf32>,
        %get3A_901 = arith.constant 7 : i32
        %get3A_902 = arith.index_cast %get3A_901 : i32 to index
        %get3A_903 = arith.constant 80 : index
        %get3A_904 = tpu.vector_load %arg13[%get3A_902, %get3A_903] {strides = array<i32>} : memref<16x128xf32, #tpu.memory_space<vmem>>, vector<16xf32>,
        %mul3A_905 = vector.broadcast %squeeze3A_835 : f32 to vector<16xf32>
        %mul3A_906 = arith.mulf %get3A_904, %mul3A_905 : vector<16xf32>
        %get3A_907 = arith.index_cast %squeeze3A_833 : i32 to index
        %get3A_908 = arith.constant 80 : index
        %get3A_909 = tpu.vector_load %arg14[%get3A_907, %get3A_908] {strides = array<i32>} : memref<321x128xf32, #tpu.memory_space<vmem>>, vector<16xf32>,
        %max3A_910 = arith.maximumf %get3A_909, %mul3A_906 : vector<16xf32>
        %swap3A_911 = arith.index_cast %squeeze3A_833 : i32 to index
        %swap3A_912 = arith.constant 80 : index
        %swap3A_913 = tpu.vector_load %arg14[%swap3A_911, %swap3A_912] {strides = array<i32>} : memref<321x128xf32, #tpu.memory_space<vmem>>, vector<16xf32>,
        tpu.vector_store %arg14[%swap3A_911, %swap3A_912], %max3A_910 {strides = array<i32>} : memref<321x128xf32, #tpu.memory_space<vmem>>, vector<16xf32>,
        %get3A_914 = arith.constant 7 : i32
        %get3A_915 = arith.index_cast %get3A_914 : i32 to index
        %get3A_916 = arith.constant 96 : index
        %get3A_917 = tpu.vector_load %arg13[%get3A_915, %get3A_916] {strides = array<i32>} : memref<16x128xf32, #tpu.memory_space<vmem>>, vector<16xf32>,
        %mul3A_918 = vector.broadcast %squeeze3A_835 : f32 to vector<16xf32>
        %mul3A_919 = arith.mulf %get3A_917, %mul3A_918 : vector<16xf32>
        %get3A_920 = arith.index_cast %squeeze3A_833 : i32 to index
        %get3A_921 = arith.constant 96 : index
        %get3A_922 = tpu.vector_load %arg14[%get3A_920, %get3A_921] {strides = array<i32>} : memref<321x128xf32, #tpu.memory_space<vmem>>, vector<16xf32>,
        %max3A_923 = arith.maximumf %get3A_922, %mul3A_919 : vector<16xf32>
        %swap3A_924 = arith.index_cast %squeeze3A_833 : i32 to index
        %swap3A_925 = arith.constant 96 : index
        %swap3A_926 = tpu.vector_load %arg14[%swap3A_924, %swap3A_925] {strides = array<i32>} : memref<321x128xf32, #tpu.memory_space<vmem>>, vector<16xf32>,
        tpu.vector_store %arg14[%swap3A_924, %swap3A_925], %max3A_923 {strides = array<i32>} : memref<321x128xf32, #tpu.memory_space<vmem>>, vector<16xf32>,
        %get3A_927 = arith.constant 7 : i32
        %get3A_928 = arith.index_cast %get3A_927 : i32 to index
        %get3A_929 = arith.constant 112 : index
        %get3A_930 = tpu.vector_load %arg13[%get3A_928, %get3A_929] {strides = array<i32>} : memref<16x128xf32, #tpu.memory_space<vmem>>, vector<16xf32>,
        %mul3A_931 = vector.broadcast %squeeze3A_835 : f32 to vector<16xf32>
        %mul3A_932 = arith.mulf %get3A_930, %mul3A_931 : vector<16xf32>
        %get3A_933 = arith.index_cast %squeeze3A_833 : i32 to index
        %get3A_934 = arith.constant 112 : index
        %get3A_935 = tpu.vector_load %arg14[%get3A_933, %get3A_934] {strides = array<i32>} : memref<321x128xf32, #tpu.memory_space<vmem>>, vector<16xf32>,
        %max3A_936 = arith.maximumf %get3A_935, %mul3A_932 : vector<16xf32>
        %swap3A_937 = arith.index_cast %squeeze3A_833 : i32 to index
        %swap3A_938 = arith.constant 112 : index
        %swap3A_939 = tpu.vector_load %arg14[%swap3A_937, %swap3A_938] {strides = array<i32>} : memref<321x128xf32, #tpu.memory_space<vmem>>, vector<16xf32>,
        tpu.vector_store %arg14[%swap3A_937, %swap3A_938], %max3A_936 {strides = array<i32>} : memref<321x128xf32, #tpu.memory_space<vmem>>, vector<16xf32>,
        %slice3A_940 = vector.extract_strided_slice %get3A_75 {offsets = [8], sizes = [1], strides = [1]} : vector<16xi32> to vector<1xi32>
        %squeeze3A_941 = vector.extract %slice3A_940[0] : i32 from vector<1xi32>
        %slice3A_942 = vector.extract_strided_slice %get3A_79 {offsets = [8], sizes = [1], strides = [1]} : vector<16xf32> to vector<1xf32>
        %squeeze3A_943 = vector.extract %slice3A_942[0] : f32 from vector<1xf32>
        %get3A_944 = arith.constant 8 : i32
        %get3A_945 = arith.index_cast %get3A_944 : i32 to index
        %get3A_946 = arith.constant 0 : index
        %get3A_947 = tpu.vector_load %arg13[%get3A_945, %get3A_946] {strides = array<i32>} : memref<16x128xf32, #tpu.memory_space<vmem>>, vector<16xf32>,
        %mul3A_948 = vector.broadcast %squeeze3A_943 : f32 to vector<16xf32>
        %mul3A_949 = arith.mulf %get3A_947, %mul3A_948 : vector<16xf32>
        %get3A_950 = arith.index_cast %squeeze3A_941 : i32 to index
        %get3A_951 = arith.constant 0 : index
        %get3A_952 = tpu.vector_load %arg14[%get3A_950, %get3A_951] {strides = array<i32>} : memref<321x128xf32, #tpu.memory_space<vmem>>, vector<16xf32>,
        %max3A_953 = arith.maximumf %get3A_952, %mul3A_949 : vector<16xf32>
        %swap3A_954 = arith.index_cast %squeeze3A_941 : i32 to index
        %swap3A_955 = arith.constant 0 : index
        %swap3A_956 = tpu.vector_load %arg14[%swap3A_954, %swap3A_955] {strides = array<i32>} : memref<321x128xf32, #tpu.memory_space<vmem>>, vector<16xf32>,
        tpu.vector_store %arg14[%swap3A_954, %swap3A_955], %max3A_953 {strides = array<i32>} : memref<321x128xf32, #tpu.memory_space<vmem>>, vector<16xf32>,
        %get3A_957 = arith.constant 8 : i32
        %get3A_958 = arith.index_cast %get3A_957 : i32 to index
        %get3A_959 = arith.constant 16 : index
        %get3A_960 = tpu.vector_load %arg13[%get3A_958, %get3A_959] {strides = array<i32>} : memref<16x128xf32, #tpu.memory_space<vmem>>, vector<16xf32>,
        %mul3A_961 = vector.broadcast %squeeze3A_943 : f32 to vector<16xf32>
        %mul3A_962 = arith.mulf %get3A_960, %mul3A_961 : vector<16xf32>
        %get3A_963 = arith.index_cast %squeeze3A_941 : i32 to index
        %get3A_964 = arith.constant 16 : index
        %get3A_965 = tpu.vector_load %arg14[%get3A_963, %get3A_964] {strides = array<i32>} : memref<321x128xf32, #tpu.memory_space<vmem>>, vector<16xf32>,
        %max3A_966 = arith.maximumf %get3A_965, %mul3A_962 : vector<16xf32>
        %swap3A_967 = arith.index_cast %squeeze3A_941 : i32 to index
        %swap3A_968 = arith.constant 16 : index
        %swap3A_969 = tpu.vector_load %arg14[%swap3A_967, %swap3A_968] {strides = array<i32>} : memref<321x128xf32, #tpu.memory_space<vmem>>, vector<16xf32>,
        tpu.vector_store %arg14[%swap3A_967, %swap3A_968], %max3A_966 {strides = array<i32>} : memref<321x128xf32, #tpu.memory_space<vmem>>, vector<16xf32>,
        %get3A_970 = arith.constant 8 : i32
        %get3A_971 = arith.index_cast %get3A_970 : i32 to index
        %get3A_972 = arith.constant 32 : index
        %get3A_973 = tpu.vector_load %arg13[%get3A_971, %get3A_972] {strides = array<i32>} : memref<16x128xf32, #tpu.memory_space<vmem>>, vector<16xf32>,
        %mul3A_974 = vector.broadcast %squeeze3A_943 : f32 to vector<16xf32>
        %mul3A_975 = arith.mulf %get3A_973, %mul3A_974 : vector<16xf32>
        %get3A_976 = arith.index_cast %squeeze3A_941 : i32 to index
        %get3A_977 = arith.constant 32 : index
        %get3A_978 = tpu.vector_load %arg14[%get3A_976, %get3A_977] {strides = array<i32>} : memref<321x128xf32, #tpu.memory_space<vmem>>, vector<16xf32>,
        %max3A_979 = arith.maximumf %get3A_978, %mul3A_975 : vector<16xf32>
        %swap3A_980 = arith.index_cast %squeeze3A_941 : i32 to index
        %swap3A_981 = arith.constant 32 : index
        %swap3A_982 = tpu.vector_load %arg14[%swap3A_980, %swap3A_981] {strides = array<i32>} : memref<321x128xf32, #tpu.memory_space<vmem>>, vector<16xf32>,
        tpu.vector_store %arg14[%swap3A_980, %swap3A_981], %max3A_979 {strides = array<i32>} : memref<321x128xf32, #tpu.memory_space<vmem>>, vector<16xf32>,
        %get3A_983 = arith.constant 8 : i32
        %get3A_984 = arith.index_cast %get3A_983 : i32 to index
        %get3A_985 = arith.constant 48 : index
        %get3A_986 = tpu.vector_load %arg13[%get3A_984, %get3A_985] {strides = array<i32>} : memref<16x128xf32, #tpu.memory_space<vmem>>, vector<16xf32>,
        %mul3A_987 = vector.broadcast %squeeze3A_943 : f32 to vector<16xf32>
        %mul3A_988 = arith.mulf %get3A_986, %mul3A_987 : vector<16xf32>
        %get3A_989 = arith.index_cast %squeeze3A_941 : i32 to index
        %get3A_990 = arith.constant 48 : index
        %get3A_991 = tpu.vector_load %arg14[%get3A_989, %get3A_990] {strides = array<i32>} : memref<321x128xf32, #tpu.memory_space<vmem>>, vector<16xf32>,
        %max3A_992 = arith.maximumf %get3A_991, %mul3A_988 : vector<16xf32>
        %swap3A_993 = arith.index_cast %squeeze3A_941 : i32 to index
        %swap3A_994 = arith.constant 48 : index
        %swap3A_995 = tpu.vector_load %arg14[%swap3A_993, %swap3A_994] {strides = array<i32>} : memref<321x128xf32, #tpu.memory_space<vmem>>, vector<16xf32>,
        tpu.vector_store %arg14[%swap3A_993, %swap3A_994], %max3A_992 {strides = array<i32>} : memref<321x128xf32, #tpu.memory_space<vmem>>, vector<16xf32>,
        %get3A_996 = arith.constant 8 : i32
        %get3A_997 = arith.index_cast %get3A_996 : i32 to index
        %get3A_998 = arith.constant 64 : index
        %get3A_999 = tpu.vector_load %arg13[%get3A_997, %get3A_998] {strides = array<i32>} : memref<16x128xf32, #tpu.memory_space<vmem>>, vector<16xf32>,
        %mul3A_1000 = vector.broadcast %squeeze3A_943 : f32 to vector<16xf32>
        %mul3A_1001 = arith.mulf %get3A_999, %mul3A_1000 : vector<16xf32>
        %get3A_1002 = arith.index_cast %squeeze3A_941 : i32 to index
        %get3A_1003 = arith.constant 64 : index
        %get3A_1004 = tpu.vector_load %arg14[%get3A_1002, %get3A_1003] {strides = array<i32>} : memref<321x128xf32, #tpu.memory_space<vmem>>, vector<16xf32>,
        %max3A_1005 = arith.maximumf %get3A_1004, %mul3A_1001 : vector<16xf32>
        %swap3A_1006 = arith.index_cast %squeeze3A_941 : i32 to index
        %swap3A_1007 = arith.constant 64 : index
        %swap3A_1008 = tpu.vector_load %arg14[%swap3A_1006, %swap3A_1007] {strides = array<i32>} : memref<321x128xf32, #tpu.memory_space<vmem>>, vector<16xf32>,
        tpu.vector_store %arg14[%swap3A_1006, %swap3A_1007], %max3A_1005 {strides = array<i32>} : memref<321x128xf32, #tpu.memory_space<vmem>>, vector<16xf32>,
        %get3A_1009 = arith.constant 8 : i32
        %get3A_1010 = arith.index_cast %get3A_1009 : i32 to index
        %get3A_1011 = arith.constant 80 : index
        %get3A_1012 = tpu.vector_load %arg13[%get3A_1010, %get3A_1011] {strides = array<i32>} : memref<16x128xf32, #tpu.memory_space<vmem>>, vector<16xf32>,
        %mul3A_1013 = vector.broadcast %squeeze3A_943 : f32 to vector<16xf32>
        %mul3A_1014 = arith.mulf %get3A_1012, %mul3A_1013 : vector<16xf32>
        %get3A_1015 = arith.index_cast %squeeze3A_941 : i32 to index
        %get3A_1016 = arith.constant 80 : index
        %get3A_1017 = tpu.vector_load %arg14[%get3A_1015, %get3A_1016] {strides = array<i32>} : memref<321x128xf32, #tpu.memory_space<vmem>>, vector<16xf32>,
        %max3A_1018 = arith.maximumf %get3A_1017, %mul3A_1014 : vector<16xf32>
        %swap3A_1019 = arith.index_cast %squeeze3A_941 : i32 to index
        %swap3A_1020 = arith.constant 80 : index
        %swap3A_1021 = tpu.vector_load %arg14[%swap3A_1019, %swap3A_1020] {strides = array<i32>} : memref<321x128xf32, #tpu.memory_space<vmem>>, vector<16xf32>,
        tpu.vector_store %arg14[%swap3A_1019, %swap3A_1020], %max3A_1018 {strides = array<i32>} : memref<321x128xf32, #tpu.memory_space<vmem>>, vector<16xf32>,
        %get3A_1022 = arith.constant 8 : i32
        %get3A_1023 = arith.index_cast %get3A_1022 : i32 to index
        %get3A_1024 = arith.constant 96 : index
        %get3A_1025 = tpu.vector_load %arg13[%get3A_1023, %get3A_1024] {strides = array<i32>} : memref<16x128xf32, #tpu.memory_space<vmem>>, vector<16xf32>,
        %mul3A_1026 = vector.broadcast %squeeze3A_943 : f32 to vector<16xf32>
        %mul3A_1027 = arith.mulf %get3A_1025, %mul3A_1026 : vector<16xf32>
        %get3A_1028 = arith.index_cast %squeeze3A_941 : i32 to index
        %get3A_1029 = arith.constant 96 : index
        %get3A_1030 = tpu.vector_load %arg14[%get3A_1028, %get3A_1029] {strides = array<i32>} : memref<321x128xf32, #tpu.memory_space<vmem>>, vector<16xf32>,
        %max3A_1031 = arith.maximumf %get3A_1030, %mul3A_1027 : vector<16xf32>
        %swap3A_1032 = arith.index_cast %squeeze3A_941 : i32 to index
        %swap3A_1033 = arith.constant 96 : index
        %swap3A_1034 = tpu.vector_load %arg14[%swap3A_1032, %swap3A_1033] {strides = array<i32>} : memref<321x128xf32, #tpu.memory_space<vmem>>, vector<16xf32>,
        tpu.vector_store %arg14[%swap3A_1032, %swap3A_1033], %max3A_1031 {strides = array<i32>} : memref<321x128xf32, #tpu.memory_space<vmem>>, vector<16xf32>,
        %get3A_1035 = arith.constant 8 : i32
        %get3A_1036 = arith.index_cast %get3A_1035 : i32 to index
        %get3A_1037 = arith.constant 112 : index
        %get3A_1038 = tpu.vector_load %arg13[%get3A_1036, %get3A_1037] {strides = array<i32>} : memref<16x128xf32, #tpu.memory_space<vmem>>, vector<16xf32>,
        %mul3A_1039 = vector.broadcast %squeeze3A_943 : f32 to vector<16xf32>
        %mul3A_1040 = arith.mulf %get3A_1038, %mul3A_1039 : vector<16xf32>
        %get3A_1041 = arith.index_cast %squeeze3A_941 : i32 to index
        %get3A_1042 = arith.constant 112 : index
        %get3A_1043 = tpu.vector_load %arg14[%get3A_1041, %get3A_1042] {strides = array<i32>} : memref<321x128xf32, #tpu.memory_space<vmem>>, vector<16xf32>,
        %max3A_1044 = arith.maximumf %get3A_1043, %mul3A_1040 : vector<16xf32>
        %swap3A_1045 = arith.index_cast %squeeze3A_941 : i32 to index
        %swap3A_1046 = arith.constant 112 : index
        %swap3A_1047 = tpu.vector_load %arg14[%swap3A_1045, %swap3A_1046] {strides = array<i32>} : memref<321x128xf32, #tpu.memory_space<vmem>>, vector<16xf32>,
        tpu.vector_store %arg14[%swap3A_1045, %swap3A_1046], %max3A_1044 {strides = array<i32>} : memref<321x128xf32, #tpu.memory_space<vmem>>, vector<16xf32>,
        %slice3A_1048 = vector.extract_strided_slice %get3A_75 {offsets = [9], sizes = [1], strides = [1]} : vector<16xi32> to vector<1xi32>
        %squeeze3A_1049 = vector.extract %slice3A_1048[0] : i32 from vector<1xi32>
        %slice3A_1050 = vector.extract_strided_slice %get3A_79 {offsets = [9], sizes = [1], strides = [1]} : vector<16xf32> to vector<1xf32>
        %squeeze3A_1051 = vector.extract %slice3A_1050[0] : f32 from vector<1xf32>
        %get3A_1052 = arith.constant 9 : i32
        %get3A_1053 = arith.index_cast %get3A_1052 : i32 to index
        %get3A_1054 = arith.constant 0 : index
        %get3A_1055 = tpu.vector_load %arg13[%get3A_1053, %get3A_1054] {strides = array<i32>} : memref<16x128xf32, #tpu.memory_space<vmem>>, vector<16xf32>,
        %mul3A_1056 = vector.broadcast %squeeze3A_1051 : f32 to vector<16xf32>
        %mul3A_1057 = arith.mulf %get3A_1055, %mul3A_1056 : vector<16xf32>
        %get3A_1058 = arith.index_cast %squeeze3A_1049 : i32 to index
        %get3A_1059 = arith.constant 0 : index
        %get3A_1060 = tpu.vector_load %arg14[%get3A_1058, %get3A_1059] {strides = array<i32>} : memref<321x128xf32, #tpu.memory_space<vmem>>, vector<16xf32>,
        %max3A_1061 = arith.maximumf %get3A_1060, %mul3A_1057 : vector<16xf32>
        %swap3A_1062 = arith.index_cast %squeeze3A_1049 : i32 to index
        %swap3A_1063 = arith.constant 0 : index
        %swap3A_1064 = tpu.vector_load %arg14[%swap3A_1062, %swap3A_1063] {strides = array<i32>} : memref<321x128xf32, #tpu.memory_space<vmem>>, vector<16xf32>,
        tpu.vector_store %arg14[%swap3A_1062, %swap3A_1063], %max3A_1061 {strides = array<i32>} : memref<321x128xf32, #tpu.memory_space<vmem>>, vector<16xf32>,
        %get3A_1065 = arith.constant 9 : i32
        %get3A_1066 = arith.index_cast %get3A_1065 : i32 to index
        %get3A_1067 = arith.constant 16 : index
        %get3A_1068 = tpu.vector_load %arg13[%get3A_1066, %get3A_1067] {strides = array<i32>} : memref<16x128xf32, #tpu.memory_space<vmem>>, vector<16xf32>,
        %mul3A_1069 = vector.broadcast %squeeze3A_1051 : f32 to vector<16xf32>
        %mul3A_1070 = arith.mulf %get3A_1068, %mul3A_1069 : vector<16xf32>
        %get3A_1071 = arith.index_cast %squeeze3A_1049 : i32 to index
        %get3A_1072 = arith.constant 16 : index
        %get3A_1073 = tpu.vector_load %arg14[%get3A_1071, %get3A_1072] {strides = array<i32>} : memref<321x128xf32, #tpu.memory_space<vmem>>, vector<16xf32>,
        %max3A_1074 = arith.maximumf %get3A_1073, %mul3A_1070 : vector<16xf32>
        %swap3A_1075 = arith.index_cast %squeeze3A_1049 : i32 to index
        %swap3A_1076 = arith.constant 16 : index
        %swap3A_1077 = tpu.vector_load %arg14[%swap3A_1075, %swap3A_1076] {strides = array<i32>} : memref<321x128xf32, #tpu.memory_space<vmem>>, vector<16xf32>,
        tpu.vector_store %arg14[%swap3A_1075, %swap3A_1076], %max3A_1074 {strides = array<i32>} : memref<321x128xf32, #tpu.memory_space<vmem>>, vector<16xf32>,
        %get3A_1078 = arith.constant 9 : i32
        %get3A_1079 = arith.index_cast %get3A_1078 : i32 to index
        %get3A_1080 = arith.constant 32 : index
        %get3A_1081 = tpu.vector_load %arg13[%get3A_1079, %get3A_1080] {strides = array<i32>} : memref<16x128xf32, #tpu.memory_space<vmem>>, vector<16xf32>,
        %mul3A_1082 = vector.broadcast %squeeze3A_1051 : f32 to vector<16xf32>
        %mul3A_1083 = arith.mulf %get3A_1081, %mul3A_1082 : vector<16xf32>
        %get3A_1084 = arith.index_cast %squeeze3A_1049 : i32 to index
        %get3A_1085 = arith.constant 32 : index
        %get3A_1086 = tpu.vector_load %arg14[%get3A_1084, %get3A_1085] {strides = array<i32>} : memref<321x128xf32, #tpu.memory_space<vmem>>, vector<16xf32>,
        %max3A_1087 = arith.maximumf %get3A_1086, %mul3A_1083 : vector<16xf32>
        %swap3A_1088 = arith.index_cast %squeeze3A_1049 : i32 to index
        %swap3A_1089 = arith.constant 32 : index
        %swap3A_1090 = tpu.vector_load %arg14[%swap3A_1088, %swap3A_1089] {strides = array<i32>} : memref<321x128xf32, #tpu.memory_space<vmem>>, vector<16xf32>,
        tpu.vector_store %arg14[%swap3A_1088, %swap3A_1089], %max3A_1087 {strides = array<i32>} : memref<321x128xf32, #tpu.memory_space<vmem>>, vector<16xf32>,
        %get3A_1091 = arith.constant 9 : i32
        %get3A_1092 = arith.index_cast %get3A_1091 : i32 to index
        %get3A_1093 = arith.constant 48 : index
        %get3A_1094 = tpu.vector_load %arg13[%get3A_1092, %get3A_1093] {strides = array<i32>} : memref<16x128xf32, #tpu.memory_space<vmem>>, vector<16xf32>,
        %mul3A_1095 = vector.broadcast %squeeze3A_1051 : f32 to vector<16xf32>
        %mul3A_1096 = arith.mulf %get3A_1094, %mul3A_1095 : vector<16xf32>
        %get3A_1097 = arith.index_cast %squeeze3A_1049 : i32 to index
        %get3A_1098 = arith.constant 48 : index
        %get3A_1099 = tpu.vector_load %arg14[%get3A_1097, %get3A_1098] {strides = array<i32>} : memref<321x128xf32, #tpu.memory_space<vmem>>, vector<16xf32>,
        %max3A_1100 = arith.maximumf %get3A_1099, %mul3A_1096 : vector<16xf32>
        %swap3A_1101 = arith.index_cast %squeeze3A_1049 : i32 to index
        %swap3A_1102 = arith.constant 48 : index
        %swap3A_1103 = tpu.vector_load %arg14[%swap3A_1101, %swap3A_1102] {strides = array<i32>} : memref<321x128xf32, #tpu.memory_space<vmem>>, vector<16xf32>,
        tpu.vector_store %arg14[%swap3A_1101, %swap3A_1102], %max3A_1100 {strides = array<i32>} : memref<321x128xf32, #tpu.memory_space<vmem>>, vector<16xf32>,
        %get3A_1104 = arith.constant 9 : i32
        %get3A_1105 = arith.index_cast %get3A_1104 : i32 to index
        %get3A_1106 = arith.constant 64 : index
        %get3A_1107 = tpu.vector_load %arg13[%get3A_1105, %get3A_1106] {strides = array<i32>} : memref<16x128xf32, #tpu.memory_space<vmem>>, vector<16xf32>,
        %mul3A_1108 = vector.broadcast %squeeze3A_1051 : f32 to vector<16xf32>
        %mul3A_1109 = arith.mulf %get3A_1107, %mul3A_1108 : vector<16xf32>
        %get3A_1110 = arith.index_cast %squeeze3A_1049 : i32 to index
        %get3A_1111 = arith.constant 64 : index
        %get3A_1112 = tpu.vector_load %arg14[%get3A_1110, %get3A_1111] {strides = array<i32>} : memref<321x128xf32, #tpu.memory_space<vmem>>, vector<16xf32>,
        %max3A_1113 = arith.maximumf %get3A_1112, %mul3A_1109 : vector<16xf32>
        %swap3A_1114 = arith.index_cast %squeeze3A_1049 : i32 to index
        %swap3A_1115 = arith.constant 64 : index
        %swap3A_1116 = tpu.vector_load %arg14[%swap3A_1114, %swap3A_1115] {strides = array<i32>} : memref<321x128xf32, #tpu.memory_space<vmem>>, vector<16xf32>,
        tpu.vector_store %arg14[%swap3A_1114, %swap3A_1115], %max3A_1113 {strides = array<i32>} : memref<321x128xf32, #tpu.memory_space<vmem>>, vector<16xf32>,
        %get3A_1117 = arith.constant 9 : i32
        %get3A_1118 = arith.index_cast %get3A_1117 : i32 to index
        %get3A_1119 = arith.constant 80 : index
        %get3A_1120 = tpu.vector_load %arg13[%get3A_1118, %get3A_1119] {strides = array<i32>} : memref<16x128xf32, #tpu.memory_space<vmem>>, vector<16xf32>,
        %mul3A_1121 = vector.broadcast %squeeze3A_1051 : f32 to vector<16xf32>
        %mul3A_1122 = arith.mulf %get3A_1120, %mul3A_1121 : vector<16xf32>
        %get3A_1123 = arith.index_cast %squeeze3A_1049 : i32 to index
        %get3A_1124 = arith.constant 80 : index
        %get3A_1125 = tpu.vector_load %arg14[%get3A_1123, %get3A_1124] {strides = array<i32>} : memref<321x128xf32, #tpu.memory_space<vmem>>, vector<16xf32>,
        %max3A_1126 = arith.maximumf %get3A_1125, %mul3A_1122 : vector<16xf32>
        %swap3A_1127 = arith.index_cast %squeeze3A_1049 : i32 to index
        %swap3A_1128 = arith.constant 80 : index
        %swap3A_1129 = tpu.vector_load %arg14[%swap3A_1127, %swap3A_1128] {strides = array<i32>} : memref<321x128xf32, #tpu.memory_space<vmem>>, vector<16xf32>,
        tpu.vector_store %arg14[%swap3A_1127, %swap3A_1128], %max3A_1126 {strides = array<i32>} : memref<321x128xf32, #tpu.memory_space<vmem>>, vector<16xf32>,
        %get3A_1130 = arith.constant 9 : i32
        %get3A_1131 = arith.index_cast %get3A_1130 : i32 to index
        %get3A_1132 = arith.constant 96 : index
        %get3A_1133 = tpu.vector_load %arg13[%get3A_1131, %get3A_1132] {strides = array<i32>} : memref<16x128xf32, #tpu.memory_space<vmem>>, vector<16xf32>,
        %mul3A_1134 = vector.broadcast %squeeze3A_1051 : f32 to vector<16xf32>
        %mul3A_1135 = arith.mulf %get3A_1133, %mul3A_1134 : vector<16xf32>
        %get3A_1136 = arith.index_cast %squeeze3A_1049 : i32 to index
        %get3A_1137 = arith.constant 96 : index
        %get3A_1138 = tpu.vector_load %arg14[%get3A_1136, %get3A_1137] {strides = array<i32>} : memref<321x128xf32, #tpu.memory_space<vmem>>, vector<16xf32>,
        %max3A_1139 = arith.maximumf %get3A_1138, %mul3A_1135 : vector<16xf32>
        %swap3A_1140 = arith.index_cast %squeeze3A_1049 : i32 to index
        %swap3A_1141 = arith.constant 96 : index
        %swap3A_1142 = tpu.vector_load %arg14[%swap3A_1140, %swap3A_1141] {strides = array<i32>} : memref<321x128xf32, #tpu.memory_space<vmem>>, vector<16xf32>,
        tpu.vector_store %arg14[%swap3A_1140, %swap3A_1141], %max3A_1139 {strides = array<i32>} : memref<321x128xf32, #tpu.memory_space<vmem>>, vector<16xf32>,
        %get3A_1143 = arith.constant 9 : i32
        %get3A_1144 = arith.index_cast %get3A_1143 : i32 to index
        %get3A_1145 = arith.constant 112 : index
        %get3A_1146 = tpu.vector_load %arg13[%get3A_1144, %get3A_1145] {strides = array<i32>} : memref<16x128xf32, #tpu.memory_space<vmem>>, vector<16xf32>,
        %mul3A_1147 = vector.broadcast %squeeze3A_1051 : f32 to vector<16xf32>
        %mul3A_1148 = arith.mulf %get3A_1146, %mul3A_1147 : vector<16xf32>
        %get3A_1149 = arith.index_cast %squeeze3A_1049 : i32 to index
        %get3A_1150 = arith.constant 112 : index
        %get3A_1151 = tpu.vector_load %arg14[%get3A_1149, %get3A_1150] {strides = array<i32>} : memref<321x128xf32, #tpu.memory_space<vmem>>, vector<16xf32>,
        %max3A_1152 = arith.maximumf %get3A_1151, %mul3A_1148 : vector<16xf32>
        %swap3A_1153 = arith.index_cast %squeeze3A_1049 : i32 to index
        %swap3A_1154 = arith.constant 112 : index
        %swap3A_1155 = tpu.vector_load %arg14[%swap3A_1153, %swap3A_1154] {strides = array<i32>} : memref<321x128xf32, #tpu.memory_space<vmem>>, vector<16xf32>,
        tpu.vector_store %arg14[%swap3A_1153, %swap3A_1154], %max3A_1152 {strides = array<i32>} : memref<321x128xf32, #tpu.memory_space<vmem>>, vector<16xf32>,
        %slice3A_1156 = vector.extract_strided_slice %get3A_75 {offsets = [10], sizes = [1], strides = [1]} : vector<16xi32> to vector<1xi32>
        %squeeze3A_1157 = vector.extract %slice3A_1156[0] : i32 from vector<1xi32>
        %slice3A_1158 = vector.extract_strided_slice %get3A_79 {offsets = [10], sizes = [1], strides = [1]} : vector<16xf32> to vector<1xf32>
        %squeeze3A_1159 = vector.extract %slice3A_1158[0] : f32 from vector<1xf32>
        %get3A_1160 = arith.constant 10 : i32
        %get3A_1161 = arith.index_cast %get3A_1160 : i32 to index
        %get3A_1162 = arith.constant 0 : index
        %get3A_1163 = tpu.vector_load %arg13[%get3A_1161, %get3A_1162] {strides = array<i32>} : memref<16x128xf32, #tpu.memory_space<vmem>>, vector<16xf32>,
        %mul3A_1164 = vector.broadcast %squeeze3A_1159 : f32 to vector<16xf32>
        %mul3A_1165 = arith.mulf %get3A_1163, %mul3A_1164 : vector<16xf32>
        %get3A_1166 = arith.index_cast %squeeze3A_1157 : i32 to index
        %get3A_1167 = arith.constant 0 : index
        %get3A_1168 = tpu.vector_load %arg14[%get3A_1166, %get3A_1167] {strides = array<i32>} : memref<321x128xf32, #tpu.memory_space<vmem>>, vector<16xf32>,
        %max3A_1169 = arith.maximumf %get3A_1168, %mul3A_1165 : vector<16xf32>
        %swap3A_1170 = arith.index_cast %squeeze3A_1157 : i32 to index
        %swap3A_1171 = arith.constant 0 : index
        %swap3A_1172 = tpu.vector_load %arg14[%swap3A_1170, %swap3A_1171] {strides = array<i32>} : memref<321x128xf32, #tpu.memory_space<vmem>>, vector<16xf32>,
        tpu.vector_store %arg14[%swap3A_1170, %swap3A_1171], %max3A_1169 {strides = array<i32>} : memref<321x128xf32, #tpu.memory_space<vmem>>, vector<16xf32>,
        %get3A_1173 = arith.constant 10 : i32
        %get3A_1174 = arith.index_cast %get3A_1173 : i32 to index
        %get3A_1175 = arith.constant 16 : index
        %get3A_1176 = tpu.vector_load %arg13[%get3A_1174, %get3A_1175] {strides = array<i32>} : memref<16x128xf32, #tpu.memory_space<vmem>>, vector<16xf32>,
        %mul3A_1177 = vector.broadcast %squeeze3A_1159 : f32 to vector<16xf32>
        %mul3A_1178 = arith.mulf %get3A_1176, %mul3A_1177 : vector<16xf32>
        %get3A_1179 = arith.index_cast %squeeze3A_1157 : i32 to index
        %get3A_1180 = arith.constant 16 : index
        %get3A_1181 = tpu.vector_load %arg14[%get3A_1179, %get3A_1180] {strides = array<i32>} : memref<321x128xf32, #tpu.memory_space<vmem>>, vector<16xf32>,
        %max3A_1182 = arith.maximumf %get3A_1181, %mul3A_1178 : vector<16xf32>
        %swap3A_1183 = arith.index_cast %squeeze3A_1157 : i32 to index
        %swap3A_1184 = arith.constant 16 : index
        %swap3A_1185 = tpu.vector_load %arg14[%swap3A_1183, %swap3A_1184] {strides = array<i32>} : memref<321x128xf32, #tpu.memory_space<vmem>>, vector<16xf32>,
        tpu.vector_store %arg14[%swap3A_1183, %swap3A_1184], %max3A_1182 {strides = array<i32>} : memref<321x128xf32, #tpu.memory_space<vmem>>, vector<16xf32>,
        %get3A_1186 = arith.constant 10 : i32
        %get3A_1187 = arith.index_cast %get3A_1186 : i32 to index
        %get3A_1188 = arith.constant 32 : index
        %get3A_1189 = tpu.vector_load %arg13[%get3A_1187, %get3A_1188] {strides = array<i32>} : memref<16x128xf32, #tpu.memory_space<vmem>>, vector<16xf32>,
        %mul3A_1190 = vector.broadcast %squeeze3A_1159 : f32 to vector<16xf32>
        %mul3A_1191 = arith.mulf %get3A_1189, %mul3A_1190 : vector<16xf32>
        %get3A_1192 = arith.index_cast %squeeze3A_1157 : i32 to index
        %get3A_1193 = arith.constant 32 : index
        %get3A_1194 = tpu.vector_load %arg14[%get3A_1192, %get3A_1193] {strides = array<i32>} : memref<321x128xf32, #tpu.memory_space<vmem>>, vector<16xf32>,
        %max3A_1195 = arith.maximumf %get3A_1194, %mul3A_1191 : vector<16xf32>
        %swap3A_1196 = arith.index_cast %squeeze3A_1157 : i32 to index
        %swap3A_1197 = arith.constant 32 : index
        %swap3A_1198 = tpu.vector_load %arg14[%swap3A_1196, %swap3A_1197] {strides = array<i32>} : memref<321x128xf32, #tpu.memory_space<vmem>>, vector<16xf32>,
        tpu.vector_store %arg14[%swap3A_1196, %swap3A_1197], %max3A_1195 {strides = array<i32>} : memref<321x128xf32, #tpu.memory_space<vmem>>, vector<16xf32>,
        %get3A_1199 = arith.constant 10 : i32
        %get3A_1200 = arith.index_cast %get3A_1199 : i32 to index
        %get3A_1201 = arith.constant 48 : index
        %get3A_1202 = tpu.vector_load %arg13[%get3A_1200, %get3A_1201] {strides = array<i32>} : memref<16x128xf32, #tpu.memory_space<vmem>>, vector<16xf32>,
        %mul3A_1203 = vector.broadcast %squeeze3A_1159 : f32 to vector<16xf32>
        %mul3A_1204 = arith.mulf %get3A_1202, %mul3A_1203 : vector<16xf32>
        %get3A_1205 = arith.index_cast %squeeze3A_1157 : i32 to index
        %get3A_1206 = arith.constant 48 : index
        %get3A_1207 = tpu.vector_load %arg14[%get3A_1205, %get3A_1206] {strides = array<i32>} : memref<321x128xf32, #tpu.memory_space<vmem>>, vector<16xf32>,
        %max3A_1208 = arith.maximumf %get3A_1207, %mul3A_1204 : vector<16xf32>
        %swap3A_1209 = arith.index_cast %squeeze3A_1157 : i32 to index
        %swap3A_1210 = arith.constant 48 : index
        %swap3A_1211 = tpu.vector_load %arg14[%swap3A_1209, %swap3A_1210] {strides = array<i32>} : memref<321x128xf32, #tpu.memory_space<vmem>>, vector<16xf32>,
        tpu.vector_store %arg14[%swap3A_1209, %swap3A_1210], %max3A_1208 {strides = array<i32>} : memref<321x128xf32, #tpu.memory_space<vmem>>, vector<16xf32>,
        %get3A_1212 = arith.constant 10 : i32
        %get3A_1213 = arith.index_cast %get3A_1212 : i32 to index
        %get3A_1214 = arith.constant 64 : index
        %get3A_1215 = tpu.vector_load %arg13[%get3A_1213, %get3A_1214] {strides = array<i32>} : memref<16x128xf32, #tpu.memory_space<vmem>>, vector<16xf32>,
        %mul3A_1216 = vector.broadcast %squeeze3A_1159 : f32 to vector<16xf32>
        %mul3A_1217 = arith.mulf %get3A_1215, %mul3A_1216 : vector<16xf32>
        %get3A_1218 = arith.index_cast %squeeze3A_1157 : i32 to index
        %get3A_1219 = arith.constant 64 : index
        %get3A_1220 = tpu.vector_load %arg14[%get3A_1218, %get3A_1219] {strides = array<i32>} : memref<321x128xf32, #tpu.memory_space<vmem>>, vector<16xf32>,
        %max3A_1221 = arith.maximumf %get3A_1220, %mul3A_1217 : vector<16xf32>
        %swap3A_1222 = arith.index_cast %squeeze3A_1157 : i32 to index
        %swap3A_1223 = arith.constant 64 : index
        %swap3A_1224 = tpu.vector_load %arg14[%swap3A_1222, %swap3A_1223] {strides = array<i32>} : memref<321x128xf32, #tpu.memory_space<vmem>>, vector<16xf32>,
        tpu.vector_store %arg14[%swap3A_1222, %swap3A_1223], %max3A_1221 {strides = array<i32>} : memref<321x128xf32, #tpu.memory_space<vmem>>, vector<16xf32>,
        %get3A_1225 = arith.constant 10 : i32
        %get3A_1226 = arith.index_cast %get3A_1225 : i32 to index
        %get3A_1227 = arith.constant 80 : index
        %get3A_1228 = tpu.vector_load %arg13[%get3A_1226, %get3A_1227] {strides = array<i32>} : memref<16x128xf32, #tpu.memory_space<vmem>>, vector<16xf32>,
        %mul3A_1229 = vector.broadcast %squeeze3A_1159 : f32 to vector<16xf32>
        %mul3A_1230 = arith.mulf %get3A_1228, %mul3A_1229 : vector<16xf32>
        %get3A_1231 = arith.index_cast %squeeze3A_1157 : i32 to index
        %get3A_1232 = arith.constant 80 : index
        %get3A_1233 = tpu.vector_load %arg14[%get3A_1231, %get3A_1232] {strides = array<i32>} : memref<321x128xf32, #tpu.memory_space<vmem>>, vector<16xf32>,
        %max3A_1234 = arith.maximumf %get3A_1233, %mul3A_1230 : vector<16xf32>
        %swap3A_1235 = arith.index_cast %squeeze3A_1157 : i32 to index
        %swap3A_1236 = arith.constant 80 : index
        %swap3A_1237 = tpu.vector_load %arg14[%swap3A_1235, %swap3A_1236] {strides = array<i32>} : memref<321x128xf32, #tpu.memory_space<vmem>>, vector<16xf32>,
        tpu.vector_store %arg14[%swap3A_1235, %swap3A_1236], %max3A_1234 {strides = array<i32>} : memref<321x128xf32, #tpu.memory_space<vmem>>, vector<16xf32>,
        %get3A_1238 = arith.constant 10 : i32
        %get3A_1239 = arith.index_cast %get3A_1238 : i32 to index
        %get3A_1240 = arith.constant 96 : index
        %get3A_1241 = tpu.vector_load %arg13[%get3A_1239, %get3A_1240] {strides = array<i32>} : memref<16x128xf32, #tpu.memory_space<vmem>>, vector<16xf32>,
        %mul3A_1242 = vector.broadcast %squeeze3A_1159 : f32 to vector<16xf32>
        %mul3A_1243 = arith.mulf %get3A_1241, %mul3A_1242 : vector<16xf32>
        %get3A_1244 = arith.index_cast %squeeze3A_1157 : i32 to index
        %get3A_1245 = arith.constant 96 : index
        %get3A_1246 = tpu.vector_load %arg14[%get3A_1244, %get3A_1245] {strides = array<i32>} : memref<321x128xf32, #tpu.memory_space<vmem>>, vector<16xf32>,
        %max3A_1247 = arith.maximumf %get3A_1246, %mul3A_1243 : vector<16xf32>
        %swap3A_1248 = arith.index_cast %squeeze3A_1157 : i32 to index
        %swap3A_1249 = arith.constant 96 : index
        %swap3A_1250 = tpu.vector_load %arg14[%swap3A_1248, %swap3A_1249] {strides = array<i32>} : memref<321x128xf32, #tpu.memory_space<vmem>>, vector<16xf32>,
        tpu.vector_store %arg14[%swap3A_1248, %swap3A_1249], %max3A_1247 {strides = array<i32>} : memref<321x128xf32, #tpu.memory_space<vmem>>, vector<16xf32>,
        %get3A_1251 = arith.constant 10 : i32
        %get3A_1252 = arith.index_cast %get3A_1251 : i32 to index
        %get3A_1253 = arith.constant 112 : index
        %get3A_1254 = tpu.vector_load %arg13[%get3A_1252, %get3A_1253] {strides = array<i32>} : memref<16x128xf32, #tpu.memory_space<vmem>>, vector<16xf32>,
        %mul3A_1255 = vector.broadcast %squeeze3A_1159 : f32 to vector<16xf32>
        %mul3A_1256 = arith.mulf %get3A_1254, %mul3A_1255 : vector<16xf32>
        %get3A_1257 = arith.index_cast %squeeze3A_1157 : i32 to index
        %get3A_1258 = arith.constant 112 : index
        %get3A_1259 = tpu.vector_load %arg14[%get3A_1257, %get3A_1258] {strides = array<i32>} : memref<321x128xf32, #tpu.memory_space<vmem>>, vector<16xf32>,
        %max3A_1260 = arith.maximumf %get3A_1259, %mul3A_1256 : vector<16xf32>
        %swap3A_1261 = arith.index_cast %squeeze3A_1157 : i32 to index
        %swap3A_1262 = arith.constant 112 : index
        %swap3A_1263 = tpu.vector_load %arg14[%swap3A_1261, %swap3A_1262] {strides = array<i32>} : memref<321x128xf32, #tpu.memory_space<vmem>>, vector<16xf32>,
        tpu.vector_store %arg14[%swap3A_1261, %swap3A_1262], %max3A_1260 {strides = array<i32>} : memref<321x128xf32, #tpu.memory_space<vmem>>, vector<16xf32>,
        %slice3A_1264 = vector.extract_strided_slice %get3A_75 {offsets = [11], sizes = [1], strides = [1]} : vector<16xi32> to vector<1xi32>
        %squeeze3A_1265 = vector.extract %slice3A_1264[0] : i32 from vector<1xi32>
        %slice3A_1266 = vector.extract_strided_slice %get3A_79 {offsets = [11], sizes = [1], strides = [1]} : vector<16xf32> to vector<1xf32>
        %squeeze3A_1267 = vector.extract %slice3A_1266[0] : f32 from vector<1xf32>
        %get3A_1268 = arith.constant 11 : i32
        %get3A_1269 = arith.index_cast %get3A_1268 : i32 to index
        %get3A_1270 = arith.constant 0 : index
        %get3A_1271 = tpu.vector_load %arg13[%get3A_1269, %get3A_1270] {strides = array<i32>} : memref<16x128xf32, #tpu.memory_space<vmem>>, vector<16xf32>,
        %mul3A_1272 = vector.broadcast %squeeze3A_1267 : f32 to vector<16xf32>
        %mul3A_1273 = arith.mulf %get3A_1271, %mul3A_1272 : vector<16xf32>
        %get3A_1274 = arith.index_cast %squeeze3A_1265 : i32 to index
        %get3A_1275 = arith.constant 0 : index
        %get3A_1276 = tpu.vector_load %arg14[%get3A_1274, %get3A_1275] {strides = array<i32>} : memref<321x128xf32, #tpu.memory_space<vmem>>, vector<16xf32>,
        %max3A_1277 = arith.maximumf %get3A_1276, %mul3A_1273 : vector<16xf32>
        %swap3A_1278 = arith.index_cast %squeeze3A_1265 : i32 to index
        %swap3A_1279 = arith.constant 0 : index
        %swap3A_1280 = tpu.vector_load %arg14[%swap3A_1278, %swap3A_1279] {strides = array<i32>} : memref<321x128xf32, #tpu.memory_space<vmem>>, vector<16xf32>,
        tpu.vector_store %arg14[%swap3A_1278, %swap3A_1279], %max3A_1277 {strides = array<i32>} : memref<321x128xf32, #tpu.memory_space<vmem>>, vector<16xf32>,
        %get3A_1281 = arith.constant 11 : i32
        %get3A_1282 = arith.index_cast %get3A_1281 : i32 to index
        %get3A_1283 = arith.constant 16 : index
        %get3A_1284 = tpu.vector_load %arg13[%get3A_1282, %get3A_1283] {strides = array<i32>} : memref<16x128xf32, #tpu.memory_space<vmem>>, vector<16xf32>,
        %mul3A_1285 = vector.broadcast %squeeze3A_1267 : f32 to vector<16xf32>
        %mul3A_1286 = arith.mulf %get3A_1284, %mul3A_1285 : vector<16xf32>
        %get3A_1287 = arith.index_cast %squeeze3A_1265 : i32 to index
        %get3A_1288 = arith.constant 16 : index
        %get3A_1289 = tpu.vector_load %arg14[%get3A_1287, %get3A_1288] {strides = array<i32>} : memref<321x128xf32, #tpu.memory_space<vmem>>, vector<16xf32>,
        %max3A_1290 = arith.maximumf %get3A_1289, %mul3A_1286 : vector<16xf32>
        %swap3A_1291 = arith.index_cast %squeeze3A_1265 : i32 to index
        %swap3A_1292 = arith.constant 16 : index
        %swap3A_1293 = tpu.vector_load %arg14[%swap3A_1291, %swap3A_1292] {strides = array<i32>} : memref<321x128xf32, #tpu.memory_space<vmem>>, vector<16xf32>,
        tpu.vector_store %arg14[%swap3A_1291, %swap3A_1292], %max3A_1290 {strides = array<i32>} : memref<321x128xf32, #tpu.memory_space<vmem>>, vector<16xf32>,
        %get3A_1294 = arith.constant 11 : i32
        %get3A_1295 = arith.index_cast %get3A_1294 : i32 to index
        %get3A_1296 = arith.constant 32 : index
        %get3A_1297 = tpu.vector_load %arg13[%get3A_1295, %get3A_1296] {strides = array<i32>} : memref<16x128xf32, #tpu.memory_space<vmem>>, vector<16xf32>,
        %mul3A_1298 = vector.broadcast %squeeze3A_1267 : f32 to vector<16xf32>
        %mul3A_1299 = arith.mulf %get3A_1297, %mul3A_1298 : vector<16xf32>
        %get3A_1300 = arith.index_cast %squeeze3A_1265 : i32 to index
        %get3A_1301 = arith.constant 32 : index
        %get3A_1302 = tpu.vector_load %arg14[%get3A_1300, %get3A_1301] {strides = array<i32>} : memref<321x128xf32, #tpu.memory_space<vmem>>, vector<16xf32>,
        %max3A_1303 = arith.maximumf %get3A_1302, %mul3A_1299 : vector<16xf32>
        %swap3A_1304 = arith.index_cast %squeeze3A_1265 : i32 to index
        %swap3A_1305 = arith.constant 32 : index
        %swap3A_1306 = tpu.vector_load %arg14[%swap3A_1304, %swap3A_1305] {strides = array<i32>} : memref<321x128xf32, #tpu.memory_space<vmem>>, vector<16xf32>,
        tpu.vector_store %arg14[%swap3A_1304, %swap3A_1305], %max3A_1303 {strides = array<i32>} : memref<321x128xf32, #tpu.memory_space<vmem>>, vector<16xf32>,
        %get3A_1307 = arith.constant 11 : i32
        %get3A_1308 = arith.index_cast %get3A_1307 : i32 to index
        %get3A_1309 = arith.constant 48 : index
        %get3A_1310 = tpu.vector_load %arg13[%get3A_1308, %get3A_1309] {strides = array<i32>} : memref<16x128xf32, #tpu.memory_space<vmem>>, vector<16xf32>,
        %mul3A_1311 = vector.broadcast %squeeze3A_1267 : f32 to vector<16xf32>
        %mul3A_1312 = arith.mulf %get3A_1310, %mul3A_1311 : vector<16xf32>
        %get3A_1313 = arith.index_cast %squeeze3A_1265 : i32 to index
        %get3A_1314 = arith.constant 48 : index
        %get3A_1315 = tpu.vector_load %arg14[%get3A_1313, %get3A_1314] {strides = array<i32>} : memref<321x128xf32, #tpu.memory_space<vmem>>, vector<16xf32>,
        %max3A_1316 = arith.maximumf %get3A_1315, %mul3A_1312 : vector<16xf32>
        %swap3A_1317 = arith.index_cast %squeeze3A_1265 : i32 to index
        %swap3A_1318 = arith.constant 48 : index
        %swap3A_1319 = tpu.vector_load %arg14[%swap3A_1317, %swap3A_1318] {strides = array<i32>} : memref<321x128xf32, #tpu.memory_space<vmem>>, vector<16xf32>,
        tpu.vector_store %arg14[%swap3A_1317, %swap3A_1318], %max3A_1316 {strides = array<i32>} : memref<321x128xf32, #tpu.memory_space<vmem>>, vector<16xf32>,
        %get3A_1320 = arith.constant 11 : i32
        %get3A_1321 = arith.index_cast %get3A_1320 : i32 to index
        %get3A_1322 = arith.constant 64 : index
        %get3A_1323 = tpu.vector_load %arg13[%get3A_1321, %get3A_1322] {strides = array<i32>} : memref<16x128xf32, #tpu.memory_space<vmem>>, vector<16xf32>,
        %mul3A_1324 = vector.broadcast %squeeze3A_1267 : f32 to vector<16xf32>
        %mul3A_1325 = arith.mulf %get3A_1323, %mul3A_1324 : vector<16xf32>
        %get3A_1326 = arith.index_cast %squeeze3A_1265 : i32 to index
        %get3A_1327 = arith.constant 64 : index
        %get3A_1328 = tpu.vector_load %arg14[%get3A_1326, %get3A_1327] {strides = array<i32>} : memref<321x128xf32, #tpu.memory_space<vmem>>, vector<16xf32>,
        %max3A_1329 = arith.maximumf %get3A_1328, %mul3A_1325 : vector<16xf32>
        %swap3A_1330 = arith.index_cast %squeeze3A_1265 : i32 to index
        %swap3A_1331 = arith.constant 64 : index
        %swap3A_1332 = tpu.vector_load %arg14[%swap3A_1330, %swap3A_1331] {strides = array<i32>} : memref<321x128xf32, #tpu.memory_space<vmem>>, vector<16xf32>,
        tpu.vector_store %arg14[%swap3A_1330, %swap3A_1331], %max3A_1329 {strides = array<i32>} : memref<321x128xf32, #tpu.memory_space<vmem>>, vector<16xf32>,
        %get3A_1333 = arith.constant 11 : i32
        %get3A_1334 = arith.index_cast %get3A_1333 : i32 to index
        %get3A_1335 = arith.constant 80 : index
        %get3A_1336 = tpu.vector_load %arg13[%get3A_1334, %get3A_1335] {strides = array<i32>} : memref<16x128xf32, #tpu.memory_space<vmem>>, vector<16xf32>,
        %mul3A_1337 = vector.broadcast %squeeze3A_1267 : f32 to vector<16xf32>
        %mul3A_1338 = arith.mulf %get3A_1336, %mul3A_1337 : vector<16xf32>
        %get3A_1339 = arith.index_cast %squeeze3A_1265 : i32 to index
        %get3A_1340 = arith.constant 80 : index
        %get3A_1341 = tpu.vector_load %arg14[%get3A_1339, %get3A_1340] {strides = array<i32>} : memref<321x128xf32, #tpu.memory_space<vmem>>, vector<16xf32>,
        %max3A_1342 = arith.maximumf %get3A_1341, %mul3A_1338 : vector<16xf32>
        %swap3A_1343 = arith.index_cast %squeeze3A_1265 : i32 to index
        %swap3A_1344 = arith.constant 80 : index
        %swap3A_1345 = tpu.vector_load %arg14[%swap3A_1343, %swap3A_1344] {strides = array<i32>} : memref<321x128xf32, #tpu.memory_space<vmem>>, vector<16xf32>,
        tpu.vector_store %arg14[%swap3A_1343, %swap3A_1344], %max3A_1342 {strides = array<i32>} : memref<321x128xf32, #tpu.memory_space<vmem>>, vector<16xf32>,
        %get3A_1346 = arith.constant 11 : i32
        %get3A_1347 = arith.index_cast %get3A_1346 : i32 to index
        %get3A_1348 = arith.constant 96 : index
        %get3A_1349 = tpu.vector_load %arg13[%get3A_1347, %get3A_1348] {strides = array<i32>} : memref<16x128xf32, #tpu.memory_space<vmem>>, vector<16xf32>,
        %mul3A_1350 = vector.broadcast %squeeze3A_1267 : f32 to vector<16xf32>
        %mul3A_1351 = arith.mulf %get3A_1349, %mul3A_1350 : vector<16xf32>
        %get3A_1352 = arith.index_cast %squeeze3A_1265 : i32 to index
        %get3A_1353 = arith.constant 96 : index
        %get3A_1354 = tpu.vector_load %arg14[%get3A_1352, %get3A_1353] {strides = array<i32>} : memref<321x128xf32, #tpu.memory_space<vmem>>, vector<16xf32>,
        %max3A_1355 = arith.maximumf %get3A_1354, %mul3A_1351 : vector<16xf32>
        %swap3A_1356 = arith.index_cast %squeeze3A_1265 : i32 to index
        %swap3A_1357 = arith.constant 96 : index
        %swap3A_1358 = tpu.vector_load %arg14[%swap3A_1356, %swap3A_1357] {strides = array<i32>} : memref<321x128xf32, #tpu.memory_space<vmem>>, vector<16xf32>,
        tpu.vector_store %arg14[%swap3A_1356, %swap3A_1357], %max3A_1355 {strides = array<i32>} : memref<321x128xf32, #tpu.memory_space<vmem>>, vector<16xf32>,
        %get3A_1359 = arith.constant 11 : i32
        %get3A_1360 = arith.index_cast %get3A_1359 : i32 to index
        %get3A_1361 = arith.constant 112 : index
        %get3A_1362 = tpu.vector_load %arg13[%get3A_1360, %get3A_1361] {strides = array<i32>} : memref<16x128xf32, #tpu.memory_space<vmem>>, vector<16xf32>,
        %mul3A_1363 = vector.broadcast %squeeze3A_1267 : f32 to vector<16xf32>
        %mul3A_1364 = arith.mulf %get3A_1362, %mul3A_1363 : vector<16xf32>
        %get3A_1365 = arith.index_cast %squeeze3A_1265 : i32 to index
        %get3A_1366 = arith.constant 112 : index
        %get3A_1367 = tpu.vector_load %arg14[%get3A_1365, %get3A_1366] {strides = array<i32>} : memref<321x128xf32, #tpu.memory_space<vmem>>, vector<16xf32>,
        %max3A_1368 = arith.maximumf %get3A_1367, %mul3A_1364 : vector<16xf32>
        %swap3A_1369 = arith.index_cast %squeeze3A_1265 : i32 to index
        %swap3A_1370 = arith.constant 112 : index
        %swap3A_1371 = tpu.vector_load %arg14[%swap3A_1369, %swap3A_1370] {strides = array<i32>} : memref<321x128xf32, #tpu.memory_space<vmem>>, vector<16xf32>,
        tpu.vector_store %arg14[%swap3A_1369, %swap3A_1370], %max3A_1368 {strides = array<i32>} : memref<321x128xf32, #tpu.memory_space<vmem>>, vector<16xf32>,
        %slice3A_1372 = vector.extract_strided_slice %get3A_75 {offsets = [12], sizes = [1], strides = [1]} : vector<16xi32> to vector<1xi32>
        %squeeze3A_1373 = vector.extract %slice3A_1372[0] : i32 from vector<1xi32>
        %slice3A_1374 = vector.extract_strided_slice %get3A_79 {offsets = [12], sizes = [1], strides = [1]} : vector<16xf32> to vector<1xf32>
        %squeeze3A_1375 = vector.extract %slice3A_1374[0] : f32 from vector<1xf32>
        %get3A_1376 = arith.constant 12 : i32
        %get3A_1377 = arith.index_cast %get3A_1376 : i32 to index
        %get3A_1378 = arith.constant 0 : index
        %get3A_1379 = tpu.vector_load %arg13[%get3A_1377, %get3A_1378] {strides = array<i32>} : memref<16x128xf32, #tpu.memory_space<vmem>>, vector<16xf32>,
        %mul3A_1380 = vector.broadcast %squeeze3A_1375 : f32 to vector<16xf32>
        %mul3A_1381 = arith.mulf %get3A_1379, %mul3A_1380 : vector<16xf32>
        %get3A_1382 = arith.index_cast %squeeze3A_1373 : i32 to index
        %get3A_1383 = arith.constant 0 : index
        %get3A_1384 = tpu.vector_load %arg14[%get3A_1382, %get3A_1383] {strides = array<i32>} : memref<321x128xf32, #tpu.memory_space<vmem>>, vector<16xf32>,
        %max3A_1385 = arith.maximumf %get3A_1384, %mul3A_1381 : vector<16xf32>
        %swap3A_1386 = arith.index_cast %squeeze3A_1373 : i32 to index
        %swap3A_1387 = arith.constant 0 : index
        %swap3A_1388 = tpu.vector_load %arg14[%swap3A_1386, %swap3A_1387] {strides = array<i32>} : memref<321x128xf32, #tpu.memory_space<vmem>>, vector<16xf32>,
        tpu.vector_store %arg14[%swap3A_1386, %swap3A_1387], %max3A_1385 {strides = array<i32>} : memref<321x128xf32, #tpu.memory_space<vmem>>, vector<16xf32>,
        %get3A_1389 = arith.constant 12 : i32
        %get3A_1390 = arith.index_cast %get3A_1389 : i32 to index
        %get3A_1391 = arith.constant 16 : index
        %get3A_1392 = tpu.vector_load %arg13[%get3A_1390, %get3A_1391] {strides = array<i32>} : memref<16x128xf32, #tpu.memory_space<vmem>>, vector<16xf32>,
        %mul3A_1393 = vector.broadcast %squeeze3A_1375 : f32 to vector<16xf32>
        %mul3A_1394 = arith.mulf %get3A_1392, %mul3A_1393 : vector<16xf32>
        %get3A_1395 = arith.index_cast %squeeze3A_1373 : i32 to index
        %get3A_1396 = arith.constant 16 : index
        %get3A_1397 = tpu.vector_load %arg14[%get3A_1395, %get3A_1396] {strides = array<i32>} : memref<321x128xf32, #tpu.memory_space<vmem>>, vector<16xf32>,
        %max3A_1398 = arith.maximumf %get3A_1397, %mul3A_1394 : vector<16xf32>
        %swap3A_1399 = arith.index_cast %squeeze3A_1373 : i32 to index
        %swap3A_1400 = arith.constant 16 : index
        %swap3A_1401 = tpu.vector_load %arg14[%swap3A_1399, %swap3A_1400] {strides = array<i32>} : memref<321x128xf32, #tpu.memory_space<vmem>>, vector<16xf32>,
        tpu.vector_store %arg14[%swap3A_1399, %swap3A_1400], %max3A_1398 {strides = array<i32>} : memref<321x128xf32, #tpu.memory_space<vmem>>, vector<16xf32>,
        %get3A_1402 = arith.constant 12 : i32
        %get3A_1403 = arith.index_cast %get3A_1402 : i32 to index
        %get3A_1404 = arith.constant 32 : index
        %get3A_1405 = tpu.vector_load %arg13[%get3A_1403, %get3A_1404] {strides = array<i32>} : memref<16x128xf32, #tpu.memory_space<vmem>>, vector<16xf32>,
        %mul3A_1406 = vector.broadcast %squeeze3A_1375 : f32 to vector<16xf32>
        %mul3A_1407 = arith.mulf %get3A_1405, %mul3A_1406 : vector<16xf32>
        %get3A_1408 = arith.index_cast %squeeze3A_1373 : i32 to index
        %get3A_1409 = arith.constant 32 : index
        %get3A_1410 = tpu.vector_load %arg14[%get3A_1408, %get3A_1409] {strides = array<i32>} : memref<321x128xf32, #tpu.memory_space<vmem>>, vector<16xf32>,
        %max3A_1411 = arith.maximumf %get3A_1410, %mul3A_1407 : vector<16xf32>
        %swap3A_1412 = arith.index_cast %squeeze3A_1373 : i32 to index
        %swap3A_1413 = arith.constant 32 : index
        %swap3A_1414 = tpu.vector_load %arg14[%swap3A_1412, %swap3A_1413] {strides = array<i32>} : memref<321x128xf32, #tpu.memory_space<vmem>>, vector<16xf32>,
        tpu.vector_store %arg14[%swap3A_1412, %swap3A_1413], %max3A_1411 {strides = array<i32>} : memref<321x128xf32, #tpu.memory_space<vmem>>, vector<16xf32>,
        %get3A_1415 = arith.constant 12 : i32
        %get3A_1416 = arith.index_cast %get3A_1415 : i32 to index
        %get3A_1417 = arith.constant 48 : index
        %get3A_1418 = tpu.vector_load %arg13[%get3A_1416, %get3A_1417] {strides = array<i32>} : memref<16x128xf32, #tpu.memory_space<vmem>>, vector<16xf32>,
        %mul3A_1419 = vector.broadcast %squeeze3A_1375 : f32 to vector<16xf32>
        %mul3A_1420 = arith.mulf %get3A_1418, %mul3A_1419 : vector<16xf32>
        %get3A_1421 = arith.index_cast %squeeze3A_1373 : i32 to index
        %get3A_1422 = arith.constant 48 : index
        %get3A_1423 = tpu.vector_load %arg14[%get3A_1421, %get3A_1422] {strides = array<i32>} : memref<321x128xf32, #tpu.memory_space<vmem>>, vector<16xf32>,
        %max3A_1424 = arith.maximumf %get3A_1423, %mul3A_1420 : vector<16xf32>
        %swap3A_1425 = arith.index_cast %squeeze3A_1373 : i32 to index
        %swap3A_1426 = arith.constant 48 : index
        %swap3A_1427 = tpu.vector_load %arg14[%swap3A_1425, %swap3A_1426] {strides = array<i32>} : memref<321x128xf32, #tpu.memory_space<vmem>>, vector<16xf32>,
        tpu.vector_store %arg14[%swap3A_1425, %swap3A_1426], %max3A_1424 {strides = array<i32>} : memref<321x128xf32, #tpu.memory_space<vmem>>, vector<16xf32>,
        %get3A_1428 = arith.constant 12 : i32
        %get3A_1429 = arith.index_cast %get3A_1428 : i32 to index
        %get3A_1430 = arith.constant 64 : index
        %get3A_1431 = tpu.vector_load %arg13[%get3A_1429, %get3A_1430] {strides = array<i32>} : memref<16x128xf32, #tpu.memory_space<vmem>>, vector<16xf32>,
        %mul3A_1432 = vector.broadcast %squeeze3A_1375 : f32 to vector<16xf32>
        %mul3A_1433 = arith.mulf %get3A_1431, %mul3A_1432 : vector<16xf32>
        %get3A_1434 = arith.index_cast %squeeze3A_1373 : i32 to index
        %get3A_1435 = arith.constant 64 : index
        %get3A_1436 = tpu.vector_load %arg14[%get3A_1434, %get3A_1435] {strides = array<i32>} : memref<321x128xf32, #tpu.memory_space<vmem>>, vector<16xf32>,
        %max3A_1437 = arith.maximumf %get3A_1436, %mul3A_1433 : vector<16xf32>
        %swap3A_1438 = arith.index_cast %squeeze3A_1373 : i32 to index
        %swap3A_1439 = arith.constant 64 : index
        %swap3A_1440 = tpu.vector_load %arg14[%swap3A_1438, %swap3A_1439] {strides = array<i32>} : memref<321x128xf32, #tpu.memory_space<vmem>>, vector<16xf32>,
        tpu.vector_store %arg14[%swap3A_1438, %swap3A_1439], %max3A_1437 {strides = array<i32>} : memref<321x128xf32, #tpu.memory_space<vmem>>, vector<16xf32>,
        %get3A_1441 = arith.constant 12 : i32
        %get3A_1442 = arith.index_cast %get3A_1441 : i32 to index
        %get3A_1443 = arith.constant 80 : index
        %get3A_1444 = tpu.vector_load %arg13[%get3A_1442, %get3A_1443] {strides = array<i32>} : memref<16x128xf32, #tpu.memory_space<vmem>>, vector<16xf32>,
        %mul3A_1445 = vector.broadcast %squeeze3A_1375 : f32 to vector<16xf32>
        %mul3A_1446 = arith.mulf %get3A_1444, %mul3A_1445 : vector<16xf32>
        %get3A_1447 = arith.index_cast %squeeze3A_1373 : i32 to index
        %get3A_1448 = arith.constant 80 : index
        %get3A_1449 = tpu.vector_load %arg14[%get3A_1447, %get3A_1448] {strides = array<i32>} : memref<321x128xf32, #tpu.memory_space<vmem>>, vector<16xf32>,
        %max3A_1450 = arith.maximumf %get3A_1449, %mul3A_1446 : vector<16xf32>
        %swap3A_1451 = arith.index_cast %squeeze3A_1373 : i32 to index
        %swap3A_1452 = arith.constant 80 : index
        %swap3A_1453 = tpu.vector_load %arg14[%swap3A_1451, %swap3A_1452] {strides = array<i32>} : memref<321x128xf32, #tpu.memory_space<vmem>>, vector<16xf32>,
        tpu.vector_store %arg14[%swap3A_1451, %swap3A_1452], %max3A_1450 {strides = array<i32>} : memref<321x128xf32, #tpu.memory_space<vmem>>, vector<16xf32>,
        %get3A_1454 = arith.constant 12 : i32
        %get3A_1455 = arith.index_cast %get3A_1454 : i32 to index
        %get3A_1456 = arith.constant 96 : index
        %get3A_1457 = tpu.vector_load %arg13[%get3A_1455, %get3A_1456] {strides = array<i32>} : memref<16x128xf32, #tpu.memory_space<vmem>>, vector<16xf32>,
        %mul3A_1458 = vector.broadcast %squeeze3A_1375 : f32 to vector<16xf32>
        %mul3A_1459 = arith.mulf %get3A_1457, %mul3A_1458 : vector<16xf32>
        %get3A_1460 = arith.index_cast %squeeze3A_1373 : i32 to index
        %get3A_1461 = arith.constant 96 : index
        %get3A_1462 = tpu.vector_load %arg14[%get3A_1460, %get3A_1461] {strides = array<i32>} : memref<321x128xf32, #tpu.memory_space<vmem>>, vector<16xf32>,
        %max3A_1463 = arith.maximumf %get3A_1462, %mul3A_1459 : vector<16xf32>
        %swap3A_1464 = arith.index_cast %squeeze3A_1373 : i32 to index
        %swap3A_1465 = arith.constant 96 : index
        %swap3A_1466 = tpu.vector_load %arg14[%swap3A_1464, %swap3A_1465] {strides = array<i32>} : memref<321x128xf32, #tpu.memory_space<vmem>>, vector<16xf32>,
        tpu.vector_store %arg14[%swap3A_1464, %swap3A_1465], %max3A_1463 {strides = array<i32>} : memref<321x128xf32, #tpu.memory_space<vmem>>, vector<16xf32>,
        %get3A_1467 = arith.constant 12 : i32
        %get3A_1468 = arith.index_cast %get3A_1467 : i32 to index
        %get3A_1469 = arith.constant 112 : index
        %get3A_1470 = tpu.vector_load %arg13[%get3A_1468, %get3A_1469] {strides = array<i32>} : memref<16x128xf32, #tpu.memory_space<vmem>>, vector<16xf32>,
        %mul3A_1471 = vector.broadcast %squeeze3A_1375 : f32 to vector<16xf32>
        %mul3A_1472 = arith.mulf %get3A_1470, %mul3A_1471 : vector<16xf32>
        %get3A_1473 = arith.index_cast %squeeze3A_1373 : i32 to index
        %get3A_1474 = arith.constant 112 : index
        %get3A_1475 = tpu.vector_load %arg14[%get3A_1473, %get3A_1474] {strides = array<i32>} : memref<321x128xf32, #tpu.memory_space<vmem>>, vector<16xf32>,
        %max3A_1476 = arith.maximumf %get3A_1475, %mul3A_1472 : vector<16xf32>
        %swap3A_1477 = arith.index_cast %squeeze3A_1373 : i32 to index
        %swap3A_1478 = arith.constant 112 : index
        %swap3A_1479 = tpu.vector_load %arg14[%swap3A_1477, %swap3A_1478] {strides = array<i32>} : memref<321x128xf32, #tpu.memory_space<vmem>>, vector<16xf32>,
        tpu.vector_store %arg14[%swap3A_1477, %swap3A_1478], %max3A_1476 {strides = array<i32>} : memref<321x128xf32, #tpu.memory_space<vmem>>, vector<16xf32>,
        %slice3A_1480 = vector.extract_strided_slice %get3A_75 {offsets = [13], sizes = [1], strides = [1]} : vector<16xi32> to vector<1xi32>
        %squeeze3A_1481 = vector.extract %slice3A_1480[0] : i32 from vector<1xi32>
        %slice3A_1482 = vector.extract_strided_slice %get3A_79 {offsets = [13], sizes = [1], strides = [1]} : vector<16xf32> to vector<1xf32>
        %squeeze3A_1483 = vector.extract %slice3A_1482[0] : f32 from vector<1xf32>
        %get3A_1484 = arith.constant 13 : i32
        %get3A_1485 = arith.index_cast %get3A_1484 : i32 to index
        %get3A_1486 = arith.constant 0 : index
        %get3A_1487 = tpu.vector_load %arg13[%get3A_1485, %get3A_1486] {strides = array<i32>} : memref<16x128xf32, #tpu.memory_space<vmem>>, vector<16xf32>,
        %mul3A_1488 = vector.broadcast %squeeze3A_1483 : f32 to vector<16xf32>
        %mul3A_1489 = arith.mulf %get3A_1487, %mul3A_1488 : vector<16xf32>
        %get3A_1490 = arith.index_cast %squeeze3A_1481 : i32 to index
        %get3A_1491 = arith.constant 0 : index
        %get3A_1492 = tpu.vector_load %arg14[%get3A_1490, %get3A_1491] {strides = array<i32>} : memref<321x128xf32, #tpu.memory_space<vmem>>, vector<16xf32>,
        %max3A_1493 = arith.maximumf %get3A_1492, %mul3A_1489 : vector<16xf32>
        %swap3A_1494 = arith.index_cast %squeeze3A_1481 : i32 to index
        %swap3A_1495 = arith.constant 0 : index
        %swap3A_1496 = tpu.vector_load %arg14[%swap3A_1494, %swap3A_1495] {strides = array<i32>} : memref<321x128xf32, #tpu.memory_space<vmem>>, vector<16xf32>,
        tpu.vector_store %arg14[%swap3A_1494, %swap3A_1495], %max3A_1493 {strides = array<i32>} : memref<321x128xf32, #tpu.memory_space<vmem>>, vector<16xf32>,
        %get3A_1497 = arith.constant 13 : i32
        %get3A_1498 = arith.index_cast %get3A_1497 : i32 to index
        %get3A_1499 = arith.constant 16 : index
        %get3A_1500 = tpu.vector_load %arg13[%get3A_1498, %get3A_1499] {strides = array<i32>} : memref<16x128xf32, #tpu.memory_space<vmem>>, vector<16xf32>,
        %mul3A_1501 = vector.broadcast %squeeze3A_1483 : f32 to vector<16xf32>
        %mul3A_1502 = arith.mulf %get3A_1500, %mul3A_1501 : vector<16xf32>
        %get3A_1503 = arith.index_cast %squeeze3A_1481 : i32 to index
        %get3A_1504 = arith.constant 16 : index
        %get3A_1505 = tpu.vector_load %arg14[%get3A_1503, %get3A_1504] {strides = array<i32>} : memref<321x128xf32, #tpu.memory_space<vmem>>, vector<16xf32>,
        %max3A_1506 = arith.maximumf %get3A_1505, %mul3A_1502 : vector<16xf32>
        %swap3A_1507 = arith.index_cast %squeeze3A_1481 : i32 to index
        %swap3A_1508 = arith.constant 16 : index
        %swap3A_1509 = tpu.vector_load %arg14[%swap3A_1507, %swap3A_1508] {strides = array<i32>} : memref<321x128xf32, #tpu.memory_space<vmem>>, vector<16xf32>,
        tpu.vector_store %arg14[%swap3A_1507, %swap3A_1508], %max3A_1506 {strides = array<i32>} : memref<321x128xf32, #tpu.memory_space<vmem>>, vector<16xf32>,
        %get3A_1510 = arith.constant 13 : i32
        %get3A_1511 = arith.index_cast %get3A_1510 : i32 to index
        %get3A_1512 = arith.constant 32 : index
        %get3A_1513 = tpu.vector_load %arg13[%get3A_1511, %get3A_1512] {strides = array<i32>} : memref<16x128xf32, #tpu.memory_space<vmem>>, vector<16xf32>,
        %mul3A_1514 = vector.broadcast %squeeze3A_1483 : f32 to vector<16xf32>
        %mul3A_1515 = arith.mulf %get3A_1513, %mul3A_1514 : vector<16xf32>
        %get3A_1516 = arith.index_cast %squeeze3A_1481 : i32 to index
        %get3A_1517 = arith.constant 32 : index
        %get3A_1518 = tpu.vector_load %arg14[%get3A_1516, %get3A_1517] {strides = array<i32>} : memref<321x128xf32, #tpu.memory_space<vmem>>, vector<16xf32>,
        %max3A_1519 = arith.maximumf %get3A_1518, %mul3A_1515 : vector<16xf32>
        %swap3A_1520 = arith.index_cast %squeeze3A_1481 : i32 to index
        %swap3A_1521 = arith.constant 32 : index
        %swap3A_1522 = tpu.vector_load %arg14[%swap3A_1520, %swap3A_1521] {strides = array<i32>} : memref<321x128xf32, #tpu.memory_space<vmem>>, vector<16xf32>,
        tpu.vector_store %arg14[%swap3A_1520, %swap3A_1521], %max3A_1519 {strides = array<i32>} : memref<321x128xf32, #tpu.memory_space<vmem>>, vector<16xf32>,
        %get3A_1523 = arith.constant 13 : i32
        %get3A_1524 = arith.index_cast %get3A_1523 : i32 to index
        %get3A_1525 = arith.constant 48 : index
        %get3A_1526 = tpu.vector_load %arg13[%get3A_1524, %get3A_1525] {strides = array<i32>} : memref<16x128xf32, #tpu.memory_space<vmem>>, vector<16xf32>,
        %mul3A_1527 = vector.broadcast %squeeze3A_1483 : f32 to vector<16xf32>
        %mul3A_1528 = arith.mulf %get3A_1526, %mul3A_1527 : vector<16xf32>
        %get3A_1529 = arith.index_cast %squeeze3A_1481 : i32 to index
        %get3A_1530 = arith.constant 48 : index
        %get3A_1531 = tpu.vector_load %arg14[%get3A_1529, %get3A_1530] {strides = array<i32>} : memref<321x128xf32, #tpu.memory_space<vmem>>, vector<16xf32>,
        %max3A_1532 = arith.maximumf %get3A_1531, %mul3A_1528 : vector<16xf32>
        %swap3A_1533 = arith.index_cast %squeeze3A_1481 : i32 to index
        %swap3A_1534 = arith.constant 48 : index
        %swap3A_1535 = tpu.vector_load %arg14[%swap3A_1533, %swap3A_1534] {strides = array<i32>} : memref<321x128xf32, #tpu.memory_space<vmem>>, vector<16xf32>,
        tpu.vector_store %arg14[%swap3A_1533, %swap3A_1534], %max3A_1532 {strides = array<i32>} : memref<321x128xf32, #tpu.memory_space<vmem>>, vector<16xf32>,
        %get3A_1536 = arith.constant 13 : i32
        %get3A_1537 = arith.index_cast %get3A_1536 : i32 to index
        %get3A_1538 = arith.constant 64 : index
        %get3A_1539 = tpu.vector_load %arg13[%get3A_1537, %get3A_1538] {strides = array<i32>} : memref<16x128xf32, #tpu.memory_space<vmem>>, vector<16xf32>,
        %mul3A_1540 = vector.broadcast %squeeze3A_1483 : f32 to vector<16xf32>
        %mul3A_1541 = arith.mulf %get3A_1539, %mul3A_1540 : vector<16xf32>
        %get3A_1542 = arith.index_cast %squeeze3A_1481 : i32 to index
        %get3A_1543 = arith.constant 64 : index
        %get3A_1544 = tpu.vector_load %arg14[%get3A_1542, %get3A_1543] {strides = array<i32>} : memref<321x128xf32, #tpu.memory_space<vmem>>, vector<16xf32>,
        %max3A_1545 = arith.maximumf %get3A_1544, %mul3A_1541 : vector<16xf32>
        %swap3A_1546 = arith.index_cast %squeeze3A_1481 : i32 to index
        %swap3A_1547 = arith.constant 64 : index
        %swap3A_1548 = tpu.vector_load %arg14[%swap3A_1546, %swap3A_1547] {strides = array<i32>} : memref<321x128xf32, #tpu.memory_space<vmem>>, vector<16xf32>,
        tpu.vector_store %arg14[%swap3A_1546, %swap3A_1547], %max3A_1545 {strides = array<i32>} : memref<321x128xf32, #tpu.memory_space<vmem>>, vector<16xf32>,
        %get3A_1549 = arith.constant 13 : i32
        %get3A_1550 = arith.index_cast %get3A_1549 : i32 to index
        %get3A_1551 = arith.constant 80 : index
        %get3A_1552 = tpu.vector_load %arg13[%get3A_1550, %get3A_1551] {strides = array<i32>} : memref<16x128xf32, #tpu.memory_space<vmem>>, vector<16xf32>,
        %mul3A_1553 = vector.broadcast %squeeze3A_1483 : f32 to vector<16xf32>
        %mul3A_1554 = arith.mulf %get3A_1552, %mul3A_1553 : vector<16xf32>
        %get3A_1555 = arith.index_cast %squeeze3A_1481 : i32 to index
        %get3A_1556 = arith.constant 80 : index
        %get3A_1557 = tpu.vector_load %arg14[%get3A_1555, %get3A_1556] {strides = array<i32>} : memref<321x128xf32, #tpu.memory_space<vmem>>, vector<16xf32>,
        %max3A_1558 = arith.maximumf %get3A_1557, %mul3A_1554 : vector<16xf32>
        %swap3A_1559 = arith.index_cast %squeeze3A_1481 : i32 to index
        %swap3A_1560 = arith.constant 80 : index
        %swap3A_1561 = tpu.vector_load %arg14[%swap3A_1559, %swap3A_1560] {strides = array<i32>} : memref<321x128xf32, #tpu.memory_space<vmem>>, vector<16xf32>,
        tpu.vector_store %arg14[%swap3A_1559, %swap3A_1560], %max3A_1558 {strides = array<i32>} : memref<321x128xf32, #tpu.memory_space<vmem>>, vector<16xf32>,
        %get3A_1562 = arith.constant 13 : i32
        %get3A_1563 = arith.index_cast %get3A_1562 : i32 to index
        %get3A_1564 = arith.constant 96 : index
        %get3A_1565 = tpu.vector_load %arg13[%get3A_1563, %get3A_1564] {strides = array<i32>} : memref<16x128xf32, #tpu.memory_space<vmem>>, vector<16xf32>,
        %mul3A_1566 = vector.broadcast %squeeze3A_1483 : f32 to vector<16xf32>
        %mul3A_1567 = arith.mulf %get3A_1565, %mul3A_1566 : vector<16xf32>
        %get3A_1568 = arith.index_cast %squeeze3A_1481 : i32 to index
        %get3A_1569 = arith.constant 96 : index
        %get3A_1570 = tpu.vector_load %arg14[%get3A_1568, %get3A_1569] {strides = array<i32>} : memref<321x128xf32, #tpu.memory_space<vmem>>, vector<16xf32>,
        %max3A_1571 = arith.maximumf %get3A_1570, %mul3A_1567 : vector<16xf32>
        %swap3A_1572 = arith.index_cast %squeeze3A_1481 : i32 to index
        %swap3A_1573 = arith.constant 96 : index
        %swap3A_1574 = tpu.vector_load %arg14[%swap3A_1572, %swap3A_1573] {strides = array<i32>} : memref<321x128xf32, #tpu.memory_space<vmem>>, vector<16xf32>,
        tpu.vector_store %arg14[%swap3A_1572, %swap3A_1573], %max3A_1571 {strides = array<i32>} : memref<321x128xf32, #tpu.memory_space<vmem>>, vector<16xf32>,
        %get3A_1575 = arith.constant 13 : i32
        %get3A_1576 = arith.index_cast %get3A_1575 : i32 to index
        %get3A_1577 = arith.constant 112 : index
        %get3A_1578 = tpu.vector_load %arg13[%get3A_1576, %get3A_1577] {strides = array<i32>} : memref<16x128xf32, #tpu.memory_space<vmem>>, vector<16xf32>,
        %mul3A_1579 = vector.broadcast %squeeze3A_1483 : f32 to vector<16xf32>
        %mul3A_1580 = arith.mulf %get3A_1578, %mul3A_1579 : vector<16xf32>
        %get3A_1581 = arith.index_cast %squeeze3A_1481 : i32 to index
        %get3A_1582 = arith.constant 112 : index
        %get3A_1583 = tpu.vector_load %arg14[%get3A_1581, %get3A_1582] {strides = array<i32>} : memref<321x128xf32, #tpu.memory_space<vmem>>, vector<16xf32>,
        %max3A_1584 = arith.maximumf %get3A_1583, %mul3A_1580 : vector<16xf32>
        %swap3A_1585 = arith.index_cast %squeeze3A_1481 : i32 to index
        %swap3A_1586 = arith.constant 112 : index
        %swap3A_1587 = tpu.vector_load %arg14[%swap3A_1585, %swap3A_1586] {strides = array<i32>} : memref<321x128xf32, #tpu.memory_space<vmem>>, vector<16xf32>,
        tpu.vector_store %arg14[%swap3A_1585, %swap3A_1586], %max3A_1584 {strides = array<i32>} : memref<321x128xf32, #tpu.memory_space<vmem>>, vector<16xf32>,
        %slice3A_1588 = vector.extract_strided_slice %get3A_75 {offsets = [14], sizes = [1], strides = [1]} : vector<16xi32> to vector<1xi32>
        %squeeze3A_1589 = vector.extract %slice3A_1588[0] : i32 from vector<1xi32>
        %slice3A_1590 = vector.extract_strided_slice %get3A_79 {offsets = [14], sizes = [1], strides = [1]} : vector<16xf32> to vector<1xf32>
        %squeeze3A_1591 = vector.extract %slice3A_1590[0] : f32 from vector<1xf32>
        %get3A_1592 = arith.constant 14 : i32
        %get3A_1593 = arith.index_cast %get3A_1592 : i32 to index
        %get3A_1594 = arith.constant 0 : index
        %get3A_1595 = tpu.vector_load %arg13[%get3A_1593, %get3A_1594] {strides = array<i32>} : memref<16x128xf32, #tpu.memory_space<vmem>>, vector<16xf32>,
        %mul3A_1596 = vector.broadcast %squeeze3A_1591 : f32 to vector<16xf32>
        %mul3A_1597 = arith.mulf %get3A_1595, %mul3A_1596 : vector<16xf32>
        %get3A_1598 = arith.index_cast %squeeze3A_1589 : i32 to index
        %get3A_1599 = arith.constant 0 : index
        %get3A_1600 = tpu.vector_load %arg14[%get3A_1598, %get3A_1599] {strides = array<i32>} : memref<321x128xf32, #tpu.memory_space<vmem>>, vector<16xf32>,
        %max3A_1601 = arith.maximumf %get3A_1600, %mul3A_1597 : vector<16xf32>
        %swap3A_1602 = arith.index_cast %squeeze3A_1589 : i32 to index
        %swap3A_1603 = arith.constant 0 : index
        %swap3A_1604 = tpu.vector_load %arg14[%swap3A_1602, %swap3A_1603] {strides = array<i32>} : memref<321x128xf32, #tpu.memory_space<vmem>>, vector<16xf32>,
        tpu.vector_store %arg14[%swap3A_1602, %swap3A_1603], %max3A_1601 {strides = array<i32>} : memref<321x128xf32, #tpu.memory_space<vmem>>, vector<16xf32>,
        %get3A_1605 = arith.constant 14 : i32
        %get3A_1606 = arith.index_cast %get3A_1605 : i32 to index
        %get3A_1607 = arith.constant 16 : index
        %get3A_1608 = tpu.vector_load %arg13[%get3A_1606, %get3A_1607] {strides = array<i32>} : memref<16x128xf32, #tpu.memory_space<vmem>>, vector<16xf32>,
        %mul3A_1609 = vector.broadcast %squeeze3A_1591 : f32 to vector<16xf32>
        %mul3A_1610 = arith.mulf %get3A_1608, %mul3A_1609 : vector<16xf32>
        %get3A_1611 = arith.index_cast %squeeze3A_1589 : i32 to index
        %get3A_1612 = arith.constant 16 : index
        %get3A_1613 = tpu.vector_load %arg14[%get3A_1611, %get3A_1612] {strides = array<i32>} : memref<321x128xf32, #tpu.memory_space<vmem>>, vector<16xf32>,
        %max3A_1614 = arith.maximumf %get3A_1613, %mul3A_1610 : vector<16xf32>
        %swap3A_1615 = arith.index_cast %squeeze3A_1589 : i32 to index
        %swap3A_1616 = arith.constant 16 : index
        %swap3A_1617 = tpu.vector_load %arg14[%swap3A_1615, %swap3A_1616] {strides = array<i32>} : memref<321x128xf32, #tpu.memory_space<vmem>>, vector<16xf32>,
        tpu.vector_store %arg14[%swap3A_1615, %swap3A_1616], %max3A_1614 {strides = array<i32>} : memref<321x128xf32, #tpu.memory_space<vmem>>, vector<16xf32>,
        %get3A_1618 = arith.constant 14 : i32
        %get3A_1619 = arith.index_cast %get3A_1618 : i32 to index
        %get3A_1620 = arith.constant 32 : index
        %get3A_1621 = tpu.vector_load %arg13[%get3A_1619, %get3A_1620] {strides = array<i32>} : memref<16x128xf32, #tpu.memory_space<vmem>>, vector<16xf32>,
        %mul3A_1622 = vector.broadcast %squeeze3A_1591 : f32 to vector<16xf32>
        %mul3A_1623 = arith.mulf %get3A_1621, %mul3A_1622 : vector<16xf32>
        %get3A_1624 = arith.index_cast %squeeze3A_1589 : i32 to index
        %get3A_1625 = arith.constant 32 : index
        %get3A_1626 = tpu.vector_load %arg14[%get3A_1624, %get3A_1625] {strides = array<i32>} : memref<321x128xf32, #tpu.memory_space<vmem>>, vector<16xf32>,
        %max3A_1627 = arith.maximumf %get3A_1626, %mul3A_1623 : vector<16xf32>
        %swap3A_1628 = arith.index_cast %squeeze3A_1589 : i32 to index
        %swap3A_1629 = arith.constant 32 : index
        %swap3A_1630 = tpu.vector_load %arg14[%swap3A_1628, %swap3A_1629] {strides = array<i32>} : memref<321x128xf32, #tpu.memory_space<vmem>>, vector<16xf32>,
        tpu.vector_store %arg14[%swap3A_1628, %swap3A_1629], %max3A_1627 {strides = array<i32>} : memref<321x128xf32, #tpu.memory_space<vmem>>, vector<16xf32>,
        %get3A_1631 = arith.constant 14 : i32
        %get3A_1632 = arith.index_cast %get3A_1631 : i32 to index
        %get3A_1633 = arith.constant 48 : index
        %get3A_1634 = tpu.vector_load %arg13[%get3A_1632, %get3A_1633] {strides = array<i32>} : memref<16x128xf32, #tpu.memory_space<vmem>>, vector<16xf32>,
        %mul3A_1635 = vector.broadcast %squeeze3A_1591 : f32 to vector<16xf32>
        %mul3A_1636 = arith.mulf %get3A_1634, %mul3A_1635 : vector<16xf32>
        %get3A_1637 = arith.index_cast %squeeze3A_1589 : i32 to index
        %get3A_1638 = arith.constant 48 : index
        %get3A_1639 = tpu.vector_load %arg14[%get3A_1637, %get3A_1638] {strides = array<i32>} : memref<321x128xf32, #tpu.memory_space<vmem>>, vector<16xf32>,
        %max3A_1640 = arith.maximumf %get3A_1639, %mul3A_1636 : vector<16xf32>
        %swap3A_1641 = arith.index_cast %squeeze3A_1589 : i32 to index
        %swap3A_1642 = arith.constant 48 : index
        %swap3A_1643 = tpu.vector_load %arg14[%swap3A_1641, %swap3A_1642] {strides = array<i32>} : memref<321x128xf32, #tpu.memory_space<vmem>>, vector<16xf32>,
        tpu.vector_store %arg14[%swap3A_1641, %swap3A_1642], %max3A_1640 {strides = array<i32>} : memref<321x128xf32, #tpu.memory_space<vmem>>, vector<16xf32>,
        %get3A_1644 = arith.constant 14 : i32
        %get3A_1645 = arith.index_cast %get3A_1644 : i32 to index
        %get3A_1646 = arith.constant 64 : index
        %get3A_1647 = tpu.vector_load %arg13[%get3A_1645, %get3A_1646] {strides = array<i32>} : memref<16x128xf32, #tpu.memory_space<vmem>>, vector<16xf32>,
        %mul3A_1648 = vector.broadcast %squeeze3A_1591 : f32 to vector<16xf32>
        %mul3A_1649 = arith.mulf %get3A_1647, %mul3A_1648 : vector<16xf32>
        %get3A_1650 = arith.index_cast %squeeze3A_1589 : i32 to index
        %get3A_1651 = arith.constant 64 : index
        %get3A_1652 = tpu.vector_load %arg14[%get3A_1650, %get3A_1651] {strides = array<i32>} : memref<321x128xf32, #tpu.memory_space<vmem>>, vector<16xf32>,
        %max3A_1653 = arith.maximumf %get3A_1652, %mul3A_1649 : vector<16xf32>
        %swap3A_1654 = arith.index_cast %squeeze3A_1589 : i32 to index
        %swap3A_1655 = arith.constant 64 : index
        %swap3A_1656 = tpu.vector_load %arg14[%swap3A_1654, %swap3A_1655] {strides = array<i32>} : memref<321x128xf32, #tpu.memory_space<vmem>>, vector<16xf32>,
        tpu.vector_store %arg14[%swap3A_1654, %swap3A_1655], %max3A_1653 {strides = array<i32>} : memref<321x128xf32, #tpu.memory_space<vmem>>, vector<16xf32>,
        %get3A_1657 = arith.constant 14 : i32
        %get3A_1658 = arith.index_cast %get3A_1657 : i32 to index
        %get3A_1659 = arith.constant 80 : index
        %get3A_1660 = tpu.vector_load %arg13[%get3A_1658, %get3A_1659] {strides = array<i32>} : memref<16x128xf32, #tpu.memory_space<vmem>>, vector<16xf32>,
        %mul3A_1661 = vector.broadcast %squeeze3A_1591 : f32 to vector<16xf32>
        %mul3A_1662 = arith.mulf %get3A_1660, %mul3A_1661 : vector<16xf32>
        %get3A_1663 = arith.index_cast %squeeze3A_1589 : i32 to index
        %get3A_1664 = arith.constant 80 : index
        %get3A_1665 = tpu.vector_load %arg14[%get3A_1663, %get3A_1664] {strides = array<i32>} : memref<321x128xf32, #tpu.memory_space<vmem>>, vector<16xf32>,
        %max3A_1666 = arith.maximumf %get3A_1665, %mul3A_1662 : vector<16xf32>
        %swap3A_1667 = arith.index_cast %squeeze3A_1589 : i32 to index
        %swap3A_1668 = arith.constant 80 : index
        %swap3A_1669 = tpu.vector_load %arg14[%swap3A_1667, %swap3A_1668] {strides = array<i32>} : memref<321x128xf32, #tpu.memory_space<vmem>>, vector<16xf32>,
        tpu.vector_store %arg14[%swap3A_1667, %swap3A_1668], %max3A_1666 {strides = array<i32>} : memref<321x128xf32, #tpu.memory_space<vmem>>, vector<16xf32>,
        %get3A_1670 = arith.constant 14 : i32
        %get3A_1671 = arith.index_cast %get3A_1670 : i32 to index
        %get3A_1672 = arith.constant 96 : index
        %get3A_1673 = tpu.vector_load %arg13[%get3A_1671, %get3A_1672] {strides = array<i32>} : memref<16x128xf32, #tpu.memory_space<vmem>>, vector<16xf32>,
        %mul3A_1674 = vector.broadcast %squeeze3A_1591 : f32 to vector<16xf32>
        %mul3A_1675 = arith.mulf %get3A_1673, %mul3A_1674 : vector<16xf32>
        %get3A_1676 = arith.index_cast %squeeze3A_1589 : i32 to index
        %get3A_1677 = arith.constant 96 : index
        %get3A_1678 = tpu.vector_load %arg14[%get3A_1676, %get3A_1677] {strides = array<i32>} : memref<321x128xf32, #tpu.memory_space<vmem>>, vector<16xf32>,
        %max3A_1679 = arith.maximumf %get3A_1678, %mul3A_1675 : vector<16xf32>
        %swap3A_1680 = arith.index_cast %squeeze3A_1589 : i32 to index
        %swap3A_1681 = arith.constant 96 : index
        %swap3A_1682 = tpu.vector_load %arg14[%swap3A_1680, %swap3A_1681] {strides = array<i32>} : memref<321x128xf32, #tpu.memory_space<vmem>>, vector<16xf32>,
        tpu.vector_store %arg14[%swap3A_1680, %swap3A_1681], %max3A_1679 {strides = array<i32>} : memref<321x128xf32, #tpu.memory_space<vmem>>, vector<16xf32>,
        %get3A_1683 = arith.constant 14 : i32
        %get3A_1684 = arith.index_cast %get3A_1683 : i32 to index
        %get3A_1685 = arith.constant 112 : index
        %get3A_1686 = tpu.vector_load %arg13[%get3A_1684, %get3A_1685] {strides = array<i32>} : memref<16x128xf32, #tpu.memory_space<vmem>>, vector<16xf32>,
        %mul3A_1687 = vector.broadcast %squeeze3A_1591 : f32 to vector<16xf32>
        %mul3A_1688 = arith.mulf %get3A_1686, %mul3A_1687 : vector<16xf32>
        %get3A_1689 = arith.index_cast %squeeze3A_1589 : i32 to index
        %get3A_1690 = arith.constant 112 : index
        %get3A_1691 = tpu.vector_load %arg14[%get3A_1689, %get3A_1690] {strides = array<i32>} : memref<321x128xf32, #tpu.memory_space<vmem>>, vector<16xf32>,
        %max3A_1692 = arith.maximumf %get3A_1691, %mul3A_1688 : vector<16xf32>
        %swap3A_1693 = arith.index_cast %squeeze3A_1589 : i32 to index
        %swap3A_1694 = arith.constant 112 : index
        %swap3A_1695 = tpu.vector_load %arg14[%swap3A_1693, %swap3A_1694] {strides = array<i32>} : memref<321x128xf32, #tpu.memory_space<vmem>>, vector<16xf32>,
        tpu.vector_store %arg14[%swap3A_1693, %swap3A_1694], %max3A_1692 {strides = array<i32>} : memref<321x128xf32, #tpu.memory_space<vmem>>, vector<16xf32>,
        %slice3A_1696 = vector.extract_strided_slice %get3A_75 {offsets = [15], sizes = [1], strides = [1]} : vector<16xi32> to vector<1xi32>
        %squeeze3A_1697 = vector.extract %slice3A_1696[0] : i32 from vector<1xi32>
        %slice3A_1698 = vector.extract_strided_slice %get3A_79 {offsets = [15], sizes = [1], strides = [1]} : vector<16xf32> to vector<1xf32>
        %squeeze3A_1699 = vector.extract %slice3A_1698[0] : f32 from vector<1xf32>
        %get3A_1700 = arith.constant 15 : i32
        %get3A_1701 = arith.index_cast %get3A_1700 : i32 to index
        %get3A_1702 = arith.constant 0 : index
        %get3A_1703 = tpu.vector_load %arg13[%get3A_1701, %get3A_1702] {strides = array<i32>} : memref<16x128xf32, #tpu.memory_space<vmem>>, vector<16xf32>,
        %mul3A_1704 = vector.broadcast %squeeze3A_1699 : f32 to vector<16xf32>
        %mul3A_1705 = arith.mulf %get3A_1703, %mul3A_1704 : vector<16xf32>
        %get3A_1706 = arith.index_cast %squeeze3A_1697 : i32 to index
        %get3A_1707 = arith.constant 0 : index
        %get3A_1708 = tpu.vector_load %arg14[%get3A_1706, %get3A_1707] {strides = array<i32>} : memref<321x128xf32, #tpu.memory_space<vmem>>, vector<16xf32>,
        %max3A_1709 = arith.maximumf %get3A_1708, %mul3A_1705 : vector<16xf32>
        %swap3A_1710 = arith.index_cast %squeeze3A_1697 : i32 to index
        %swap3A_1711 = arith.constant 0 : index
        %swap3A_1712 = tpu.vector_load %arg14[%swap3A_1710, %swap3A_1711] {strides = array<i32>} : memref<321x128xf32, #tpu.memory_space<vmem>>, vector<16xf32>,
        tpu.vector_store %arg14[%swap3A_1710, %swap3A_1711], %max3A_1709 {strides = array<i32>} : memref<321x128xf32, #tpu.memory_space<vmem>>, vector<16xf32>,
        %get3A_1713 = arith.constant 15 : i32
        %get3A_1714 = arith.index_cast %get3A_1713 : i32 to index
        %get3A_1715 = arith.constant 16 : index
        %get3A_1716 = tpu.vector_load %arg13[%get3A_1714, %get3A_1715] {strides = array<i32>} : memref<16x128xf32, #tpu.memory_space<vmem>>, vector<16xf32>,
        %mul3A_1717 = vector.broadcast %squeeze3A_1699 : f32 to vector<16xf32>
        %mul3A_1718 = arith.mulf %get3A_1716, %mul3A_1717 : vector<16xf32>
        %get3A_1719 = arith.index_cast %squeeze3A_1697 : i32 to index
        %get3A_1720 = arith.constant 16 : index
        %get3A_1721 = tpu.vector_load %arg14[%get3A_1719, %get3A_1720] {strides = array<i32>} : memref<321x128xf32, #tpu.memory_space<vmem>>, vector<16xf32>,
        %max3A_1722 = arith.maximumf %get3A_1721, %mul3A_1718 : vector<16xf32>
        %swap3A_1723 = arith.index_cast %squeeze3A_1697 : i32 to index
        %swap3A_1724 = arith.constant 16 : index
        %swap3A_1725 = tpu.vector_load %arg14[%swap3A_1723, %swap3A_1724] {strides = array<i32>} : memref<321x128xf32, #tpu.memory_space<vmem>>, vector<16xf32>,
        tpu.vector_store %arg14[%swap3A_1723, %swap3A_1724], %max3A_1722 {strides = array<i32>} : memref<321x128xf32, #tpu.memory_space<vmem>>, vector<16xf32>,
        %get3A_1726 = arith.constant 15 : i32
        %get3A_1727 = arith.index_cast %get3A_1726 : i32 to index
        %get3A_1728 = arith.constant 32 : index
        %get3A_1729 = tpu.vector_load %arg13[%get3A_1727, %get3A_1728] {strides = array<i32>} : memref<16x128xf32, #tpu.memory_space<vmem>>, vector<16xf32>,
        %mul3A_1730 = vector.broadcast %squeeze3A_1699 : f32 to vector<16xf32>
        %mul3A_1731 = arith.mulf %get3A_1729, %mul3A_1730 : vector<16xf32>
        %get3A_1732 = arith.index_cast %squeeze3A_1697 : i32 to index
        %get3A_1733 = arith.constant 32 : index
        %get3A_1734 = tpu.vector_load %arg14[%get3A_1732, %get3A_1733] {strides = array<i32>} : memref<321x128xf32, #tpu.memory_space<vmem>>, vector<16xf32>,
        %max3A_1735 = arith.maximumf %get3A_1734, %mul3A_1731 : vector<16xf32>
        %swap3A_1736 = arith.index_cast %squeeze3A_1697 : i32 to index
        %swap3A_1737 = arith.constant 32 : index
        %swap3A_1738 = tpu.vector_load %arg14[%swap3A_1736, %swap3A_1737] {strides = array<i32>} : memref<321x128xf32, #tpu.memory_space<vmem>>, vector<16xf32>,
        tpu.vector_store %arg14[%swap3A_1736, %swap3A_1737], %max3A_1735 {strides = array<i32>} : memref<321x128xf32, #tpu.memory_space<vmem>>, vector<16xf32>,
        %get3A_1739 = arith.constant 15 : i32
        %get3A_1740 = arith.index_cast %get3A_1739 : i32 to index
        %get3A_1741 = arith.constant 48 : index
        %get3A_1742 = tpu.vector_load %arg13[%get3A_1740, %get3A_1741] {strides = array<i32>} : memref<16x128xf32, #tpu.memory_space<vmem>>, vector<16xf32>,
        %mul3A_1743 = vector.broadcast %squeeze3A_1699 : f32 to vector<16xf32>
        %mul3A_1744 = arith.mulf %get3A_1742, %mul3A_1743 : vector<16xf32>
        %get3A_1745 = arith.index_cast %squeeze3A_1697 : i32 to index
        %get3A_1746 = arith.constant 48 : index
        %get3A_1747 = tpu.vector_load %arg14[%get3A_1745, %get3A_1746] {strides = array<i32>} : memref<321x128xf32, #tpu.memory_space<vmem>>, vector<16xf32>,
        %max3A_1748 = arith.maximumf %get3A_1747, %mul3A_1744 : vector<16xf32>
        %swap3A_1749 = arith.index_cast %squeeze3A_1697 : i32 to index
        %swap3A_1750 = arith.constant 48 : index
        %swap3A_1751 = tpu.vector_load %arg14[%swap3A_1749, %swap3A_1750] {strides = array<i32>} : memref<321x128xf32, #tpu.memory_space<vmem>>, vector<16xf32>,
        tpu.vector_store %arg14[%swap3A_1749, %swap3A_1750], %max3A_1748 {strides = array<i32>} : memref<321x128xf32, #tpu.memory_space<vmem>>, vector<16xf32>,
        %get3A_1752 = arith.constant 15 : i32
        %get3A_1753 = arith.index_cast %get3A_1752 : i32 to index
        %get3A_1754 = arith.constant 64 : index
        %get3A_1755 = tpu.vector_load %arg13[%get3A_1753, %get3A_1754] {strides = array<i32>} : memref<16x128xf32, #tpu.memory_space<vmem>>, vector<16xf32>,
        %mul3A_1756 = vector.broadcast %squeeze3A_1699 : f32 to vector<16xf32>
        %mul3A_1757 = arith.mulf %get3A_1755, %mul3A_1756 : vector<16xf32>
        %get3A_1758 = arith.index_cast %squeeze3A_1697 : i32 to index
        %get3A_1759 = arith.constant 64 : index
        %get3A_1760 = tpu.vector_load %arg14[%get3A_1758, %get3A_1759] {strides = array<i32>} : memref<321x128xf32, #tpu.memory_space<vmem>>, vector<16xf32>,
        %max3A_1761 = arith.maximumf %get3A_1760, %mul3A_1757 : vector<16xf32>
        %swap3A_1762 = arith.index_cast %squeeze3A_1697 : i32 to index
        %swap3A_1763 = arith.constant 64 : index
        %swap3A_1764 = tpu.vector_load %arg14[%swap3A_1762, %swap3A_1763] {strides = array<i32>} : memref<321x128xf32, #tpu.memory_space<vmem>>, vector<16xf32>,
        tpu.vector_store %arg14[%swap3A_1762, %swap3A_1763], %max3A_1761 {strides = array<i32>} : memref<321x128xf32, #tpu.memory_space<vmem>>, vector<16xf32>,
        %get3A_1765 = arith.constant 15 : i32
        %get3A_1766 = arith.index_cast %get3A_1765 : i32 to index
        %get3A_1767 = arith.constant 80 : index
        %get3A_1768 = tpu.vector_load %arg13[%get3A_1766, %get3A_1767] {strides = array<i32>} : memref<16x128xf32, #tpu.memory_space<vmem>>, vector<16xf32>,
        %mul3A_1769 = vector.broadcast %squeeze3A_1699 : f32 to vector<16xf32>
        %mul3A_1770 = arith.mulf %get3A_1768, %mul3A_1769 : vector<16xf32>
        %get3A_1771 = arith.index_cast %squeeze3A_1697 : i32 to index
        %get3A_1772 = arith.constant 80 : index
        %get3A_1773 = tpu.vector_load %arg14[%get3A_1771, %get3A_1772] {strides = array<i32>} : memref<321x128xf32, #tpu.memory_space<vmem>>, vector<16xf32>,
        %max3A_1774 = arith.maximumf %get3A_1773, %mul3A_1770 : vector<16xf32>
        %swap3A_1775 = arith.index_cast %squeeze3A_1697 : i32 to index
        %swap3A_1776 = arith.constant 80 : index
        %swap3A_1777 = tpu.vector_load %arg14[%swap3A_1775, %swap3A_1776] {strides = array<i32>} : memref<321x128xf32, #tpu.memory_space<vmem>>, vector<16xf32>,
        tpu.vector_store %arg14[%swap3A_1775, %swap3A_1776], %max3A_1774 {strides = array<i32>} : memref<321x128xf32, #tpu.memory_space<vmem>>, vector<16xf32>,
        %get3A_1778 = arith.constant 15 : i32
        %get3A_1779 = arith.index_cast %get3A_1778 : i32 to index
        %get3A_1780 = arith.constant 96 : index
        %get3A_1781 = tpu.vector_load %arg13[%get3A_1779, %get3A_1780] {strides = array<i32>} : memref<16x128xf32, #tpu.memory_space<vmem>>, vector<16xf32>,
        %mul3A_1782 = vector.broadcast %squeeze3A_1699 : f32 to vector<16xf32>
        %mul3A_1783 = arith.mulf %get3A_1781, %mul3A_1782 : vector<16xf32>
        %get3A_1784 = arith.index_cast %squeeze3A_1697 : i32 to index
        %get3A_1785 = arith.constant 96 : index
        %get3A_1786 = tpu.vector_load %arg14[%get3A_1784, %get3A_1785] {strides = array<i32>} : memref<321x128xf32, #tpu.memory_space<vmem>>, vector<16xf32>,
        %max3A_1787 = arith.maximumf %get3A_1786, %mul3A_1783 : vector<16xf32>
        %swap3A_1788 = arith.index_cast %squeeze3A_1697 : i32 to index
        %swap3A_1789 = arith.constant 96 : index
        %swap3A_1790 = tpu.vector_load %arg14[%swap3A_1788, %swap3A_1789] {strides = array<i32>} : memref<321x128xf32, #tpu.memory_space<vmem>>, vector<16xf32>,
        tpu.vector_store %arg14[%swap3A_1788, %swap3A_1789], %max3A_1787 {strides = array<i32>} : memref<321x128xf32, #tpu.memory_space<vmem>>, vector<16xf32>,
        %get3A_1791 = arith.constant 15 : i32
        %get3A_1792 = arith.index_cast %get3A_1791 : i32 to index
        %get3A_1793 = arith.constant 112 : index
        %get3A_1794 = tpu.vector_load %arg13[%get3A_1792, %get3A_1793] {strides = array<i32>} : memref<16x128xf32, #tpu.memory_space<vmem>>, vector<16xf32>,
        %mul3A_1795 = vector.broadcast %squeeze3A_1699 : f32 to vector<16xf32>
        %mul3A_1796 = arith.mulf %get3A_1794, %mul3A_1795 : vector<16xf32>
        %get3A_1797 = arith.index_cast %squeeze3A_1697 : i32 to index
        %get3A_1798 = arith.constant 112 : index
        %get3A_1799 = tpu.vector_load %arg14[%get3A_1797, %get3A_1798] {strides = array<i32>} : memref<321x128xf32, #tpu.memory_space<vmem>>, vector<16xf32>,
        %max3A_1800 = arith.maximumf %get3A_1799, %mul3A_1796 : vector<16xf32>
        %swap3A_1801 = arith.index_cast %squeeze3A_1697 : i32 to index
        %swap3A_1802 = arith.constant 112 : index
        %swap3A_1803 = tpu.vector_load %arg14[%swap3A_1801, %swap3A_1802] {strides = array<i32>} : memref<321x128xf32, #tpu.memory_space<vmem>>, vector<16xf32>,
        tpu.vector_store %arg14[%swap3A_1801, %swap3A_1802], %max3A_1800 {strides = array<i32>} : memref<321x128xf32, #tpu.memory_space<vmem>>, vector<16xf32>,
      }
      %while3A_63 = arith.constant 1 : i32
      scf.for %while3A_64 = %while3A_61 to %while3A_57 step %while3A_63  : i32 {
        %mul3A_65 = arith.constant 16 : i32
        %mul3A_66 = arith.muli %while3A_64, %mul3A_65 : i32
        %get3A = arith.index_cast %mul3A_66 : i32 to index
        %get3A_67 = tpu.vector_load %arg10[%get3A] {strides = array<i32>} : memref<4016xi32, #tpu.memory_space<vmem>>, vector<16xi32>,
        %dma_start3A = arith.constant 0 : i32
        %dma_start3A_68 = arith.constant 0 : i32
        %dma_start3A_69 = tpu.memref_slice %arg2[%dma_start3A, %dma_start3A_68] : memref<10000x128xf32, #tpu.memory_space<hbm>> -> memref<10000x128xf32, #tpu.memory_space<hbm>>
        tpu.enqueue_indirect_dma source(%dma_start3A_69 : memref<10000x128xf32, #tpu.memory_space<hbm>>) target(%arg13 : memref<16x128xf32, #tpu.memory_space<vmem>>) offsets(%get3A_67 : vector<16xi32>) semaphore(%arg15 : memref<!tpu.dma_semaphore, #tpu.memory_space<semaphore_mem>>)
        %dma_wait3A = arith.constant 0 : i32
        %dma_wait3A_70 = arith.constant 0 : i32
        %dma_wait3A_71 = tpu.memref_slice %arg2[%dma_wait3A, %dma_wait3A_70] : memref<10000x128xf32, #tpu.memory_space<hbm>> -> memref<10000x128xf32, #tpu.memory_space<hbm>>
        tpu.wait_indirect_dma semaphore(%arg15 : memref<!tpu.dma_semaphore, #tpu.memory_space<semaphore_mem>>) src(%dma_wait3A_71 : memref<10000x128xf32, #tpu.memory_space<hbm>>) dst(%arg13 : memref<16x128xf32, #tpu.memory_space<vmem>>)
        %mul3A_72 = arith.constant 16 : i32
        %mul3A_73 = arith.muli %while3A_64, %mul3A_72 : i32
        %get3A_74 = arith.index_cast %mul3A_73 : i32 to index
        %get3A_75 = tpu.vector_load %arg11[%get3A_74] {strides = array<i32>} : memref<4016xi32, #tpu.memory_space<vmem>>, vector<16xi32>,
        %mul3A_76 = arith.constant 16 : i32
        %mul3A_77 = arith.muli %while3A_64, %mul3A_76 : i32
        %get3A_78 = arith.index_cast %mul3A_77 : i32 to index
        %get3A_79 = tpu.vector_load %arg12[%get3A_78] {strides = array<i32>} : memref<4016xf32, #tpu.memory_space<vmem>>, vector<16xf32>,
        %slice3A = vector.extract_strided_slice %get3A_75 {offsets = [0], sizes = [1], strides = [1]} : vector<16xi32> to vector<1xi32>
        %squeeze3A = vector.extract %slice3A[0] : i32 from vector<1xi32>
        %slice3A_80 = vector.extract_strided_slice %get3A_79 {offsets = [0], sizes = [1], strides = [1]} : vector<16xf32> to vector<1xf32>
        %squeeze3A_81 = vector.extract %slice3A_80[0] : f32 from vector<1xf32>
        %get3A_82 = arith.constant 0 : i32
        %get3A_83 = arith.index_cast %get3A_82 : i32 to index
        %get3A_84 = arith.constant 0 : index
        %get3A_85 = tpu.vector_load %arg13[%get3A_83, %get3A_84] {strides = array<i32>} : memref<16x128xf32, #tpu.memory_space<vmem>>, vector<16xf32>,
        %mul3A_86 = vector.broadcast %squeeze3A_81 : f32 to vector<16xf32>
        %mul3A_87 = arith.mulf %get3A_85, %mul3A_86 : vector<16xf32>
        %get3A_88 = arith.index_cast %squeeze3A : i32 to index
        %get3A_89 = arith.constant 0 : index
        %get3A_90 = tpu.vector_load %arg14[%get3A_88, %get3A_89] {strides = array<i32>} : memref<321x128xf32, #tpu.memory_space<vmem>>, vector<16xf32>,
        %max3A = arith.maximumf %get3A_90, %mul3A_87 : vector<16xf32>
        %swap3A = arith.index_cast %squeeze3A : i32 to index
        %swap3A_91 = arith.constant 0 : index
        %swap3A_92 = tpu.vector_load %arg14[%swap3A, %swap3A_91] {strides = array<i32>} : memref<321x128xf32, #tpu.memory_space<vmem>>, vector<16xf32>,
        tpu.vector_store %arg14[%swap3A, %swap3A_91], %max3A {strides = array<i32>} : memref<321x128xf32, #tpu.memory_space<vmem>>, vector<16xf32>,
        %get3A_93 = arith.constant 0 : i32
        %get3A_94 = arith.index_cast %get3A_93 : i32 to index
        %get3A_95 = arith.constant 16 : index
        %get3A_96 = tpu.vector_load %arg13[%get3A_94, %get3A_95] {strides = array<i32>} : memref<16x128xf32, #tpu.memory_space<vmem>>, vector<16xf32>,
        %mul3A_97 = vector.broadcast %squeeze3A_81 : f32 to vector<16xf32>
        %mul3A_98 = arith.mulf %get3A_96, %mul3A_97 : vector<16xf32>
        %get3A_99 = arith.index_cast %squeeze3A : i32 to index
        %get3A_100 = arith.constant 16 : index
        %get3A_101 = tpu.vector_load %arg14[%get3A_99, %get3A_100] {strides = array<i32>} : memref<321x128xf32, #tpu.memory_space<vmem>>, vector<16xf32>,
        %max3A_102 = arith.maximumf %get3A_101, %mul3A_98 : vector<16xf32>
        %swap3A_103 = arith.index_cast %squeeze3A : i32 to index
        %swap3A_104 = arith.constant 16 : index
        %swap3A_105 = tpu.vector_load %arg14[%swap3A_103, %swap3A_104] {strides = array<i32>} : memref<321x128xf32, #tpu.memory_space<vmem>>, vector<16xf32>,
        tpu.vector_store %arg14[%swap3A_103, %swap3A_104], %max3A_102 {strides = array<i32>} : memref<321x128xf32, #tpu.memory_space<vmem>>, vector<16xf32>,
        %get3A_106 = arith.constant 0 : i32
        %get3A_107 = arith.index_cast %get3A_106 : i32 to index
        %get3A_108 = arith.constant 32 : index
        %get3A_109 = tpu.vector_load %arg13[%get3A_107, %get3A_108] {strides = array<i32>} : memref<16x128xf32, #tpu.memory_space<vmem>>, vector<16xf32>,
        %mul3A_110 = vector.broadcast %squeeze3A_81 : f32 to vector<16xf32>
        %mul3A_111 = arith.mulf %get3A_109, %mul3A_110 : vector<16xf32>
        %get3A_112 = arith.index_cast %squeeze3A : i32 to index
        %get3A_113 = arith.constant 32 : index
        %get3A_114 = tpu.vector_load %arg14[%get3A_112, %get3A_113] {strides = array<i32>} : memref<321x128xf32, #tpu.memory_space<vmem>>, vector<16xf32>,
        %max3A_115 = arith.maximumf %get3A_114, %mul3A_111 : vector<16xf32>
        %swap3A_116 = arith.index_cast %squeeze3A : i32 to index
        %swap3A_117 = arith.constant 32 : index
        %swap3A_118 = tpu.vector_load %arg14[%swap3A_116, %swap3A_117] {strides = array<i32>} : memref<321x128xf32, #tpu.memory_space<vmem>>, vector<16xf32>,
        tpu.vector_store %arg14[%swap3A_116, %swap3A_117], %max3A_115 {strides = array<i32>} : memref<321x128xf32, #tpu.memory_space<vmem>>, vector<16xf32>,
        %get3A_119 = arith.constant 0 : i32
        %get3A_120 = arith.index_cast %get3A_119 : i32 to index
        %get3A_121 = arith.constant 48 : index
        %get3A_122 = tpu.vector_load %arg13[%get3A_120, %get3A_121] {strides = array<i32>} : memref<16x128xf32, #tpu.memory_space<vmem>>, vector<16xf32>,
        %mul3A_123 = vector.broadcast %squeeze3A_81 : f32 to vector<16xf32>
        %mul3A_124 = arith.mulf %get3A_122, %mul3A_123 : vector<16xf32>
        %get3A_125 = arith.index_cast %squeeze3A : i32 to index
        %get3A_126 = arith.constant 48 : index
        %get3A_127 = tpu.vector_load %arg14[%get3A_125, %get3A_126] {strides = array<i32>} : memref<321x128xf32, #tpu.memory_space<vmem>>, vector<16xf32>,
        %max3A_128 = arith.maximumf %get3A_127, %mul3A_124 : vector<16xf32>
        %swap3A_129 = arith.index_cast %squeeze3A : i32 to index
        %swap3A_130 = arith.constant 48 : index
        %swap3A_131 = tpu.vector_load %arg14[%swap3A_129, %swap3A_130] {strides = array<i32>} : memref<321x128xf32, #tpu.memory_space<vmem>>, vector<16xf32>,
        tpu.vector_store %arg14[%swap3A_129, %swap3A_130], %max3A_128 {strides = array<i32>} : memref<321x128xf32, #tpu.memory_space<vmem>>, vector<16xf32>,
        %get3A_132 = arith.constant 0 : i32
        %get3A_133 = arith.index_cast %get3A_132 : i32 to index
        %get3A_134 = arith.constant 64 : index
        %get3A_135 = tpu.vector_load %arg13[%get3A_133, %get3A_134] {strides = array<i32>} : memref<16x128xf32, #tpu.memory_space<vmem>>, vector<16xf32>,
        %mul3A_136 = vector.broadcast %squeeze3A_81 : f32 to vector<16xf32>
        %mul3A_137 = arith.mulf %get3A_135, %mul3A_136 : vector<16xf32>
        %get3A_138 = arith.index_cast %squeeze3A : i32 to index
        %get3A_139 = arith.constant 64 : index
        %get3A_140 = tpu.vector_load %arg14[%get3A_138, %get3A_139] {strides = array<i32>} : memref<321x128xf32, #tpu.memory_space<vmem>>, vector<16xf32>,
        %max3A_141 = arith.maximumf %get3A_140, %mul3A_137 : vector<16xf32>
        %swap3A_142 = arith.index_cast %squeeze3A : i32 to index
        %swap3A_143 = arith.constant 64 : index
        %swap3A_144 = tpu.vector_load %arg14[%swap3A_142, %swap3A_143] {strides = array<i32>} : memref<321x128xf32, #tpu.memory_space<vmem>>, vector<16xf32>,
        tpu.vector_store %arg14[%swap3A_142, %swap3A_143], %max3A_141 {strides = array<i32>} : memref<321x128xf32, #tpu.memory_space<vmem>>, vector<16xf32>,
        %get3A_145 = arith.constant 0 : i32
        %get3A_146 = arith.index_cast %get3A_145 : i32 to index
        %get3A_147 = arith.constant 80 : index
        %get3A_148 = tpu.vector_load %arg13[%get3A_146, %get3A_147] {strides = array<i32>} : memref<16x128xf32, #tpu.memory_space<vmem>>, vector<16xf32>,
        %mul3A_149 = vector.broadcast %squeeze3A_81 : f32 to vector<16xf32>
        %mul3A_150 = arith.mulf %get3A_148, %mul3A_149 : vector<16xf32>
        %get3A_151 = arith.index_cast %squeeze3A : i32 to index
        %get3A_152 = arith.constant 80 : index
        %get3A_153 = tpu.vector_load %arg14[%get3A_151, %get3A_152] {strides = array<i32>} : memref<321x128xf32, #tpu.memory_space<vmem>>, vector<16xf32>,
        %max3A_154 = arith.maximumf %get3A_153, %mul3A_150 : vector<16xf32>
        %swap3A_155 = arith.index_cast %squeeze3A : i32 to index
        %swap3A_156 = arith.constant 80 : index
        %swap3A_157 = tpu.vector_load %arg14[%swap3A_155, %swap3A_156] {strides = array<i32>} : memref<321x128xf32, #tpu.memory_space<vmem>>, vector<16xf32>,
        tpu.vector_store %arg14[%swap3A_155, %swap3A_156], %max3A_154 {strides = array<i32>} : memref<321x128xf32, #tpu.memory_space<vmem>>, vector<16xf32>,
        %get3A_158 = arith.constant 0 : i32
        %get3A_159 = arith.index_cast %get3A_158 : i32 to index
        %get3A_160 = arith.constant 96 : index
        %get3A_161 = tpu.vector_load %arg13[%get3A_159, %get3A_160] {strides = array<i32>} : memref<16x128xf32, #tpu.memory_space<vmem>>, vector<16xf32>,
        %mul3A_162 = vector.broadcast %squeeze3A_81 : f32 to vector<16xf32>
        %mul3A_163 = arith.mulf %get3A_161, %mul3A_162 : vector<16xf32>
        %get3A_164 = arith.index_cast %squeeze3A : i32 to index
        %get3A_165 = arith.constant 96 : index
        %get3A_166 = tpu.vector_load %arg14[%get3A_164, %get3A_165] {strides = array<i32>} : memref<321x128xf32, #tpu.memory_space<vmem>>, vector<16xf32>,
        %max3A_167 = arith.maximumf %get3A_166, %mul3A_163 : vector<16xf32>
        %swap3A_168 = arith.index_cast %squeeze3A : i32 to index
        %swap3A_169 = arith.constant 96 : index
        %swap3A_170 = tpu.vector_load %arg14[%swap3A_168, %swap3A_169] {strides = array<i32>} : memref<321x128xf32, #tpu.memory_space<vmem>>, vector<16xf32>,
        tpu.vector_store %arg14[%swap3A_168, %swap3A_169], %max3A_167 {strides = array<i32>} : memref<321x128xf32, #tpu.memory_space<vmem>>, vector<16xf32>,
        %get3A_171 = arith.constant 0 : i32
        %get3A_172 = arith.index_cast %get3A_171 : i32 to index
        %get3A_173 = arith.constant 112 : index
        %get3A_174 = tpu.vector_load %arg13[%get3A_172, %get3A_173] {strides = array<i32>} : memref<16x128xf32, #tpu.memory_space<vmem>>, vector<16xf32>,
        %mul3A_175 = vector.broadcast %squeeze3A_81 : f32 to vector<16xf32>
        %mul3A_176 = arith.mulf %get3A_174, %mul3A_175 : vector<16xf32>
        %get3A_177 = arith.index_cast %squeeze3A : i32 to index
        %get3A_178 = arith.constant 112 : index
        %get3A_179 = tpu.vector_load %arg14[%get3A_177, %get3A_178] {strides = array<i32>} : memref<321x128xf32, #tpu.memory_space<vmem>>, vector<16xf32>,
        %max3A_180 = arith.maximumf %get3A_179, %mul3A_176 : vector<16xf32>
        %swap3A_181 = arith.index_cast %squeeze3A : i32 to index
        %swap3A_182 = arith.constant 112 : index
        %swap3A_183 = tpu.vector_load %arg14[%swap3A_181, %swap3A_182] {strides = array<i32>} : memref<321x128xf32, #tpu.memory_space<vmem>>, vector<16xf32>,
        tpu.vector_store %arg14[%swap3A_181, %swap3A_182], %max3A_180 {strides = array<i32>} : memref<321x128xf32, #tpu.memory_space<vmem>>, vector<16xf32>,
        %slice3A_184 = vector.extract_strided_slice %get3A_75 {offsets = [1], sizes = [1], strides = [1]} : vector<16xi32> to vector<1xi32>
        %squeeze3A_185 = vector.extract %slice3A_184[0] : i32 from vector<1xi32>
        %slice3A_186 = vector.extract_strided_slice %get3A_79 {offsets = [1], sizes = [1], strides = [1]} : vector<16xf32> to vector<1xf32>
        %squeeze3A_187 = vector.extract %slice3A_186[0] : f32 from vector<1xf32>
        %get3A_188 = arith.constant 1 : i32
        %get3A_189 = arith.index_cast %get3A_188 : i32 to index
        %get3A_190 = arith.constant 0 : index
        %get3A_191 = tpu.vector_load %arg13[%get3A_189, %get3A_190] {strides = array<i32>} : memref<16x128xf32, #tpu.memory_space<vmem>>, vector<16xf32>,
        %mul3A_192 = vector.broadcast %squeeze3A_187 : f32 to vector<16xf32>
        %mul3A_193 = arith.mulf %get3A_191, %mul3A_192 : vector<16xf32>
        %get3A_194 = arith.index_cast %squeeze3A_185 : i32 to index
        %get3A_195 = arith.constant 0 : index
        %get3A_196 = tpu.vector_load %arg14[%get3A_194, %get3A_195] {strides = array<i32>} : memref<321x128xf32, #tpu.memory_space<vmem>>, vector<16xf32>,
        %max3A_197 = arith.maximumf %get3A_196, %mul3A_193 : vector<16xf32>
        %swap3A_198 = arith.index_cast %squeeze3A_185 : i32 to index
        %swap3A_199 = arith.constant 0 : index
        %swap3A_200 = tpu.vector_load %arg14[%swap3A_198, %swap3A_199] {strides = array<i32>} : memref<321x128xf32, #tpu.memory_space<vmem>>, vector<16xf32>,
        tpu.vector_store %arg14[%swap3A_198, %swap3A_199], %max3A_197 {strides = array<i32>} : memref<321x128xf32, #tpu.memory_space<vmem>>, vector<16xf32>,
        %get3A_201 = arith.constant 1 : i32
        %get3A_202 = arith.index_cast %get3A_201 : i32 to index
        %get3A_203 = arith.constant 16 : index
        %get3A_204 = tpu.vector_load %arg13[%get3A_202, %get3A_203] {strides = array<i32>} : memref<16x128xf32, #tpu.memory_space<vmem>>, vector<16xf32>,
        %mul3A_205 = vector.broadcast %squeeze3A_187 : f32 to vector<16xf32>
        %mul3A_206 = arith.mulf %get3A_204, %mul3A_205 : vector<16xf32>
        %get3A_207 = arith.index_cast %squeeze3A_185 : i32 to index
        %get3A_208 = arith.constant 16 : index
        %get3A_209 = tpu.vector_load %arg14[%get3A_207, %get3A_208] {strides = array<i32>} : memref<321x128xf32, #tpu.memory_space<vmem>>, vector<16xf32>,
        %max3A_210 = arith.maximumf %get3A_209, %mul3A_206 : vector<16xf32>
        %swap3A_211 = arith.index_cast %squeeze3A_185 : i32 to index
        %swap3A_212 = arith.constant 16 : index
        %swap3A_213 = tpu.vector_load %arg14[%swap3A_211, %swap3A_212] {strides = array<i32>} : memref<321x128xf32, #tpu.memory_space<vmem>>, vector<16xf32>,
        tpu.vector_store %arg14[%swap3A_211, %swap3A_212], %max3A_210 {strides = array<i32>} : memref<321x128xf32, #tpu.memory_space<vmem>>, vector<16xf32>,
        %get3A_214 = arith.constant 1 : i32
        %get3A_215 = arith.index_cast %get3A_214 : i32 to index
        %get3A_216 = arith.constant 32 : index
        %get3A_217 = tpu.vector_load %arg13[%get3A_215, %get3A_216] {strides = array<i32>} : memref<16x128xf32, #tpu.memory_space<vmem>>, vector<16xf32>,
        %mul3A_218 = vector.broadcast %squeeze3A_187 : f32 to vector<16xf32>
        %mul3A_219 = arith.mulf %get3A_217, %mul3A_218 : vector<16xf32>
        %get3A_220 = arith.index_cast %squeeze3A_185 : i32 to index
        %get3A_221 = arith.constant 32 : index
        %get3A_222 = tpu.vector_load %arg14[%get3A_220, %get3A_221] {strides = array<i32>} : memref<321x128xf32, #tpu.memory_space<vmem>>, vector<16xf32>,
        %max3A_223 = arith.maximumf %get3A_222, %mul3A_219 : vector<16xf32>
        %swap3A_224 = arith.index_cast %squeeze3A_185 : i32 to index
        %swap3A_225 = arith.constant 32 : index
        %swap3A_226 = tpu.vector_load %arg14[%swap3A_224, %swap3A_225] {strides = array<i32>} : memref<321x128xf32, #tpu.memory_space<vmem>>, vector<16xf32>,
        tpu.vector_store %arg14[%swap3A_224, %swap3A_225], %max3A_223 {strides = array<i32>} : memref<321x128xf32, #tpu.memory_space<vmem>>, vector<16xf32>,
        %get3A_227 = arith.constant 1 : i32
        %get3A_228 = arith.index_cast %get3A_227 : i32 to index
        %get3A_229 = arith.constant 48 : index
        %get3A_230 = tpu.vector_load %arg13[%get3A_228, %get3A_229] {strides = array<i32>} : memref<16x128xf32, #tpu.memory_space<vmem>>, vector<16xf32>,
        %mul3A_231 = vector.broadcast %squeeze3A_187 : f32 to vector<16xf32>
        %mul3A_232 = arith.mulf %get3A_230, %mul3A_231 : vector<16xf32>
        %get3A_233 = arith.index_cast %squeeze3A_185 : i32 to index
        %get3A_234 = arith.constant 48 : index
        %get3A_235 = tpu.vector_load %arg14[%get3A_233, %get3A_234] {strides = array<i32>} : memref<321x128xf32, #tpu.memory_space<vmem>>, vector<16xf32>,
        %max3A_236 = arith.maximumf %get3A_235, %mul3A_232 : vector<16xf32>
        %swap3A_237 = arith.index_cast %squeeze3A_185 : i32 to index
        %swap3A_238 = arith.constant 48 : index
        %swap3A_239 = tpu.vector_load %arg14[%swap3A_237, %swap3A_238] {strides = array<i32>} : memref<321x128xf32, #tpu.memory_space<vmem>>, vector<16xf32>,
        tpu.vector_store %arg14[%swap3A_237, %swap3A_238], %max3A_236 {strides = array<i32>} : memref<321x128xf32, #tpu.memory_space<vmem>>, vector<16xf32>,
        %get3A_240 = arith.constant 1 : i32
        %get3A_241 = arith.index_cast %get3A_240 : i32 to index
        %get3A_242 = arith.constant 64 : index
        %get3A_243 = tpu.vector_load %arg13[%get3A_241, %get3A_242] {strides = array<i32>} : memref<16x128xf32, #tpu.memory_space<vmem>>, vector<16xf32>,
        %mul3A_244 = vector.broadcast %squeeze3A_187 : f32 to vector<16xf32>
        %mul3A_245 = arith.mulf %get3A_243, %mul3A_244 : vector<16xf32>
        %get3A_246 = arith.index_cast %squeeze3A_185 : i32 to index
        %get3A_247 = arith.constant 64 : index
        %get3A_248 = tpu.vector_load %arg14[%get3A_246, %get3A_247] {strides = array<i32>} : memref<321x128xf32, #tpu.memory_space<vmem>>, vector<16xf32>,
        %max3A_249 = arith.maximumf %get3A_248, %mul3A_245 : vector<16xf32>
        %swap3A_250 = arith.index_cast %squeeze3A_185 : i32 to index
        %swap3A_251 = arith.constant 64 : index
        %swap3A_252 = tpu.vector_load %arg14[%swap3A_250, %swap3A_251] {strides = array<i32>} : memref<321x128xf32, #tpu.memory_space<vmem>>, vector<16xf32>,
        tpu.vector_store %arg14[%swap3A_250, %swap3A_251], %max3A_249 {strides = array<i32>} : memref<321x128xf32, #tpu.memory_space<vmem>>, vector<16xf32>,
        %get3A_253 = arith.constant 1 : i32
        %get3A_254 = arith.index_cast %get3A_253 : i32 to index
        %get3A_255 = arith.constant 80 : index
        %get3A_256 = tpu.vector_load %arg13[%get3A_254, %get3A_255] {strides = array<i32>} : memref<16x128xf32, #tpu.memory_space<vmem>>, vector<16xf32>,
        %mul3A_257 = vector.broadcast %squeeze3A_187 : f32 to vector<16xf32>
        %mul3A_258 = arith.mulf %get3A_256, %mul3A_257 : vector<16xf32>
        %get3A_259 = arith.index_cast %squeeze3A_185 : i32 to index
        %get3A_260 = arith.constant 80 : index
        %get3A_261 = tpu.vector_load %arg14[%get3A_259, %get3A_260] {strides = array<i32>} : memref<321x128xf32, #tpu.memory_space<vmem>>, vector<16xf32>,
        %max3A_262 = arith.maximumf %get3A_261, %mul3A_258 : vector<16xf32>
        %swap3A_263 = arith.index_cast %squeeze3A_185 : i32 to index
        %swap3A_264 = arith.constant 80 : index
        %swap3A_265 = tpu.vector_load %arg14[%swap3A_263, %swap3A_264] {strides = array<i32>} : memref<321x128xf32, #tpu.memory_space<vmem>>, vector<16xf32>,
        tpu.vector_store %arg14[%swap3A_263, %swap3A_264], %max3A_262 {strides = array<i32>} : memref<321x128xf32, #tpu.memory_space<vmem>>, vector<16xf32>,
        %get3A_266 = arith.constant 1 : i32
        %get3A_267 = arith.index_cast %get3A_266 : i32 to index
        %get3A_268 = arith.constant 96 : index
        %get3A_269 = tpu.vector_load %arg13[%get3A_267, %get3A_268] {strides = array<i32>} : memref<16x128xf32, #tpu.memory_space<vmem>>, vector<16xf32>,
        %mul3A_270 = vector.broadcast %squeeze3A_187 : f32 to vector<16xf32>
        %mul3A_271 = arith.mulf %get3A_269, %mul3A_270 : vector<16xf32>
        %get3A_272 = arith.index_cast %squeeze3A_185 : i32 to index
        %get3A_273 = arith.constant 96 : index
        %get3A_274 = tpu.vector_load %arg14[%get3A_272, %get3A_273] {strides = array<i32>} : memref<321x128xf32, #tpu.memory_space<vmem>>, vector<16xf32>,
        %max3A_275 = arith.maximumf %get3A_274, %mul3A_271 : vector<16xf32>
        %swap3A_276 = arith.index_cast %squeeze3A_185 : i32 to index
        %swap3A_277 = arith.constant 96 : index
        %swap3A_278 = tpu.vector_load %arg14[%swap3A_276, %swap3A_277] {strides = array<i32>} : memref<321x128xf32, #tpu.memory_space<vmem>>, vector<16xf32>,
        tpu.vector_store %arg14[%swap3A_276, %swap3A_277], %max3A_275 {strides = array<i32>} : memref<321x128xf32, #tpu.memory_space<vmem>>, vector<16xf32>,
        %get3A_279 = arith.constant 1 : i32
        %get3A_280 = arith.index_cast %get3A_279 : i32 to index
        %get3A_281 = arith.constant 112 : index
        %get3A_282 = tpu.vector_load %arg13[%get3A_280, %get3A_281] {strides = array<i32>} : memref<16x128xf32, #tpu.memory_space<vmem>>, vector<16xf32>,
        %mul3A_283 = vector.broadcast %squeeze3A_187 : f32 to vector<16xf32>
        %mul3A_284 = arith.mulf %get3A_282, %mul3A_283 : vector<16xf32>
        %get3A_285 = arith.index_cast %squeeze3A_185 : i32 to index
        %get3A_286 = arith.constant 112 : index
        %get3A_287 = tpu.vector_load %arg14[%get3A_285, %get3A_286] {strides = array<i32>} : memref<321x128xf32, #tpu.memory_space<vmem>>, vector<16xf32>,
        %max3A_288 = arith.maximumf %get3A_287, %mul3A_284 : vector<16xf32>
        %swap3A_289 = arith.index_cast %squeeze3A_185 : i32 to index
        %swap3A_290 = arith.constant 112 : index
        %swap3A_291 = tpu.vector_load %arg14[%swap3A_289, %swap3A_290] {strides = array<i32>} : memref<321x128xf32, #tpu.memory_space<vmem>>, vector<16xf32>,
        tpu.vector_store %arg14[%swap3A_289, %swap3A_290], %max3A_288 {strides = array<i32>} : memref<321x128xf32, #tpu.memory_space<vmem>>, vector<16xf32>,
        %slice3A_292 = vector.extract_strided_slice %get3A_75 {offsets = [2], sizes = [1], strides = [1]} : vector<16xi32> to vector<1xi32>
        %squeeze3A_293 = vector.extract %slice3A_292[0] : i32 from vector<1xi32>
        %slice3A_294 = vector.extract_strided_slice %get3A_79 {offsets = [2], sizes = [1], strides = [1]} : vector<16xf32> to vector<1xf32>
        %squeeze3A_295 = vector.extract %slice3A_294[0] : f32 from vector<1xf32>
        %get3A_296 = arith.constant 2 : i32
        %get3A_297 = arith.index_cast %get3A_296 : i32 to index
        %get3A_298 = arith.constant 0 : index
        %get3A_299 = tpu.vector_load %arg13[%get3A_297, %get3A_298] {strides = array<i32>} : memref<16x128xf32, #tpu.memory_space<vmem>>, vector<16xf32>,
        %mul3A_300 = vector.broadcast %squeeze3A_295 : f32 to vector<16xf32>
        %mul3A_301 = arith.mulf %get3A_299, %mul3A_300 : vector<16xf32>
        %get3A_302 = arith.index_cast %squeeze3A_293 : i32 to index
        %get3A_303 = arith.constant 0 : index
        %get3A_304 = tpu.vector_load %arg14[%get3A_302, %get3A_303] {strides = array<i32>} : memref<321x128xf32, #tpu.memory_space<vmem>>, vector<16xf32>,
        %max3A_305 = arith.maximumf %get3A_304, %mul3A_301 : vector<16xf32>
        %swap3A_306 = arith.index_cast %squeeze3A_293 : i32 to index
        %swap3A_307 = arith.constant 0 : index
        %swap3A_308 = tpu.vector_load %arg14[%swap3A_306, %swap3A_307] {strides = array<i32>} : memref<321x128xf32, #tpu.memory_space<vmem>>, vector<16xf32>,
        tpu.vector_store %arg14[%swap3A_306, %swap3A_307], %max3A_305 {strides = array<i32>} : memref<321x128xf32, #tpu.memory_space<vmem>>, vector<16xf32>,
        %get3A_309 = arith.constant 2 : i32
        %get3A_310 = arith.index_cast %get3A_309 : i32 to index
        %get3A_311 = arith.constant 16 : index
        %get3A_312 = tpu.vector_load %arg13[%get3A_310, %get3A_311] {strides = array<i32>} : memref<16x128xf32, #tpu.memory_space<vmem>>, vector<16xf32>,
        %mul3A_313 = vector.broadcast %squeeze3A_295 : f32 to vector<16xf32>
        %mul3A_314 = arith.mulf %get3A_312, %mul3A_313 : vector<16xf32>
        %get3A_315 = arith.index_cast %squeeze3A_293 : i32 to index
        %get3A_316 = arith.constant 16 : index
        %get3A_317 = tpu.vector_load %arg14[%get3A_315, %get3A_316] {strides = array<i32>} : memref<321x128xf32, #tpu.memory_space<vmem>>, vector<16xf32>,
        %max3A_318 = arith.maximumf %get3A_317, %mul3A_314 : vector<16xf32>
        %swap3A_319 = arith.index_cast %squeeze3A_293 : i32 to index
        %swap3A_320 = arith.constant 16 : index
        %swap3A_321 = tpu.vector_load %arg14[%swap3A_319, %swap3A_320] {strides = array<i32>} : memref<321x128xf32, #tpu.memory_space<vmem>>, vector<16xf32>,
        tpu.vector_store %arg14[%swap3A_319, %swap3A_320], %max3A_318 {strides = array<i32>} : memref<321x128xf32, #tpu.memory_space<vmem>>, vector<16xf32>,
        %get3A_322 = arith.constant 2 : i32
        %get3A_323 = arith.index_cast %get3A_322 : i32 to index
        %get3A_324 = arith.constant 32 : index
        %get3A_325 = tpu.vector_load %arg13[%get3A_323, %get3A_324] {strides = array<i32>} : memref<16x128xf32, #tpu.memory_space<vmem>>, vector<16xf32>,
        %mul3A_326 = vector.broadcast %squeeze3A_295 : f32 to vector<16xf32>
        %mul3A_327 = arith.mulf %get3A_325, %mul3A_326 : vector<16xf32>
        %get3A_328 = arith.index_cast %squeeze3A_293 : i32 to index
        %get3A_329 = arith.constant 32 : index
        %get3A_330 = tpu.vector_load %arg14[%get3A_328, %get3A_329] {strides = array<i32>} : memref<321x128xf32, #tpu.memory_space<vmem>>, vector<16xf32>,
        %max3A_331 = arith.maximumf %get3A_330, %mul3A_327 : vector<16xf32>
        %swap3A_332 = arith.index_cast %squeeze3A_293 : i32 to index
        %swap3A_333 = arith.constant 32 : index
        %swap3A_334 = tpu.vector_load %arg14[%swap3A_332, %swap3A_333] {strides = array<i32>} : memref<321x128xf32, #tpu.memory_space<vmem>>, vector<16xf32>,
        tpu.vector_store %arg14[%swap3A_332, %swap3A_333], %max3A_331 {strides = array<i32>} : memref<321x128xf32, #tpu.memory_space<vmem>>, vector<16xf32>,
        %get3A_335 = arith.constant 2 : i32
        %get3A_336 = arith.index_cast %get3A_335 : i32 to index
        %get3A_337 = arith.constant 48 : index
        %get3A_338 = tpu.vector_load %arg13[%get3A_336, %get3A_337] {strides = array<i32>} : memref<16x128xf32, #tpu.memory_space<vmem>>, vector<16xf32>,
        %mul3A_339 = vector.broadcast %squeeze3A_295 : f32 to vector<16xf32>
        %mul3A_340 = arith.mulf %get3A_338, %mul3A_339 : vector<16xf32>
        %get3A_341 = arith.index_cast %squeeze3A_293 : i32 to index
        %get3A_342 = arith.constant 48 : index
        %get3A_343 = tpu.vector_load %arg14[%get3A_341, %get3A_342] {strides = array<i32>} : memref<321x128xf32, #tpu.memory_space<vmem>>, vector<16xf32>,
        %max3A_344 = arith.maximumf %get3A_343, %mul3A_340 : vector<16xf32>
        %swap3A_345 = arith.index_cast %squeeze3A_293 : i32 to index
        %swap3A_346 = arith.constant 48 : index
        %swap3A_347 = tpu.vector_load %arg14[%swap3A_345, %swap3A_346] {strides = array<i32>} : memref<321x128xf32, #tpu.memory_space<vmem>>, vector<16xf32>,
        tpu.vector_store %arg14[%swap3A_345, %swap3A_346], %max3A_344 {strides = array<i32>} : memref<321x128xf32, #tpu.memory_space<vmem>>, vector<16xf32>,
        %get3A_348 = arith.constant 2 : i32
        %get3A_349 = arith.index_cast %get3A_348 : i32 to index
        %get3A_350 = arith.constant 64 : index
        %get3A_351 = tpu.vector_load %arg13[%get3A_349, %get3A_350] {strides = array<i32>} : memref<16x128xf32, #tpu.memory_space<vmem>>, vector<16xf32>,
        %mul3A_352 = vector.broadcast %squeeze3A_295 : f32 to vector<16xf32>
        %mul3A_353 = arith.mulf %get3A_351, %mul3A_352 : vector<16xf32>
        %get3A_354 = arith.index_cast %squeeze3A_293 : i32 to index
        %get3A_355 = arith.constant 64 : index
        %get3A_356 = tpu.vector_load %arg14[%get3A_354, %get3A_355] {strides = array<i32>} : memref<321x128xf32, #tpu.memory_space<vmem>>, vector<16xf32>,
        %max3A_357 = arith.maximumf %get3A_356, %mul3A_353 : vector<16xf32>
        %swap3A_358 = arith.index_cast %squeeze3A_293 : i32 to index
        %swap3A_359 = arith.constant 64 : index
        %swap3A_360 = tpu.vector_load %arg14[%swap3A_358, %swap3A_359] {strides = array<i32>} : memref<321x128xf32, #tpu.memory_space<vmem>>, vector<16xf32>,
        tpu.vector_store %arg14[%swap3A_358, %swap3A_359], %max3A_357 {strides = array<i32>} : memref<321x128xf32, #tpu.memory_space<vmem>>, vector<16xf32>,
        %get3A_361 = arith.constant 2 : i32
        %get3A_362 = arith.index_cast %get3A_361 : i32 to index
        %get3A_363 = arith.constant 80 : index
        %get3A_364 = tpu.vector_load %arg13[%get3A_362, %get3A_363] {strides = array<i32>} : memref<16x128xf32, #tpu.memory_space<vmem>>, vector<16xf32>,
        %mul3A_365 = vector.broadcast %squeeze3A_295 : f32 to vector<16xf32>
        %mul3A_366 = arith.mulf %get3A_364, %mul3A_365 : vector<16xf32>
        %get3A_367 = arith.index_cast %squeeze3A_293 : i32 to index
        %get3A_368 = arith.constant 80 : index
        %get3A_369 = tpu.vector_load %arg14[%get3A_367, %get3A_368] {strides = array<i32>} : memref<321x128xf32, #tpu.memory_space<vmem>>, vector<16xf32>,
        %max3A_370 = arith.maximumf %get3A_369, %mul3A_366 : vector<16xf32>
        %swap3A_371 = arith.index_cast %squeeze3A_293 : i32 to index
        %swap3A_372 = arith.constant 80 : index
        %swap3A_373 = tpu.vector_load %arg14[%swap3A_371, %swap3A_372] {strides = array<i32>} : memref<321x128xf32, #tpu.memory_space<vmem>>, vector<16xf32>,
        tpu.vector_store %arg14[%swap3A_371, %swap3A_372], %max3A_370 {strides = array<i32>} : memref<321x128xf32, #tpu.memory_space<vmem>>, vector<16xf32>,
        %get3A_374 = arith.constant 2 : i32
        %get3A_375 = arith.index_cast %get3A_374 : i32 to index
        %get3A_376 = arith.constant 96 : index
        %get3A_377 = tpu.vector_load %arg13[%get3A_375, %get3A_376] {strides = array<i32>} : memref<16x128xf32, #tpu.memory_space<vmem>>, vector<16xf32>,
        %mul3A_378 = vector.broadcast %squeeze3A_295 : f32 to vector<16xf32>
        %mul3A_379 = arith.mulf %get3A_377, %mul3A_378 : vector<16xf32>
        %get3A_380 = arith.index_cast %squeeze3A_293 : i32 to index
        %get3A_381 = arith.constant 96 : index
        %get3A_382 = tpu.vector_load %arg14[%get3A_380, %get3A_381] {strides = array<i32>} : memref<321x128xf32, #tpu.memory_space<vmem>>, vector<16xf32>,
        %max3A_383 = arith.maximumf %get3A_382, %mul3A_379 : vector<16xf32>
        %swap3A_384 = arith.index_cast %squeeze3A_293 : i32 to index
        %swap3A_385 = arith.constant 96 : index
        %swap3A_386 = tpu.vector_load %arg14[%swap3A_384, %swap3A_385] {strides = array<i32>} : memref<321x128xf32, #tpu.memory_space<vmem>>, vector<16xf32>,
        tpu.vector_store %arg14[%swap3A_384, %swap3A_385], %max3A_383 {strides = array<i32>} : memref<321x128xf32, #tpu.memory_space<vmem>>, vector<16xf32>,
        %get3A_387 = arith.constant 2 : i32
        %get3A_388 = arith.index_cast %get3A_387 : i32 to index
        %get3A_389 = arith.constant 112 : index
        %get3A_390 = tpu.vector_load %arg13[%get3A_388, %get3A_389] {strides = array<i32>} : memref<16x128xf32, #tpu.memory_space<vmem>>, vector<16xf32>,
        %mul3A_391 = vector.broadcast %squeeze3A_295 : f32 to vector<16xf32>
        %mul3A_392 = arith.mulf %get3A_390, %mul3A_391 : vector<16xf32>
        %get3A_393 = arith.index_cast %squeeze3A_293 : i32 to index
        %get3A_394 = arith.constant 112 : index
        %get3A_395 = tpu.vector_load %arg14[%get3A_393, %get3A_394] {strides = array<i32>} : memref<321x128xf32, #tpu.memory_space<vmem>>, vector<16xf32>,
        %max3A_396 = arith.maximumf %get3A_395, %mul3A_392 : vector<16xf32>
        %swap3A_397 = arith.index_cast %squeeze3A_293 : i32 to index
        %swap3A_398 = arith.constant 112 : index
        %swap3A_399 = tpu.vector_load %arg14[%swap3A_397, %swap3A_398] {strides = array<i32>} : memref<321x128xf32, #tpu.memory_space<vmem>>, vector<16xf32>,
        tpu.vector_store %arg14[%swap3A_397, %swap3A_398], %max3A_396 {strides = array<i32>} : memref<321x128xf32, #tpu.memory_space<vmem>>, vector<16xf32>,
        %slice3A_400 = vector.extract_strided_slice %get3A_75 {offsets = [3], sizes = [1], strides = [1]} : vector<16xi32> to vector<1xi32>
        %squeeze3A_401 = vector.extract %slice3A_400[0] : i32 from vector<1xi32>
        %slice3A_402 = vector.extract_strided_slice %get3A_79 {offsets = [3], sizes = [1], strides = [1]} : vector<16xf32> to vector<1xf32>
        %squeeze3A_403 = vector.extract %slice3A_402[0] : f32 from vector<1xf32>
        %get3A_404 = arith.constant 3 : i32
        %get3A_405 = arith.index_cast %get3A_404 : i32 to index
        %get3A_406 = arith.constant 0 : index
        %get3A_407 = tpu.vector_load %arg13[%get3A_405, %get3A_406] {strides = array<i32>} : memref<16x128xf32, #tpu.memory_space<vmem>>, vector<16xf32>,
        %mul3A_408 = vector.broadcast %squeeze3A_403 : f32 to vector<16xf32>
        %mul3A_409 = arith.mulf %get3A_407, %mul3A_408 : vector<16xf32>
        %get3A_410 = arith.index_cast %squeeze3A_401 : i32 to index
        %get3A_411 = arith.constant 0 : index
        %get3A_412 = tpu.vector_load %arg14[%get3A_410, %get3A_411] {strides = array<i32>} : memref<321x128xf32, #tpu.memory_space<vmem>>, vector<16xf32>,
        %max3A_413 = arith.maximumf %get3A_412, %mul3A_409 : vector<16xf32>
        %swap3A_414 = arith.index_cast %squeeze3A_401 : i32 to index
        %swap3A_415 = arith.constant 0 : index
        %swap3A_416 = tpu.vector_load %arg14[%swap3A_414, %swap3A_415] {strides = array<i32>} : memref<321x128xf32, #tpu.memory_space<vmem>>, vector<16xf32>,
        tpu.vector_store %arg14[%swap3A_414, %swap3A_415], %max3A_413 {strides = array<i32>} : memref<321x128xf32, #tpu.memory_space<vmem>>, vector<16xf32>,
        %get3A_417 = arith.constant 3 : i32
        %get3A_418 = arith.index_cast %get3A_417 : i32 to index
        %get3A_419 = arith.constant 16 : index
        %get3A_420 = tpu.vector_load %arg13[%get3A_418, %get3A_419] {strides = array<i32>} : memref<16x128xf32, #tpu.memory_space<vmem>>, vector<16xf32>,
        %mul3A_421 = vector.broadcast %squeeze3A_403 : f32 to vector<16xf32>
        %mul3A_422 = arith.mulf %get3A_420, %mul3A_421 : vector<16xf32>
        %get3A_423 = arith.index_cast %squeeze3A_401 : i32 to index
        %get3A_424 = arith.constant 16 : index
        %get3A_425 = tpu.vector_load %arg14[%get3A_423, %get3A_424] {strides = array<i32>} : memref<321x128xf32, #tpu.memory_space<vmem>>, vector<16xf32>,
        %max3A_426 = arith.maximumf %get3A_425, %mul3A_422 : vector<16xf32>
        %swap3A_427 = arith.index_cast %squeeze3A_401 : i32 to index
        %swap3A_428 = arith.constant 16 : index
        %swap3A_429 = tpu.vector_load %arg14[%swap3A_427, %swap3A_428] {strides = array<i32>} : memref<321x128xf32, #tpu.memory_space<vmem>>, vector<16xf32>,
        tpu.vector_store %arg14[%swap3A_427, %swap3A_428], %max3A_426 {strides = array<i32>} : memref<321x128xf32, #tpu.memory_space<vmem>>, vector<16xf32>,
        %get3A_430 = arith.constant 3 : i32
        %get3A_431 = arith.index_cast %get3A_430 : i32 to index
        %get3A_432 = arith.constant 32 : index
        %get3A_433 = tpu.vector_load %arg13[%get3A_431, %get3A_432] {strides = array<i32>} : memref<16x128xf32, #tpu.memory_space<vmem>>, vector<16xf32>,
        %mul3A_434 = vector.broadcast %squeeze3A_403 : f32 to vector<16xf32>
        %mul3A_435 = arith.mulf %get3A_433, %mul3A_434 : vector<16xf32>
        %get3A_436 = arith.index_cast %squeeze3A_401 : i32 to index
        %get3A_437 = arith.constant 32 : index
        %get3A_438 = tpu.vector_load %arg14[%get3A_436, %get3A_437] {strides = array<i32>} : memref<321x128xf32, #tpu.memory_space<vmem>>, vector<16xf32>,
        %max3A_439 = arith.maximumf %get3A_438, %mul3A_435 : vector<16xf32>
        %swap3A_440 = arith.index_cast %squeeze3A_401 : i32 to index
        %swap3A_441 = arith.constant 32 : index
        %swap3A_442 = tpu.vector_load %arg14[%swap3A_440, %swap3A_441] {strides = array<i32>} : memref<321x128xf32, #tpu.memory_space<vmem>>, vector<16xf32>,
        tpu.vector_store %arg14[%swap3A_440, %swap3A_441], %max3A_439 {strides = array<i32>} : memref<321x128xf32, #tpu.memory_space<vmem>>, vector<16xf32>,
        %get3A_443 = arith.constant 3 : i32
        %get3A_444 = arith.index_cast %get3A_443 : i32 to index
        %get3A_445 = arith.constant 48 : index
        %get3A_446 = tpu.vector_load %arg13[%get3A_444, %get3A_445] {strides = array<i32>} : memref<16x128xf32, #tpu.memory_space<vmem>>, vector<16xf32>,
        %mul3A_447 = vector.broadcast %squeeze3A_403 : f32 to vector<16xf32>
        %mul3A_448 = arith.mulf %get3A_446, %mul3A_447 : vector<16xf32>
        %get3A_449 = arith.index_cast %squeeze3A_401 : i32 to index
        %get3A_450 = arith.constant 48 : index
        %get3A_451 = tpu.vector_load %arg14[%get3A_449, %get3A_450] {strides = array<i32>} : memref<321x128xf32, #tpu.memory_space<vmem>>, vector<16xf32>,
        %max3A_452 = arith.maximumf %get3A_451, %mul3A_448 : vector<16xf32>
        %swap3A_453 = arith.index_cast %squeeze3A_401 : i32 to index
        %swap3A_454 = arith.constant 48 : index
        %swap3A_455 = tpu.vector_load %arg14[%swap3A_453, %swap3A_454] {strides = array<i32>} : memref<321x128xf32, #tpu.memory_space<vmem>>, vector<16xf32>,
        tpu.vector_store %arg14[%swap3A_453, %swap3A_454], %max3A_452 {strides = array<i32>} : memref<321x128xf32, #tpu.memory_space<vmem>>, vector<16xf32>,
        %get3A_456 = arith.constant 3 : i32
        %get3A_457 = arith.index_cast %get3A_456 : i32 to index
        %get3A_458 = arith.constant 64 : index
        %get3A_459 = tpu.vector_load %arg13[%get3A_457, %get3A_458] {strides = array<i32>} : memref<16x128xf32, #tpu.memory_space<vmem>>, vector<16xf32>,
        %mul3A_460 = vector.broadcast %squeeze3A_403 : f32 to vector<16xf32>
        %mul3A_461 = arith.mulf %get3A_459, %mul3A_460 : vector<16xf32>
        %get3A_462 = arith.index_cast %squeeze3A_401 : i32 to index
        %get3A_463 = arith.constant 64 : index
        %get3A_464 = tpu.vector_load %arg14[%get3A_462, %get3A_463] {strides = array<i32>} : memref<321x128xf32, #tpu.memory_space<vmem>>, vector<16xf32>,
        %max3A_465 = arith.maximumf %get3A_464, %mul3A_461 : vector<16xf32>
        %swap3A_466 = arith.index_cast %squeeze3A_401 : i32 to index
        %swap3A_467 = arith.constant 64 : index
        %swap3A_468 = tpu.vector_load %arg14[%swap3A_466, %swap3A_467] {strides = array<i32>} : memref<321x128xf32, #tpu.memory_space<vmem>>, vector<16xf32>,
        tpu.vector_store %arg14[%swap3A_466, %swap3A_467], %max3A_465 {strides = array<i32>} : memref<321x128xf32, #tpu.memory_space<vmem>>, vector<16xf32>,
        %get3A_469 = arith.constant 3 : i32
        %get3A_470 = arith.index_cast %get3A_469 : i32 to index
        %get3A_471 = arith.constant 80 : index
        %get3A_472 = tpu.vector_load %arg13[%get3A_470, %get3A_471] {strides = array<i32>} : memref<16x128xf32, #tpu.memory_space<vmem>>, vector<16xf32>,
        %mul3A_473 = vector.broadcast %squeeze3A_403 : f32 to vector<16xf32>
        %mul3A_474 = arith.mulf %get3A_472, %mul3A_473 : vector<16xf32>
        %get3A_475 = arith.index_cast %squeeze3A_401 : i32 to index
        %get3A_476 = arith.constant 80 : index
        %get3A_477 = tpu.vector_load %arg14[%get3A_475, %get3A_476] {strides = array<i32>} : memref<321x128xf32, #tpu.memory_space<vmem>>, vector<16xf32>,
        %max3A_478 = arith.maximumf %get3A_477, %mul3A_474 : vector<16xf32>
        %swap3A_479 = arith.index_cast %squeeze3A_401 : i32 to index
        %swap3A_480 = arith.constant 80 : index
        %swap3A_481 = tpu.vector_load %arg14[%swap3A_479, %swap3A_480] {strides = array<i32>} : memref<321x128xf32, #tpu.memory_space<vmem>>, vector<16xf32>,
        tpu.vector_store %arg14[%swap3A_479, %swap3A_480], %max3A_478 {strides = array<i32>} : memref<321x128xf32, #tpu.memory_space<vmem>>, vector<16xf32>,
        %get3A_482 = arith.constant 3 : i32
        %get3A_483 = arith.index_cast %get3A_482 : i32 to index
        %get3A_484 = arith.constant 96 : index
        %get3A_485 = tpu.vector_load %arg13[%get3A_483, %get3A_484] {strides = array<i32>} : memref<16x128xf32, #tpu.memory_space<vmem>>, vector<16xf32>,
        %mul3A_486 = vector.broadcast %squeeze3A_403 : f32 to vector<16xf32>
        %mul3A_487 = arith.mulf %get3A_485, %mul3A_486 : vector<16xf32>
        %get3A_488 = arith.index_cast %squeeze3A_401 : i32 to index
        %get3A_489 = arith.constant 96 : index
        %get3A_490 = tpu.vector_load %arg14[%get3A_488, %get3A_489] {strides = array<i32>} : memref<321x128xf32, #tpu.memory_space<vmem>>, vector<16xf32>,
        %max3A_491 = arith.maximumf %get3A_490, %mul3A_487 : vector<16xf32>
        %swap3A_492 = arith.index_cast %squeeze3A_401 : i32 to index
        %swap3A_493 = arith.constant 96 : index
        %swap3A_494 = tpu.vector_load %arg14[%swap3A_492, %swap3A_493] {strides = array<i32>} : memref<321x128xf32, #tpu.memory_space<vmem>>, vector<16xf32>,
        tpu.vector_store %arg14[%swap3A_492, %swap3A_493], %max3A_491 {strides = array<i32>} : memref<321x128xf32, #tpu.memory_space<vmem>>, vector<16xf32>,
        %get3A_495 = arith.constant 3 : i32
        %get3A_496 = arith.index_cast %get3A_495 : i32 to index
        %get3A_497 = arith.constant 112 : index
        %get3A_498 = tpu.vector_load %arg13[%get3A_496, %get3A_497] {strides = array<i32>} : memref<16x128xf32, #tpu.memory_space<vmem>>, vector<16xf32>,
        %mul3A_499 = vector.broadcast %squeeze3A_403 : f32 to vector<16xf32>
        %mul3A_500 = arith.mulf %get3A_498, %mul3A_499 : vector<16xf32>
        %get3A_501 = arith.index_cast %squeeze3A_401 : i32 to index
        %get3A_502 = arith.constant 112 : index
        %get3A_503 = tpu.vector_load %arg14[%get3A_501, %get3A_502] {strides = array<i32>} : memref<321x128xf32, #tpu.memory_space<vmem>>, vector<16xf32>,
        %max3A_504 = arith.maximumf %get3A_503, %mul3A_500 : vector<16xf32>
        %swap3A_505 = arith.index_cast %squeeze3A_401 : i32 to index
        %swap3A_506 = arith.constant 112 : index
        %swap3A_507 = tpu.vector_load %arg14[%swap3A_505, %swap3A_506] {strides = array<i32>} : memref<321x128xf32, #tpu.memory_space<vmem>>, vector<16xf32>,
        tpu.vector_store %arg14[%swap3A_505, %swap3A_506], %max3A_504 {strides = array<i32>} : memref<321x128xf32, #tpu.memory_space<vmem>>, vector<16xf32>,
        %slice3A_508 = vector.extract_strided_slice %get3A_75 {offsets = [4], sizes = [1], strides = [1]} : vector<16xi32> to vector<1xi32>
        %squeeze3A_509 = vector.extract %slice3A_508[0] : i32 from vector<1xi32>
        %slice3A_510 = vector.extract_strided_slice %get3A_79 {offsets = [4], sizes = [1], strides = [1]} : vector<16xf32> to vector<1xf32>
        %squeeze3A_511 = vector.extract %slice3A_510[0] : f32 from vector<1xf32>
        %get3A_512 = arith.constant 4 : i32
        %get3A_513 = arith.index_cast %get3A_512 : i32 to index
        %get3A_514 = arith.constant 0 : index
        %get3A_515 = tpu.vector_load %arg13[%get3A_513, %get3A_514] {strides = array<i32>} : memref<16x128xf32, #tpu.memory_space<vmem>>, vector<16xf32>,
        %mul3A_516 = vector.broadcast %squeeze3A_511 : f32 to vector<16xf32>
        %mul3A_517 = arith.mulf %get3A_515, %mul3A_516 : vector<16xf32>
        %get3A_518 = arith.index_cast %squeeze3A_509 : i32 to index
        %get3A_519 = arith.constant 0 : index
        %get3A_520 = tpu.vector_load %arg14[%get3A_518, %get3A_519] {strides = array<i32>} : memref<321x128xf32, #tpu.memory_space<vmem>>, vector<16xf32>,
        %max3A_521 = arith.maximumf %get3A_520, %mul3A_517 : vector<16xf32>
        %swap3A_522 = arith.index_cast %squeeze3A_509 : i32 to index
        %swap3A_523 = arith.constant 0 : index
        %swap3A_524 = tpu.vector_load %arg14[%swap3A_522, %swap3A_523] {strides = array<i32>} : memref<321x128xf32, #tpu.memory_space<vmem>>, vector<16xf32>,
        tpu.vector_store %arg14[%swap3A_522, %swap3A_523], %max3A_521 {strides = array<i32>} : memref<321x128xf32, #tpu.memory_space<vmem>>, vector<16xf32>,
        %get3A_525 = arith.constant 4 : i32
        %get3A_526 = arith.index_cast %get3A_525 : i32 to index
        %get3A_527 = arith.constant 16 : index
        %get3A_528 = tpu.vector_load %arg13[%get3A_526, %get3A_527] {strides = array<i32>} : memref<16x128xf32, #tpu.memory_space<vmem>>, vector<16xf32>,
        %mul3A_529 = vector.broadcast %squeeze3A_511 : f32 to vector<16xf32>
        %mul3A_530 = arith.mulf %get3A_528, %mul3A_529 : vector<16xf32>
        %get3A_531 = arith.index_cast %squeeze3A_509 : i32 to index
        %get3A_532 = arith.constant 16 : index
        %get3A_533 = tpu.vector_load %arg14[%get3A_531, %get3A_532] {strides = array<i32>} : memref<321x128xf32, #tpu.memory_space<vmem>>, vector<16xf32>,
        %max3A_534 = arith.maximumf %get3A_533, %mul3A_530 : vector<16xf32>
        %swap3A_535 = arith.index_cast %squeeze3A_509 : i32 to index
        %swap3A_536 = arith.constant 16 : index
        %swap3A_537 = tpu.vector_load %arg14[%swap3A_535, %swap3A_536] {strides = array<i32>} : memref<321x128xf32, #tpu.memory_space<vmem>>, vector<16xf32>,
        tpu.vector_store %arg14[%swap3A_535, %swap3A_536], %max3A_534 {strides = array<i32>} : memref<321x128xf32, #tpu.memory_space<vmem>>, vector<16xf32>,
        %get3A_538 = arith.constant 4 : i32
        %get3A_539 = arith.index_cast %get3A_538 : i32 to index
        %get3A_540 = arith.constant 32 : index
        %get3A_541 = tpu.vector_load %arg13[%get3A_539, %get3A_540] {strides = array<i32>} : memref<16x128xf32, #tpu.memory_space<vmem>>, vector<16xf32>,
        %mul3A_542 = vector.broadcast %squeeze3A_511 : f32 to vector<16xf32>
        %mul3A_543 = arith.mulf %get3A_541, %mul3A_542 : vector<16xf32>
        %get3A_544 = arith.index_cast %squeeze3A_509 : i32 to index
        %get3A_545 = arith.constant 32 : index
        %get3A_546 = tpu.vector_load %arg14[%get3A_544, %get3A_545] {strides = array<i32>} : memref<321x128xf32, #tpu.memory_space<vmem>>, vector<16xf32>,
        %max3A_547 = arith.maximumf %get3A_546, %mul3A_543 : vector<16xf32>
        %swap3A_548 = arith.index_cast %squeeze3A_509 : i32 to index
        %swap3A_549 = arith.constant 32 : index
        %swap3A_550 = tpu.vector_load %arg14[%swap3A_548, %swap3A_549] {strides = array<i32>} : memref<321x128xf32, #tpu.memory_space<vmem>>, vector<16xf32>,
        tpu.vector_store %arg14[%swap3A_548, %swap3A_549], %max3A_547 {strides = array<i32>} : memref<321x128xf32, #tpu.memory_space<vmem>>, vector<16xf32>,
        %get3A_551 = arith.constant 4 : i32
        %get3A_552 = arith.index_cast %get3A_551 : i32 to index
        %get3A_553 = arith.constant 48 : index
        %get3A_554 = tpu.vector_load %arg13[%get3A_552, %get3A_553] {strides = array<i32>} : memref<16x128xf32, #tpu.memory_space<vmem>>, vector<16xf32>,
        %mul3A_555 = vector.broadcast %squeeze3A_511 : f32 to vector<16xf32>
        %mul3A_556 = arith.mulf %get3A_554, %mul3A_555 : vector<16xf32>
        %get3A_557 = arith.index_cast %squeeze3A_509 : i32 to index
        %get3A_558 = arith.constant 48 : index
        %get3A_559 = tpu.vector_load %arg14[%get3A_557, %get3A_558] {strides = array<i32>} : memref<321x128xf32, #tpu.memory_space<vmem>>, vector<16xf32>,
        %max3A_560 = arith.maximumf %get3A_559, %mul3A_556 : vector<16xf32>
        %swap3A_561 = arith.index_cast %squeeze3A_509 : i32 to index
        %swap3A_562 = arith.constant 48 : index
        %swap3A_563 = tpu.vector_load %arg14[%swap3A_561, %swap3A_562] {strides = array<i32>} : memref<321x128xf32, #tpu.memory_space<vmem>>, vector<16xf32>,
        tpu.vector_store %arg14[%swap3A_561, %swap3A_562], %max3A_560 {strides = array<i32>} : memref<321x128xf32, #tpu.memory_space<vmem>>, vector<16xf32>,
        %get3A_564 = arith.constant 4 : i32
        %get3A_565 = arith.index_cast %get3A_564 : i32 to index
        %get3A_566 = arith.constant 64 : index
        %get3A_567 = tpu.vector_load %arg13[%get3A_565, %get3A_566] {strides = array<i32>} : memref<16x128xf32, #tpu.memory_space<vmem>>, vector<16xf32>,
        %mul3A_568 = vector.broadcast %squeeze3A_511 : f32 to vector<16xf32>
        %mul3A_569 = arith.mulf %get3A_567, %mul3A_568 : vector<16xf32>
        %get3A_570 = arith.index_cast %squeeze3A_509 : i32 to index
        %get3A_571 = arith.constant 64 : index
        %get3A_572 = tpu.vector_load %arg14[%get3A_570, %get3A_571] {strides = array<i32>} : memref<321x128xf32, #tpu.memory_space<vmem>>, vector<16xf32>,
        %max3A_573 = arith.maximumf %get3A_572, %mul3A_569 : vector<16xf32>
        %swap3A_574 = arith.index_cast %squeeze3A_509 : i32 to index
        %swap3A_575 = arith.constant 64 : index
        %swap3A_576 = tpu.vector_load %arg14[%swap3A_574, %swap3A_575] {strides = array<i32>} : memref<321x128xf32, #tpu.memory_space<vmem>>, vector<16xf32>,
        tpu.vector_store %arg14[%swap3A_574, %swap3A_575], %max3A_573 {strides = array<i32>} : memref<321x128xf32, #tpu.memory_space<vmem>>, vector<16xf32>,
        %get3A_577 = arith.constant 4 : i32
        %get3A_578 = arith.index_cast %get3A_577 : i32 to index
        %get3A_579 = arith.constant 80 : index
        %get3A_580 = tpu.vector_load %arg13[%get3A_578, %get3A_579] {strides = array<i32>} : memref<16x128xf32, #tpu.memory_space<vmem>>, vector<16xf32>,
        %mul3A_581 = vector.broadcast %squeeze3A_511 : f32 to vector<16xf32>
        %mul3A_582 = arith.mulf %get3A_580, %mul3A_581 : vector<16xf32>
        %get3A_583 = arith.index_cast %squeeze3A_509 : i32 to index
        %get3A_584 = arith.constant 80 : index
        %get3A_585 = tpu.vector_load %arg14[%get3A_583, %get3A_584] {strides = array<i32>} : memref<321x128xf32, #tpu.memory_space<vmem>>, vector<16xf32>,
        %max3A_586 = arith.maximumf %get3A_585, %mul3A_582 : vector<16xf32>
        %swap3A_587 = arith.index_cast %squeeze3A_509 : i32 to index
        %swap3A_588 = arith.constant 80 : index
        %swap3A_589 = tpu.vector_load %arg14[%swap3A_587, %swap3A_588] {strides = array<i32>} : memref<321x128xf32, #tpu.memory_space<vmem>>, vector<16xf32>,
        tpu.vector_store %arg14[%swap3A_587, %swap3A_588], %max3A_586 {strides = array<i32>} : memref<321x128xf32, #tpu.memory_space<vmem>>, vector<16xf32>,
        %get3A_590 = arith.constant 4 : i32
        %get3A_591 = arith.index_cast %get3A_590 : i32 to index
        %get3A_592 = arith.constant 96 : index
        %get3A_593 = tpu.vector_load %arg13[%get3A_591, %get3A_592] {strides = array<i32>} : memref<16x128xf32, #tpu.memory_space<vmem>>, vector<16xf32>,
        %mul3A_594 = vector.broadcast %squeeze3A_511 : f32 to vector<16xf32>
        %mul3A_595 = arith.mulf %get3A_593, %mul3A_594 : vector<16xf32>
        %get3A_596 = arith.index_cast %squeeze3A_509 : i32 to index
        %get3A_597 = arith.constant 96 : index
        %get3A_598 = tpu.vector_load %arg14[%get3A_596, %get3A_597] {strides = array<i32>} : memref<321x128xf32, #tpu.memory_space<vmem>>, vector<16xf32>,
        %max3A_599 = arith.maximumf %get3A_598, %mul3A_595 : vector<16xf32>
        %swap3A_600 = arith.index_cast %squeeze3A_509 : i32 to index
        %swap3A_601 = arith.constant 96 : index
        %swap3A_602 = tpu.vector_load %arg14[%swap3A_600, %swap3A_601] {strides = array<i32>} : memref<321x128xf32, #tpu.memory_space<vmem>>, vector<16xf32>,
        tpu.vector_store %arg14[%swap3A_600, %swap3A_601], %max3A_599 {strides = array<i32>} : memref<321x128xf32, #tpu.memory_space<vmem>>, vector<16xf32>,
        %get3A_603 = arith.constant 4 : i32
        %get3A_604 = arith.index_cast %get3A_603 : i32 to index
        %get3A_605 = arith.constant 112 : index
        %get3A_606 = tpu.vector_load %arg13[%get3A_604, %get3A_605] {strides = array<i32>} : memref<16x128xf32, #tpu.memory_space<vmem>>, vector<16xf32>,
        %mul3A_607 = vector.broadcast %squeeze3A_511 : f32 to vector<16xf32>
        %mul3A_608 = arith.mulf %get3A_606, %mul3A_607 : vector<16xf32>
        %get3A_609 = arith.index_cast %squeeze3A_509 : i32 to index
        %get3A_610 = arith.constant 112 : index
        %get3A_611 = tpu.vector_load %arg14[%get3A_609, %get3A_610] {strides = array<i32>} : memref<321x128xf32, #tpu.memory_space<vmem>>, vector<16xf32>,
        %max3A_612 = arith.maximumf %get3A_611, %mul3A_608 : vector<16xf32>
        %swap3A_613 = arith.index_cast %squeeze3A_509 : i32 to index
        %swap3A_614 = arith.constant 112 : index
        %swap3A_615 = tpu.vector_load %arg14[%swap3A_613, %swap3A_614] {strides = array<i32>} : memref<321x128xf32, #tpu.memory_space<vmem>>, vector<16xf32>,
        tpu.vector_store %arg14[%swap3A_613, %swap3A_614], %max3A_612 {strides = array<i32>} : memref<321x128xf32, #tpu.memory_space<vmem>>, vector<16xf32>,
        %slice3A_616 = vector.extract_strided_slice %get3A_75 {offsets = [5], sizes = [1], strides = [1]} : vector<16xi32> to vector<1xi32>
        %squeeze3A_617 = vector.extract %slice3A_616[0] : i32 from vector<1xi32>
        %slice3A_618 = vector.extract_strided_slice %get3A_79 {offsets = [5], sizes = [1], strides = [1]} : vector<16xf32> to vector<1xf32>
        %squeeze3A_619 = vector.extract %slice3A_618[0] : f32 from vector<1xf32>
        %get3A_620 = arith.constant 5 : i32
        %get3A_621 = arith.index_cast %get3A_620 : i32 to index
        %get3A_622 = arith.constant 0 : index
        %get3A_623 = tpu.vector_load %arg13[%get3A_621, %get3A_622] {strides = array<i32>} : memref<16x128xf32, #tpu.memory_space<vmem>>, vector<16xf32>,
        %mul3A_624 = vector.broadcast %squeeze3A_619 : f32 to vector<16xf32>
        %mul3A_625 = arith.mulf %get3A_623, %mul3A_624 : vector<16xf32>
        %get3A_626 = arith.index_cast %squeeze3A_617 : i32 to index
        %get3A_627 = arith.constant 0 : index
        %get3A_628 = tpu.vector_load %arg14[%get3A_626, %get3A_627] {strides = array<i32>} : memref<321x128xf32, #tpu.memory_space<vmem>>, vector<16xf32>,
        %max3A_629 = arith.maximumf %get3A_628, %mul3A_625 : vector<16xf32>
        %swap3A_630 = arith.index_cast %squeeze3A_617 : i32 to index
        %swap3A_631 = arith.constant 0 : index
        %swap3A_632 = tpu.vector_load %arg14[%swap3A_630, %swap3A_631] {strides = array<i32>} : memref<321x128xf32, #tpu.memory_space<vmem>>, vector<16xf32>,
        tpu.vector_store %arg14[%swap3A_630, %swap3A_631], %max3A_629 {strides = array<i32>} : memref<321x128xf32, #tpu.memory_space<vmem>>, vector<16xf32>,
        %get3A_633 = arith.constant 5 : i32
        %get3A_634 = arith.index_cast %get3A_633 : i32 to index
        %get3A_635 = arith.constant 16 : index
        %get3A_636 = tpu.vector_load %arg13[%get3A_634, %get3A_635] {strides = array<i32>} : memref<16x128xf32, #tpu.memory_space<vmem>>, vector<16xf32>,
        %mul3A_637 = vector.broadcast %squeeze3A_619 : f32 to vector<16xf32>
        %mul3A_638 = arith.mulf %get3A_636, %mul3A_637 : vector<16xf32>
        %get3A_639 = arith.index_cast %squeeze3A_617 : i32 to index
        %get3A_640 = arith.constant 16 : index
        %get3A_641 = tpu.vector_load %arg14[%get3A_639, %get3A_640] {strides = array<i32>} : memref<321x128xf32, #tpu.memory_space<vmem>>, vector<16xf32>,
        %max3A_642 = arith.maximumf %get3A_641, %mul3A_638 : vector<16xf32>
        %swap3A_643 = arith.index_cast %squeeze3A_617 : i32 to index
        %swap3A_644 = arith.constant 16 : index
        %swap3A_645 = tpu.vector_load %arg14[%swap3A_643, %swap3A_644] {strides = array<i32>} : memref<321x128xf32, #tpu.memory_space<vmem>>, vector<16xf32>,
        tpu.vector_store %arg14[%swap3A_643, %swap3A_644], %max3A_642 {strides = array<i32>} : memref<321x128xf32, #tpu.memory_space<vmem>>, vector<16xf32>,
        %get3A_646 = arith.constant 5 : i32
        %get3A_647 = arith.index_cast %get3A_646 : i32 to index
        %get3A_648 = arith.constant 32 : index
        %get3A_649 = tpu.vector_load %arg13[%get3A_647, %get3A_648] {strides = array<i32>} : memref<16x128xf32, #tpu.memory_space<vmem>>, vector<16xf32>,
        %mul3A_650 = vector.broadcast %squeeze3A_619 : f32 to vector<16xf32>
        %mul3A_651 = arith.mulf %get3A_649, %mul3A_650 : vector<16xf32>
        %get3A_652 = arith.index_cast %squeeze3A_617 : i32 to index
        %get3A_653 = arith.constant 32 : index
        %get3A_654 = tpu.vector_load %arg14[%get3A_652, %get3A_653] {strides = array<i32>} : memref<321x128xf32, #tpu.memory_space<vmem>>, vector<16xf32>,
        %max3A_655 = arith.maximumf %get3A_654, %mul3A_651 : vector<16xf32>
        %swap3A_656 = arith.index_cast %squeeze3A_617 : i32 to index
        %swap3A_657 = arith.constant 32 : index
        %swap3A_658 = tpu.vector_load %arg14[%swap3A_656, %swap3A_657] {strides = array<i32>} : memref<321x128xf32, #tpu.memory_space<vmem>>, vector<16xf32>,
        tpu.vector_store %arg14[%swap3A_656, %swap3A_657], %max3A_655 {strides = array<i32>} : memref<321x128xf32, #tpu.memory_space<vmem>>, vector<16xf32>,
        %get3A_659 = arith.constant 5 : i32
        %get3A_660 = arith.index_cast %get3A_659 : i32 to index
        %get3A_661 = arith.constant 48 : index
        %get3A_662 = tpu.vector_load %arg13[%get3A_660, %get3A_661] {strides = array<i32>} : memref<16x128xf32, #tpu.memory_space<vmem>>, vector<16xf32>,
        %mul3A_663 = vector.broadcast %squeeze3A_619 : f32 to vector<16xf32>
        %mul3A_664 = arith.mulf %get3A_662, %mul3A_663 : vector<16xf32>
        %get3A_665 = arith.index_cast %squeeze3A_617 : i32 to index
        %get3A_666 = arith.constant 48 : index
        %get3A_667 = tpu.vector_load %arg14[%get3A_665, %get3A_666] {strides = array<i32>} : memref<321x128xf32, #tpu.memory_space<vmem>>, vector<16xf32>,
        %max3A_668 = arith.maximumf %get3A_667, %mul3A_664 : vector<16xf32>
        %swap3A_669 = arith.index_cast %squeeze3A_617 : i32 to index
        %swap3A_670 = arith.constant 48 : index
        %swap3A_671 = tpu.vector_load %arg14[%swap3A_669, %swap3A_670] {strides = array<i32>} : memref<321x128xf32, #tpu.memory_space<vmem>>, vector<16xf32>,
        tpu.vector_store %arg14[%swap3A_669, %swap3A_670], %max3A_668 {strides = array<i32>} : memref<321x128xf32, #tpu.memory_space<vmem>>, vector<16xf32>,
        %get3A_672 = arith.constant 5 : i32
        %get3A_673 = arith.index_cast %get3A_672 : i32 to index
        %get3A_674 = arith.constant 64 : index
        %get3A_675 = tpu.vector_load %arg13[%get3A_673, %get3A_674] {strides = array<i32>} : memref<16x128xf32, #tpu.memory_space<vmem>>, vector<16xf32>,
        %mul3A_676 = vector.broadcast %squeeze3A_619 : f32 to vector<16xf32>
        %mul3A_677 = arith.mulf %get3A_675, %mul3A_676 : vector<16xf32>
        %get3A_678 = arith.index_cast %squeeze3A_617 : i32 to index
        %get3A_679 = arith.constant 64 : index
        %get3A_680 = tpu.vector_load %arg14[%get3A_678, %get3A_679] {strides = array<i32>} : memref<321x128xf32, #tpu.memory_space<vmem>>, vector<16xf32>,
        %max3A_681 = arith.maximumf %get3A_680, %mul3A_677 : vector<16xf32>
        %swap3A_682 = arith.index_cast %squeeze3A_617 : i32 to index
        %swap3A_683 = arith.constant 64 : index
        %swap3A_684 = tpu.vector_load %arg14[%swap3A_682, %swap3A_683] {strides = array<i32>} : memref<321x128xf32, #tpu.memory_space<vmem>>, vector<16xf32>,
        tpu.vector_store %arg14[%swap3A_682, %swap3A_683], %max3A_681 {strides = array<i32>} : memref<321x128xf32, #tpu.memory_space<vmem>>, vector<16xf32>,
        %get3A_685 = arith.constant 5 : i32
        %get3A_686 = arith.index_cast %get3A_685 : i32 to index
        %get3A_687 = arith.constant 80 : index
        %get3A_688 = tpu.vector_load %arg13[%get3A_686, %get3A_687] {strides = array<i32>} : memref<16x128xf32, #tpu.memory_space<vmem>>, vector<16xf32>,
        %mul3A_689 = vector.broadcast %squeeze3A_619 : f32 to vector<16xf32>
        %mul3A_690 = arith.mulf %get3A_688, %mul3A_689 : vector<16xf32>
        %get3A_691 = arith.index_cast %squeeze3A_617 : i32 to index
        %get3A_692 = arith.constant 80 : index
        %get3A_693 = tpu.vector_load %arg14[%get3A_691, %get3A_692] {strides = array<i32>} : memref<321x128xf32, #tpu.memory_space<vmem>>, vector<16xf32>,
        %max3A_694 = arith.maximumf %get3A_693, %mul3A_690 : vector<16xf32>
        %swap3A_695 = arith.index_cast %squeeze3A_617 : i32 to index
        %swap3A_696 = arith.constant 80 : index
        %swap3A_697 = tpu.vector_load %arg14[%swap3A_695, %swap3A_696] {strides = array<i32>} : memref<321x128xf32, #tpu.memory_space<vmem>>, vector<16xf32>,
        tpu.vector_store %arg14[%swap3A_695, %swap3A_696], %max3A_694 {strides = array<i32>} : memref<321x128xf32, #tpu.memory_space<vmem>>, vector<16xf32>,
        %get3A_698 = arith.constant 5 : i32
        %get3A_699 = arith.index_cast %get3A_698 : i32 to index
        %get3A_700 = arith.constant 96 : index
        %get3A_701 = tpu.vector_load %arg13[%get3A_699, %get3A_700] {strides = array<i32>} : memref<16x128xf32, #tpu.memory_space<vmem>>, vector<16xf32>,
        %mul3A_702 = vector.broadcast %squeeze3A_619 : f32 to vector<16xf32>
        %mul3A_703 = arith.mulf %get3A_701, %mul3A_702 : vector<16xf32>
        %get3A_704 = arith.index_cast %squeeze3A_617 : i32 to index
        %get3A_705 = arith.constant 96 : index
        %get3A_706 = tpu.vector_load %arg14[%get3A_704, %get3A_705] {strides = array<i32>} : memref<321x128xf32, #tpu.memory_space<vmem>>, vector<16xf32>,
        %max3A_707 = arith.maximumf %get3A_706, %mul3A_703 : vector<16xf32>
        %swap3A_708 = arith.index_cast %squeeze3A_617 : i32 to index
        %swap3A_709 = arith.constant 96 : index
        %swap3A_710 = tpu.vector_load %arg14[%swap3A_708, %swap3A_709] {strides = array<i32>} : memref<321x128xf32, #tpu.memory_space<vmem>>, vector<16xf32>,
        tpu.vector_store %arg14[%swap3A_708, %swap3A_709], %max3A_707 {strides = array<i32>} : memref<321x128xf32, #tpu.memory_space<vmem>>, vector<16xf32>,
        %get3A_711 = arith.constant 5 : i32
        %get3A_712 = arith.index_cast %get3A_711 : i32 to index
        %get3A_713 = arith.constant 112 : index
        %get3A_714 = tpu.vector_load %arg13[%get3A_712, %get3A_713] {strides = array<i32>} : memref<16x128xf32, #tpu.memory_space<vmem>>, vector<16xf32>,
        %mul3A_715 = vector.broadcast %squeeze3A_619 : f32 to vector<16xf32>
        %mul3A_716 = arith.mulf %get3A_714, %mul3A_715 : vector<16xf32>
        %get3A_717 = arith.index_cast %squeeze3A_617 : i32 to index
        %get3A_718 = arith.constant 112 : index
        %get3A_719 = tpu.vector_load %arg14[%get3A_717, %get3A_718] {strides = array<i32>} : memref<321x128xf32, #tpu.memory_space<vmem>>, vector<16xf32>,
        %max3A_720 = arith.maximumf %get3A_719, %mul3A_716 : vector<16xf32>
        %swap3A_721 = arith.index_cast %squeeze3A_617 : i32 to index
        %swap3A_722 = arith.constant 112 : index
        %swap3A_723 = tpu.vector_load %arg14[%swap3A_721, %swap3A_722] {strides = array<i32>} : memref<321x128xf32, #tpu.memory_space<vmem>>, vector<16xf32>,
        tpu.vector_store %arg14[%swap3A_721, %swap3A_722], %max3A_720 {strides = array<i32>} : memref<321x128xf32, #tpu.memory_space<vmem>>, vector<16xf32>,
        %slice3A_724 = vector.extract_strided_slice %get3A_75 {offsets = [6], sizes = [1], strides = [1]} : vector<16xi32> to vector<1xi32>
        %squeeze3A_725 = vector.extract %slice3A_724[0] : i32 from vector<1xi32>
        %slice3A_726 = vector.extract_strided_slice %get3A_79 {offsets = [6], sizes = [1], strides = [1]} : vector<16xf32> to vector<1xf32>
        %squeeze3A_727 = vector.extract %slice3A_726[0] : f32 from vector<1xf32>
        %get3A_728 = arith.constant 6 : i32
        %get3A_729 = arith.index_cast %get3A_728 : i32 to index
        %get3A_730 = arith.constant 0 : index
        %get3A_731 = tpu.vector_load %arg13[%get3A_729, %get3A_730] {strides = array<i32>} : memref<16x128xf32, #tpu.memory_space<vmem>>, vector<16xf32>,
        %mul3A_732 = vector.broadcast %squeeze3A_727 : f32 to vector<16xf32>
        %mul3A_733 = arith.mulf %get3A_731, %mul3A_732 : vector<16xf32>
        %get3A_734 = arith.index_cast %squeeze3A_725 : i32 to index
        %get3A_735 = arith.constant 0 : index
        %get3A_736 = tpu.vector_load %arg14[%get3A_734, %get3A_735] {strides = array<i32>} : memref<321x128xf32, #tpu.memory_space<vmem>>, vector<16xf32>,
        %max3A_737 = arith.maximumf %get3A_736, %mul3A_733 : vector<16xf32>
        %swap3A_738 = arith.index_cast %squeeze3A_725 : i32 to index
        %swap3A_739 = arith.constant 0 : index
        %swap3A_740 = tpu.vector_load %arg14[%swap3A_738, %swap3A_739] {strides = array<i32>} : memref<321x128xf32, #tpu.memory_space<vmem>>, vector<16xf32>,
        tpu.vector_store %arg14[%swap3A_738, %swap3A_739], %max3A_737 {strides = array<i32>} : memref<321x128xf32, #tpu.memory_space<vmem>>, vector<16xf32>,
        %get3A_741 = arith.constant 6 : i32
        %get3A_742 = arith.index_cast %get3A_741 : i32 to index
        %get3A_743 = arith.constant 16 : index
        %get3A_744 = tpu.vector_load %arg13[%get3A_742, %get3A_743] {strides = array<i32>} : memref<16x128xf32, #tpu.memory_space<vmem>>, vector<16xf32>,
        %mul3A_745 = vector.broadcast %squeeze3A_727 : f32 to vector<16xf32>
        %mul3A_746 = arith.mulf %get3A_744, %mul3A_745 : vector<16xf32>
        %get3A_747 = arith.index_cast %squeeze3A_725 : i32 to index
        %get3A_748 = arith.constant 16 : index
        %get3A_749 = tpu.vector_load %arg14[%get3A_747, %get3A_748] {strides = array<i32>} : memref<321x128xf32, #tpu.memory_space<vmem>>, vector<16xf32>,
        %max3A_750 = arith.maximumf %get3A_749, %mul3A_746 : vector<16xf32>
        %swap3A_751 = arith.index_cast %squeeze3A_725 : i32 to index
        %swap3A_752 = arith.constant 16 : index
        %swap3A_753 = tpu.vector_load %arg14[%swap3A_751, %swap3A_752] {strides = array<i32>} : memref<321x128xf32, #tpu.memory_space<vmem>>, vector<16xf32>,
        tpu.vector_store %arg14[%swap3A_751, %swap3A_752], %max3A_750 {strides = array<i32>} : memref<321x128xf32, #tpu.memory_space<vmem>>, vector<16xf32>,
        %get3A_754 = arith.constant 6 : i32
        %get3A_755 = arith.index_cast %get3A_754 : i32 to index
        %get3A_756 = arith.constant 32 : index
        %get3A_757 = tpu.vector_load %arg13[%get3A_755, %get3A_756] {strides = array<i32>} : memref<16x128xf32, #tpu.memory_space<vmem>>, vector<16xf32>,
        %mul3A_758 = vector.broadcast %squeeze3A_727 : f32 to vector<16xf32>
        %mul3A_759 = arith.mulf %get3A_757, %mul3A_758 : vector<16xf32>
        %get3A_760 = arith.index_cast %squeeze3A_725 : i32 to index
        %get3A_761 = arith.constant 32 : index
        %get3A_762 = tpu.vector_load %arg14[%get3A_760, %get3A_761] {strides = array<i32>} : memref<321x128xf32, #tpu.memory_space<vmem>>, vector<16xf32>,
        %max3A_763 = arith.maximumf %get3A_762, %mul3A_759 : vector<16xf32>
        %swap3A_764 = arith.index_cast %squeeze3A_725 : i32 to index
        %swap3A_765 = arith.constant 32 : index
        %swap3A_766 = tpu.vector_load %arg14[%swap3A_764, %swap3A_765] {strides = array<i32>} : memref<321x128xf32, #tpu.memory_space<vmem>>, vector<16xf32>,
        tpu.vector_store %arg14[%swap3A_764, %swap3A_765], %max3A_763 {strides = array<i32>} : memref<321x128xf32, #tpu.memory_space<vmem>>, vector<16xf32>,
        %get3A_767 = arith.constant 6 : i32
        %get3A_768 = arith.index_cast %get3A_767 : i32 to index
        %get3A_769 = arith.constant 48 : index
        %get3A_770 = tpu.vector_load %arg13[%get3A_768, %get3A_769] {strides = array<i32>} : memref<16x128xf32, #tpu.memory_space<vmem>>, vector<16xf32>,
        %mul3A_771 = vector.broadcast %squeeze3A_727 : f32 to vector<16xf32>
        %mul3A_772 = arith.mulf %get3A_770, %mul3A_771 : vector<16xf32>
        %get3A_773 = arith.index_cast %squeeze3A_725 : i32 to index
        %get3A_774 = arith.constant 48 : index
        %get3A_775 = tpu.vector_load %arg14[%get3A_773, %get3A_774] {strides = array<i32>} : memref<321x128xf32, #tpu.memory_space<vmem>>, vector<16xf32>,
        %max3A_776 = arith.maximumf %get3A_775, %mul3A_772 : vector<16xf32>
        %swap3A_777 = arith.index_cast %squeeze3A_725 : i32 to index
        %swap3A_778 = arith.constant 48 : index
        %swap3A_779 = tpu.vector_load %arg14[%swap3A_777, %swap3A_778] {strides = array<i32>} : memref<321x128xf32, #tpu.memory_space<vmem>>, vector<16xf32>,
        tpu.vector_store %arg14[%swap3A_777, %swap3A_778], %max3A_776 {strides = array<i32>} : memref<321x128xf32, #tpu.memory_space<vmem>>, vector<16xf32>,
        %get3A_780 = arith.constant 6 : i32
        %get3A_781 = arith.index_cast %get3A_780 : i32 to index
        %get3A_782 = arith.constant 64 : index
        %get3A_783 = tpu.vector_load %arg13[%get3A_781, %get3A_782] {strides = array<i32>} : memref<16x128xf32, #tpu.memory_space<vmem>>, vector<16xf32>,
        %mul3A_784 = vector.broadcast %squeeze3A_727 : f32 to vector<16xf32>
        %mul3A_785 = arith.mulf %get3A_783, %mul3A_784 : vector<16xf32>
        %get3A_786 = arith.index_cast %squeeze3A_725 : i32 to index
        %get3A_787 = arith.constant 64 : index
        %get3A_788 = tpu.vector_load %arg14[%get3A_786, %get3A_787] {strides = array<i32>} : memref<321x128xf32, #tpu.memory_space<vmem>>, vector<16xf32>,
        %max3A_789 = arith.maximumf %get3A_788, %mul3A_785 : vector<16xf32>
        %swap3A_790 = arith.index_cast %squeeze3A_725 : i32 to index
        %swap3A_791 = arith.constant 64 : index
        %swap3A_792 = tpu.vector_load %arg14[%swap3A_790, %swap3A_791] {strides = array<i32>} : memref<321x128xf32, #tpu.memory_space<vmem>>, vector<16xf32>,
        tpu.vector_store %arg14[%swap3A_790, %swap3A_791], %max3A_789 {strides = array<i32>} : memref<321x128xf32, #tpu.memory_space<vmem>>, vector<16xf32>,
        %get3A_793 = arith.constant 6 : i32
        %get3A_794 = arith.index_cast %get3A_793 : i32 to index
        %get3A_795 = arith.constant 80 : index
        %get3A_796 = tpu.vector_load %arg13[%get3A_794, %get3A_795] {strides = array<i32>} : memref<16x128xf32, #tpu.memory_space<vmem>>, vector<16xf32>,
        %mul3A_797 = vector.broadcast %squeeze3A_727 : f32 to vector<16xf32>
        %mul3A_798 = arith.mulf %get3A_796, %mul3A_797 : vector<16xf32>
        %get3A_799 = arith.index_cast %squeeze3A_725 : i32 to index
        %get3A_800 = arith.constant 80 : index
        %get3A_801 = tpu.vector_load %arg14[%get3A_799, %get3A_800] {strides = array<i32>} : memref<321x128xf32, #tpu.memory_space<vmem>>, vector<16xf32>,
        %max3A_802 = arith.maximumf %get3A_801, %mul3A_798 : vector<16xf32>
        %swap3A_803 = arith.index_cast %squeeze3A_725 : i32 to index
        %swap3A_804 = arith.constant 80 : index
        %swap3A_805 = tpu.vector_load %arg14[%swap3A_803, %swap3A_804] {strides = array<i32>} : memref<321x128xf32, #tpu.memory_space<vmem>>, vector<16xf32>,
        tpu.vector_store %arg14[%swap3A_803, %swap3A_804], %max3A_802 {strides = array<i32>} : memref<321x128xf32, #tpu.memory_space<vmem>>, vector<16xf32>,
        %get3A_806 = arith.constant 6 : i32
        %get3A_807 = arith.index_cast %get3A_806 : i32 to index
        %get3A_808 = arith.constant 96 : index
        %get3A_809 = tpu.vector_load %arg13[%get3A_807, %get3A_808] {strides = array<i32>} : memref<16x128xf32, #tpu.memory_space<vmem>>, vector<16xf32>,
        %mul3A_810 = vector.broadcast %squeeze3A_727 : f32 to vector<16xf32>
        %mul3A_811 = arith.mulf %get3A_809, %mul3A_810 : vector<16xf32>
        %get3A_812 = arith.index_cast %squeeze3A_725 : i32 to index
        %get3A_813 = arith.constant 96 : index
        %get3A_814 = tpu.vector_load %arg14[%get3A_812, %get3A_813] {strides = array<i32>} : memref<321x128xf32, #tpu.memory_space<vmem>>, vector<16xf32>,
        %max3A_815 = arith.maximumf %get3A_814, %mul3A_811 : vector<16xf32>
        %swap3A_816 = arith.index_cast %squeeze3A_725 : i32 to index
        %swap3A_817 = arith.constant 96 : index
        %swap3A_818 = tpu.vector_load %arg14[%swap3A_816, %swap3A_817] {strides = array<i32>} : memref<321x128xf32, #tpu.memory_space<vmem>>, vector<16xf32>,
        tpu.vector_store %arg14[%swap3A_816, %swap3A_817], %max3A_815 {strides = array<i32>} : memref<321x128xf32, #tpu.memory_space<vmem>>, vector<16xf32>,
        %get3A_819 = arith.constant 6 : i32
        %get3A_820 = arith.index_cast %get3A_819 : i32 to index
        %get3A_821 = arith.constant 112 : index
        %get3A_822 = tpu.vector_load %arg13[%get3A_820, %get3A_821] {strides = array<i32>} : memref<16x128xf32, #tpu.memory_space<vmem>>, vector<16xf32>,
        %mul3A_823 = vector.broadcast %squeeze3A_727 : f32 to vector<16xf32>
        %mul3A_824 = arith.mulf %get3A_822, %mul3A_823 : vector<16xf32>
        %get3A_825 = arith.index_cast %squeeze3A_725 : i32 to index
        %get3A_826 = arith.constant 112 : index
        %get3A_827 = tpu.vector_load %arg14[%get3A_825, %get3A_826] {strides = array<i32>} : memref<321x128xf32, #tpu.memory_space<vmem>>, vector<16xf32>,
        %max3A_828 = arith.maximumf %get3A_827, %mul3A_824 : vector<16xf32>
        %swap3A_829 = arith.index_cast %squeeze3A_725 : i32 to index
        %swap3A_830 = arith.constant 112 : index
        %swap3A_831 = tpu.vector_load %arg14[%swap3A_829, %swap3A_830] {strides = array<i32>} : memref<321x128xf32, #tpu.memory_space<vmem>>, vector<16xf32>,
        tpu.vector_store %arg14[%swap3A_829, %swap3A_830], %max3A_828 {strides = array<i32>} : memref<321x128xf32, #tpu.memory_space<vmem>>, vector<16xf32>,
        %slice3A_832 = vector.extract_strided_slice %get3A_75 {offsets = [7], sizes = [1], strides = [1]} : vector<16xi32> to vector<1xi32>
        %squeeze3A_833 = vector.extract %slice3A_832[0] : i32 from vector<1xi32>
        %slice3A_834 = vector.extract_strided_slice %get3A_79 {offsets = [7], sizes = [1], strides = [1]} : vector<16xf32> to vector<1xf32>
        %squeeze3A_835 = vector.extract %slice3A_834[0] : f32 from vector<1xf32>
        %get3A_836 = arith.constant 7 : i32
        %get3A_837 = arith.index_cast %get3A_836 : i32 to index
        %get3A_838 = arith.constant 0 : index
        %get3A_839 = tpu.vector_load %arg13[%get3A_837, %get3A_838] {strides = array<i32>} : memref<16x128xf32, #tpu.memory_space<vmem>>, vector<16xf32>,
        %mul3A_840 = vector.broadcast %squeeze3A_835 : f32 to vector<16xf32>
        %mul3A_841 = arith.mulf %get3A_839, %mul3A_840 : vector<16xf32>
        %get3A_842 = arith.index_cast %squeeze3A_833 : i32 to index
        %get3A_843 = arith.constant 0 : index
        %get3A_844 = tpu.vector_load %arg14[%get3A_842, %get3A_843] {strides = array<i32>} : memref<321x128xf32, #tpu.memory_space<vmem>>, vector<16xf32>,
        %max3A_845 = arith.maximumf %get3A_844, %mul3A_841 : vector<16xf32>
        %swap3A_846 = arith.index_cast %squeeze3A_833 : i32 to index
        %swap3A_847 = arith.constant 0 : index
        %swap3A_848 = tpu.vector_load %arg14[%swap3A_846, %swap3A_847] {strides = array<i32>} : memref<321x128xf32, #tpu.memory_space<vmem>>, vector<16xf32>,
        tpu.vector_store %arg14[%swap3A_846, %swap3A_847], %max3A_845 {strides = array<i32>} : memref<321x128xf32, #tpu.memory_space<vmem>>, vector<16xf32>,
        %get3A_849 = arith.constant 7 : i32
        %get3A_850 = arith.index_cast %get3A_849 : i32 to index
        %get3A_851 = arith.constant 16 : index
        %get3A_852 = tpu.vector_load %arg13[%get3A_850, %get3A_851] {strides = array<i32>} : memref<16x128xf32, #tpu.memory_space<vmem>>, vector<16xf32>,
        %mul3A_853 = vector.broadcast %squeeze3A_835 : f32 to vector<16xf32>
        %mul3A_854 = arith.mulf %get3A_852, %mul3A_853 : vector<16xf32>
        %get3A_855 = arith.index_cast %squeeze3A_833 : i32 to index
        %get3A_856 = arith.constant 16 : index
        %get3A_857 = tpu.vector_load %arg14[%get3A_855, %get3A_856] {strides = array<i32>} : memref<321x128xf32, #tpu.memory_space<vmem>>, vector<16xf32>,
        %max3A_858 = arith.maximumf %get3A_857, %mul3A_854 : vector<16xf32>
        %swap3A_859 = arith.index_cast %squeeze3A_833 : i32 to index
        %swap3A_860 = arith.constant 16 : index
        %swap3A_861 = tpu.vector_load %arg14[%swap3A_859, %swap3A_860] {strides = array<i32>} : memref<321x128xf32, #tpu.memory_space<vmem>>, vector<16xf32>,
        tpu.vector_store %arg14[%swap3A_859, %swap3A_860], %max3A_858 {strides = array<i32>} : memref<321x128xf32, #tpu.memory_space<vmem>>, vector<16xf32>,
        %get3A_862 = arith.constant 7 : i32
        %get3A_863 = arith.index_cast %get3A_862 : i32 to index
        %get3A_864 = arith.constant 32 : index
        %get3A_865 = tpu.vector_load %arg13[%get3A_863, %get3A_864] {strides = array<i32>} : memref<16x128xf32, #tpu.memory_space<vmem>>, vector<16xf32>,
        %mul3A_866 = vector.broadcast %squeeze3A_835 : f32 to vector<16xf32>
        %mul3A_867 = arith.mulf %get3A_865, %mul3A_866 : vector<16xf32>
        %get3A_868 = arith.index_cast %squeeze3A_833 : i32 to index
        %get3A_869 = arith.constant 32 : index
        %get3A_870 = tpu.vector_load %arg14[%get3A_868, %get3A_869] {strides = array<i32>} : memref<321x128xf32, #tpu.memory_space<vmem>>, vector<16xf32>,
        %max3A_871 = arith.maximumf %get3A_870, %mul3A_867 : vector<16xf32>
        %swap3A_872 = arith.index_cast %squeeze3A_833 : i32 to index
        %swap3A_873 = arith.constant 32 : index
        %swap3A_874 = tpu.vector_load %arg14[%swap3A_872, %swap3A_873] {strides = array<i32>} : memref<321x128xf32, #tpu.memory_space<vmem>>, vector<16xf32>,
        tpu.vector_store %arg14[%swap3A_872, %swap3A_873], %max3A_871 {strides = array<i32>} : memref<321x128xf32, #tpu.memory_space<vmem>>, vector<16xf32>,
        %get3A_875 = arith.constant 7 : i32
        %get3A_876 = arith.index_cast %get3A_875 : i32 to index
        %get3A_877 = arith.constant 48 : index
        %get3A_878 = tpu.vector_load %arg13[%get3A_876, %get3A_877] {strides = array<i32>} : memref<16x128xf32, #tpu.memory_space<vmem>>, vector<16xf32>,
        %mul3A_879 = vector.broadcast %squeeze3A_835 : f32 to vector<16xf32>
        %mul3A_880 = arith.mulf %get3A_878, %mul3A_879 : vector<16xf32>
        %get3A_881 = arith.index_cast %squeeze3A_833 : i32 to index
        %get3A_882 = arith.constant 48 : index
        %get3A_883 = tpu.vector_load %arg14[%get3A_881, %get3A_882] {strides = array<i32>} : memref<321x128xf32, #tpu.memory_space<vmem>>, vector<16xf32>,
        %max3A_884 = arith.maximumf %get3A_883, %mul3A_880 : vector<16xf32>
        %swap3A_885 = arith.index_cast %squeeze3A_833 : i32 to index
        %swap3A_886 = arith.constant 48 : index
        %swap3A_887 = tpu.vector_load %arg14[%swap3A_885, %swap3A_886] {strides = array<i32>} : memref<321x128xf32, #tpu.memory_space<vmem>>, vector<16xf32>,
        tpu.vector_store %arg14[%swap3A_885, %swap3A_886], %max3A_884 {strides = array<i32>} : memref<321x128xf32, #tpu.memory_space<vmem>>, vector<16xf32>,
        %get3A_888 = arith.constant 7 : i32
        %get3A_889 = arith.index_cast %get3A_888 : i32 to index
        %get3A_890 = arith.constant 64 : index
        %get3A_891 = tpu.vector_load %arg13[%get3A_889, %get3A_890] {strides = array<i32>} : memref<16x128xf32, #tpu.memory_space<vmem>>, vector<16xf32>,
        %mul3A_892 = vector.broadcast %squeeze3A_835 : f32 to vector<16xf32>
        %mul3A_893 = arith.mulf %get3A_891, %mul3A_892 : vector<16xf32>
        %get3A_894 = arith.index_cast %squeeze3A_833 : i32 to index
        %get3A_895 = arith.constant 64 : index
        %get3A_896 = tpu.vector_load %arg14[%get3A_894, %get3A_895] {strides = array<i32>} : memref<321x128xf32, #tpu.memory_space<vmem>>, vector<16xf32>,
        %max3A_897 = arith.maximumf %get3A_896, %mul3A_893 : vector<16xf32>
        %swap3A_898 = arith.index_cast %squeeze3A_833 : i32 to index
        %swap3A_899 = arith.constant 64 : index
        %swap3A_900 = tpu.vector_load %arg14[%swap3A_898, %swap3A_899] {strides = array<i32>} : memref<321x128xf32, #tpu.memory_space<vmem>>, vector<16xf32>,
        tpu.vector_store %arg14[%swap3A_898, %swap3A_899], %max3A_897 {strides = array<i32>} : memref<321x128xf32, #tpu.memory_space<vmem>>, vector<16xf32>,
        %get3A_901 = arith.constant 7 : i32
        %get3A_902 = arith.index_cast %get3A_901 : i32 to index
        %get3A_903 = arith.constant 80 : index
        %get3A_904 = tpu.vector_load %arg13[%get3A_902, %get3A_903] {strides = array<i32>} : memref<16x128xf32, #tpu.memory_space<vmem>>, vector<16xf32>,
        %mul3A_905 = vector.broadcast %squeeze3A_835 : f32 to vector<16xf32>
        %mul3A_906 = arith.mulf %get3A_904, %mul3A_905 : vector<16xf32>
        %get3A_907 = arith.index_cast %squeeze3A_833 : i32 to index
        %get3A_908 = arith.constant 80 : index
        %get3A_909 = tpu.vector_load %arg14[%get3A_907, %get3A_908] {strides = array<i32>} : memref<321x128xf32, #tpu.memory_space<vmem>>, vector<16xf32>,
        %max3A_910 = arith.maximumf %get3A_909, %mul3A_906 : vector<16xf32>
        %swap3A_911 = arith.index_cast %squeeze3A_833 : i32 to index
        %swap3A_912 = arith.constant 80 : index
        %swap3A_913 = tpu.vector_load %arg14[%swap3A_911, %swap3A_912] {strides = array<i32>} : memref<321x128xf32, #tpu.memory_space<vmem>>, vector<16xf32>,
        tpu.vector_store %arg14[%swap3A_911, %swap3A_912], %max3A_910 {strides = array<i32>} : memref<321x128xf32, #tpu.memory_space<vmem>>, vector<16xf32>,
        %get3A_914 = arith.constant 7 : i32
        %get3A_915 = arith.index_cast %get3A_914 : i32 to index
        %get3A_916 = arith.constant 96 : index
        %get3A_917 = tpu.vector_load %arg13[%get3A_915, %get3A_916] {strides = array<i32>} : memref<16x128xf32, #tpu.memory_space<vmem>>, vector<16xf32>,
        %mul3A_918 = vector.broadcast %squeeze3A_835 : f32 to vector<16xf32>
        %mul3A_919 = arith.mulf %get3A_917, %mul3A_918 : vector<16xf32>
        %get3A_920 = arith.index_cast %squeeze3A_833 : i32 to index
        %get3A_921 = arith.constant 96 : index
        %get3A_922 = tpu.vector_load %arg14[%get3A_920, %get3A_921] {strides = array<i32>} : memref<321x128xf32, #tpu.memory_space<vmem>>, vector<16xf32>,
        %max3A_923 = arith.maximumf %get3A_922, %mul3A_919 : vector<16xf32>
        %swap3A_924 = arith.index_cast %squeeze3A_833 : i32 to index
        %swap3A_925 = arith.constant 96 : index
        %swap3A_926 = tpu.vector_load %arg14[%swap3A_924, %swap3A_925] {strides = array<i32>} : memref<321x128xf32, #tpu.memory_space<vmem>>, vector<16xf32>,
        tpu.vector_store %arg14[%swap3A_924, %swap3A_925], %max3A_923 {strides = array<i32>} : memref<321x128xf32, #tpu.memory_space<vmem>>, vector<16xf32>,
        %get3A_927 = arith.constant 7 : i32
        %get3A_928 = arith.index_cast %get3A_927 : i32 to index
        %get3A_929 = arith.constant 112 : index
        %get3A_930 = tpu.vector_load %arg13[%get3A_928, %get3A_929] {strides = array<i32>} : memref<16x128xf32, #tpu.memory_space<vmem>>, vector<16xf32>,
        %mul3A_931 = vector.broadcast %squeeze3A_835 : f32 to vector<16xf32>
        %mul3A_932 = arith.mulf %get3A_930, %mul3A_931 : vector<16xf32>
        %get3A_933 = arith.index_cast %squeeze3A_833 : i32 to index
        %get3A_934 = arith.constant 112 : index
        %get3A_935 = tpu.vector_load %arg14[%get3A_933, %get3A_934] {strides = array<i32>} : memref<321x128xf32, #tpu.memory_space<vmem>>, vector<16xf32>,
        %max3A_936 = arith.maximumf %get3A_935, %mul3A_932 : vector<16xf32>
        %swap3A_937 = arith.index_cast %squeeze3A_833 : i32 to index
        %swap3A_938 = arith.constant 112 : index
        %swap3A_939 = tpu.vector_load %arg14[%swap3A_937, %swap3A_938] {strides = array<i32>} : memref<321x128xf32, #tpu.memory_space<vmem>>, vector<16xf32>,
        tpu.vector_store %arg14[%swap3A_937, %swap3A_938], %max3A_936 {strides = array<i32>} : memref<321x128xf32, #tpu.memory_space<vmem>>, vector<16xf32>,
        %slice3A_940 = vector.extract_strided_slice %get3A_75 {offsets = [8], sizes = [1], strides = [1]} : vector<16xi32> to vector<1xi32>
        %squeeze3A_941 = vector.extract %slice3A_940[0] : i32 from vector<1xi32>
        %slice3A_942 = vector.extract_strided_slice %get3A_79 {offsets = [8], sizes = [1], strides = [1]} : vector<16xf32> to vector<1xf32>
        %squeeze3A_943 = vector.extract %slice3A_942[0] : f32 from vector<1xf32>
        %get3A_944 = arith.constant 8 : i32
        %get3A_945 = arith.index_cast %get3A_944 : i32 to index
        %get3A_946 = arith.constant 0 : index
        %get3A_947 = tpu.vector_load %arg13[%get3A_945, %get3A_946] {strides = array<i32>} : memref<16x128xf32, #tpu.memory_space<vmem>>, vector<16xf32>,
        %mul3A_948 = vector.broadcast %squeeze3A_943 : f32 to vector<16xf32>
        %mul3A_949 = arith.mulf %get3A_947, %mul3A_948 : vector<16xf32>
        %get3A_950 = arith.index_cast %squeeze3A_941 : i32 to index
        %get3A_951 = arith.constant 0 : index
        %get3A_952 = tpu.vector_load %arg14[%get3A_950, %get3A_951] {strides = array<i32>} : memref<321x128xf32, #tpu.memory_space<vmem>>, vector<16xf32>,
        %max3A_953 = arith.maximumf %get3A_952, %mul3A_949 : vector<16xf32>
        %swap3A_954 = arith.index_cast %squeeze3A_941 : i32 to index
        %swap3A_955 = arith.constant 0 : index
        %swap3A_956 = tpu.vector_load %arg14[%swap3A_954, %swap3A_955] {strides = array<i32>} : memref<321x128xf32, #tpu.memory_space<vmem>>, vector<16xf32>,
        tpu.vector_store %arg14[%swap3A_954, %swap3A_955], %max3A_953 {strides = array<i32>} : memref<321x128xf32, #tpu.memory_space<vmem>>, vector<16xf32>,
        %get3A_957 = arith.constant 8 : i32
        %get3A_958 = arith.index_cast %get3A_957 : i32 to index
        %get3A_959 = arith.constant 16 : index
        %get3A_960 = tpu.vector_load %arg13[%get3A_958, %get3A_959] {strides = array<i32>} : memref<16x128xf32, #tpu.memory_space<vmem>>, vector<16xf32>,
        %mul3A_961 = vector.broadcast %squeeze3A_943 : f32 to vector<16xf32>
        %mul3A_962 = arith.mulf %get3A_960, %mul3A_961 : vector<16xf32>
        %get3A_963 = arith.index_cast %squeeze3A_941 : i32 to index
        %get3A_964 = arith.constant 16 : index
        %get3A_965 = tpu.vector_load %arg14[%get3A_963, %get3A_964] {strides = array<i32>} : memref<321x128xf32, #tpu.memory_space<vmem>>, vector<16xf32>,
        %max3A_966 = arith.maximumf %get3A_965, %mul3A_962 : vector<16xf32>
        %swap3A_967 = arith.index_cast %squeeze3A_941 : i32 to index
        %swap3A_968 = arith.constant 16 : index
        %swap3A_969 = tpu.vector_load %arg14[%swap3A_967, %swap3A_968] {strides = array<i32>} : memref<321x128xf32, #tpu.memory_space<vmem>>, vector<16xf32>,
        tpu.vector_store %arg14[%swap3A_967, %swap3A_968], %max3A_966 {strides = array<i32>} : memref<321x128xf32, #tpu.memory_space<vmem>>, vector<16xf32>,
        %get3A_970 = arith.constant 8 : i32
        %get3A_971 = arith.index_cast %get3A_970 : i32 to index
        %get3A_972 = arith.constant 32 : index
        %get3A_973 = tpu.vector_load %arg13[%get3A_971, %get3A_972] {strides = array<i32>} : memref<16x128xf32, #tpu.memory_space<vmem>>, vector<16xf32>,
        %mul3A_974 = vector.broadcast %squeeze3A_943 : f32 to vector<16xf32>
        %mul3A_975 = arith.mulf %get3A_973, %mul3A_974 : vector<16xf32>
        %get3A_976 = arith.index_cast %squeeze3A_941 : i32 to index
        %get3A_977 = arith.constant 32 : index
        %get3A_978 = tpu.vector_load %arg14[%get3A_976, %get3A_977] {strides = array<i32>} : memref<321x128xf32, #tpu.memory_space<vmem>>, vector<16xf32>,
        %max3A_979 = arith.maximumf %get3A_978, %mul3A_975 : vector<16xf32>
        %swap3A_980 = arith.index_cast %squeeze3A_941 : i32 to index
        %swap3A_981 = arith.constant 32 : index
        %swap3A_982 = tpu.vector_load %arg14[%swap3A_980, %swap3A_981] {strides = array<i32>} : memref<321x128xf32, #tpu.memory_space<vmem>>, vector<16xf32>,
        tpu.vector_store %arg14[%swap3A_980, %swap3A_981], %max3A_979 {strides = array<i32>} : memref<321x128xf32, #tpu.memory_space<vmem>>, vector<16xf32>,
        %get3A_983 = arith.constant 8 : i32
        %get3A_984 = arith.index_cast %get3A_983 : i32 to index
        %get3A_985 = arith.constant 48 : index
        %get3A_986 = tpu.vector_load %arg13[%get3A_984, %get3A_985] {strides = array<i32>} : memref<16x128xf32, #tpu.memory_space<vmem>>, vector<16xf32>,
        %mul3A_987 = vector.broadcast %squeeze3A_943 : f32 to vector<16xf32>
        %mul3A_988 = arith.mulf %get3A_986, %mul3A_987 : vector<16xf32>
        %get3A_989 = arith.index_cast %squeeze3A_941 : i32 to index
        %get3A_990 = arith.constant 48 : index
        %get3A_991 = tpu.vector_load %arg14[%get3A_989, %get3A_990] {strides = array<i32>} : memref<321x128xf32, #tpu.memory_space<vmem>>, vector<16xf32>,
        %max3A_992 = arith.maximumf %get3A_991, %mul3A_988 : vector<16xf32>
        %swap3A_993 = arith.index_cast %squeeze3A_941 : i32 to index
        %swap3A_994 = arith.constant 48 : index
        %swap3A_995 = tpu.vector_load %arg14[%swap3A_993, %swap3A_994] {strides = array<i32>} : memref<321x128xf32, #tpu.memory_space<vmem>>, vector<16xf32>,
        tpu.vector_store %arg14[%swap3A_993, %swap3A_994], %max3A_992 {strides = array<i32>} : memref<321x128xf32, #tpu.memory_space<vmem>>, vector<16xf32>,
        %get3A_996 = arith.constant 8 : i32
        %get3A_997 = arith.index_cast %get3A_996 : i32 to index
        %get3A_998 = arith.constant 64 : index
        %get3A_999 = tpu.vector_load %arg13[%get3A_997, %get3A_998] {strides = array<i32>} : memref<16x128xf32, #tpu.memory_space<vmem>>, vector<16xf32>,
        %mul3A_1000 = vector.broadcast %squeeze3A_943 : f32 to vector<16xf32>
        %mul3A_1001 = arith.mulf %get3A_999, %mul3A_1000 : vector<16xf32>
        %get3A_1002 = arith.index_cast %squeeze3A_941 : i32 to index
        %get3A_1003 = arith.constant 64 : index
        %get3A_1004 = tpu.vector_load %arg14[%get3A_1002, %get3A_1003] {strides = array<i32>} : memref<321x128xf32, #tpu.memory_space<vmem>>, vector<16xf32>,
        %max3A_1005 = arith.maximumf %get3A_1004, %mul3A_1001 : vector<16xf32>
        %swap3A_1006 = arith.index_cast %squeeze3A_941 : i32 to index
        %swap3A_1007 = arith.constant 64 : index
        %swap3A_1008 = tpu.vector_load %arg14[%swap3A_1006, %swap3A_1007] {strides = array<i32>} : memref<321x128xf32, #tpu.memory_space<vmem>>, vector<16xf32>,
        tpu.vector_store %arg14[%swap3A_1006, %swap3A_1007], %max3A_1005 {strides = array<i32>} : memref<321x128xf32, #tpu.memory_space<vmem>>, vector<16xf32>,
        %get3A_1009 = arith.constant 8 : i32
        %get3A_1010 = arith.index_cast %get3A_1009 : i32 to index
        %get3A_1011 = arith.constant 80 : index
        %get3A_1012 = tpu.vector_load %arg13[%get3A_1010, %get3A_1011] {strides = array<i32>} : memref<16x128xf32, #tpu.memory_space<vmem>>, vector<16xf32>,
        %mul3A_1013 = vector.broadcast %squeeze3A_943 : f32 to vector<16xf32>
        %mul3A_1014 = arith.mulf %get3A_1012, %mul3A_1013 : vector<16xf32>
        %get3A_1015 = arith.index_cast %squeeze3A_941 : i32 to index
        %get3A_1016 = arith.constant 80 : index
        %get3A_1017 = tpu.vector_load %arg14[%get3A_1015, %get3A_1016] {strides = array<i32>} : memref<321x128xf32, #tpu.memory_space<vmem>>, vector<16xf32>,
        %max3A_1018 = arith.maximumf %get3A_1017, %mul3A_1014 : vector<16xf32>
        %swap3A_1019 = arith.index_cast %squeeze3A_941 : i32 to index
        %swap3A_1020 = arith.constant 80 : index
        %swap3A_1021 = tpu.vector_load %arg14[%swap3A_1019, %swap3A_1020] {strides = array<i32>} : memref<321x128xf32, #tpu.memory_space<vmem>>, vector<16xf32>,
        tpu.vector_store %arg14[%swap3A_1019, %swap3A_1020], %max3A_1018 {strides = array<i32>} : memref<321x128xf32, #tpu.memory_space<vmem>>, vector<16xf32>,
        %get3A_1022 = arith.constant 8 : i32
        %get3A_1023 = arith.index_cast %get3A_1022 : i32 to index
        %get3A_1024 = arith.constant 96 : index
        %get3A_1025 = tpu.vector_load %arg13[%get3A_1023, %get3A_1024] {strides = array<i32>} : memref<16x128xf32, #tpu.memory_space<vmem>>, vector<16xf32>,
        %mul3A_1026 = vector.broadcast %squeeze3A_943 : f32 to vector<16xf32>
        %mul3A_1027 = arith.mulf %get3A_1025, %mul3A_1026 : vector<16xf32>
        %get3A_1028 = arith.index_cast %squeeze3A_941 : i32 to index
        %get3A_1029 = arith.constant 96 : index
        %get3A_1030 = tpu.vector_load %arg14[%get3A_1028, %get3A_1029] {strides = array<i32>} : memref<321x128xf32, #tpu.memory_space<vmem>>, vector<16xf32>,
        %max3A_1031 = arith.maximumf %get3A_1030, %mul3A_1027 : vector<16xf32>
        %swap3A_1032 = arith.index_cast %squeeze3A_941 : i32 to index
        %swap3A_1033 = arith.constant 96 : index
        %swap3A_1034 = tpu.vector_load %arg14[%swap3A_1032, %swap3A_1033] {strides = array<i32>} : memref<321x128xf32, #tpu.memory_space<vmem>>, vector<16xf32>,
        tpu.vector_store %arg14[%swap3A_1032, %swap3A_1033], %max3A_1031 {strides = array<i32>} : memref<321x128xf32, #tpu.memory_space<vmem>>, vector<16xf32>,
        %get3A_1035 = arith.constant 8 : i32
        %get3A_1036 = arith.index_cast %get3A_1035 : i32 to index
        %get3A_1037 = arith.constant 112 : index
        %get3A_1038 = tpu.vector_load %arg13[%get3A_1036, %get3A_1037] {strides = array<i32>} : memref<16x128xf32, #tpu.memory_space<vmem>>, vector<16xf32>,
        %mul3A_1039 = vector.broadcast %squeeze3A_943 : f32 to vector<16xf32>
        %mul3A_1040 = arith.mulf %get3A_1038, %mul3A_1039 : vector<16xf32>
        %get3A_1041 = arith.index_cast %squeeze3A_941 : i32 to index
        %get3A_1042 = arith.constant 112 : index
        %get3A_1043 = tpu.vector_load %arg14[%get3A_1041, %get3A_1042] {strides = array<i32>} : memref<321x128xf32, #tpu.memory_space<vmem>>, vector<16xf32>,
        %max3A_1044 = arith.maximumf %get3A_1043, %mul3A_1040 : vector<16xf32>
        %swap3A_1045 = arith.index_cast %squeeze3A_941 : i32 to index
        %swap3A_1046 = arith.constant 112 : index
        %swap3A_1047 = tpu.vector_load %arg14[%swap3A_1045, %swap3A_1046] {strides = array<i32>} : memref<321x128xf32, #tpu.memory_space<vmem>>, vector<16xf32>,
        tpu.vector_store %arg14[%swap3A_1045, %swap3A_1046], %max3A_1044 {strides = array<i32>} : memref<321x128xf32, #tpu.memory_space<vmem>>, vector<16xf32>,
        %slice3A_1048 = vector.extract_strided_slice %get3A_75 {offsets = [9], sizes = [1], strides = [1]} : vector<16xi32> to vector<1xi32>
        %squeeze3A_1049 = vector.extract %slice3A_1048[0] : i32 from vector<1xi32>
        %slice3A_1050 = vector.extract_strided_slice %get3A_79 {offsets = [9], sizes = [1], strides = [1]} : vector<16xf32> to vector<1xf32>
        %squeeze3A_1051 = vector.extract %slice3A_1050[0] : f32 from vector<1xf32>
        %get3A_1052 = arith.constant 9 : i32
        %get3A_1053 = arith.index_cast %get3A_1052 : i32 to index
        %get3A_1054 = arith.constant 0 : index
        %get3A_1055 = tpu.vector_load %arg13[%get3A_1053, %get3A_1054] {strides = array<i32>} : memref<16x128xf32, #tpu.memory_space<vmem>>, vector<16xf32>,
        %mul3A_1056 = vector.broadcast %squeeze3A_1051 : f32 to vector<16xf32>
        %mul3A_1057 = arith.mulf %get3A_1055, %mul3A_1056 : vector<16xf32>
        %get3A_1058 = arith.index_cast %squeeze3A_1049 : i32 to index
        %get3A_1059 = arith.constant 0 : index
        %get3A_1060 = tpu.vector_load %arg14[%get3A_1058, %get3A_1059] {strides = array<i32>} : memref<321x128xf32, #tpu.memory_space<vmem>>, vector<16xf32>,
        %max3A_1061 = arith.maximumf %get3A_1060, %mul3A_1057 : vector<16xf32>
        %swap3A_1062 = arith.index_cast %squeeze3A_1049 : i32 to index
        %swap3A_1063 = arith.constant 0 : index
        %swap3A_1064 = tpu.vector_load %arg14[%swap3A_1062, %swap3A_1063] {strides = array<i32>} : memref<321x128xf32, #tpu.memory_space<vmem>>, vector<16xf32>,
        tpu.vector_store %arg14[%swap3A_1062, %swap3A_1063], %max3A_1061 {strides = array<i32>} : memref<321x128xf32, #tpu.memory_space<vmem>>, vector<16xf32>,
        %get3A_1065 = arith.constant 9 : i32
        %get3A_1066 = arith.index_cast %get3A_1065 : i32 to index
        %get3A_1067 = arith.constant 16 : index
        %get3A_1068 = tpu.vector_load %arg13[%get3A_1066, %get3A_1067] {strides = array<i32>} : memref<16x128xf32, #tpu.memory_space<vmem>>, vector<16xf32>,
        %mul3A_1069 = vector.broadcast %squeeze3A_1051 : f32 to vector<16xf32>
        %mul3A_1070 = arith.mulf %get3A_1068, %mul3A_1069 : vector<16xf32>
        %get3A_1071 = arith.index_cast %squeeze3A_1049 : i32 to index
        %get3A_1072 = arith.constant 16 : index
        %get3A_1073 = tpu.vector_load %arg14[%get3A_1071, %get3A_1072] {strides = array<i32>} : memref<321x128xf32, #tpu.memory_space<vmem>>, vector<16xf32>,
        %max3A_1074 = arith.maximumf %get3A_1073, %mul3A_1070 : vector<16xf32>
        %swap3A_1075 = arith.index_cast %squeeze3A_1049 : i32 to index
        %swap3A_1076 = arith.constant 16 : index
        %swap3A_1077 = tpu.vector_load %arg14[%swap3A_1075, %swap3A_1076] {strides = array<i32>} : memref<321x128xf32, #tpu.memory_space<vmem>>, vector<16xf32>,
        tpu.vector_store %arg14[%swap3A_1075, %swap3A_1076], %max3A_1074 {strides = array<i32>} : memref<321x128xf32, #tpu.memory_space<vmem>>, vector<16xf32>,
        %get3A_1078 = arith.constant 9 : i32
        %get3A_1079 = arith.index_cast %get3A_1078 : i32 to index
        %get3A_1080 = arith.constant 32 : index
        %get3A_1081 = tpu.vector_load %arg13[%get3A_1079, %get3A_1080] {strides = array<i32>} : memref<16x128xf32, #tpu.memory_space<vmem>>, vector<16xf32>,
        %mul3A_1082 = vector.broadcast %squeeze3A_1051 : f32 to vector<16xf32>
        %mul3A_1083 = arith.mulf %get3A_1081, %mul3A_1082 : vector<16xf32>
        %get3A_1084 = arith.index_cast %squeeze3A_1049 : i32 to index
        %get3A_1085 = arith.constant 32 : index
        %get3A_1086 = tpu.vector_load %arg14[%get3A_1084, %get3A_1085] {strides = array<i32>} : memref<321x128xf32, #tpu.memory_space<vmem>>, vector<16xf32>,
        %max3A_1087 = arith.maximumf %get3A_1086, %mul3A_1083 : vector<16xf32>
        %swap3A_1088 = arith.index_cast %squeeze3A_1049 : i32 to index
        %swap3A_1089 = arith.constant 32 : index
        %swap3A_1090 = tpu.vector_load %arg14[%swap3A_1088, %swap3A_1089] {strides = array<i32>} : memref<321x128xf32, #tpu.memory_space<vmem>>, vector<16xf32>,
        tpu.vector_store %arg14[%swap3A_1088, %swap3A_1089], %max3A_1087 {strides = array<i32>} : memref<321x128xf32, #tpu.memory_space<vmem>>, vector<16xf32>,
        %get3A_1091 = arith.constant 9 : i32
        %get3A_1092 = arith.index_cast %get3A_1091 : i32 to index
        %get3A_1093 = arith.constant 48 : index
        %get3A_1094 = tpu.vector_load %arg13[%get3A_1092, %get3A_1093] {strides = array<i32>} : memref<16x128xf32, #tpu.memory_space<vmem>>, vector<16xf32>,
        %mul3A_1095 = vector.broadcast %squeeze3A_1051 : f32 to vector<16xf32>
        %mul3A_1096 = arith.mulf %get3A_1094, %mul3A_1095 : vector<16xf32>
        %get3A_1097 = arith.index_cast %squeeze3A_1049 : i32 to index
        %get3A_1098 = arith.constant 48 : index
        %get3A_1099 = tpu.vector_load %arg14[%get3A_1097, %get3A_1098] {strides = array<i32>} : memref<321x128xf32, #tpu.memory_space<vmem>>, vector<16xf32>,
        %max3A_1100 = arith.maximumf %get3A_1099, %mul3A_1096 : vector<16xf32>
        %swap3A_1101 = arith.index_cast %squeeze3A_1049 : i32 to index
        %swap3A_1102 = arith.constant 48 : index
        %swap3A_1103 = tpu.vector_load %arg14[%swap3A_1101, %swap3A_1102] {strides = array<i32>} : memref<321x128xf32, #tpu.memory_space<vmem>>, vector<16xf32>,
        tpu.vector_store %arg14[%swap3A_1101, %swap3A_1102], %max3A_1100 {strides = array<i32>} : memref<321x128xf32, #tpu.memory_space<vmem>>, vector<16xf32>,
        %get3A_1104 = arith.constant 9 : i32
        %get3A_1105 = arith.index_cast %get3A_1104 : i32 to index
        %get3A_1106 = arith.constant 64 : index
        %get3A_1107 = tpu.vector_load %arg13[%get3A_1105, %get3A_1106] {strides = array<i32>} : memref<16x128xf32, #tpu.memory_space<vmem>>, vector<16xf32>,
        %mul3A_1108 = vector.broadcast %squeeze3A_1051 : f32 to vector<16xf32>
        %mul3A_1109 = arith.mulf %get3A_1107, %mul3A_1108 : vector<16xf32>
        %get3A_1110 = arith.index_cast %squeeze3A_1049 : i32 to index
        %get3A_1111 = arith.constant 64 : index
        %get3A_1112 = tpu.vector_load %arg14[%get3A_1110, %get3A_1111] {strides = array<i32>} : memref<321x128xf32, #tpu.memory_space<vmem>>, vector<16xf32>,
        %max3A_1113 = arith.maximumf %get3A_1112, %mul3A_1109 : vector<16xf32>
        %swap3A_1114 = arith.index_cast %squeeze3A_1049 : i32 to index
        %swap3A_1115 = arith.constant 64 : index
        %swap3A_1116 = tpu.vector_load %arg14[%swap3A_1114, %swap3A_1115] {strides = array<i32>} : memref<321x128xf32, #tpu.memory_space<vmem>>, vector<16xf32>,
        tpu.vector_store %arg14[%swap3A_1114, %swap3A_1115], %max3A_1113 {strides = array<i32>} : memref<321x128xf32, #tpu.memory_space<vmem>>, vector<16xf32>,
        %get3A_1117 = arith.constant 9 : i32
        %get3A_1118 = arith.index_cast %get3A_1117 : i32 to index
        %get3A_1119 = arith.constant 80 : index
        %get3A_1120 = tpu.vector_load %arg13[%get3A_1118, %get3A_1119] {strides = array<i32>} : memref<16x128xf32, #tpu.memory_space<vmem>>, vector<16xf32>,
        %mul3A_1121 = vector.broadcast %squeeze3A_1051 : f32 to vector<16xf32>
        %mul3A_1122 = arith.mulf %get3A_1120, %mul3A_1121 : vector<16xf32>
        %get3A_1123 = arith.index_cast %squeeze3A_1049 : i32 to index
        %get3A_1124 = arith.constant 80 : index
        %get3A_1125 = tpu.vector_load %arg14[%get3A_1123, %get3A_1124] {strides = array<i32>} : memref<321x128xf32, #tpu.memory_space<vmem>>, vector<16xf32>,
        %max3A_1126 = arith.maximumf %get3A_1125, %mul3A_1122 : vector<16xf32>
        %swap3A_1127 = arith.index_cast %squeeze3A_1049 : i32 to index
        %swap3A_1128 = arith.constant 80 : index
        %swap3A_1129 = tpu.vector_load %arg14[%swap3A_1127, %swap3A_1128] {strides = array<i32>} : memref<321x128xf32, #tpu.memory_space<vmem>>, vector<16xf32>,
        tpu.vector_store %arg14[%swap3A_1127, %swap3A_1128], %max3A_1126 {strides = array<i32>} : memref<321x128xf32, #tpu.memory_space<vmem>>, vector<16xf32>,
        %get3A_1130 = arith.constant 9 : i32
        %get3A_1131 = arith.index_cast %get3A_1130 : i32 to index
        %get3A_1132 = arith.constant 96 : index
        %get3A_1133 = tpu.vector_load %arg13[%get3A_1131, %get3A_1132] {strides = array<i32>} : memref<16x128xf32, #tpu.memory_space<vmem>>, vector<16xf32>,
        %mul3A_1134 = vector.broadcast %squeeze3A_1051 : f32 to vector<16xf32>
        %mul3A_1135 = arith.mulf %get3A_1133, %mul3A_1134 : vector<16xf32>
        %get3A_1136 = arith.index_cast %squeeze3A_1049 : i32 to index
        %get3A_1137 = arith.constant 96 : index
        %get3A_1138 = tpu.vector_load %arg14[%get3A_1136, %get3A_1137] {strides = array<i32>} : memref<321x128xf32, #tpu.memory_space<vmem>>, vector<16xf32>,
        %max3A_1139 = arith.maximumf %get3A_1138, %mul3A_1135 : vector<16xf32>
        %swap3A_1140 = arith.index_cast %squeeze3A_1049 : i32 to index
        %swap3A_1141 = arith.constant 96 : index
        %swap3A_1142 = tpu.vector_load %arg14[%swap3A_1140, %swap3A_1141] {strides = array<i32>} : memref<321x128xf32, #tpu.memory_space<vmem>>, vector<16xf32>,
        tpu.vector_store %arg14[%swap3A_1140, %swap3A_1141], %max3A_1139 {strides = array<i32>} : memref<321x128xf32, #tpu.memory_space<vmem>>, vector<16xf32>,
        %get3A_1143 = arith.constant 9 : i32
        %get3A_1144 = arith.index_cast %get3A_1143 : i32 to index
        %get3A_1145 = arith.constant 112 : index
        %get3A_1146 = tpu.vector_load %arg13[%get3A_1144, %get3A_1145] {strides = array<i32>} : memref<16x128xf32, #tpu.memory_space<vmem>>, vector<16xf32>,
        %mul3A_1147 = vector.broadcast %squeeze3A_1051 : f32 to vector<16xf32>
        %mul3A_1148 = arith.mulf %get3A_1146, %mul3A_1147 : vector<16xf32>
        %get3A_1149 = arith.index_cast %squeeze3A_1049 : i32 to index
        %get3A_1150 = arith.constant 112 : index
        %get3A_1151 = tpu.vector_load %arg14[%get3A_1149, %get3A_1150] {strides = array<i32>} : memref<321x128xf32, #tpu.memory_space<vmem>>, vector<16xf32>,
        %max3A_1152 = arith.maximumf %get3A_1151, %mul3A_1148 : vector<16xf32>
        %swap3A_1153 = arith.index_cast %squeeze3A_1049 : i32 to index
        %swap3A_1154 = arith.constant 112 : index
        %swap3A_1155 = tpu.vector_load %arg14[%swap3A_1153, %swap3A_1154] {strides = array<i32>} : memref<321x128xf32, #tpu.memory_space<vmem>>, vector<16xf32>,
        tpu.vector_store %arg14[%swap3A_1153, %swap3A_1154], %max3A_1152 {strides = array<i32>} : memref<321x128xf32, #tpu.memory_space<vmem>>, vector<16xf32>,
        %slice3A_1156 = vector.extract_strided_slice %get3A_75 {offsets = [10], sizes = [1], strides = [1]} : vector<16xi32> to vector<1xi32>
        %squeeze3A_1157 = vector.extract %slice3A_1156[0] : i32 from vector<1xi32>
        %slice3A_1158 = vector.extract_strided_slice %get3A_79 {offsets = [10], sizes = [1], strides = [1]} : vector<16xf32> to vector<1xf32>
        %squeeze3A_1159 = vector.extract %slice3A_1158[0] : f32 from vector<1xf32>
        %get3A_1160 = arith.constant 10 : i32
        %get3A_1161 = arith.index_cast %get3A_1160 : i32 to index
        %get3A_1162 = arith.constant 0 : index
        %get3A_1163 = tpu.vector_load %arg13[%get3A_1161, %get3A_1162] {strides = array<i32>} : memref<16x128xf32, #tpu.memory_space<vmem>>, vector<16xf32>,
        %mul3A_1164 = vector.broadcast %squeeze3A_1159 : f32 to vector<16xf32>
        %mul3A_1165 = arith.mulf %get3A_1163, %mul3A_1164 : vector<16xf32>
        %get3A_1166 = arith.index_cast %squeeze3A_1157 : i32 to index
        %get3A_1167 = arith.constant 0 : index
        %get3A_1168 = tpu.vector_load %arg14[%get3A_1166, %get3A_1167] {strides = array<i32>} : memref<321x128xf32, #tpu.memory_space<vmem>>, vector<16xf32>,
        %max3A_1169 = arith.maximumf %get3A_1168, %mul3A_1165 : vector<16xf32>
        %swap3A_1170 = arith.index_cast %squeeze3A_1157 : i32 to index
        %swap3A_1171 = arith.constant 0 : index
        %swap3A_1172 = tpu.vector_load %arg14[%swap3A_1170, %swap3A_1171] {strides = array<i32>} : memref<321x128xf32, #tpu.memory_space<vmem>>, vector<16xf32>,
        tpu.vector_store %arg14[%swap3A_1170, %swap3A_1171], %max3A_1169 {strides = array<i32>} : memref<321x128xf32, #tpu.memory_space<vmem>>, vector<16xf32>,
        %get3A_1173 = arith.constant 10 : i32
        %get3A_1174 = arith.index_cast %get3A_1173 : i32 to index
        %get3A_1175 = arith.constant 16 : index
        %get3A_1176 = tpu.vector_load %arg13[%get3A_1174, %get3A_1175] {strides = array<i32>} : memref<16x128xf32, #tpu.memory_space<vmem>>, vector<16xf32>,
        %mul3A_1177 = vector.broadcast %squeeze3A_1159 : f32 to vector<16xf32>
        %mul3A_1178 = arith.mulf %get3A_1176, %mul3A_1177 : vector<16xf32>
        %get3A_1179 = arith.index_cast %squeeze3A_1157 : i32 to index
        %get3A_1180 = arith.constant 16 : index
        %get3A_1181 = tpu.vector_load %arg14[%get3A_1179, %get3A_1180] {strides = array<i32>} : memref<321x128xf32, #tpu.memory_space<vmem>>, vector<16xf32>,
        %max3A_1182 = arith.maximumf %get3A_1181, %mul3A_1178 : vector<16xf32>
        %swap3A_1183 = arith.index_cast %squeeze3A_1157 : i32 to index
        %swap3A_1184 = arith.constant 16 : index
        %swap3A_1185 = tpu.vector_load %arg14[%swap3A_1183, %swap3A_1184] {strides = array<i32>} : memref<321x128xf32, #tpu.memory_space<vmem>>, vector<16xf32>,
        tpu.vector_store %arg14[%swap3A_1183, %swap3A_1184], %max3A_1182 {strides = array<i32>} : memref<321x128xf32, #tpu.memory_space<vmem>>, vector<16xf32>,
        %get3A_1186 = arith.constant 10 : i32
        %get3A_1187 = arith.index_cast %get3A_1186 : i32 to index
        %get3A_1188 = arith.constant 32 : index
        %get3A_1189 = tpu.vector_load %arg13[%get3A_1187, %get3A_1188] {strides = array<i32>} : memref<16x128xf32, #tpu.memory_space<vmem>>, vector<16xf32>,
        %mul3A_1190 = vector.broadcast %squeeze3A_1159 : f32 to vector<16xf32>
        %mul3A_1191 = arith.mulf %get3A_1189, %mul3A_1190 : vector<16xf32>
        %get3A_1192 = arith.index_cast %squeeze3A_1157 : i32 to index
        %get3A_1193 = arith.constant 32 : index
        %get3A_1194 = tpu.vector_load %arg14[%get3A_1192, %get3A_1193] {strides = array<i32>} : memref<321x128xf32, #tpu.memory_space<vmem>>, vector<16xf32>,
        %max3A_1195 = arith.maximumf %get3A_1194, %mul3A_1191 : vector<16xf32>
        %swap3A_1196 = arith.index_cast %squeeze3A_1157 : i32 to index
        %swap3A_1197 = arith.constant 32 : index
        %swap3A_1198 = tpu.vector_load %arg14[%swap3A_1196, %swap3A_1197] {strides = array<i32>} : memref<321x128xf32, #tpu.memory_space<vmem>>, vector<16xf32>,
        tpu.vector_store %arg14[%swap3A_1196, %swap3A_1197], %max3A_1195 {strides = array<i32>} : memref<321x128xf32, #tpu.memory_space<vmem>>, vector<16xf32>,
        %get3A_1199 = arith.constant 10 : i32
        %get3A_1200 = arith.index_cast %get3A_1199 : i32 to index
        %get3A_1201 = arith.constant 48 : index
        %get3A_1202 = tpu.vector_load %arg13[%get3A_1200, %get3A_1201] {strides = array<i32>} : memref<16x128xf32, #tpu.memory_space<vmem>>, vector<16xf32>,
        %mul3A_1203 = vector.broadcast %squeeze3A_1159 : f32 to vector<16xf32>
        %mul3A_1204 = arith.mulf %get3A_1202, %mul3A_1203 : vector<16xf32>
        %get3A_1205 = arith.index_cast %squeeze3A_1157 : i32 to index
        %get3A_1206 = arith.constant 48 : index
        %get3A_1207 = tpu.vector_load %arg14[%get3A_1205, %get3A_1206] {strides = array<i32>} : memref<321x128xf32, #tpu.memory_space<vmem>>, vector<16xf32>,
        %max3A_1208 = arith.maximumf %get3A_1207, %mul3A_1204 : vector<16xf32>
        %swap3A_1209 = arith.index_cast %squeeze3A_1157 : i32 to index
        %swap3A_1210 = arith.constant 48 : index
        %swap3A_1211 = tpu.vector_load %arg14[%swap3A_1209, %swap3A_1210] {strides = array<i32>} : memref<321x128xf32, #tpu.memory_space<vmem>>, vector<16xf32>,
        tpu.vector_store %arg14[%swap3A_1209, %swap3A_1210], %max3A_1208 {strides = array<i32>} : memref<321x128xf32, #tpu.memory_space<vmem>>, vector<16xf32>,
        %get3A_1212 = arith.constant 10 : i32
        %get3A_1213 = arith.index_cast %get3A_1212 : i32 to index
        %get3A_1214 = arith.constant 64 : index
        %get3A_1215 = tpu.vector_load %arg13[%get3A_1213, %get3A_1214] {strides = array<i32>} : memref<16x128xf32, #tpu.memory_space<vmem>>, vector<16xf32>,
        %mul3A_1216 = vector.broadcast %squeeze3A_1159 : f32 to vector<16xf32>
        %mul3A_1217 = arith.mulf %get3A_1215, %mul3A_1216 : vector<16xf32>
        %get3A_1218 = arith.index_cast %squeeze3A_1157 : i32 to index
        %get3A_1219 = arith.constant 64 : index
        %get3A_1220 = tpu.vector_load %arg14[%get3A_1218, %get3A_1219] {strides = array<i32>} : memref<321x128xf32, #tpu.memory_space<vmem>>, vector<16xf32>,
        %max3A_1221 = arith.maximumf %get3A_1220, %mul3A_1217 : vector<16xf32>
        %swap3A_1222 = arith.index_cast %squeeze3A_1157 : i32 to index
        %swap3A_1223 = arith.constant 64 : index
        %swap3A_1224 = tpu.vector_load %arg14[%swap3A_1222, %swap3A_1223] {strides = array<i32>} : memref<321x128xf32, #tpu.memory_space<vmem>>, vector<16xf32>,
        tpu.vector_store %arg14[%swap3A_1222, %swap3A_1223], %max3A_1221 {strides = array<i32>} : memref<321x128xf32, #tpu.memory_space<vmem>>, vector<16xf32>,
        %get3A_1225 = arith.constant 10 : i32
        %get3A_1226 = arith.index_cast %get3A_1225 : i32 to index
        %get3A_1227 = arith.constant 80 : index
        %get3A_1228 = tpu.vector_load %arg13[%get3A_1226, %get3A_1227] {strides = array<i32>} : memref<16x128xf32, #tpu.memory_space<vmem>>, vector<16xf32>,
        %mul3A_1229 = vector.broadcast %squeeze3A_1159 : f32 to vector<16xf32>
        %mul3A_1230 = arith.mulf %get3A_1228, %mul3A_1229 : vector<16xf32>
        %get3A_1231 = arith.index_cast %squeeze3A_1157 : i32 to index
        %get3A_1232 = arith.constant 80 : index
        %get3A_1233 = tpu.vector_load %arg14[%get3A_1231, %get3A_1232] {strides = array<i32>} : memref<321x128xf32, #tpu.memory_space<vmem>>, vector<16xf32>,
        %max3A_1234 = arith.maximumf %get3A_1233, %mul3A_1230 : vector<16xf32>
        %swap3A_1235 = arith.index_cast %squeeze3A_1157 : i32 to index
        %swap3A_1236 = arith.constant 80 : index
        %swap3A_1237 = tpu.vector_load %arg14[%swap3A_1235, %swap3A_1236] {strides = array<i32>} : memref<321x128xf32, #tpu.memory_space<vmem>>, vector<16xf32>,
        tpu.vector_store %arg14[%swap3A_1235, %swap3A_1236], %max3A_1234 {strides = array<i32>} : memref<321x128xf32, #tpu.memory_space<vmem>>, vector<16xf32>,
        %get3A_1238 = arith.constant 10 : i32
        %get3A_1239 = arith.index_cast %get3A_1238 : i32 to index
        %get3A_1240 = arith.constant 96 : index
        %get3A_1241 = tpu.vector_load %arg13[%get3A_1239, %get3A_1240] {strides = array<i32>} : memref<16x128xf32, #tpu.memory_space<vmem>>, vector<16xf32>,
        %mul3A_1242 = vector.broadcast %squeeze3A_1159 : f32 to vector<16xf32>
        %mul3A_1243 = arith.mulf %get3A_1241, %mul3A_1242 : vector<16xf32>
        %get3A_1244 = arith.index_cast %squeeze3A_1157 : i32 to index
        %get3A_1245 = arith.constant 96 : index
        %get3A_1246 = tpu.vector_load %arg14[%get3A_1244, %get3A_1245] {strides = array<i32>} : memref<321x128xf32, #tpu.memory_space<vmem>>, vector<16xf32>,
        %max3A_1247 = arith.maximumf %get3A_1246, %mul3A_1243 : vector<16xf32>
        %swap3A_1248 = arith.index_cast %squeeze3A_1157 : i32 to index
        %swap3A_1249 = arith.constant 96 : index
        %swap3A_1250 = tpu.vector_load %arg14[%swap3A_1248, %swap3A_1249] {strides = array<i32>} : memref<321x128xf32, #tpu.memory_space<vmem>>, vector<16xf32>,
        tpu.vector_store %arg14[%swap3A_1248, %swap3A_1249], %max3A_1247 {strides = array<i32>} : memref<321x128xf32, #tpu.memory_space<vmem>>, vector<16xf32>,
        %get3A_1251 = arith.constant 10 : i32
        %get3A_1252 = arith.index_cast %get3A_1251 : i32 to index
        %get3A_1253 = arith.constant 112 : index
        %get3A_1254 = tpu.vector_load %arg13[%get3A_1252, %get3A_1253] {strides = array<i32>} : memref<16x128xf32, #tpu.memory_space<vmem>>, vector<16xf32>,
        %mul3A_1255 = vector.broadcast %squeeze3A_1159 : f32 to vector<16xf32>
        %mul3A_1256 = arith.mulf %get3A_1254, %mul3A_1255 : vector<16xf32>
        %get3A_1257 = arith.index_cast %squeeze3A_1157 : i32 to index
        %get3A_1258 = arith.constant 112 : index
        %get3A_1259 = tpu.vector_load %arg14[%get3A_1257, %get3A_1258] {strides = array<i32>} : memref<321x128xf32, #tpu.memory_space<vmem>>, vector<16xf32>,
        %max3A_1260 = arith.maximumf %get3A_1259, %mul3A_1256 : vector<16xf32>
        %swap3A_1261 = arith.index_cast %squeeze3A_1157 : i32 to index
        %swap3A_1262 = arith.constant 112 : index
        %swap3A_1263 = tpu.vector_load %arg14[%swap3A_1261, %swap3A_1262] {strides = array<i32>} : memref<321x128xf32, #tpu.memory_space<vmem>>, vector<16xf32>,
        tpu.vector_store %arg14[%swap3A_1261, %swap3A_1262], %max3A_1260 {strides = array<i32>} : memref<321x128xf32, #tpu.memory_space<vmem>>, vector<16xf32>,
        %slice3A_1264 = vector.extract_strided_slice %get3A_75 {offsets = [11], sizes = [1], strides = [1]} : vector<16xi32> to vector<1xi32>
        %squeeze3A_1265 = vector.extract %slice3A_1264[0] : i32 from vector<1xi32>
        %slice3A_1266 = vector.extract_strided_slice %get3A_79 {offsets = [11], sizes = [1], strides = [1]} : vector<16xf32> to vector<1xf32>
        %squeeze3A_1267 = vector.extract %slice3A_1266[0] : f32 from vector<1xf32>
        %get3A_1268 = arith.constant 11 : i32
        %get3A_1269 = arith.index_cast %get3A_1268 : i32 to index
        %get3A_1270 = arith.constant 0 : index
        %get3A_1271 = tpu.vector_load %arg13[%get3A_1269, %get3A_1270] {strides = array<i32>} : memref<16x128xf32, #tpu.memory_space<vmem>>, vector<16xf32>,
        %mul3A_1272 = vector.broadcast %squeeze3A_1267 : f32 to vector<16xf32>
        %mul3A_1273 = arith.mulf %get3A_1271, %mul3A_1272 : vector<16xf32>
        %get3A_1274 = arith.index_cast %squeeze3A_1265 : i32 to index
        %get3A_1275 = arith.constant 0 : index
        %get3A_1276 = tpu.vector_load %arg14[%get3A_1274, %get3A_1275] {strides = array<i32>} : memref<321x128xf32, #tpu.memory_space<vmem>>, vector<16xf32>,
        %max3A_1277 = arith.maximumf %get3A_1276, %mul3A_1273 : vector<16xf32>
        %swap3A_1278 = arith.index_cast %squeeze3A_1265 : i32 to index
        %swap3A_1279 = arith.constant 0 : index
        %swap3A_1280 = tpu.vector_load %arg14[%swap3A_1278, %swap3A_1279] {strides = array<i32>} : memref<321x128xf32, #tpu.memory_space<vmem>>, vector<16xf32>,
        tpu.vector_store %arg14[%swap3A_1278, %swap3A_1279], %max3A_1277 {strides = array<i32>} : memref<321x128xf32, #tpu.memory_space<vmem>>, vector<16xf32>,
        %get3A_1281 = arith.constant 11 : i32
        %get3A_1282 = arith.index_cast %get3A_1281 : i32 to index
        %get3A_1283 = arith.constant 16 : index
        %get3A_1284 = tpu.vector_load %arg13[%get3A_1282, %get3A_1283] {strides = array<i32>} : memref<16x128xf32, #tpu.memory_space<vmem>>, vector<16xf32>,
        %mul3A_1285 = vector.broadcast %squeeze3A_1267 : f32 to vector<16xf32>
        %mul3A_1286 = arith.mulf %get3A_1284, %mul3A_1285 : vector<16xf32>
        %get3A_1287 = arith.index_cast %squeeze3A_1265 : i32 to index
        %get3A_1288 = arith.constant 16 : index
        %get3A_1289 = tpu.vector_load %arg14[%get3A_1287, %get3A_1288] {strides = array<i32>} : memref<321x128xf32, #tpu.memory_space<vmem>>, vector<16xf32>,
        %max3A_1290 = arith.maximumf %get3A_1289, %mul3A_1286 : vector<16xf32>
        %swap3A_1291 = arith.index_cast %squeeze3A_1265 : i32 to index
        %swap3A_1292 = arith.constant 16 : index
        %swap3A_1293 = tpu.vector_load %arg14[%swap3A_1291, %swap3A_1292] {strides = array<i32>} : memref<321x128xf32, #tpu.memory_space<vmem>>, vector<16xf32>,
        tpu.vector_store %arg14[%swap3A_1291, %swap3A_1292], %max3A_1290 {strides = array<i32>} : memref<321x128xf32, #tpu.memory_space<vmem>>, vector<16xf32>,
        %get3A_1294 = arith.constant 11 : i32
        %get3A_1295 = arith.index_cast %get3A_1294 : i32 to index
        %get3A_1296 = arith.constant 32 : index
        %get3A_1297 = tpu.vector_load %arg13[%get3A_1295, %get3A_1296] {strides = array<i32>} : memref<16x128xf32, #tpu.memory_space<vmem>>, vector<16xf32>,
        %mul3A_1298 = vector.broadcast %squeeze3A_1267 : f32 to vector<16xf32>
        %mul3A_1299 = arith.mulf %get3A_1297, %mul3A_1298 : vector<16xf32>
        %get3A_1300 = arith.index_cast %squeeze3A_1265 : i32 to index
        %get3A_1301 = arith.constant 32 : index
        %get3A_1302 = tpu.vector_load %arg14[%get3A_1300, %get3A_1301] {strides = array<i32>} : memref<321x128xf32, #tpu.memory_space<vmem>>, vector<16xf32>,
        %max3A_1303 = arith.maximumf %get3A_1302, %mul3A_1299 : vector<16xf32>
        %swap3A_1304 = arith.index_cast %squeeze3A_1265 : i32 to index
        %swap3A_1305 = arith.constant 32 : index
        %swap3A_1306 = tpu.vector_load %arg14[%swap3A_1304, %swap3A_1305] {strides = array<i32>} : memref<321x128xf32, #tpu.memory_space<vmem>>, vector<16xf32>,
        tpu.vector_store %arg14[%swap3A_1304, %swap3A_1305], %max3A_1303 {strides = array<i32>} : memref<321x128xf32, #tpu.memory_space<vmem>>, vector<16xf32>,
        %get3A_1307 = arith.constant 11 : i32
        %get3A_1308 = arith.index_cast %get3A_1307 : i32 to index
        %get3A_1309 = arith.constant 48 : index
        %get3A_1310 = tpu.vector_load %arg13[%get3A_1308, %get3A_1309] {strides = array<i32>} : memref<16x128xf32, #tpu.memory_space<vmem>>, vector<16xf32>,
        %mul3A_1311 = vector.broadcast %squeeze3A_1267 : f32 to vector<16xf32>
        %mul3A_1312 = arith.mulf %get3A_1310, %mul3A_1311 : vector<16xf32>
        %get3A_1313 = arith.index_cast %squeeze3A_1265 : i32 to index
        %get3A_1314 = arith.constant 48 : index
        %get3A_1315 = tpu.vector_load %arg14[%get3A_1313, %get3A_1314] {strides = array<i32>} : memref<321x128xf32, #tpu.memory_space<vmem>>, vector<16xf32>,
        %max3A_1316 = arith.maximumf %get3A_1315, %mul3A_1312 : vector<16xf32>
        %swap3A_1317 = arith.index_cast %squeeze3A_1265 : i32 to index
        %swap3A_1318 = arith.constant 48 : index
        %swap3A_1319 = tpu.vector_load %arg14[%swap3A_1317, %swap3A_1318] {strides = array<i32>} : memref<321x128xf32, #tpu.memory_space<vmem>>, vector<16xf32>,
        tpu.vector_store %arg14[%swap3A_1317, %swap3A_1318], %max3A_1316 {strides = array<i32>} : memref<321x128xf32, #tpu.memory_space<vmem>>, vector<16xf32>,
        %get3A_1320 = arith.constant 11 : i32
        %get3A_1321 = arith.index_cast %get3A_1320 : i32 to index
        %get3A_1322 = arith.constant 64 : index
        %get3A_1323 = tpu.vector_load %arg13[%get3A_1321, %get3A_1322] {strides = array<i32>} : memref<16x128xf32, #tpu.memory_space<vmem>>, vector<16xf32>,
        %mul3A_1324 = vector.broadcast %squeeze3A_1267 : f32 to vector<16xf32>
        %mul3A_1325 = arith.mulf %get3A_1323, %mul3A_1324 : vector<16xf32>
        %get3A_1326 = arith.index_cast %squeeze3A_1265 : i32 to index
        %get3A_1327 = arith.constant 64 : index
        %get3A_1328 = tpu.vector_load %arg14[%get3A_1326, %get3A_1327] {strides = array<i32>} : memref<321x128xf32, #tpu.memory_space<vmem>>, vector<16xf32>,
        %max3A_1329 = arith.maximumf %get3A_1328, %mul3A_1325 : vector<16xf32>
        %swap3A_1330 = arith.index_cast %squeeze3A_1265 : i32 to index
        %swap3A_1331 = arith.constant 64 : index
        %swap3A_1332 = tpu.vector_load %arg14[%swap3A_1330, %swap3A_1331] {strides = array<i32>} : memref<321x128xf32, #tpu.memory_space<vmem>>, vector<16xf32>,
        tpu.vector_store %arg14[%swap3A_1330, %swap3A_1331], %max3A_1329 {strides = array<i32>} : memref<321x128xf32, #tpu.memory_space<vmem>>, vector<16xf32>,
        %get3A_1333 = arith.constant 11 : i32
        %get3A_1334 = arith.index_cast %get3A_1333 : i32 to index
        %get3A_1335 = arith.constant 80 : index
        %get3A_1336 = tpu.vector_load %arg13[%get3A_1334, %get3A_1335] {strides = array<i32>} : memref<16x128xf32, #tpu.memory_space<vmem>>, vector<16xf32>,
        %mul3A_1337 = vector.broadcast %squeeze3A_1267 : f32 to vector<16xf32>
        %mul3A_1338 = arith.mulf %get3A_1336, %mul3A_1337 : vector<16xf32>
        %get3A_1339 = arith.index_cast %squeeze3A_1265 : i32 to index
        %get3A_1340 = arith.constant 80 : index
        %get3A_1341 = tpu.vector_load %arg14[%get3A_1339, %get3A_1340] {strides = array<i32>} : memref<321x128xf32, #tpu.memory_space<vmem>>, vector<16xf32>,
        %max3A_1342 = arith.maximumf %get3A_1341, %mul3A_1338 : vector<16xf32>
        %swap3A_1343 = arith.index_cast %squeeze3A_1265 : i32 to index
        %swap3A_1344 = arith.constant 80 : index
        %swap3A_1345 = tpu.vector_load %arg14[%swap3A_1343, %swap3A_1344] {strides = array<i32>} : memref<321x128xf32, #tpu.memory_space<vmem>>, vector<16xf32>,
        tpu.vector_store %arg14[%swap3A_1343, %swap3A_1344], %max3A_1342 {strides = array<i32>} : memref<321x128xf32, #tpu.memory_space<vmem>>, vector<16xf32>,
        %get3A_1346 = arith.constant 11 : i32
        %get3A_1347 = arith.index_cast %get3A_1346 : i32 to index
        %get3A_1348 = arith.constant 96 : index
        %get3A_1349 = tpu.vector_load %arg13[%get3A_1347, %get3A_1348] {strides = array<i32>} : memref<16x128xf32, #tpu.memory_space<vmem>>, vector<16xf32>,
        %mul3A_1350 = vector.broadcast %squeeze3A_1267 : f32 to vector<16xf32>
        %mul3A_1351 = arith.mulf %get3A_1349, %mul3A_1350 : vector<16xf32>
        %get3A_1352 = arith.index_cast %squeeze3A_1265 : i32 to index
        %get3A_1353 = arith.constant 96 : index
        %get3A_1354 = tpu.vector_load %arg14[%get3A_1352, %get3A_1353] {strides = array<i32>} : memref<321x128xf32, #tpu.memory_space<vmem>>, vector<16xf32>,
        %max3A_1355 = arith.maximumf %get3A_1354, %mul3A_1351 : vector<16xf32>
        %swap3A_1356 = arith.index_cast %squeeze3A_1265 : i32 to index
        %swap3A_1357 = arith.constant 96 : index
        %swap3A_1358 = tpu.vector_load %arg14[%swap3A_1356, %swap3A_1357] {strides = array<i32>} : memref<321x128xf32, #tpu.memory_space<vmem>>, vector<16xf32>,
        tpu.vector_store %arg14[%swap3A_1356, %swap3A_1357], %max3A_1355 {strides = array<i32>} : memref<321x128xf32, #tpu.memory_space<vmem>>, vector<16xf32>,
        %get3A_1359 = arith.constant 11 : i32
        %get3A_1360 = arith.index_cast %get3A_1359 : i32 to index
        %get3A_1361 = arith.constant 112 : index
        %get3A_1362 = tpu.vector_load %arg13[%get3A_1360, %get3A_1361] {strides = array<i32>} : memref<16x128xf32, #tpu.memory_space<vmem>>, vector<16xf32>,
        %mul3A_1363 = vector.broadcast %squeeze3A_1267 : f32 to vector<16xf32>
        %mul3A_1364 = arith.mulf %get3A_1362, %mul3A_1363 : vector<16xf32>
        %get3A_1365 = arith.index_cast %squeeze3A_1265 : i32 to index
        %get3A_1366 = arith.constant 112 : index
        %get3A_1367 = tpu.vector_load %arg14[%get3A_1365, %get3A_1366] {strides = array<i32>} : memref<321x128xf32, #tpu.memory_space<vmem>>, vector<16xf32>,
        %max3A_1368 = arith.maximumf %get3A_1367, %mul3A_1364 : vector<16xf32>
        %swap3A_1369 = arith.index_cast %squeeze3A_1265 : i32 to index
        %swap3A_1370 = arith.constant 112 : index
        %swap3A_1371 = tpu.vector_load %arg14[%swap3A_1369, %swap3A_1370] {strides = array<i32>} : memref<321x128xf32, #tpu.memory_space<vmem>>, vector<16xf32>,
        tpu.vector_store %arg14[%swap3A_1369, %swap3A_1370], %max3A_1368 {strides = array<i32>} : memref<321x128xf32, #tpu.memory_space<vmem>>, vector<16xf32>,
        %slice3A_1372 = vector.extract_strided_slice %get3A_75 {offsets = [12], sizes = [1], strides = [1]} : vector<16xi32> to vector<1xi32>
        %squeeze3A_1373 = vector.extract %slice3A_1372[0] : i32 from vector<1xi32>
        %slice3A_1374 = vector.extract_strided_slice %get3A_79 {offsets = [12], sizes = [1], strides = [1]} : vector<16xf32> to vector<1xf32>
        %squeeze3A_1375 = vector.extract %slice3A_1374[0] : f32 from vector<1xf32>
        %get3A_1376 = arith.constant 12 : i32
        %get3A_1377 = arith.index_cast %get3A_1376 : i32 to index
        %get3A_1378 = arith.constant 0 : index
        %get3A_1379 = tpu.vector_load %arg13[%get3A_1377, %get3A_1378] {strides = array<i32>} : memref<16x128xf32, #tpu.memory_space<vmem>>, vector<16xf32>,
        %mul3A_1380 = vector.broadcast %squeeze3A_1375 : f32 to vector<16xf32>
        %mul3A_1381 = arith.mulf %get3A_1379, %mul3A_1380 : vector<16xf32>
        %get3A_1382 = arith.index_cast %squeeze3A_1373 : i32 to index
        %get3A_1383 = arith.constant 0 : index
        %get3A_1384 = tpu.vector_load %arg14[%get3A_1382, %get3A_1383] {strides = array<i32>} : memref<321x128xf32, #tpu.memory_space<vmem>>, vector<16xf32>,
        %max3A_1385 = arith.maximumf %get3A_1384, %mul3A_1381 : vector<16xf32>
        %swap3A_1386 = arith.index_cast %squeeze3A_1373 : i32 to index
        %swap3A_1387 = arith.constant 0 : index
        %swap3A_1388 = tpu.vector_load %arg14[%swap3A_1386, %swap3A_1387] {strides = array<i32>} : memref<321x128xf32, #tpu.memory_space<vmem>>, vector<16xf32>,
        tpu.vector_store %arg14[%swap3A_1386, %swap3A_1387], %max3A_1385 {strides = array<i32>} : memref<321x128xf32, #tpu.memory_space<vmem>>, vector<16xf32>,
        %get3A_1389 = arith.constant 12 : i32
        %get3A_1390 = arith.index_cast %get3A_1389 : i32 to index
        %get3A_1391 = arith.constant 16 : index
        %get3A_1392 = tpu.vector_load %arg13[%get3A_1390, %get3A_1391] {strides = array<i32>} : memref<16x128xf32, #tpu.memory_space<vmem>>, vector<16xf32>,
        %mul3A_1393 = vector.broadcast %squeeze3A_1375 : f32 to vector<16xf32>
        %mul3A_1394 = arith.mulf %get3A_1392, %mul3A_1393 : vector<16xf32>
        %get3A_1395 = arith.index_cast %squeeze3A_1373 : i32 to index
        %get3A_1396 = arith.constant 16 : index
        %get3A_1397 = tpu.vector_load %arg14[%get3A_1395, %get3A_1396] {strides = array<i32>} : memref<321x128xf32, #tpu.memory_space<vmem>>, vector<16xf32>,
        %max3A_1398 = arith.maximumf %get3A_1397, %mul3A_1394 : vector<16xf32>
        %swap3A_1399 = arith.index_cast %squeeze3A_1373 : i32 to index
        %swap3A_1400 = arith.constant 16 : index
        %swap3A_1401 = tpu.vector_load %arg14[%swap3A_1399, %swap3A_1400] {strides = array<i32>} : memref<321x128xf32, #tpu.memory_space<vmem>>, vector<16xf32>,
        tpu.vector_store %arg14[%swap3A_1399, %swap3A_1400], %max3A_1398 {strides = array<i32>} : memref<321x128xf32, #tpu.memory_space<vmem>>, vector<16xf32>,
        %get3A_1402 = arith.constant 12 : i32
        %get3A_1403 = arith.index_cast %get3A_1402 : i32 to index
        %get3A_1404 = arith.constant 32 : index
        %get3A_1405 = tpu.vector_load %arg13[%get3A_1403, %get3A_1404] {strides = array<i32>} : memref<16x128xf32, #tpu.memory_space<vmem>>, vector<16xf32>,
        %mul3A_1406 = vector.broadcast %squeeze3A_1375 : f32 to vector<16xf32>
        %mul3A_1407 = arith.mulf %get3A_1405, %mul3A_1406 : vector<16xf32>
        %get3A_1408 = arith.index_cast %squeeze3A_1373 : i32 to index
        %get3A_1409 = arith.constant 32 : index
        %get3A_1410 = tpu.vector_load %arg14[%get3A_1408, %get3A_1409] {strides = array<i32>} : memref<321x128xf32, #tpu.memory_space<vmem>>, vector<16xf32>,
        %max3A_1411 = arith.maximumf %get3A_1410, %mul3A_1407 : vector<16xf32>
        %swap3A_1412 = arith.index_cast %squeeze3A_1373 : i32 to index
        %swap3A_1413 = arith.constant 32 : index
        %swap3A_1414 = tpu.vector_load %arg14[%swap3A_1412, %swap3A_1413] {strides = array<i32>} : memref<321x128xf32, #tpu.memory_space<vmem>>, vector<16xf32>,
        tpu.vector_store %arg14[%swap3A_1412, %swap3A_1413], %max3A_1411 {strides = array<i32>} : memref<321x128xf32, #tpu.memory_space<vmem>>, vector<16xf32>,
        %get3A_1415 = arith.constant 12 : i32
        %get3A_1416 = arith.index_cast %get3A_1415 : i32 to index
        %get3A_1417 = arith.constant 48 : index
        %get3A_1418 = tpu.vector_load %arg13[%get3A_1416, %get3A_1417] {strides = array<i32>} : memref<16x128xf32, #tpu.memory_space<vmem>>, vector<16xf32>,
        %mul3A_1419 = vector.broadcast %squeeze3A_1375 : f32 to vector<16xf32>
        %mul3A_1420 = arith.mulf %get3A_1418, %mul3A_1419 : vector<16xf32>
        %get3A_1421 = arith.index_cast %squeeze3A_1373 : i32 to index
        %get3A_1422 = arith.constant 48 : index
        %get3A_1423 = tpu.vector_load %arg14[%get3A_1421, %get3A_1422] {strides = array<i32>} : memref<321x128xf32, #tpu.memory_space<vmem>>, vector<16xf32>,
        %max3A_1424 = arith.maximumf %get3A_1423, %mul3A_1420 : vector<16xf32>
        %swap3A_1425 = arith.index_cast %squeeze3A_1373 : i32 to index
        %swap3A_1426 = arith.constant 48 : index
        %swap3A_1427 = tpu.vector_load %arg14[%swap3A_1425, %swap3A_1426] {strides = array<i32>} : memref<321x128xf32, #tpu.memory_space<vmem>>, vector<16xf32>,
        tpu.vector_store %arg14[%swap3A_1425, %swap3A_1426], %max3A_1424 {strides = array<i32>} : memref<321x128xf32, #tpu.memory_space<vmem>>, vector<16xf32>,
        %get3A_1428 = arith.constant 12 : i32
        %get3A_1429 = arith.index_cast %get3A_1428 : i32 to index
        %get3A_1430 = arith.constant 64 : index
        %get3A_1431 = tpu.vector_load %arg13[%get3A_1429, %get3A_1430] {strides = array<i32>} : memref<16x128xf32, #tpu.memory_space<vmem>>, vector<16xf32>,
        %mul3A_1432 = vector.broadcast %squeeze3A_1375 : f32 to vector<16xf32>
        %mul3A_1433 = arith.mulf %get3A_1431, %mul3A_1432 : vector<16xf32>
        %get3A_1434 = arith.index_cast %squeeze3A_1373 : i32 to index
        %get3A_1435 = arith.constant 64 : index
        %get3A_1436 = tpu.vector_load %arg14[%get3A_1434, %get3A_1435] {strides = array<i32>} : memref<321x128xf32, #tpu.memory_space<vmem>>, vector<16xf32>,
        %max3A_1437 = arith.maximumf %get3A_1436, %mul3A_1433 : vector<16xf32>
        %swap3A_1438 = arith.index_cast %squeeze3A_1373 : i32 to index
        %swap3A_1439 = arith.constant 64 : index
        %swap3A_1440 = tpu.vector_load %arg14[%swap3A_1438, %swap3A_1439] {strides = array<i32>} : memref<321x128xf32, #tpu.memory_space<vmem>>, vector<16xf32>,
        tpu.vector_store %arg14[%swap3A_1438, %swap3A_1439], %max3A_1437 {strides = array<i32>} : memref<321x128xf32, #tpu.memory_space<vmem>>, vector<16xf32>,
        %get3A_1441 = arith.constant 12 : i32
        %get3A_1442 = arith.index_cast %get3A_1441 : i32 to index
        %get3A_1443 = arith.constant 80 : index
        %get3A_1444 = tpu.vector_load %arg13[%get3A_1442, %get3A_1443] {strides = array<i32>} : memref<16x128xf32, #tpu.memory_space<vmem>>, vector<16xf32>,
        %mul3A_1445 = vector.broadcast %squeeze3A_1375 : f32 to vector<16xf32>
        %mul3A_1446 = arith.mulf %get3A_1444, %mul3A_1445 : vector<16xf32>
        %get3A_1447 = arith.index_cast %squeeze3A_1373 : i32 to index
        %get3A_1448 = arith.constant 80 : index
        %get3A_1449 = tpu.vector_load %arg14[%get3A_1447, %get3A_1448] {strides = array<i32>} : memref<321x128xf32, #tpu.memory_space<vmem>>, vector<16xf32>,
        %max3A_1450 = arith.maximumf %get3A_1449, %mul3A_1446 : vector<16xf32>
        %swap3A_1451 = arith.index_cast %squeeze3A_1373 : i32 to index
        %swap3A_1452 = arith.constant 80 : index
        %swap3A_1453 = tpu.vector_load %arg14[%swap3A_1451, %swap3A_1452] {strides = array<i32>} : memref<321x128xf32, #tpu.memory_space<vmem>>, vector<16xf32>,
        tpu.vector_store %arg14[%swap3A_1451, %swap3A_1452], %max3A_1450 {strides = array<i32>} : memref<321x128xf32, #tpu.memory_space<vmem>>, vector<16xf32>,
        %get3A_1454 = arith.constant 12 : i32
        %get3A_1455 = arith.index_cast %get3A_1454 : i32 to index
        %get3A_1456 = arith.constant 96 : index
        %get3A_1457 = tpu.vector_load %arg13[%get3A_1455, %get3A_1456] {strides = array<i32>} : memref<16x128xf32, #tpu.memory_space<vmem>>, vector<16xf32>,
        %mul3A_1458 = vector.broadcast %squeeze3A_1375 : f32 to vector<16xf32>
        %mul3A_1459 = arith.mulf %get3A_1457, %mul3A_1458 : vector<16xf32>
        %get3A_1460 = arith.index_cast %squeeze3A_1373 : i32 to index
        %get3A_1461 = arith.constant 96 : index
        %get3A_1462 = tpu.vector_load %arg14[%get3A_1460, %get3A_1461] {strides = array<i32>} : memref<321x128xf32, #tpu.memory_space<vmem>>, vector<16xf32>,
        %max3A_1463 = arith.maximumf %get3A_1462, %mul3A_1459 : vector<16xf32>
        %swap3A_1464 = arith.index_cast %squeeze3A_1373 : i32 to index
        %swap3A_1465 = arith.constant 96 : index
        %swap3A_1466 = tpu.vector_load %arg14[%swap3A_1464, %swap3A_1465] {strides = array<i32>} : memref<321x128xf32, #tpu.memory_space<vmem>>, vector<16xf32>,
        tpu.vector_store %arg14[%swap3A_1464, %swap3A_1465], %max3A_1463 {strides = array<i32>} : memref<321x128xf32, #tpu.memory_space<vmem>>, vector<16xf32>,
        %get3A_1467 = arith.constant 12 : i32
        %get3A_1468 = arith.index_cast %get3A_1467 : i32 to index
        %get3A_1469 = arith.constant 112 : index
        %get3A_1470 = tpu.vector_load %arg13[%get3A_1468, %get3A_1469] {strides = array<i32>} : memref<16x128xf32, #tpu.memory_space<vmem>>, vector<16xf32>,
        %mul3A_1471 = vector.broadcast %squeeze3A_1375 : f32 to vector<16xf32>
        %mul3A_1472 = arith.mulf %get3A_1470, %mul3A_1471 : vector<16xf32>
        %get3A_1473 = arith.index_cast %squeeze3A_1373 : i32 to index
        %get3A_1474 = arith.constant 112 : index
        %get3A_1475 = tpu.vector_load %arg14[%get3A_1473, %get3A_1474] {strides = array<i32>} : memref<321x128xf32, #tpu.memory_space<vmem>>, vector<16xf32>,
        %max3A_1476 = arith.maximumf %get3A_1475, %mul3A_1472 : vector<16xf32>
        %swap3A_1477 = arith.index_cast %squeeze3A_1373 : i32 to index
        %swap3A_1478 = arith.constant 112 : index
        %swap3A_1479 = tpu.vector_load %arg14[%swap3A_1477, %swap3A_1478] {strides = array<i32>} : memref<321x128xf32, #tpu.memory_space<vmem>>, vector<16xf32>,
        tpu.vector_store %arg14[%swap3A_1477, %swap3A_1478], %max3A_1476 {strides = array<i32>} : memref<321x128xf32, #tpu.memory_space<vmem>>, vector<16xf32>,
        %slice3A_1480 = vector.extract_strided_slice %get3A_75 {offsets = [13], sizes = [1], strides = [1]} : vector<16xi32> to vector<1xi32>
        %squeeze3A_1481 = vector.extract %slice3A_1480[0] : i32 from vector<1xi32>
        %slice3A_1482 = vector.extract_strided_slice %get3A_79 {offsets = [13], sizes = [1], strides = [1]} : vector<16xf32> to vector<1xf32>
        %squeeze3A_1483 = vector.extract %slice3A_1482[0] : f32 from vector<1xf32>
        %get3A_1484 = arith.constant 13 : i32
        %get3A_1485 = arith.index_cast %get3A_1484 : i32 to index
        %get3A_1486 = arith.constant 0 : index
        %get3A_1487 = tpu.vector_load %arg13[%get3A_1485, %get3A_1486] {strides = array<i32>} : memref<16x128xf32, #tpu.memory_space<vmem>>, vector<16xf32>,
        %mul3A_1488 = vector.broadcast %squeeze3A_1483 : f32 to vector<16xf32>
        %mul3A_1489 = arith.mulf %get3A_1487, %mul3A_1488 : vector<16xf32>
        %get3A_1490 = arith.index_cast %squeeze3A_1481 : i32 to index
        %get3A_1491 = arith.constant 0 : index
        %get3A_1492 = tpu.vector_load %arg14[%get3A_1490, %get3A_1491] {strides = array<i32>} : memref<321x128xf32, #tpu.memory_space<vmem>>, vector<16xf32>,
        %max3A_1493 = arith.maximumf %get3A_1492, %mul3A_1489 : vector<16xf32>
        %swap3A_1494 = arith.index_cast %squeeze3A_1481 : i32 to index
        %swap3A_1495 = arith.constant 0 : index
        %swap3A_1496 = tpu.vector_load %arg14[%swap3A_1494, %swap3A_1495] {strides = array<i32>} : memref<321x128xf32, #tpu.memory_space<vmem>>, vector<16xf32>,
        tpu.vector_store %arg14[%swap3A_1494, %swap3A_1495], %max3A_1493 {strides = array<i32>} : memref<321x128xf32, #tpu.memory_space<vmem>>, vector<16xf32>,
        %get3A_1497 = arith.constant 13 : i32
        %get3A_1498 = arith.index_cast %get3A_1497 : i32 to index
        %get3A_1499 = arith.constant 16 : index
        %get3A_1500 = tpu.vector_load %arg13[%get3A_1498, %get3A_1499] {strides = array<i32>} : memref<16x128xf32, #tpu.memory_space<vmem>>, vector<16xf32>,
        %mul3A_1501 = vector.broadcast %squeeze3A_1483 : f32 to vector<16xf32>
        %mul3A_1502 = arith.mulf %get3A_1500, %mul3A_1501 : vector<16xf32>
        %get3A_1503 = arith.index_cast %squeeze3A_1481 : i32 to index
        %get3A_1504 = arith.constant 16 : index
        %get3A_1505 = tpu.vector_load %arg14[%get3A_1503, %get3A_1504] {strides = array<i32>} : memref<321x128xf32, #tpu.memory_space<vmem>>, vector<16xf32>,
        %max3A_1506 = arith.maximumf %get3A_1505, %mul3A_1502 : vector<16xf32>
        %swap3A_1507 = arith.index_cast %squeeze3A_1481 : i32 to index
        %swap3A_1508 = arith.constant 16 : index
        %swap3A_1509 = tpu.vector_load %arg14[%swap3A_1507, %swap3A_1508] {strides = array<i32>} : memref<321x128xf32, #tpu.memory_space<vmem>>, vector<16xf32>,
        tpu.vector_store %arg14[%swap3A_1507, %swap3A_1508], %max3A_1506 {strides = array<i32>} : memref<321x128xf32, #tpu.memory_space<vmem>>, vector<16xf32>,
        %get3A_1510 = arith.constant 13 : i32
        %get3A_1511 = arith.index_cast %get3A_1510 : i32 to index
        %get3A_1512 = arith.constant 32 : index
        %get3A_1513 = tpu.vector_load %arg13[%get3A_1511, %get3A_1512] {strides = array<i32>} : memref<16x128xf32, #tpu.memory_space<vmem>>, vector<16xf32>,
        %mul3A_1514 = vector.broadcast %squeeze3A_1483 : f32 to vector<16xf32>
        %mul3A_1515 = arith.mulf %get3A_1513, %mul3A_1514 : vector<16xf32>
        %get3A_1516 = arith.index_cast %squeeze3A_1481 : i32 to index
        %get3A_1517 = arith.constant 32 : index
        %get3A_1518 = tpu.vector_load %arg14[%get3A_1516, %get3A_1517] {strides = array<i32>} : memref<321x128xf32, #tpu.memory_space<vmem>>, vector<16xf32>,
        %max3A_1519 = arith.maximumf %get3A_1518, %mul3A_1515 : vector<16xf32>
        %swap3A_1520 = arith.index_cast %squeeze3A_1481 : i32 to index
        %swap3A_1521 = arith.constant 32 : index
        %swap3A_1522 = tpu.vector_load %arg14[%swap3A_1520, %swap3A_1521] {strides = array<i32>} : memref<321x128xf32, #tpu.memory_space<vmem>>, vector<16xf32>,
        tpu.vector_store %arg14[%swap3A_1520, %swap3A_1521], %max3A_1519 {strides = array<i32>} : memref<321x128xf32, #tpu.memory_space<vmem>>, vector<16xf32>,
        %get3A_1523 = arith.constant 13 : i32
        %get3A_1524 = arith.index_cast %get3A_1523 : i32 to index
        %get3A_1525 = arith.constant 48 : index
        %get3A_1526 = tpu.vector_load %arg13[%get3A_1524, %get3A_1525] {strides = array<i32>} : memref<16x128xf32, #tpu.memory_space<vmem>>, vector<16xf32>,
        %mul3A_1527 = vector.broadcast %squeeze3A_1483 : f32 to vector<16xf32>
        %mul3A_1528 = arith.mulf %get3A_1526, %mul3A_1527 : vector<16xf32>
        %get3A_1529 = arith.index_cast %squeeze3A_1481 : i32 to index
        %get3A_1530 = arith.constant 48 : index
        %get3A_1531 = tpu.vector_load %arg14[%get3A_1529, %get3A_1530] {strides = array<i32>} : memref<321x128xf32, #tpu.memory_space<vmem>>, vector<16xf32>,
        %max3A_1532 = arith.maximumf %get3A_1531, %mul3A_1528 : vector<16xf32>
        %swap3A_1533 = arith.index_cast %squeeze3A_1481 : i32 to index
        %swap3A_1534 = arith.constant 48 : index
        %swap3A_1535 = tpu.vector_load %arg14[%swap3A_1533, %swap3A_1534] {strides = array<i32>} : memref<321x128xf32, #tpu.memory_space<vmem>>, vector<16xf32>,
        tpu.vector_store %arg14[%swap3A_1533, %swap3A_1534], %max3A_1532 {strides = array<i32>} : memref<321x128xf32, #tpu.memory_space<vmem>>, vector<16xf32>,
        %get3A_1536 = arith.constant 13 : i32
        %get3A_1537 = arith.index_cast %get3A_1536 : i32 to index
        %get3A_1538 = arith.constant 64 : index
        %get3A_1539 = tpu.vector_load %arg13[%get3A_1537, %get3A_1538] {strides = array<i32>} : memref<16x128xf32, #tpu.memory_space<vmem>>, vector<16xf32>,
        %mul3A_1540 = vector.broadcast %squeeze3A_1483 : f32 to vector<16xf32>
        %mul3A_1541 = arith.mulf %get3A_1539, %mul3A_1540 : vector<16xf32>
        %get3A_1542 = arith.index_cast %squeeze3A_1481 : i32 to index
        %get3A_1543 = arith.constant 64 : index
        %get3A_1544 = tpu.vector_load %arg14[%get3A_1542, %get3A_1543] {strides = array<i32>} : memref<321x128xf32, #tpu.memory_space<vmem>>, vector<16xf32>,
        %max3A_1545 = arith.maximumf %get3A_1544, %mul3A_1541 : vector<16xf32>
        %swap3A_1546 = arith.index_cast %squeeze3A_1481 : i32 to index
        %swap3A_1547 = arith.constant 64 : index
        %swap3A_1548 = tpu.vector_load %arg14[%swap3A_1546, %swap3A_1547] {strides = array<i32>} : memref<321x128xf32, #tpu.memory_space<vmem>>, vector<16xf32>,
        tpu.vector_store %arg14[%swap3A_1546, %swap3A_1547], %max3A_1545 {strides = array<i32>} : memref<321x128xf32, #tpu.memory_space<vmem>>, vector<16xf32>,
        %get3A_1549 = arith.constant 13 : i32
        %get3A_1550 = arith.index_cast %get3A_1549 : i32 to index
        %get3A_1551 = arith.constant 80 : index
        %get3A_1552 = tpu.vector_load %arg13[%get3A_1550, %get3A_1551] {strides = array<i32>} : memref<16x128xf32, #tpu.memory_space<vmem>>, vector<16xf32>,
        %mul3A_1553 = vector.broadcast %squeeze3A_1483 : f32 to vector<16xf32>
        %mul3A_1554 = arith.mulf %get3A_1552, %mul3A_1553 : vector<16xf32>
        %get3A_1555 = arith.index_cast %squeeze3A_1481 : i32 to index
        %get3A_1556 = arith.constant 80 : index
        %get3A_1557 = tpu.vector_load %arg14[%get3A_1555, %get3A_1556] {strides = array<i32>} : memref<321x128xf32, #tpu.memory_space<vmem>>, vector<16xf32>,
        %max3A_1558 = arith.maximumf %get3A_1557, %mul3A_1554 : vector<16xf32>
        %swap3A_1559 = arith.index_cast %squeeze3A_1481 : i32 to index
        %swap3A_1560 = arith.constant 80 : index
        %swap3A_1561 = tpu.vector_load %arg14[%swap3A_1559, %swap3A_1560] {strides = array<i32>} : memref<321x128xf32, #tpu.memory_space<vmem>>, vector<16xf32>,
        tpu.vector_store %arg14[%swap3A_1559, %swap3A_1560], %max3A_1558 {strides = array<i32>} : memref<321x128xf32, #tpu.memory_space<vmem>>, vector<16xf32>,
        %get3A_1562 = arith.constant 13 : i32
        %get3A_1563 = arith.index_cast %get3A_1562 : i32 to index
        %get3A_1564 = arith.constant 96 : index
        %get3A_1565 = tpu.vector_load %arg13[%get3A_1563, %get3A_1564] {strides = array<i32>} : memref<16x128xf32, #tpu.memory_space<vmem>>, vector<16xf32>,
        %mul3A_1566 = vector.broadcast %squeeze3A_1483 : f32 to vector<16xf32>
        %mul3A_1567 = arith.mulf %get3A_1565, %mul3A_1566 : vector<16xf32>
        %get3A_1568 = arith.index_cast %squeeze3A_1481 : i32 to index
        %get3A_1569 = arith.constant 96 : index
        %get3A_1570 = tpu.vector_load %arg14[%get3A_1568, %get3A_1569] {strides = array<i32>} : memref<321x128xf32, #tpu.memory_space<vmem>>, vector<16xf32>,
        %max3A_1571 = arith.maximumf %get3A_1570, %mul3A_1567 : vector<16xf32>
        %swap3A_1572 = arith.index_cast %squeeze3A_1481 : i32 to index
        %swap3A_1573 = arith.constant 96 : index
        %swap3A_1574 = tpu.vector_load %arg14[%swap3A_1572, %swap3A_1573] {strides = array<i32>} : memref<321x128xf32, #tpu.memory_space<vmem>>, vector<16xf32>,
        tpu.vector_store %arg14[%swap3A_1572, %swap3A_1573], %max3A_1571 {strides = array<i32>} : memref<321x128xf32, #tpu.memory_space<vmem>>, vector<16xf32>,
        %get3A_1575 = arith.constant 13 : i32
        %get3A_1576 = arith.index_cast %get3A_1575 : i32 to index
        %get3A_1577 = arith.constant 112 : index
        %get3A_1578 = tpu.vector_load %arg13[%get3A_1576, %get3A_1577] {strides = array<i32>} : memref<16x128xf32, #tpu.memory_space<vmem>>, vector<16xf32>,
        %mul3A_1579 = vector.broadcast %squeeze3A_1483 : f32 to vector<16xf32>
        %mul3A_1580 = arith.mulf %get3A_1578, %mul3A_1579 : vector<16xf32>
        %get3A_1581 = arith.index_cast %squeeze3A_1481 : i32 to index
        %get3A_1582 = arith.constant 112 : index
        %get3A_1583 = tpu.vector_load %arg14[%get3A_1581, %get3A_1582] {strides = array<i32>} : memref<321x128xf32, #tpu.memory_space<vmem>>, vector<16xf32>,
        %max3A_1584 = arith.maximumf %get3A_1583, %mul3A_1580 : vector<16xf32>
        %swap3A_1585 = arith.index_cast %squeeze3A_1481 : i32 to index
        %swap3A_1586 = arith.constant 112 : index
        %swap3A_1587 = tpu.vector_load %arg14[%swap3A_1585, %swap3A_1586] {strides = array<i32>} : memref<321x128xf32, #tpu.memory_space<vmem>>, vector<16xf32>,
        tpu.vector_store %arg14[%swap3A_1585, %swap3A_1586], %max3A_1584 {strides = array<i32>} : memref<321x128xf32, #tpu.memory_space<vmem>>, vector<16xf32>,
        %slice3A_1588 = vector.extract_strided_slice %get3A_75 {offsets = [14], sizes = [1], strides = [1]} : vector<16xi32> to vector<1xi32>
        %squeeze3A_1589 = vector.extract %slice3A_1588[0] : i32 from vector<1xi32>
        %slice3A_1590 = vector.extract_strided_slice %get3A_79 {offsets = [14], sizes = [1], strides = [1]} : vector<16xf32> to vector<1xf32>
        %squeeze3A_1591 = vector.extract %slice3A_1590[0] : f32 from vector<1xf32>
        %get3A_1592 = arith.constant 14 : i32
        %get3A_1593 = arith.index_cast %get3A_1592 : i32 to index
        %get3A_1594 = arith.constant 0 : index
        %get3A_1595 = tpu.vector_load %arg13[%get3A_1593, %get3A_1594] {strides = array<i32>} : memref<16x128xf32, #tpu.memory_space<vmem>>, vector<16xf32>,
        %mul3A_1596 = vector.broadcast %squeeze3A_1591 : f32 to vector<16xf32>
        %mul3A_1597 = arith.mulf %get3A_1595, %mul3A_1596 : vector<16xf32>
        %get3A_1598 = arith.index_cast %squeeze3A_1589 : i32 to index
        %get3A_1599 = arith.constant 0 : index
        %get3A_1600 = tpu.vector_load %arg14[%get3A_1598, %get3A_1599] {strides = array<i32>} : memref<321x128xf32, #tpu.memory_space<vmem>>, vector<16xf32>,
        %max3A_1601 = arith.maximumf %get3A_1600, %mul3A_1597 : vector<16xf32>
        %swap3A_1602 = arith.index_cast %squeeze3A_1589 : i32 to index
        %swap3A_1603 = arith.constant 0 : index
        %swap3A_1604 = tpu.vector_load %arg14[%swap3A_1602, %swap3A_1603] {strides = array<i32>} : memref<321x128xf32, #tpu.memory_space<vmem>>, vector<16xf32>,
        tpu.vector_store %arg14[%swap3A_1602, %swap3A_1603], %max3A_1601 {strides = array<i32>} : memref<321x128xf32, #tpu.memory_space<vmem>>, vector<16xf32>,
        %get3A_1605 = arith.constant 14 : i32
        %get3A_1606 = arith.index_cast %get3A_1605 : i32 to index
        %get3A_1607 = arith.constant 16 : index
        %get3A_1608 = tpu.vector_load %arg13[%get3A_1606, %get3A_1607] {strides = array<i32>} : memref<16x128xf32, #tpu.memory_space<vmem>>, vector<16xf32>,
        %mul3A_1609 = vector.broadcast %squeeze3A_1591 : f32 to vector<16xf32>
        %mul3A_1610 = arith.mulf %get3A_1608, %mul3A_1609 : vector<16xf32>
        %get3A_1611 = arith.index_cast %squeeze3A_1589 : i32 to index
        %get3A_1612 = arith.constant 16 : index
        %get3A_1613 = tpu.vector_load %arg14[%get3A_1611, %get3A_1612] {strides = array<i32>} : memref<321x128xf32, #tpu.memory_space<vmem>>, vector<16xf32>,
        %max3A_1614 = arith.maximumf %get3A_1613, %mul3A_1610 : vector<16xf32>
        %swap3A_1615 = arith.index_cast %squeeze3A_1589 : i32 to index
        %swap3A_1616 = arith.constant 16 : index
        %swap3A_1617 = tpu.vector_load %arg14[%swap3A_1615, %swap3A_1616] {strides = array<i32>} : memref<321x128xf32, #tpu.memory_space<vmem>>, vector<16xf32>,
        tpu.vector_store %arg14[%swap3A_1615, %swap3A_1616], %max3A_1614 {strides = array<i32>} : memref<321x128xf32, #tpu.memory_space<vmem>>, vector<16xf32>,
        %get3A_1618 = arith.constant 14 : i32
        %get3A_1619 = arith.index_cast %get3A_1618 : i32 to index
        %get3A_1620 = arith.constant 32 : index
        %get3A_1621 = tpu.vector_load %arg13[%get3A_1619, %get3A_1620] {strides = array<i32>} : memref<16x128xf32, #tpu.memory_space<vmem>>, vector<16xf32>,
        %mul3A_1622 = vector.broadcast %squeeze3A_1591 : f32 to vector<16xf32>
        %mul3A_1623 = arith.mulf %get3A_1621, %mul3A_1622 : vector<16xf32>
        %get3A_1624 = arith.index_cast %squeeze3A_1589 : i32 to index
        %get3A_1625 = arith.constant 32 : index
        %get3A_1626 = tpu.vector_load %arg14[%get3A_1624, %get3A_1625] {strides = array<i32>} : memref<321x128xf32, #tpu.memory_space<vmem>>, vector<16xf32>,
        %max3A_1627 = arith.maximumf %get3A_1626, %mul3A_1623 : vector<16xf32>
        %swap3A_1628 = arith.index_cast %squeeze3A_1589 : i32 to index
        %swap3A_1629 = arith.constant 32 : index
        %swap3A_1630 = tpu.vector_load %arg14[%swap3A_1628, %swap3A_1629] {strides = array<i32>} : memref<321x128xf32, #tpu.memory_space<vmem>>, vector<16xf32>,
        tpu.vector_store %arg14[%swap3A_1628, %swap3A_1629], %max3A_1627 {strides = array<i32>} : memref<321x128xf32, #tpu.memory_space<vmem>>, vector<16xf32>,
        %get3A_1631 = arith.constant 14 : i32
        %get3A_1632 = arith.index_cast %get3A_1631 : i32 to index
        %get3A_1633 = arith.constant 48 : index
        %get3A_1634 = tpu.vector_load %arg13[%get3A_1632, %get3A_1633] {strides = array<i32>} : memref<16x128xf32, #tpu.memory_space<vmem>>, vector<16xf32>,
        %mul3A_1635 = vector.broadcast %squeeze3A_1591 : f32 to vector<16xf32>
        %mul3A_1636 = arith.mulf %get3A_1634, %mul3A_1635 : vector<16xf32>
        %get3A_1637 = arith.index_cast %squeeze3A_1589 : i32 to index
        %get3A_1638 = arith.constant 48 : index
        %get3A_1639 = tpu.vector_load %arg14[%get3A_1637, %get3A_1638] {strides = array<i32>} : memref<321x128xf32, #tpu.memory_space<vmem>>, vector<16xf32>,
        %max3A_1640 = arith.maximumf %get3A_1639, %mul3A_1636 : vector<16xf32>
        %swap3A_1641 = arith.index_cast %squeeze3A_1589 : i32 to index
        %swap3A_1642 = arith.constant 48 : index
        %swap3A_1643 = tpu.vector_load %arg14[%swap3A_1641, %swap3A_1642] {strides = array<i32>} : memref<321x128xf32, #tpu.memory_space<vmem>>, vector<16xf32>,
        tpu.vector_store %arg14[%swap3A_1641, %swap3A_1642], %max3A_1640 {strides = array<i32>} : memref<321x128xf32, #tpu.memory_space<vmem>>, vector<16xf32>,
        %get3A_1644 = arith.constant 14 : i32
        %get3A_1645 = arith.index_cast %get3A_1644 : i32 to index
        %get3A_1646 = arith.constant 64 : index
        %get3A_1647 = tpu.vector_load %arg13[%get3A_1645, %get3A_1646] {strides = array<i32>} : memref<16x128xf32, #tpu.memory_space<vmem>>, vector<16xf32>,
        %mul3A_1648 = vector.broadcast %squeeze3A_1591 : f32 to vector<16xf32>
        %mul3A_1649 = arith.mulf %get3A_1647, %mul3A_1648 : vector<16xf32>
        %get3A_1650 = arith.index_cast %squeeze3A_1589 : i32 to index
        %get3A_1651 = arith.constant 64 : index
        %get3A_1652 = tpu.vector_load %arg14[%get3A_1650, %get3A_1651] {strides = array<i32>} : memref<321x128xf32, #tpu.memory_space<vmem>>, vector<16xf32>,
        %max3A_1653 = arith.maximumf %get3A_1652, %mul3A_1649 : vector<16xf32>
        %swap3A_1654 = arith.index_cast %squeeze3A_1589 : i32 to index
        %swap3A_1655 = arith.constant 64 : index
        %swap3A_1656 = tpu.vector_load %arg14[%swap3A_1654, %swap3A_1655] {strides = array<i32>} : memref<321x128xf32, #tpu.memory_space<vmem>>, vector<16xf32>,
        tpu.vector_store %arg14[%swap3A_1654, %swap3A_1655], %max3A_1653 {strides = array<i32>} : memref<321x128xf32, #tpu.memory_space<vmem>>, vector<16xf32>,
        %get3A_1657 = arith.constant 14 : i32
        %get3A_1658 = arith.index_cast %get3A_1657 : i32 to index
        %get3A_1659 = arith.constant 80 : index
        %get3A_1660 = tpu.vector_load %arg13[%get3A_1658, %get3A_1659] {strides = array<i32>} : memref<16x128xf32, #tpu.memory_space<vmem>>, vector<16xf32>,
        %mul3A_1661 = vector.broadcast %squeeze3A_1591 : f32 to vector<16xf32>
        %mul3A_1662 = arith.mulf %get3A_1660, %mul3A_1661 : vector<16xf32>
        %get3A_1663 = arith.index_cast %squeeze3A_1589 : i32 to index
        %get3A_1664 = arith.constant 80 : index
        %get3A_1665 = tpu.vector_load %arg14[%get3A_1663, %get3A_1664] {strides = array<i32>} : memref<321x128xf32, #tpu.memory_space<vmem>>, vector<16xf32>,
        %max3A_1666 = arith.maximumf %get3A_1665, %mul3A_1662 : vector<16xf32>
        %swap3A_1667 = arith.index_cast %squeeze3A_1589 : i32 to index
        %swap3A_1668 = arith.constant 80 : index
        %swap3A_1669 = tpu.vector_load %arg14[%swap3A_1667, %swap3A_1668] {strides = array<i32>} : memref<321x128xf32, #tpu.memory_space<vmem>>, vector<16xf32>,
        tpu.vector_store %arg14[%swap3A_1667, %swap3A_1668], %max3A_1666 {strides = array<i32>} : memref<321x128xf32, #tpu.memory_space<vmem>>, vector<16xf32>,
        %get3A_1670 = arith.constant 14 : i32
        %get3A_1671 = arith.index_cast %get3A_1670 : i32 to index
        %get3A_1672 = arith.constant 96 : index
        %get3A_1673 = tpu.vector_load %arg13[%get3A_1671, %get3A_1672] {strides = array<i32>} : memref<16x128xf32, #tpu.memory_space<vmem>>, vector<16xf32>,
        %mul3A_1674 = vector.broadcast %squeeze3A_1591 : f32 to vector<16xf32>
        %mul3A_1675 = arith.mulf %get3A_1673, %mul3A_1674 : vector<16xf32>
        %get3A_1676 = arith.index_cast %squeeze3A_1589 : i32 to index
        %get3A_1677 = arith.constant 96 : index
        %get3A_1678 = tpu.vector_load %arg14[%get3A_1676, %get3A_1677] {strides = array<i32>} : memref<321x128xf32, #tpu.memory_space<vmem>>, vector<16xf32>,
        %max3A_1679 = arith.maximumf %get3A_1678, %mul3A_1675 : vector<16xf32>
        %swap3A_1680 = arith.index_cast %squeeze3A_1589 : i32 to index
        %swap3A_1681 = arith.constant 96 : index
        %swap3A_1682 = tpu.vector_load %arg14[%swap3A_1680, %swap3A_1681] {strides = array<i32>} : memref<321x128xf32, #tpu.memory_space<vmem>>, vector<16xf32>,
        tpu.vector_store %arg14[%swap3A_1680, %swap3A_1681], %max3A_1679 {strides = array<i32>} : memref<321x128xf32, #tpu.memory_space<vmem>>, vector<16xf32>,
        %get3A_1683 = arith.constant 14 : i32
        %get3A_1684 = arith.index_cast %get3A_1683 : i32 to index
        %get3A_1685 = arith.constant 112 : index
        %get3A_1686 = tpu.vector_load %arg13[%get3A_1684, %get3A_1685] {strides = array<i32>} : memref<16x128xf32, #tpu.memory_space<vmem>>, vector<16xf32>,
        %mul3A_1687 = vector.broadcast %squeeze3A_1591 : f32 to vector<16xf32>
        %mul3A_1688 = arith.mulf %get3A_1686, %mul3A_1687 : vector<16xf32>
        %get3A_1689 = arith.index_cast %squeeze3A_1589 : i32 to index
        %get3A_1690 = arith.constant 112 : index
        %get3A_1691 = tpu.vector_load %arg14[%get3A_1689, %get3A_1690] {strides = array<i32>} : memref<321x128xf32, #tpu.memory_space<vmem>>, vector<16xf32>,
        %max3A_1692 = arith.maximumf %get3A_1691, %mul3A_1688 : vector<16xf32>
        %swap3A_1693 = arith.index_cast %squeeze3A_1589 : i32 to index
        %swap3A_1694 = arith.constant 112 : index
        %swap3A_1695 = tpu.vector_load %arg14[%swap3A_1693, %swap3A_1694] {strides = array<i32>} : memref<321x128xf32, #tpu.memory_space<vmem>>, vector<16xf32>,
        tpu.vector_store %arg14[%swap3A_1693, %swap3A_1694], %max3A_1692 {strides = array<i32>} : memref<321x128xf32, #tpu.memory_space<vmem>>, vector<16xf32>,
        %slice3A_1696 = vector.extract_strided_slice %get3A_75 {offsets = [15], sizes = [1], strides = [1]} : vector<16xi32> to vector<1xi32>
        %squeeze3A_1697 = vector.extract %slice3A_1696[0] : i32 from vector<1xi32>
        %slice3A_1698 = vector.extract_strided_slice %get3A_79 {offsets = [15], sizes = [1], strides = [1]} : vector<16xf32> to vector<1xf32>
        %squeeze3A_1699 = vector.extract %slice3A_1698[0] : f32 from vector<1xf32>
        %get3A_1700 = arith.constant 15 : i32
        %get3A_1701 = arith.index_cast %get3A_1700 : i32 to index
        %get3A_1702 = arith.constant 0 : index
        %get3A_1703 = tpu.vector_load %arg13[%get3A_1701, %get3A_1702] {strides = array<i32>} : memref<16x128xf32, #tpu.memory_space<vmem>>, vector<16xf32>,
        %mul3A_1704 = vector.broadcast %squeeze3A_1699 : f32 to vector<16xf32>
        %mul3A_1705 = arith.mulf %get3A_1703, %mul3A_1704 : vector<16xf32>
        %get3A_1706 = arith.index_cast %squeeze3A_1697 : i32 to index
        %get3A_1707 = arith.constant 0 : index
        %get3A_1708 = tpu.vector_load %arg14[%get3A_1706, %get3A_1707] {strides = array<i32>} : memref<321x128xf32, #tpu.memory_space<vmem>>, vector<16xf32>,
        %max3A_1709 = arith.maximumf %get3A_1708, %mul3A_1705 : vector<16xf32>
        %swap3A_1710 = arith.index_cast %squeeze3A_1697 : i32 to index
        %swap3A_1711 = arith.constant 0 : index
        %swap3A_1712 = tpu.vector_load %arg14[%swap3A_1710, %swap3A_1711] {strides = array<i32>} : memref<321x128xf32, #tpu.memory_space<vmem>>, vector<16xf32>,
        tpu.vector_store %arg14[%swap3A_1710, %swap3A_1711], %max3A_1709 {strides = array<i32>} : memref<321x128xf32, #tpu.memory_space<vmem>>, vector<16xf32>,
        %get3A_1713 = arith.constant 15 : i32
        %get3A_1714 = arith.index_cast %get3A_1713 : i32 to index
        %get3A_1715 = arith.constant 16 : index
        %get3A_1716 = tpu.vector_load %arg13[%get3A_1714, %get3A_1715] {strides = array<i32>} : memref<16x128xf32, #tpu.memory_space<vmem>>, vector<16xf32>,
        %mul3A_1717 = vector.broadcast %squeeze3A_1699 : f32 to vector<16xf32>
        %mul3A_1718 = arith.mulf %get3A_1716, %mul3A_1717 : vector<16xf32>
        %get3A_1719 = arith.index_cast %squeeze3A_1697 : i32 to index
        %get3A_1720 = arith.constant 16 : index
        %get3A_1721 = tpu.vector_load %arg14[%get3A_1719, %get3A_1720] {strides = array<i32>} : memref<321x128xf32, #tpu.memory_space<vmem>>, vector<16xf32>,
        %max3A_1722 = arith.maximumf %get3A_1721, %mul3A_1718 : vector<16xf32>
        %swap3A_1723 = arith.index_cast %squeeze3A_1697 : i32 to index
        %swap3A_1724 = arith.constant 16 : index
        %swap3A_1725 = tpu.vector_load %arg14[%swap3A_1723, %swap3A_1724] {strides = array<i32>} : memref<321x128xf32, #tpu.memory_space<vmem>>, vector<16xf32>,
        tpu.vector_store %arg14[%swap3A_1723, %swap3A_1724], %max3A_1722 {strides = array<i32>} : memref<321x128xf32, #tpu.memory_space<vmem>>, vector<16xf32>,
        %get3A_1726 = arith.constant 15 : i32
        %get3A_1727 = arith.index_cast %get3A_1726 : i32 to index
        %get3A_1728 = arith.constant 32 : index
        %get3A_1729 = tpu.vector_load %arg13[%get3A_1727, %get3A_1728] {strides = array<i32>} : memref<16x128xf32, #tpu.memory_space<vmem>>, vector<16xf32>,
        %mul3A_1730 = vector.broadcast %squeeze3A_1699 : f32 to vector<16xf32>
        %mul3A_1731 = arith.mulf %get3A_1729, %mul3A_1730 : vector<16xf32>
        %get3A_1732 = arith.index_cast %squeeze3A_1697 : i32 to index
        %get3A_1733 = arith.constant 32 : index
        %get3A_1734 = tpu.vector_load %arg14[%get3A_1732, %get3A_1733] {strides = array<i32>} : memref<321x128xf32, #tpu.memory_space<vmem>>, vector<16xf32>,
        %max3A_1735 = arith.maximumf %get3A_1734, %mul3A_1731 : vector<16xf32>
        %swap3A_1736 = arith.index_cast %squeeze3A_1697 : i32 to index
        %swap3A_1737 = arith.constant 32 : index
        %swap3A_1738 = tpu.vector_load %arg14[%swap3A_1736, %swap3A_1737] {strides = array<i32>} : memref<321x128xf32, #tpu.memory_space<vmem>>, vector<16xf32>,
        tpu.vector_store %arg14[%swap3A_1736, %swap3A_1737], %max3A_1735 {strides = array<i32>} : memref<321x128xf32, #tpu.memory_space<vmem>>, vector<16xf32>,
        %get3A_1739 = arith.constant 15 : i32
        %get3A_1740 = arith.index_cast %get3A_1739 : i32 to index
        %get3A_1741 = arith.constant 48 : index
        %get3A_1742 = tpu.vector_load %arg13[%get3A_1740, %get3A_1741] {strides = array<i32>} : memref<16x128xf32, #tpu.memory_space<vmem>>, vector<16xf32>,
        %mul3A_1743 = vector.broadcast %squeeze3A_1699 : f32 to vector<16xf32>
        %mul3A_1744 = arith.mulf %get3A_1742, %mul3A_1743 : vector<16xf32>
        %get3A_1745 = arith.index_cast %squeeze3A_1697 : i32 to index
        %get3A_1746 = arith.constant 48 : index
        %get3A_1747 = tpu.vector_load %arg14[%get3A_1745, %get3A_1746] {strides = array<i32>} : memref<321x128xf32, #tpu.memory_space<vmem>>, vector<16xf32>,
        %max3A_1748 = arith.maximumf %get3A_1747, %mul3A_1744 : vector<16xf32>
        %swap3A_1749 = arith.index_cast %squeeze3A_1697 : i32 to index
        %swap3A_1750 = arith.constant 48 : index
        %swap3A_1751 = tpu.vector_load %arg14[%swap3A_1749, %swap3A_1750] {strides = array<i32>} : memref<321x128xf32, #tpu.memory_space<vmem>>, vector<16xf32>,
        tpu.vector_store %arg14[%swap3A_1749, %swap3A_1750], %max3A_1748 {strides = array<i32>} : memref<321x128xf32, #tpu.memory_space<vmem>>, vector<16xf32>,
        %get3A_1752 = arith.constant 15 : i32
        %get3A_1753 = arith.index_cast %get3A_1752 : i32 to index
        %get3A_1754 = arith.constant 64 : index
        %get3A_1755 = tpu.vector_load %arg13[%get3A_1753, %get3A_1754] {strides = array<i32>} : memref<16x128xf32, #tpu.memory_space<vmem>>, vector<16xf32>,
        %mul3A_1756 = vector.broadcast %squeeze3A_1699 : f32 to vector<16xf32>
        %mul3A_1757 = arith.mulf %get3A_1755, %mul3A_1756 : vector<16xf32>
        %get3A_1758 = arith.index_cast %squeeze3A_1697 : i32 to index
        %get3A_1759 = arith.constant 64 : index
        %get3A_1760 = tpu.vector_load %arg14[%get3A_1758, %get3A_1759] {strides = array<i32>} : memref<321x128xf32, #tpu.memory_space<vmem>>, vector<16xf32>,
        %max3A_1761 = arith.maximumf %get3A_1760, %mul3A_1757 : vector<16xf32>
        %swap3A_1762 = arith.index_cast %squeeze3A_1697 : i32 to index
        %swap3A_1763 = arith.constant 64 : index
        %swap3A_1764 = tpu.vector_load %arg14[%swap3A_1762, %swap3A_1763] {strides = array<i32>} : memref<321x128xf32, #tpu.memory_space<vmem>>, vector<16xf32>,
        tpu.vector_store %arg14[%swap3A_1762, %swap3A_1763], %max3A_1761 {strides = array<i32>} : memref<321x128xf32, #tpu.memory_space<vmem>>, vector<16xf32>,
        %get3A_1765 = arith.constant 15 : i32
        %get3A_1766 = arith.index_cast %get3A_1765 : i32 to index
        %get3A_1767 = arith.constant 80 : index
        %get3A_1768 = tpu.vector_load %arg13[%get3A_1766, %get3A_1767] {strides = array<i32>} : memref<16x128xf32, #tpu.memory_space<vmem>>, vector<16xf32>,
        %mul3A_1769 = vector.broadcast %squeeze3A_1699 : f32 to vector<16xf32>
        %mul3A_1770 = arith.mulf %get3A_1768, %mul3A_1769 : vector<16xf32>
        %get3A_1771 = arith.index_cast %squeeze3A_1697 : i32 to index
        %get3A_1772 = arith.constant 80 : index
        %get3A_1773 = tpu.vector_load %arg14[%get3A_1771, %get3A_1772] {strides = array<i32>} : memref<321x128xf32, #tpu.memory_space<vmem>>, vector<16xf32>,
        %max3A_1774 = arith.maximumf %get3A_1773, %mul3A_1770 : vector<16xf32>
        %swap3A_1775 = arith.index_cast %squeeze3A_1697 : i32 to index
        %swap3A_1776 = arith.constant 80 : index
        %swap3A_1777 = tpu.vector_load %arg14[%swap3A_1775, %swap3A_1776] {strides = array<i32>} : memref<321x128xf32, #tpu.memory_space<vmem>>, vector<16xf32>,
        tpu.vector_store %arg14[%swap3A_1775, %swap3A_1776], %max3A_1774 {strides = array<i32>} : memref<321x128xf32, #tpu.memory_space<vmem>>, vector<16xf32>,
        %get3A_1778 = arith.constant 15 : i32
        %get3A_1779 = arith.index_cast %get3A_1778 : i32 to index
        %get3A_1780 = arith.constant 96 : index
        %get3A_1781 = tpu.vector_load %arg13[%get3A_1779, %get3A_1780] {strides = array<i32>} : memref<16x128xf32, #tpu.memory_space<vmem>>, vector<16xf32>,
        %mul3A_1782 = vector.broadcast %squeeze3A_1699 : f32 to vector<16xf32>
        %mul3A_1783 = arith.mulf %get3A_1781, %mul3A_1782 : vector<16xf32>
        %get3A_1784 = arith.index_cast %squeeze3A_1697 : i32 to index
        %get3A_1785 = arith.constant 96 : index
        %get3A_1786 = tpu.vector_load %arg14[%get3A_1784, %get3A_1785] {strides = array<i32>} : memref<321x128xf32, #tpu.memory_space<vmem>>, vector<16xf32>,
        %max3A_1787 = arith.maximumf %get3A_1786, %mul3A_1783 : vector<16xf32>
        %swap3A_1788 = arith.index_cast %squeeze3A_1697 : i32 to index
        %swap3A_1789 = arith.constant 96 : index
        %swap3A_1790 = tpu.vector_load %arg14[%swap3A_1788, %swap3A_1789] {strides = array<i32>} : memref<321x128xf32, #tpu.memory_space<vmem>>, vector<16xf32>,
        tpu.vector_store %arg14[%swap3A_1788, %swap3A_1789], %max3A_1787 {strides = array<i32>} : memref<321x128xf32, #tpu.memory_space<vmem>>, vector<16xf32>,
        %get3A_1791 = arith.constant 15 : i32
        %get3A_1792 = arith.index_cast %get3A_1791 : i32 to index
        %get3A_1793 = arith.constant 112 : index
        %get3A_1794 = tpu.vector_load %arg13[%get3A_1792, %get3A_1793] {strides = array<i32>} : memref<16x128xf32, #tpu.memory_space<vmem>>, vector<16xf32>,
        %mul3A_1795 = vector.broadcast %squeeze3A_1699 : f32 to vector<16xf32>
        %mul3A_1796 = arith.mulf %get3A_1794, %mul3A_1795 : vector<16xf32>
        %get3A_1797 = arith.index_cast %squeeze3A_1697 : i32 to index
        %get3A_1798 = arith.constant 112 : index
        %get3A_1799 = tpu.vector_load %arg14[%get3A_1797, %get3A_1798] {strides = array<i32>} : memref<321x128xf32, #tpu.memory_space<vmem>>, vector<16xf32>,
        %max3A_1800 = arith.maximumf %get3A_1799, %mul3A_1796 : vector<16xf32>
        %swap3A_1801 = arith.index_cast %squeeze3A_1697 : i32 to index
        %swap3A_1802 = arith.constant 112 : index
        %swap3A_1803 = tpu.vector_load %arg14[%swap3A_1801, %swap3A_1802] {strides = array<i32>} : memref<321x128xf32, #tpu.memory_space<vmem>>, vector<16xf32>,
        tpu.vector_store %arg14[%swap3A_1801, %swap3A_1802], %max3A_1800 {strides = array<i32>} : memref<321x128xf32, #tpu.memory_space<vmem>>, vector<16xf32>,
      }
    }
    %scan3A_18 = arith.constant 80 : i32
    "tpu.region"() ({
      %run_scoped3A = tpu.sem_alloc : memref<!tpu.dma_semaphore, #tpu.memory_space<semaphore_mem>>
      %dma_start3A = arith.constant 0 : i32
      %dma_start3A_19 = arith.constant 0 : i32
      %dma_start3A_20 = tpu.memref_slice %arg14[%dma_start3A, %dma_start3A_19] : memref<321x128xf32, #tpu.memory_space<vmem>> -> memref<320x128xf32, #tpu.memory_space<vmem>>
      %dma_start3A_21 = arith.constant 0 : i32
      %dma_start3A_22 = tpu.memref_slice %arg6[%mul3A_2, %dma_start3A_21] : memref<10240x128xf32, #tpu.memory_space<hbm>> -> memref<320x128xf32, #tpu.memory_space<hbm>>
      %dma_start3A_23 = arith.constant 0 : i32
      %dma_start3A_24 = tpu.memref_slice %arg6[%mul3A_2, %dma_start3A_23] : memref<10240x128xf32, #tpu.memory_space<hbm>> -> memref<320x128xf32, #tpu.memory_space<hbm>>
      %dma_start3A_25 = arith.constant 0 : i32
      %dma_start3A_26 = arith.constant 0 : i32
      %dma_start3A_27 = tpu.memref_slice %arg14[%dma_start3A_25, %dma_start3A_26] : memref<321x128xf32, #tpu.memory_space<vmem>> -> memref<320x128xf32, #tpu.memory_space<vmem>>
      tpu.enqueue_dma source(%dma_start3A_27 : memref<320x128xf32, #tpu.memory_space<vmem>>) target(%dma_start3A_24 : memref<320x128xf32, #tpu.memory_space<hbm>>) target_semaphore(%run_scoped3A : memref<!tpu.dma_semaphore, #tpu.memory_space<semaphore_mem>>)
      %dma_wait3A = arith.constant 0 : i32
      %dma_wait3A_28 = arith.constant 0 : i32
      %dma_wait3A_29 = tpu.memref_slice %arg14[%dma_wait3A, %dma_wait3A_28] : memref<321x128xf32, #tpu.memory_space<vmem>> -> memref<320x128xf32, #tpu.memory_space<vmem>>
      %dma_wait3A_30 = arith.constant 0 : i32
      %dma_wait3A_31 = tpu.memref_slice %arg6[%mul3A_2, %dma_wait3A_30] : memref<10240x128xf32, #tpu.memory_space<hbm>> -> memref<320x128xf32, #tpu.memory_space<hbm>>
      %dma_wait3A_32 = arith.constant 0 : i32
      %dma_wait3A_33 = tpu.memref_slice %arg6[%mul3A_2, %dma_wait3A_32] : memref<10240x128xf32, #tpu.memory_space<hbm>> -> memref<320x128xf32, #tpu.memory_space<hbm>>
      %dma_wait3A_34 = arith.constant 0 : i32
      %dma_wait3A_35 = arith.constant 0 : i32
      %dma_wait3A_36 = tpu.memref_slice %arg14[%dma_wait3A_34, %dma_wait3A_35] : memref<321x128xf32, #tpu.memory_space<vmem>> -> memref<320x128xf32, #tpu.memory_space<vmem>>
      tpu.wait_dma2 semaphore(%run_scoped3A : memref<!tpu.dma_semaphore, #tpu.memory_space<semaphore_mem>>) src(%dma_wait3A_36 : memref<320x128xf32, #tpu.memory_space<vmem>>) dst(%dma_wait3A_33 : memref<320x128xf32, #tpu.memory_space<hbm>>)
      tpu.yield
    }) : () -> ()
    return
  }
}

module attributes {stable_mosaic.version = 14 : i64} {
  func.func @_linear_body(%arg0: i32, %arg1: memref<400x128xf32, #tpu.memory_space<vmem>>, %arg2: memref<128x128xf32, #tpu.memory_space<vmem>>, %arg3: memref<1x128xf32, #tpu.memory_space<vmem>>, %arg4: memref<400x128xf32, #tpu.memory_space<vmem>>) attributes {dimension_semantics = [#tpu.dimension_semantics<arbitrary>], iteration_bounds = array<i64: 25>, scalar_prefetch = 0 : i64, scratch_operands = 0 : i64, tpu.core_type = #tpu.core_type<tc>, window_params = [{transform_indices = @transform_0, window_bounds = array<i64: 400, 128>}, {pipeline_mode = #tpu.pipeline_mode<synchronous>, transform_indices = @transform_1, window_bounds = array<i64: 128, 128>}, {pipeline_mode = #tpu.pipeline_mode<synchronous>, transform_indices = @transform_2, window_bounds = array<i64: 1, 128>}, {transform_indices = @transform_3, window_bounds = array<i64: 400, 128>}]} {
    %get3A = arith.constant 0 : index
    %get3A_0 = arith.constant 0 : index
    %get3A_1 = vector.load %arg1[%get3A, %get3A_0] : memref<400x128xf32, #tpu.memory_space<vmem>>, vector<400x128xf32>
    %is_finite3A = tpu.weird %get3A_1 : vector<400x128xf32> -> vector<400x128xi1>
    %is_finite3A_2 = arith.constant dense<true> : vector<400x128xi1>
    %is_finite3A_3 = arith.xori %is_finite3A, %is_finite3A_2 : vector<400x128xi1>
    %jit3A = arith.constant 0.000000e+00 : f32
    %broadcast_in_dim3A = vector.broadcast %jit3A : f32 to vector<400x128xf32>
    %select_n3A = arith.select %is_finite3A_3, %get3A_1, %broadcast_in_dim3A : vector<400x128xi1>, vector<400x128xf32>
    %get3A_4 = arith.constant 0 : index
    %get3A_5 = arith.constant 0 : index
    %get3A_6 = vector.load %arg2[%get3A_4, %get3A_5] : memref<128x128xf32, #tpu.memory_space<vmem>>, vector<128x128xf32>
    %dot_general3A = arith.constant dense<0.000000e+00> : vector<400x128xf32>
    %dot_general3A_7 = tpu.matmul %select_n3A, %get3A_6, %dot_general3A {dimension_numbers = #tpu.dot_dimension_numbers<[1], [1], [0], [0], [0, 0, 1, 0], [], []>, transpose_lhs_hint = false} : vector<400x128xf32>, vector<128x128xf32>, vector<400x128xf32> -> vector<400x128xf32>
    %get3A_8 = arith.constant 0 : index
    %get3A_9 = arith.constant 0 : index
    %get3A_10 = vector.load %arg3[%get3A_8, %get3A_9] : memref<1x128xf32, #tpu.memory_space<vmem>>, vector<1x128xf32>
    %add3A = vector.broadcast %get3A_10 : vector<1x128xf32> to vector<400x128xf32>
    %add3A_11 = arith.addf %dot_general3A_7, %add3A : vector<400x128xf32>
    %swap3A = arith.constant 0 : index
    %swap3A_12 = arith.constant 0 : index
    %swap3A_13 = vector.load %arg4[%swap3A, %swap3A_12] : memref<400x128xf32, #tpu.memory_space<vmem>>, vector<400x128xf32>
    tpu.vector_store %arg4[%swap3A, %swap3A_12], %add3A_11 {strides = array<i32>} : memref<400x128xf32, #tpu.memory_space<vmem>>, vector<400x128xf32>,
    return
  }
  func.func @transform_0(%arg0: i32) -> (i32, i32) {
    %c0_i32 = arith.constant 0 : i32
    %c0_i32_0 = arith.constant 0 : i32
    return %arg0, %c0_i32 : i32, i32
  }
  func.func @transform_1(%arg0: i32) -> (i32, i32) {
    %c0_i32 = arith.constant 0 : i32
    %c0_i32_0 = arith.constant 0 : i32
    %c0_i32_1 = arith.constant 0 : i32
    return %c0_i32, %c0_i32_0 : i32, i32
  }
  func.func @transform_2(%arg0: i32) -> (i32, i32) {
    %c0_i32 = arith.constant 0 : i32
    %c0_i32_0 = arith.constant 0 : i32
    %c0_i32_1 = arith.constant 0 : i32
    return %c0_i32, %c0_i32_0 : i32, i32
  }
  func.func @transform_3(%arg0: i32) -> (i32, i32) {
    %c0_i32 = arith.constant 0 : i32
    %c0_i32_0 = arith.constant 0 : i32
    return %arg0, %c0_i32 : i32, i32
  }
}

</mosaic_0001>

<sc_bundles>
// kernel: kernel.4.cloned.1.call-start
scs
__scs_entry_jumppad:
0x0: {  	(pc) =	sbr.rel $0x88, $3  }
0x1: {  	(tag) =	ssettag $0x0;
	lr =	simm.s32 $0x1  }
0x2: {  	[smem:$0x3F9C] =	sst lr;
	_ =	strace $0xD0000000  }
0x3: {  	_ = 	snop  }
0x4: {  	_ = 	snop  }
0x5: {  	_ = 	snop  }
0x6: {  	_ = 	snop  }
0x7: {  	_ = 	snop  }
__scs_overlays_trampoline_lowered:
0x8: {  	[smem:$0x3FAB] =	sst s0  }
0x9: {  	[smem:$0x3FAC] =	sst s1  }
0xa: {  	[smem:$0x3FAD] =	sst s2  }
0xb: {  	[smem:$0x3FAE] =	sst s3  }
0xc: {  	[smem:$0x3FAF] =	sst s4  }
0xd: {  	[smem:$0x3FB0] =	sst s5  }
0xe: {  	[smem:$0x3FB1] =	sst s6  }
0xf: {  	[smem:$0x3FB2] =	sst s7  }
0x10: {  	[smem:$0x3FB3] =	sst s8  }
0x11: {  	[smem:$0x3FB4] =	sst s9;
	s0 =	simm.s32 @!p0 $0x0  }
0x12: {  	s1 =	sld [smem:$0x3F9A];
	s0 =	simm.s32 @p0 $0x1  }
0x13: {  	[smem:$0x3FB5] =	sst s0;
	s0 =	simm.s32 @!p1 $0x0  }
0x14: {  	s2 =	sld [smem:$0x3F99];
	s0 =	simm.s32 @p1 $0x1  }
0x15: {  	[smem:$0x3FB6] =	sst s0;
	s0 =	simm.s32 @!p2 $0x0  }
0x16: {  	s3 =	sld [smem:$0x3FDB];
	s0 =	simm.s32 @p2 $0x1  }
0x17: {  	s4 =	simm.s32 $0x1BF5;
	[smem:$0x3FB8] =	sst s0  }
0x18: {  	s0 =	sld [smem:$0x3F9B];
	_ =	swait.ge [sflag:s4], $0x0  }
0x19: {  	s7 =	sld [smem:$0x3F9C]  }
0x1a: {  	s8 =	sadd.s32 $0xFFFFE003, lr  }
0x1b: {  	s9 =	sadd.s32 $0xFFFFFEF7, lr;
	s5 =	simm.s32 $0xFFFFFFFF;
	p2 =	slt.u32 s8, $0xFFFFF086  }
0x1c: {  	p1 =	slt.u32 s9, $0xF7A;
	s5 =	simm.s32 @!p2 $0x0  }
0x1d: {  	s5 =	simm.s32 @p1 $0x1;
	p0 =	seq.s32 s7, s2  }
0x1e: {  	s7 =	smul.u32 @!p0 $0xF7A, s2;
	p2 =	seq.s32 @!p0 s5, $0x0  }
0x1f: {  	s9 =	smul.u32 $0xF7A, s1;
	s8 =	simm.s32 @!p0 $0x1BF5;
	p2 =	por !p2, p0  }
0x20: {  	[sflag:s8] =	ssyncset.s32 @!p0 $0xFFFFF086;
	s6 =	sadd.s32 @!p0 s3, s7;
	s7 =	simm.s32 @!p0 $0x108  }
0x21: {  	s3 =	sadd.s32 s3, s9;
	s6 =	sadd.s32 @!p0 $0x88, s6;
	s7 =	simm.s32 @p2 $0x1082  }
0x22: {  	[simem:s7], [sflag:s8] =	dma.local @!p0 [hbm:s6], $0xF7A  }
0x23: {  	s9 =	sor.u32 $0xD0000000, s2;
	s6 =	simm.s32 $0x108;
	_ =	swait.ge @!p0 [sflag:s8], $0x0  }
0x24: {  	s3 =	sadd.s32 $0x88, s3;
	s6 =	simm.s32 @!p1 $0x1082;
	[sflag:s4] =	ssyncset.s32 $0xFFFFF086  }
0x25: {  	[simem:s6], [sflag:s4] =	dma.local [hbm:s3], $0xF7A  }
0x26: {  	[smem:$0x3F9C] =	sst s1;
	(tag) =	ssettag s2;
	_ =	strace s9  }
0x27: {  	s1 =	sld [smem:$0x3FAC]  }
0x28: {  	s2 =	sld [smem:$0x3FAD]  }
0x29: {  	s4 =	sld [smem:$0x3FAF]  }
0x2a: {  	p0 =	seq.s32 s5, $0x0;
	s5 =	sld [smem:$0x3FB0]  }
0x2b: {  	s6 =	sld [smem:$0x3FB1]  }
0x2c: {  	s7 =	sld [smem:$0x3FB2]  }
0x2d: {  	s3 =	simm.s32 $0x108;
	s8 =	sld [smem:$0x3FB3]  }
0x2e: {  	s3 =	simm.s32 @!p0 $0x1082;
	s9 =	sld [smem:$0x3FB4]  }
0x2f: {  	lr =	sadd.s32 s0, s3;
	s0 =	sld [smem:$0x3FAB]  }
0x30: {  	s3 =	sld [smem:$0x3FAE]  }
0x31: {  	[smem:$0x3FB7] =	sst s10  }
0x32: {  	s10 =	sld [smem:$0x3FB5];
	_ =	sdelay $0x3  }
0x33: {  	p0 =	seq.s32 s10, $0x1;
	s10 =	sld [smem:$0x3FB7];
	_ =	sdelay $0x3  }
0x34: {  	[smem:$0x3FB7] =	sst s10  }
0x35: {  	s10 =	sld [smem:$0x3FB6];
	_ =	sdelay $0x3  }
0x36: {  	p1 =	seq.s32 s10, $0x1;
	s10 =	sld [smem:$0x3FB7];
	_ =	sdelay $0x3  }
0x37: {  	[smem:$0x3FB7] =	sst s10  }
0x38: {  	s10 =	sld [smem:$0x3FB8]  }
0x39: {  	_ = 	snop;
	(pc) =	sbr.ind lr, $3  }
0x3a: {  	_ = 	snop  }
0x3b: {  	_ = 	snop  }
0x3c: {  	p2 =	seq.s32 s10, $0x1;
	s10 =	sld [smem:$0x3FB7]  }
0x3d: {  	_ =	shalt  }
0x3e: {  	_ =	shalt  }
0x3f: {  	_ =	shalt  }
0x40: {  	_ =	shalt  }
0x41: {  	_ =	shalt  }
0x42: {  	_ =	shalt  }
0x43: {  	_ =	shalt  }
0x44: {  	_ =	shalt  }
0x45: {  	_ =	shalt  }
0x46: {  	_ =	shalt  }
0x47: {  	_ =	shalt  }
0x48: {  	_ =	shalt  }
0x49: {  	_ =	shalt  }
0x4a: {  	_ =	shalt  }
0x4b: {  	_ =	shalt  }
0x4c: {  	_ =	shalt  }
0x4d: {  	_ =	shalt  }
0x4e: {  	_ =	shalt  }
0x4f: {  	_ =	shalt  }
0x50: {  	_ =	shalt  }
0x51: {  	_ =	shalt  }
0x52: {  	_ =	shalt  }
0x53: {  	_ =	shalt  }
0x54: {  	_ =	shalt  }
0x55: {  	_ =	shalt  }
0x56: {  	_ =	shalt  }
0x57: {  	_ =	shalt  }
0x58: {  	_ =	shalt  }
0x59: {  	_ =	shalt  }
0x5a: {  	_ =	shalt  }
0x5b: {  	_ =	shalt  }
0x5c: {  	_ =	shalt  }
0x5d: {  	_ =	shalt  }
0x5e: {  	_ =	shalt  }
0x5f: {  	_ =	shalt  }
0x60: {  	_ =	shalt  }
0x61: {  	_ =	shalt  }
0x62: {  	_ =	shalt  }
0x63: {  	_ =	shalt  }
0x64: {  	_ =	shalt  }
0x65: {  	_ =	shalt  }
0x66: {  	_ =	shalt  }
0x67: {  	_ =	shalt  }
0x68: {  	_ =	shalt  }
0x69: {  	_ =	shalt  }
0x6a: {  	_ =	shalt  }
0x6b: {  	_ =	shalt  }
0x6c: {  	_ =	shalt  }
0x6d: {  	_ =	shalt  }
0x6e: {  	_ =	shalt  }
0x6f: {  	_ =	shalt  }
0x70: {  	_ =	shalt  }
0x71: {  	_ =	shalt  }
0x72: {  	_ =	shalt  }
0x73: {  	_ =	shalt  }
0x74: {  	_ =	shalt  }
0x75: {  	_ =	shalt  }
0x76: {  	_ =	shalt  }
0x77: {  	_ =	shalt  }
0x78: {  	_ =	shalt  }
0x79: {  	_ =	shalt  }
0x7a: {  	_ =	shalt  }
0x7b: {  	_ =	shalt  }
0x7c: {  	_ =	shalt  }
0x7d: {  	_ =	shalt  }
0x7e: {  	_ =	shalt  }
0x7f: {  	_ =	shalt  }
0x80: {  	_ =	shalt  }
0x81: {  	_ =	shalt  }
0x82: {  	_ =	shalt  }
0x83: {  	_ =	shalt  }
0x84: {  	_ =	shalt  }
0x85: {  	_ =	shalt  }
0x86: {  	_ =	shalt  }
0x87: {  	_ =	shalt  }
.Lfunc_end0:
.L_simem_size_0:
called_computation_lowered:
.L_overlay_start_0:
0x88: {  	s2 =	sld [smem:$0x3FD9]  }
0x89: {  	s3 =	sld [smem:$0x3FFE];
	_ =	sdelay $0x1  }
0x8a: {  	s1 =	srdreg.scid  }
0x8b: {  	s0 =	sand.u32 $0x1, s1  }
0x8c: {  	s17 =	sshll.u32 s0, $0xA;
	s2 =	sadd.s32 s3, s2  }
0x8d: {  	s2 =	sadd.s32 s2, s17  }
0x8e: {  	[smem:$0x3FC3] =	sst s2  }
0x8f: {  	_ = 	snop  }
0x90: {  	s2 =	sld [smem:$0x3FC9]  }
0x91: {  	s18 =	sld [smem:$0x3FC7]  }
0x92: {  	s4 =	sld [smem:$0x3FD0];
	(tm) =	ssettm $0x1  }
0x93: {  	s5 =	sld [smem:$0x3FFB];
	_ =	sdelay $0x3  }
0x94: {  	_ =	strace s5  }
0x95: {  	s5 =	sld [smem:$0x3FFC];
	_ =	sdelay $0x3  }
0x96: {  	_ =	strace s5  }
0x97: {  	s5 =	sld [smem:$0x3FFD];
	_ =	sdelay $0x3  }
0x98: {  	_ =	strace s5  }
0x99: {  	_ =	strace $0x8FFFFFFF  }
0x9a: {  	s19 =	sld [smem:$0x3FDB];
	_ =	sdelay $0x1  }
0x9b: {  	s6 =	simm.s32 $_scs_section_size  }
0x9c: {  	s7 =	simm.s32 $_size__tile_overlayer_lowered;
	s8 =	simm.s32 $_tile_overlayer_lowered  }
0x9d: {  	s22 =	simm.s32 $0x1BFF;
	s21 =	sshll.u32 s8, $0x1;
	s5 =	sadd.s32 s6, s19  }
0x9e: {  	s9 =	simm.s32 $0x0;
	s20 =	sshll.u32 s7, $0x1;
	s7 =	sadd.s32 s21, s5  }
0x9f: {  	[timem:s9], [sflag:s22] =	dma.local [hbm:s7], s20  }
0xa0: {  	_ =	swait.ge [sflag:s22], s20  }
0xa1: {  	s6 =	ssub.s32 $0x0, s20;
	[sflag:s22] =	ssyncset.done $0x0  }
0xa2: {  	[sflag:s22] =	ssyncadd.s32 s6;
	_ =	sdelay $0x1  }
0xa3: {  	s23 =	simm.s32 $0x1B8B  }
0xa4: {  	_ =	swait.ge [sflag:s23], $0x1  }
0xa5: {  	[sflag:s23] =	ssyncset.done $0x0  }
0xa6: {  	s25 =	simm.s32 $0x1B8E;
	s24 =	sld [smem:$0x3FFE];
	[sflag:s23] =	ssyncadd.s32 $0xFFFFFFFF  }
0xa7: {  	s26 =	simm.s32 $execute0_lowered;
	[smem:$0x3FD2] =	sst s25  }
0xa8: {  	s7 =	sshll.u32 s26, $0x1;
	_ =	strace $0x80000046;
	[dreg:$0x1] =	wrdreg $0xFFFFFFFF  }
0xa9: {  	s28 =	simm.s32 $_size_execute0_lowered;
	s5 =	sadd.s32 s5, s7;
	[dreg:$0x0] =	wrdreg $0x0  }
0xaa: {  	s7 =	sshll.u32 s28, $0x1;
	[dreg:$0x2] =	wrdreg s5  }
0xab: {  	[dreg:$0x3] =	wrdreg s7  }
0xac: {  	[dreg:$0x4] =	wrdreg $0xC0  }
0xad: {  	_ =	task [dreg:s9], $0x5FFFF  }
0xae: {  	[dreg:$0x1] =	wrdreg $0xFFFFFFFF  }
0xaf: {  	[dreg:$0x0] =	wrdreg $0x60  }
0xb0: {  	[dreg:$0x2] =	wrdreg s2  }
0xb1: {  	[dreg:$0x3] =	wrdreg s24  }
0xb2: {  	[dreg:$0x4] =	wrdreg s4  }
0xb3: {  	[dreg:$0x5] =	wrdreg s18  }
0xb4: {  	[dreg:$0x6] =	wrdreg $0x9  }
0xb5: {  	_ =	task.clear_ibuf [dreg:s9], $0x7FFFF;
	_ =	strace $0x90000046  }
0xb6: {  	s29 =	simm.s32 $0x9;
	_ =	strace $0x80000048  }
0xb7: {  	_ =	swait.ge [sflag:s29], $0x1  }
0xb8: {  	[sflag:s29] =	ssyncadd.s32 $0xFFFFFFFF  }
0xb9: {  	_ =	strace $0x90000048  }
0xba: {  	_ =	sfence  }
0xbb: {  	s30 =	sld [smem:$0x0];
	_ =	sdelay $0x2  }
0xbc: {  	s31 =	sshll.u32 s1, $0xD;
	s1 =	sshrl.u32 s1, $0x2  }
0xbd: {  	s3 =	sand.u32 $0x4000, s31;
	s1 =	sadd.s32 s1, s30  }
0xbe: {  	s0 =	sor.u32 s3, s0;
	s1 =	sshll.u32 s1, $0x11  }
0xbf: {  	s0 =	sor.u32 s1, s0  }
0xc0: {  	s0 =	sadd.s32 $0x8F2B, s0  }
0xc1: {  	[sflag:s0] =	ssyncadd.remote.s32 $0x1  }
0xc2: {  	_ =	sfence.sel $0xFFFF  }
0xc3: {  	[dreg:$0x0] =	wrdreg $0xFFFFFFFF;
	(pc) =	sbr.abs _section_cstart, $3  }
0xc4: {  	[dreg:$0x1] =	wrdreg $0xFFFFFFFF  }
0xc5: {  	_ =	task.clear_ibuf [dreg:s9], $0x2FFFF;
	_ =	strace $0x9FFFFFFF  }
0xc6: {  	(tm) =	ssettm $0x7FFFFFFF  }
0xc7: {  	_ =	shalt  }
tec
execute0_lowered:
.L_overlay_start_1:
0x0: {  	(tag) =	ssettag $0x1  }
0x1: {  	s1 =	rddreg [dreg:$0x0]  }
0x2: {  	s2 =	rddreg [dreg:$0x1]  }
0x3: {  	s3 =	srdreg.scid;
	s4 =	rddreg [dreg:$0x2]  }
0x4: {  	s0 =	stileid.u32;
	s5 =	rddreg [dreg:$0x3]  }
0x5: {  	s6 =	simm.s32 $0x0;
	s7 =	sand.u32 $0x1, s3;
	s30 =	sshll.u32 s0, $0x1  }
0x6: {  	s11 =	simm.s32 $0x2000;
	s12 =	simm.s32 $0x1;
	s8 =	sor.u32 s7, s30  }
0x7: {  	s13 =	simm.s32 $0x6000;
	s14 =	simm.s32 $0x6800;
	s9 =	smul.u32 $0x1400, s8  }
.Ltmp0:
0x8: {  	s15 =	simm.s32 $0x0;
	s7 =	ssub.s32 $0x2, s7;
	(pc) =	sbr.rel .LBB2_1-.Ltmp0, $4  }
0x9: {  	[smem:$0x7FF] =	sst s6;
	s8 =	smul.u32 $0x140, s8;
	s10 =	sshrl.u32 s7, $0x1  }
0xa: {  	v2 =	vimm.f32 $-Inf;
	v3 =	vimm.s32 $0x0;
	s3 =	rddreg [dreg:$0x4];
	_ =	strace $0x80000047;
	s10 =	ssub.s32 s7, s10  }
0xb: {  	v4 =	vlaneseq.u32;
	v5 =	vimm.s32 $0x140;
	s9 =	sadd.s32 s9, s2;
	s31 =	sadd.s32 $0x140, s8;
	v0 =	vmov s8;
	s8 =	smax.u32 s10, $0x1  }
0xc: {  	v6 =	vimm.f32 $0.0e+00;
	vm0 =	vmmov $0xffff;
	s10 =	simm.s32 $0x1000;
	v1 =	vmov s31;
	s7 =	sadd.s32 $0x9E00, s9;
	s9 =	simm.s32 $0x2  }
.LBB2_9:
0xd: {  	s15 =	sadd.s32 $0x1, s15  }
0xe: {  	p0 =	sne.s32 s15, s8  }
.Ltmp1:
0xf: {  	_ = 	snop;
	(pc) =	sbr.rel @!p0 .LBB2_10-.Ltmp1, $4  }
0x10: {  	[hbm4b:s7+s6] =	stream.linear.scatter [tilespmem:s14], [sflag:$0x2], $0xA000, $0x38;
	[tilespmem:$0x10C00] =	vst v63  }
0x11: {  	_ =	swait.ge [sflag:s9], $0xA000  }
0x12: {  	[sflag:s9] =	ssyncset.done $0x0  }
0x13: {  	[sflag:s9] =	ssyncadd.s32 $0xFFFF6000  }
.LBB2_1:
0x14: {  	s17 =	simm.s32 $0x0;
	s16 =	simm.s32 $0x200  }
.LBB2_2:
0x15: {  	p0 =	sne.s32 s16, $0x28000;
	[tilespmem:s17+$0x6870] =	vst v2  }
0x16: {  	[tilespmem:s17+$0x6800] =	vst v2  }
0x17: {  	[tilespmem:s17+$0x6810] =	vst v2  }
.Ltmp2:
0x18: {  	[tilespmem:s17+$0x6820] =	vst v2;
	(pc) =	sbr.rel @p0 .LBB2_2-.Ltmp2, $4  }
0x19: {  	[tilespmem:s17+$0x6830] =	vst v2  }
0x1a: {  	[tilespmem:s17+$0x6840] =	vst v2  }
0x1b: {  	[tilespmem:s17+$0x6850] =	vst v2  }
0x1c: {  	[tilespmem:s17+$0x6860] =	vst v2;
	s17 =	sshra.s32 s16, $0x2;
	s16 =	sadd.s32 $0x200, s16  }
0x1d: {  	[tilespmem:s17+$0x6870] =	vst v2  }
0x1e: {  	[tilespmem:s17+$0x6800] =	vst v2  }
0x1f: {  	[tilespmem:s17+$0x6810] =	vst v2  }
.Ltmp3:
0x20: {  	[tilespmem:s17+$0x6820] =	vst v2;
	(pc) =	sbr.rel .LBB2_4-.Ltmp3, $4  }
0x21: {  	[tilespmem:s17+$0x6830] =	vst v2  }
0x22: {  	[tilespmem:s17+$0x6840] =	vst v2  }
0x23: {  	[tilespmem:s17+$0x6850] =	vst v2  }
0x24: {  	s16 =	simm.s32 $0x0;
	[tilespmem:s17+$0x6860] =	vst v2;
	s17 =	simm.s32 $0x0  }
.LBB2_8:
0x25: {  	s17 =	sadd.s32 $0x1, s17  }
0x26: {  	p0 =	sne.s32 s17, $0x50  }
.Ltmp4:
0x27: {  	_ = 	snop;
	(pc) =	sbr.rel @!p0 .LBB2_9-.Ltmp4, $1  }
0x28: {  	_ =	sdelay $0x3  }
.LBB2_4:
0x29: {  	s18 =	smul.u32 $0x1F4, s17;
	_ =	sdelay $0x1  }
0x2a: {  	s19 =	sadd.s32 s4, s18  }
0x2b: {  	[tilespmem:s16], [sflag:$0x2] =	stream.linear.gather [hbm4b:s19+s16], $0xFA0, $0x38;
	[tilespmem:$0x10C00] =	vst v63  }
0x2c: {  	_ =	swait.ge [sflag:s9], $0xFA0  }
0x2d: {  	[sflag:s9] =	ssyncset.done $0x0  }
0x2e: {  	s30 =	sadd.s32 s2, s18;
	[sflag:s9] =	ssyncadd.s32 $0xFFFFF060  }
0x2f: {  	[tilespmem:s10], [sflag:$0x2] =	stream.linear.gather [hbm4b:s30+s16], $0xFA0, $0x38;
	[tilespmem:$0x10C00] =	vst v63  }
0x30: {  	_ =	swait.ge [sflag:s9], $0xFA0  }
0x31: {  	[sflag:s9] =	ssyncset.done $0x0  }
0x32: {  	s18 =	sadd.s32 s5, s18;
	[sflag:s9] =	ssyncadd.s32 $0xFFFFF060  }
0x33: {  	[tilespmem:s11], [sflag:$0x2] =	stream.linear.gather [hbm4b:s18+s16], $0xFA0, $0x38;
	[tilespmem:$0x10C00] =	vst v63  }
0x34: {  	_ =	swait.ge [sflag:s9], $0xFA0  }
0x35: {  	[sflag:s9] =	ssyncset.done $0x0  }
0x36: {  	s31 =	simm.s32 $0x0;
	[sflag:s9] =	ssyncadd.s32 $0xFFFFF060  }
0x37: {  	v9 =	vld [tilespmem:s31+$0x0];
	_ =	sdelay $0x4  }
0x38: {  	vm1 =	vge.s32 v9, v0;
	vm2 =	vlt.s32 v9, v1  }
0x39: {  	vm1 =	vmand vm1, vm2  }
0x3a: {  	v7 =	vsel vm1, $0x1, v3  }
0x3b: {  	(xrf0) =	vadd.scan.msk.s32 $0xffff, v7;
	_ =	sdelay $0x5  }
0x3c: {  	v7, _, _ =	vpop (xrf0)  }
0x3d: {  	(v2sf) =	vpush v7, $0xF;
	_ =	sdelay $0xe  }
0x3e: {  	s19 =	spop (v2sf)  }
0x3f: {  	p1 =	slt.s32 s19, $0x1  }
0x40: {  	v8 =	vmov @!p1 s16  }
0x41: {  	v8 =	vadd.s32 @!p1 $0xFFFFFFFF, v8  }
0x42: {  	v8 =	vbroadcast @!p1 v8, $0x0  }
0x43: {  	s18 =	simm.s32 @!p1 $0x0  }
0x44: {  	v10 =	vld @!p1 [tilespmem:s18+$0x1000];
	v7 =	vadd.s32 @!p1 v7, v8;
	_ =	sdelay $0x2  }
0x45: {  	v8 =	vld @!p1 [tilespmem:s18+$0x2000]  }
0x46: {  	s21 =	simm.s32 @!p1 $0x3000  }
0x47: {  	v9 =	vsub.s32 @!p1 v9, v0;
	s20 =	sadd.s32 @!p1 $0x0, s19;
	s19 =	simm.s32 $0x80;
	[tilespmem:v7+s21+$0x0] =	vst.idx.msk @!p1 vm1, v10;
	s21 =	simm.s32 @!p1 $0x4000  }
0x48: {  	s20 =	smov.u32 @p1 s16;
	s18 =	simm.s32 $0x40;
	[tilespmem:v7+s21+$0x0] =	vst.idx.msk @!p1 vm1, v9;
	s21 =	simm.s32 @!p1 $0x5000  }
.LBB2_5:
0x49: {  	s22 =	smov.u32 s20  }
0x4a: {  	s20 =	sshra.s32 s18, $0x2;
	[tilespmem:v7+s21+$0x0] =	vst.idx.msk @!p1 vm1, v8;
	s21 =	smov.u32 s19;
	s19 =	sadd.s32 $0x40, s19  }
0x4b: {  	p0 =	sne.s32 s19, $0x3E80;
	v7 =	vld [tilespmem:s20+$0x0];
	_ =	sdelay $0x4  }
0x4c: {  	vm1 =	vge.s32 v7, v0;
	vm2 =	vlt.s32 v7, v1  }
0x4d: {  	vm1 =	vmand vm1, vm2  }
0x4e: {  	v8 =	vsel vm1, $0x1, v3  }
0x4f: {  	(xrf0) =	vadd.scan.msk.s32 $0xffff, v8;
	_ =	sdelay $0x5  }
0x50: {  	v8, _, _ =	vpop (xrf0)  }
0x51: {  	(v2sf) =	vpush v8, $0xF;
	_ =	sdelay $0xe  }
0x52: {  	s20 =	spop (v2sf)  }
0x53: {  	p1 =	slt.s32 s20, $0x1  }
0x54: {  	s23 =	sshra.s32 @!p1 s18, $0x2;
	v9 =	vmov @!p1 s22;
	v10 =	vsub.s32 @!p1 v7, v0;
	s20 =	sadd.s32 @!p1 s22, s20;
	s18 =	smov.u32 s21  }
0x55: {  	v7 =	vadd.s32 @!p1 $0xFFFFFFFF, v9;
	s20 =	smov.u32 @p1 s22  }
0x56: {  	v7 =	vbroadcast @!p1 v7, $0x0;
	_ =	sdelay $0x1  }
0x57: {  	v9 =	vld @!p1 [tilespmem:s23+$0x1000];
	v7 =	vadd.s32 @!p1 v8, v7;
	_ =	sdelay $0x1  }
.Ltmp5:
0x58: {  	v8 =	vld @!p1 [tilespmem:s23+$0x2000];
	(pc) =	sbr.rel @p0 .LBB2_5-.Ltmp5, $4  }
0x59: {  	_ = 	snop  }
0x5a: {  	s21 =	simm.s32 @!p1 $0x3000  }
0x5b: {  	[tilespmem:v7+s21+$0x0] =	vst.idx.msk @!p1 vm1, v9;
	s21 =	simm.s32 @!p1 $0x4000  }
0x5c: {  	[tilespmem:v7+s21+$0x0] =	vst.idx.msk @!p1 vm1, v10;
	s21 =	simm.s32 @!p1 $0x5000  }
0x5d: {  	_ =	sdelay $0x4  }
0x5e: {  	s19 =	sshra.s32 s18, $0x2;
	[tilespmem:v7+s21+$0x0] =	vst.idx.msk @!p1 vm1, v8  }
0x5f: {  	v7 =	vld [tilespmem:s19+$0x0];
	_ =	sdelay $0x4  }
0x60: {  	vm1 =	vge.s32 v7, v0;
	vm2 =	vlt.s32 v7, v1  }
0x61: {  	vm1 =	vmand vm1, vm2  }
0x62: {  	v8 =	vsel vm1, $0x1, v3  }
0x63: {  	(xrf0) =	vadd.scan.msk.s32 $0xffff, v8;
	_ =	sdelay $0x5  }
0x64: {  	v8, _, _ =	vpop (xrf0)  }
0x65: {  	(v2sf) =	vpush v8, $0xF;
	_ =	sdelay $0xe  }
0x66: {  	s19 =	spop (v2sf)  }
0x67: {  	p0 =	slt.s32 s19, $0x1  }
0x68: {  	v9 =	vmov @!p0 s20  }
0x69: {  	v9 =	vadd.s32 @!p0 $0xFFFFFFFF, v9  }
0x6a: {  	s19 =	sadd.s32 @!p0 s20, s19;
	v9 =	vbroadcast @!p0 v9, $0x0  }
0x6b: {  	s18 =	sshra.s32 @!p0 s18, $0x2;
	s19 =	smov.u32 @p0 s20  }
0x6c: {  	v10 =	vld @!p0 [tilespmem:s18+$0x1000];
	s20 =	sadd.s32 $0xF, s19;
	v8 =	vadd.s32 @!p0 v8, v9  }
0x6d: {  	s29 =	sand.u32 $0xF, s20  }
0x6e: {  	p6 =	slt.s32 s20, $0x1;
	s30 =	sshra.s32 s20, $0x1F;
	v9 =	vld @!p0 [tilespmem:s18+$0x2000];
	p2 =	sne.s32 s29, $0x0  }
0x6f: {  	v11 =	vadd.s32 s19, v4;
	s18 =	simm.s32 @!p0 $0x3000;
	s19 =	sshrl.u32 s30, $0x1C;
	p1 =	por !p6, !p2  }
0x70: {  	s19 =	sadd.s32 s19, s20;
	s20 =	simm.s32 $0x1;
	p1 =	por !p1, !p1  }
0x71: {  	v7 =	vsub.s32 @!p0 v7, v0;
	s31 =	sshra.s32 s19, $0x4;
	s20 =	simm.s32 @!p1 $0x0;
	[tilespmem:v8+s18+$0x0] =	vst.idx.msk @!p0 vm1, v10;
	s18 =	simm.s32 @!p0 $0x4000  }
0x72: {  	s21 =	simm.s32 @!p0 $0x5000;
	s20 =	ssub.s32 s31, s20;
	[tilespmem:v8+s18+$0x0] =	vst.idx.msk @!p0 vm1, v7  }
0x73: {  	[tilespmem:v8+s21+$0x0] =	vst.idx.msk @!p0 vm1, v9;
	p0 =	slt.s32 s20, $0x1  }
.Ltmp6:
0x74: {  	_ = 	snop;
	(pc) =	sbr.rel @p0 .LBB2_8-.Ltmp6, $4  }
0x75: {  	s18 =	simm.s32 $0x3000  }
0x76: {  	s19 =	simm.s32 $0x4000;
	[tilespmem:v11+s18+$0x0] =	vst.idx.msk $0xffff, v3  }
0x77: {  	s21 =	simm.s32 $0x5000;
	[tilespmem:v11+s19+$0x0] =	vst.idx.msk $0xffff, v5  }
0x78: {  	[tilespmem:v11+s21+$0x0] =	vst.idx.msk $0xffff, v6  }
.LBB2_7:
0x79: {  	v7 =	vld [tilespmem:s18+$0x0];
	_ =	sdelay $0x7  }
0x7a: {  	[tilespmem:s13], [sflag:$0x1] =	stream.indirect_vreg.gather [hbm4b:s1+s6], $0x80, v7, vm0, $0xb8;
	[tilespmem:$0x10C00] =	vst v63  }
0x7b: {  	_ =	swait.ge [sflag:s12], $0x800  }
0x7c: {  	[sflag:s12] =	ssyncset.done $0x0  }
0x7d: {  	[sflag:s12] =	ssyncadd.s32 $0xFFFFF800  }
0x7e: {  	v7 =	vld [tilespmem:s19+$0x0];
	_ =	sdelay $0x4  }
0x7f: {  	v7 =	vshll.u32 v7, $0x9  }
0x80: {  	v8 =	vshra.s32 v7, $0x2  }
0x81: {  	(v2sf) =	vpush v8, $0x0;
	_ =	sdelay $0xb  }
0x82: {  	v7 =	vld [tilespmem:s21+$0x0];
	_ =	sdelay $0x1  }
0x83: {  	v9 =	vld [tilespmem:$0x6000]  }
0x84: {  	s22 =	spop (v2sf)  }
0x85: {  	v10 =	vld [tilespmem:s22+$0x6800]  }
0x86: {  	v11 =	vbroadcast v7, $0x0;
	_ =	sdelay $0x1  }
0x87: {  	v9 =	vmul.f32 v11, v9;
	_ =	sdelay $0x1  }
0x88: {  	v9 =	vmax.f32 v10, v9  }
0x89: {  	[tilespmem:s22+$0x6800] =	vst v9  }
0x8a: {  	v9 =	vld [tilespmem:$0x6010];
	_ =	sdelay $0x1  }
0x8b: {  	v27 =	vld [tilespmem:s22+$0x6810];
	_ =	sdelay $0x2  }
0x8c: {  	v9 =	vmul.f32 v9, v11;
	_ =	sdelay $0x1  }
0x8d: {  	v9 =	vmax.f32 v27, v9  }
0x8e: {  	[tilespmem:s22+$0x6810] =	vst v9  }
0x8f: {  	v9 =	vld [tilespmem:$0x6020];
	_ =	sdelay $0x1  }
0x90: {  	v28 =	vld [tilespmem:s22+$0x6820];
	_ =	sdelay $0x2  }
0x91: {  	v9 =	vmul.f32 v9, v11;
	_ =	sdelay $0x1  }
0x92: {  	v9 =	vmax.f32 v28, v9  }
0x93: {  	[tilespmem:s22+$0x6820] =	vst v9  }
0x94: {  	v9 =	vld [tilespmem:$0x6030];
	_ =	sdelay $0x1  }
0x95: {  	v29 =	vld [tilespmem:s22+$0x6830];
	_ =	sdelay $0x2  }
0x96: {  	v9 =	vmul.f32 v9, v11;
	_ =	sdelay $0x1  }
0x97: {  	v9 =	vmax.f32 v29, v9  }
0x98: {  	[tilespmem:s22+$0x6830] =	vst v9  }
0x99: {  	v9 =	vld [tilespmem:$0x6040];
	_ =	sdelay $0x1  }
0x9a: {  	v30 =	vld [tilespmem:s22+$0x6840];
	_ =	sdelay $0x2  }
0x9b: {  	v9 =	vmul.f32 v9, v11;
	_ =	sdelay $0x1  }
0x9c: {  	v9 =	vmax.f32 v30, v9  }
0x9d: {  	[tilespmem:s22+$0x6840] =	vst v9  }
0x9e: {  	v9 =	vld [tilespmem:$0x6050];
	_ =	sdelay $0x1  }
0x9f: {  	v31 =	vld [tilespmem:s22+$0x6850];
	_ =	sdelay $0x2  }
0xa0: {  	v9 =	vmul.f32 v9, v11;
	_ =	sdelay $0x1  }
0xa1: {  	v9 =	vmax.f32 v31, v9  }
0xa2: {  	[tilespmem:s22+$0x6850] =	vst v9  }
0xa3: {  	v9 =	vld [tilespmem:$0x6060];
	_ =	sdelay $0x1  }
0xa4: {  	v32 =	vld [tilespmem:s22+$0x6860];
	_ =	sdelay $0x1  }
0xa5: {  	(v2sf) =	vpush v8, $0x1  }
0xa6: {  	v9 =	vmul.f32 v9, v11;
	_ =	sdelay $0x1  }
0xa7: {  	v9 =	vmax.f32 v32, v9  }
0xa8: {  	[tilespmem:s22+$0x6860] =	vst v9  }
0xa9: {  	v9 =	vld [tilespmem:$0x6070];
	_ =	sdelay $0x1  }
0xaa: {  	v33 =	vld [tilespmem:s22+$0x6870];
	_ =	sdelay $0x2  }
0xab: {  	v9 =	vmul.f32 v9, v11;
	_ =	sdelay $0x1  }
0xac: {  	v9 =	vmax.f32 v33, v9  }
0xad: {  	[tilespmem:s22+$0x6870] =	vst v9  }
0xae: {  	v9 =	vld [tilespmem:$0x6080]  }
0xaf: {  	s24 =	spop (v2sf)  }
0xb0: {  	v34 =	vld [tilespmem:s24+$0x6800]  }
0xb1: {  	v35 =	vbroadcast v7, $0x1;
	_ =	sdelay $0x1  }
0xb2: {  	v9 =	vmul.f32 v9, v35;
	_ =	sdelay $0x1  }
0xb3: {  	v9 =	vmax.f32 v34, v9  }
0xb4: {  	[tilespmem:s24+$0x6800] =	vst v9  }
0xb5: {  	v9 =	vld [tilespmem:$0x6090];
	_ =	sdelay $0x1  }
0xb6: {  	v36 =	vld [tilespmem:s24+$0x6810];
	_ =	sdelay $0x2  }
0xb7: {  	v9 =	vmul.f32 v9, v35;
	_ =	sdelay $0x1  }
0xb8: {  	v9 =	vmax.f32 v36, v9  }
0xb9: {  	[tilespmem:s24+$0x6810] =	vst v9  }
0xba: {  	v9 =	vld [tilespmem:$0x60A0];
	_ =	sdelay $0x1  }
0xbb: {  	v37 =	vld [tilespmem:s24+$0x6820];
	_ =	sdelay $0x2  }
0xbc: {  	v9 =	vmul.f32 v9, v35;
	_ =	sdelay $0x1  }
0xbd: {  	v9 =	vmax.f32 v37, v9  }
0xbe: {  	[tilespmem:s24+$0x6820] =	vst v9  }
0xbf: {  	v9 =	vld [tilespmem:$0x60B0];
	_ =	sdelay $0x1  }
0xc0: {  	v38 =	vld [tilespmem:s24+$0x6830];
	_ =	sdelay $0x2  }
0xc1: {  	v9 =	vmul.f32 v9, v35;
	_ =	sdelay $0x1  }
0xc2: {  	v9 =	vmax.f32 v38, v9  }
0xc3: {  	[tilespmem:s24+$0x6830] =	vst v9  }
0xc4: {  	v9 =	vld [tilespmem:$0x60C0];
	_ =	sdelay $0x1  }
0xc5: {  	v39 =	vld [tilespmem:s24+$0x6840];
	_ =	sdelay $0x2  }
0xc6: {  	v9 =	vmul.f32 v9, v35;
	_ =	sdelay $0x1  }
0xc7: {  	v9 =	vmax.f32 v39, v9  }
0xc8: {  	[tilespmem:s24+$0x6840] =	vst v9  }
0xc9: {  	v9 =	vld [tilespmem:$0x60D0];
	_ =	sdelay $0x1  }
0xca: {  	v40 =	vld [tilespmem:s24+$0x6850];
	_ =	sdelay $0x2  }
0xcb: {  	v9 =	vmul.f32 v9, v35;
	_ =	sdelay $0x1  }
0xcc: {  	v9 =	vmax.f32 v40, v9  }
0xcd: {  	[tilespmem:s24+$0x6850] =	vst v9  }
0xce: {  	v9 =	vld [tilespmem:$0x60E0];
	_ =	sdelay $0x1  }
0xcf: {  	v41 =	vld [tilespmem:s24+$0x6860];
	_ =	sdelay $0x1  }
0xd0: {  	(v2sf) =	vpush v8, $0x2  }
0xd1: {  	v9 =	vmul.f32 v9, v35;
	_ =	sdelay $0x1  }
0xd2: {  	v9 =	vmax.f32 v41, v9  }
0xd3: {  	[tilespmem:s24+$0x6860] =	vst v9  }
0xd4: {  	v9 =	vld [tilespmem:$0x60F0];
	_ =	sdelay $0x1  }
0xd5: {  	v42 =	vld [tilespmem:s24+$0x6870];
	_ =	sdelay $0x2  }
0xd6: {  	v9 =	vmul.f32 v9, v35;
	_ =	sdelay $0x1  }
0xd7: {  	v9 =	vmax.f32 v42, v9  }
0xd8: {  	[tilespmem:s24+$0x6870] =	vst v9  }
0xd9: {  	v9 =	vld [tilespmem:$0x6100]  }
0xda: {  	s25 =	spop (v2sf)  }
0xdb: {  	v43 =	vld [tilespmem:s25+$0x6800]  }
0xdc: {  	v44 =	vbroadcast v7, $0x2;
	_ =	sdelay $0x1  }
0xdd: {  	v9 =	vmul.f32 v9, v44;
	_ =	sdelay $0x1  }
0xde: {  	v9 =	vmax.f32 v43, v9  }
0xdf: {  	[tilespmem:s25+$0x6800] =	vst v9  }
0xe0: {  	v9 =	vld [tilespmem:$0x6110];
	_ =	sdelay $0x1  }
0xe1: {  	v45 =	vld [tilespmem:s25+$0x6810];
	_ =	sdelay $0x2  }
0xe2: {  	v9 =	vmul.f32 v9, v44;
	_ =	sdelay $0x1  }
0xe3: {  	v9 =	vmax.f32 v45, v9  }
0xe4: {  	[tilespmem:s25+$0x6810] =	vst v9  }
0xe5: {  	v9 =	vld [tilespmem:$0x6120];
	_ =	sdelay $0x1  }
0xe6: {  	v46 =	vld [tilespmem:s25+$0x6820];
	_ =	sdelay $0x2  }
0xe7: {  	v9 =	vmul.f32 v9, v44;
	_ =	sdelay $0x1  }
0xe8: {  	v9 =	vmax.f32 v46, v9  }
0xe9: {  	[tilespmem:s25+$0x6820] =	vst v9  }
0xea: {  	v9 =	vld [tilespmem:$0x6130];
	_ =	sdelay $0x1  }
0xeb: {  	v47 =	vld [tilespmem:s25+$0x6830];
	_ =	sdelay $0x2  }
0xec: {  	v9 =	vmul.f32 v9, v44;
	_ =	sdelay $0x1  }
0xed: {  	v9 =	vmax.f32 v47, v9  }
0xee: {  	[tilespmem:s25+$0x6830] =	vst v9  }
0xef: {  	v9 =	vld [tilespmem:$0x6140];
	_ =	sdelay $0x1  }
0xf0: {  	v48 =	vld [tilespmem:s25+$0x6840];
	_ =	sdelay $0x2  }
0xf1: {  	v9 =	vmul.f32 v9, v44;
	_ =	sdelay $0x1  }
0xf2: {  	v9 =	vmax.f32 v48, v9  }
0xf3: {  	[tilespmem:s25+$0x6840] =	vst v9  }
0xf4: {  	v9 =	vld [tilespmem:$0x6150];
	_ =	sdelay $0x1  }
0xf5: {  	v49 =	vld [tilespmem:s25+$0x6850];
	_ =	sdelay $0x2  }
0xf6: {  	v9 =	vmul.f32 v9, v44;
	_ =	sdelay $0x1  }
0xf7: {  	v9 =	vmax.f32 v49, v9  }
0xf8: {  	[tilespmem:s25+$0x6850] =	vst v9  }
0xf9: {  	v9 =	vld [tilespmem:$0x6160];
	_ =	sdelay $0x1  }
0xfa: {  	v50 =	vld [tilespmem:s25+$0x6860];
	_ =	sdelay $0x1  }
0xfb: {  	(v2sf) =	vpush v8, $0x3  }
0xfc: {  	v9 =	vmul.f32 v9, v44;
	_ =	sdelay $0x1  }
0xfd: {  	v9 =	vmax.f32 v50, v9  }
0xfe: {  	[tilespmem:s25+$0x6860] =	vst v9  }
0xff: {  	v9 =	vld [tilespmem:$0x6170];
	_ =	sdelay $0x1  }
0x100: {  	v51 =	vld [tilespmem:s25+$0x6870];
	_ =	sdelay $0x2  }
0x101: {  	v9 =	vmul.f32 v9, v44;
	_ =	sdelay $0x1  }
0x102: {  	v9 =	vmax.f32 v51, v9  }
0x103: {  	[tilespmem:s25+$0x6870] =	vst v9  }
0x104: {  	v9 =	vld [tilespmem:$0x6180]  }
0x105: {  	s26 =	spop (v2sf)  }
0x106: {  	v52 =	vld [tilespmem:s26+$0x6800]  }
0x107: {  	v53 =	vbroadcast v7, $0x3;
	_ =	sdelay $0x1  }
0x108: {  	v9 =	vmul.f32 v9, v53;
	_ =	sdelay $0x1  }
0x109: {  	v9 =	vmax.f32 v52, v9  }
0x10a: {  	[tilespmem:s26+$0x6800] =	vst v9  }
0x10b: {  	v9 =	vld [tilespmem:$0x6190];
	_ =	sdelay $0x1  }
0x10c: {  	v54 =	vld [tilespmem:s26+$0x6810];
	_ =	sdelay $0x2  }
0x10d: {  	v9 =	vmul.f32 v9, v53;
	_ =	sdelay $0x1  }
0x10e: {  	v9 =	vmax.f32 v54, v9  }
0x10f: {  	[tilespmem:s26+$0x6810] =	vst v9  }
0x110: {  	v9 =	vld [tilespmem:$0x61A0];
	_ =	sdelay $0x1  }
0x111: {  	v55 =	vld [tilespmem:s26+$0x6820];
	_ =	sdelay $0x2  }
0x112: {  	v9 =	vmul.f32 v9, v53;
	_ =	sdelay $0x1  }
0x113: {  	v9 =	vmax.f32 v55, v9  }
0x114: {  	[tilespmem:s26+$0x6820] =	vst v9  }
0x115: {  	v9 =	vld [tilespmem:$0x61B0];
	_ =	sdelay $0x1  }
0x116: {  	v56 =	vld [tilespmem:s26+$0x6830];
	_ =	sdelay $0x2  }
0x117: {  	v9 =	vmul.f32 v9, v53;
	_ =	sdelay $0x1  }
0x118: {  	v9 =	vmax.f32 v56, v9  }
0x119: {  	[tilespmem:s26+$0x6830] =	vst v9  }
0x11a: {  	v9 =	vld [tilespmem:$0x61C0];
	_ =	sdelay $0x1  }
0x11b: {  	v57 =	vld [tilespmem:s26+$0x6840];
	_ =	sdelay $0x2  }
0x11c: {  	v9 =	vmul.f32 v9, v53;
	_ =	sdelay $0x1  }
0x11d: {  	v9 =	vmax.f32 v57, v9  }
0x11e: {  	[tilespmem:s26+$0x6840] =	vst v9  }
0x11f: {  	v9 =	vld [tilespmem:$0x61D0];
	_ =	sdelay $0x1  }
0x120: {  	v58 =	vld [tilespmem:s26+$0x6850];
	_ =	sdelay $0x2  }
0x121: {  	v9 =	vmul.f32 v9, v53;
	_ =	sdelay $0x1  }
0x122: {  	v9 =	vmax.f32 v58, v9  }
0x123: {  	[tilespmem:s26+$0x6850] =	vst v9  }
0x124: {  	v9 =	vld [tilespmem:$0x61E0];
	_ =	sdelay $0x1  }
0x125: {  	v59 =	vld [tilespmem:s26+$0x6860];
	_ =	sdelay $0x1  }
0x126: {  	(v2sf) =	vpush v8, $0x4  }
0x127: {  	v9 =	vmul.f32 v9, v53;
	_ =	sdelay $0x1  }
0x128: {  	v9 =	vmax.f32 v59, v9  }
0x129: {  	[tilespmem:s26+$0x6860] =	vst v9  }
0x12a: {  	v9 =	vld [tilespmem:$0x61F0];
	_ =	sdelay $0x1  }
0x12b: {  	v60 =	vld [tilespmem:s26+$0x6870];
	_ =	sdelay $0x2  }
0x12c: {  	v9 =	vmul.f32 v9, v53;
	_ =	sdelay $0x1  }
0x12d: {  	v9 =	vmax.f32 v60, v9  }
0x12e: {  	[tilespmem:s26+$0x6870] =	vst v9  }
0x12f: {  	v9 =	vld [tilespmem:$0x6200]  }
0x130: {  	s28 =	spop (v2sf)  }
0x131: {  	v61 =	vld [tilespmem:s28+$0x6800]  }
0x132: {  	v62 =	vbroadcast v7, $0x4;
	_ =	sdelay $0x1  }
0x133: {  	v9 =	vmul.f32 v9, v62;
	_ =	sdelay $0x1  }
0x134: {  	v9 =	vmax.f32 v61, v9  }
0x135: {  	[tilespmem:s28+$0x6800] =	vst v9  }
0x136: {  	v9 =	vld [tilespmem:$0x6210];
	_ =	sdelay $0x1  }
0x137: {  	v63 =	vld [tilespmem:s28+$0x6810];
	_ =	sdelay $0x2  }
0x138: {  	v9 =	vmul.f32 v9, v62;
	_ =	sdelay $0x1  }
0x139: {  	v9 =	vmax.f32 v63, v9  }
0x13a: {  	[tilespmem:s28+$0x6810] =	vst v9  }
0x13b: {  	v9 =	vld [tilespmem:$0x6220];
	_ =	sdelay $0x1  }
0x13c: {  	v12 =	vld [tilespmem:s28+$0x6820];
	_ =	sdelay $0x2  }
0x13d: {  	v9 =	vmul.f32 v9, v62;
	_ =	sdelay $0x1  }
0x13e: {  	v9 =	vmax.f32 v12, v9  }
0x13f: {  	[tilespmem:s28+$0x6820] =	vst v9  }
0x140: {  	v9 =	vld [tilespmem:$0x6230];
	_ =	sdelay $0x1  }
0x141: {  	v13 =	vld [tilespmem:s28+$0x6830];
	_ =	sdelay $0x2  }
0x142: {  	v9 =	vmul.f32 v9, v62;
	_ =	sdelay $0x1  }
0x143: {  	v9 =	vmax.f32 v13, v9  }
0x144: {  	[tilespmem:s28+$0x6830] =	vst v9  }
0x145: {  	v9 =	vld [tilespmem:$0x6240];
	_ =	sdelay $0x1  }
0x146: {  	v14 =	vld [tilespmem:s28+$0x6840];
	_ =	sdelay $0x2  }
0x147: {  	v9 =	vmul.f32 v9, v62;
	_ =	sdelay $0x1  }
0x148: {  	v9 =	vmax.f32 v14, v9  }
0x149: {  	[tilespmem:s28+$0x6840] =	vst v9  }
0x14a: {  	v9 =	vld [tilespmem:$0x6250];
	_ =	sdelay $0x1  }
0x14b: {  	v15 =	vld [tilespmem:s28+$0x6850];
	_ =	sdelay $0x2  }
0x14c: {  	v9 =	vmul.f32 v9, v62;
	_ =	sdelay $0x1  }
0x14d: {  	v9 =	vmax.f32 v15, v9  }
0x14e: {  	[tilespmem:s28+$0x6850] =	vst v9  }
0x14f: {  	v9 =	vld [tilespmem:$0x6260];
	_ =	sdelay $0x1  }
0x150: {  	v16 =	vld [tilespmem:s28+$0x6860];
	_ =	sdelay $0x1  }
0x151: {  	(v2sf) =	vpush v8, $0x5  }
0x152: {  	v9 =	vmul.f32 v9, v62;
	_ =	sdelay $0x1  }
0x153: {  	v9 =	vmax.f32 v16, v9  }
0x154: {  	[tilespmem:s28+$0x6860] =	vst v9  }
0x155: {  	v9 =	vld [tilespmem:$0x6270];
	_ =	sdelay $0x1  }
0x156: {  	v17 =	vld [tilespmem:s28+$0x6870];
	_ =	sdelay $0x2  }
0x157: {  	v9 =	vmul.f32 v9, v62;
	_ =	sdelay $0x1  }
0x158: {  	v9 =	vmax.f32 v17, v9  }
0x159: {  	[tilespmem:s28+$0x6870] =	vst v9  }
0x15a: {  	v9 =	vld [tilespmem:$0x6280]  }
0x15b: {  	s29 =	spop (v2sf)  }
0x15c: {  	v18 =	vld [tilespmem:s29+$0x6800]  }
0x15d: {  	v19 =	vbroadcast v7, $0x5;
	_ =	sdelay $0x1  }
0x15e: {  	v9 =	vmul.f32 v9, v19;
	_ =	sdelay $0x1  }
0x15f: {  	v9 =	vmax.f32 v18, v9  }
0x160: {  	[tilespmem:s29+$0x6800] =	vst v9  }
0x161: {  	v9 =	vld [tilespmem:$0x6290];
	_ =	sdelay $0x1  }
0x162: {  	v20 =	vld [tilespmem:s29+$0x6810];
	_ =	sdelay $0x2  }
0x163: {  	v9 =	vmul.f32 v9, v19;
	_ =	sdelay $0x1  }
0x164: {  	v9 =	vmax.f32 v20, v9  }
0x165: {  	[tilespmem:s29+$0x6810] =	vst v9  }
0x166: {  	v9 =	vld [tilespmem:$0x62A0];
	_ =	sdelay $0x1  }
0x167: {  	v21 =	vld [tilespmem:s29+$0x6820];
	_ =	sdelay $0x2  }
0x168: {  	v9 =	vmul.f32 v9, v19;
	_ =	sdelay $0x1  }
0x169: {  	v9 =	vmax.f32 v21, v9  }
0x16a: {  	[tilespmem:s29+$0x6820] =	vst v9  }
0x16b: {  	v9 =	vld [tilespmem:$0x62B0];
	_ =	sdelay $0x1  }
0x16c: {  	v22 =	vld [tilespmem:s29+$0x6830];
	_ =	sdelay $0x2  }
0x16d: {  	v9 =	vmul.f32 v9, v19;
	_ =	sdelay $0x1  }
0x16e: {  	v9 =	vmax.f32 v22, v9  }
0x16f: {  	[tilespmem:s29+$0x6830] =	vst v9  }
0x170: {  	v9 =	vld [tilespmem:$0x62C0];
	_ =	sdelay $0x1  }
0x171: {  	v23 =	vld [tilespmem:s29+$0x6840];
	_ =	sdelay $0x2  }
0x172: {  	v9 =	vmul.f32 v9, v19;
	_ =	sdelay $0x1  }
0x173: {  	v9 =	vmax.f32 v23, v9  }
0x174: {  	[tilespmem:s29+$0x6840] =	vst v9  }
0x175: {  	v9 =	vld [tilespmem:$0x62D0];
	_ =	sdelay $0x1  }
0x176: {  	v24 =	vld [tilespmem:s29+$0x6850];
	_ =	sdelay $0x2  }
0x177: {  	v9 =	vmul.f32 v9, v19;
	_ =	sdelay $0x1  }
0x178: {  	v9 =	vmax.f32 v24, v9  }
0x179: {  	[tilespmem:s29+$0x6850] =	vst v9  }
0x17a: {  	v9 =	vld [tilespmem:$0x62E0];
	_ =	sdelay $0x1  }
0x17b: {  	v25 =	vld [tilespmem:s29+$0x6860];
	_ =	sdelay $0x1  }
0x17c: {  	(v2sf) =	vpush v8, $0x6  }
0x17d: {  	v9 =	vmul.f32 v9, v19;
	_ =	sdelay $0x1  }
0x17e: {  	v9 =	vmax.f32 v25, v9  }
0x17f: {  	[tilespmem:s29+$0x6860] =	vst v9  }
0x180: {  	v9 =	vld [tilespmem:$0x62F0];
	_ =	sdelay $0x1  }
0x181: {  	v26 =	vld [tilespmem:s29+$0x6870];
	_ =	sdelay $0x2  }
0x182: {  	v9 =	vmul.f32 v9, v19;
	_ =	sdelay $0x1  }
0x183: {  	v9 =	vmax.f32 v26, v9  }
0x184: {  	[tilespmem:s29+$0x6870] =	vst v9  }
0x185: {  	v9 =	vld [tilespmem:$0x6300]  }
0x186: {  	s30 =	spop (v2sf)  }
0x187: {  	v27 =	vld [tilespmem:s30+$0x6800]  }
0x188: {  	v28 =	vbroadcast v7, $0x6;
	_ =	sdelay $0x1  }
0x189: {  	v9 =	vmul.f32 v9, v28;
	_ =	sdelay $0x1  }
0x18a: {  	v9 =	vmax.f32 v27, v9  }
0x18b: {  	[tilespmem:s30+$0x6800] =	vst v9  }
0x18c: {  	v9 =	vld [tilespmem:$0x6310];
	_ =	sdelay $0x1  }
0x18d: {  	v29 =	vld [tilespmem:s30+$0x6810];
	_ =	sdelay $0x2  }
0x18e: {  	v9 =	vmul.f32 v9, v28;
	_ =	sdelay $0x1  }
0x18f: {  	v9 =	vmax.f32 v29, v9  }
0x190: {  	[tilespmem:s30+$0x6810] =	vst v9  }
0x191: {  	v9 =	vld [tilespmem:$0x6320];
	_ =	sdelay $0x1  }
0x192: {  	v30 =	vld [tilespmem:s30+$0x6820];
	_ =	sdelay $0x2  }
0x193: {  	v9 =	vmul.f32 v9, v28;
	_ =	sdelay $0x1  }
0x194: {  	v9 =	vmax.f32 v30, v9  }
0x195: {  	[tilespmem:s30+$0x6820] =	vst v9  }
0x196: {  	v9 =	vld [tilespmem:$0x6330];
	_ =	sdelay $0x1  }
0x197: {  	v31 =	vld [tilespmem:s30+$0x6830];
	_ =	sdelay $0x2  }
0x198: {  	v9 =	vmul.f32 v9, v28;
	_ =	sdelay $0x1  }
0x199: {  	v9 =	vmax.f32 v31, v9  }
0x19a: {  	[tilespmem:s30+$0x6830] =	vst v9  }
0x19b: {  	v9 =	vld [tilespmem:$0x6340];
	_ =	sdelay $0x1  }
0x19c: {  	v32 =	vld [tilespmem:s30+$0x6840];
	_ =	sdelay $0x2  }
0x19d: {  	v9 =	vmul.f32 v9, v28;
	_ =	sdelay $0x1  }
0x19e: {  	v9 =	vmax.f32 v32, v9  }
0x19f: {  	[tilespmem:s30+$0x6840] =	vst v9  }
0x1a0: {  	v9 =	vld [tilespmem:$0x6350];
	_ =	sdelay $0x1  }
0x1a1: {  	v33 =	vld [tilespmem:s30+$0x6850];
	_ =	sdelay $0x2  }
0x1a2: {  	v9 =	vmul.f32 v9, v28;
	_ =	sdelay $0x1  }
0x1a3: {  	v9 =	vmax.f32 v33, v9  }
0x1a4: {  	[tilespmem:s30+$0x6850] =	vst v9  }
0x1a5: {  	v9 =	vld [tilespmem:$0x6360];
	_ =	sdelay $0x1  }
0x1a6: {  	v34 =	vld [tilespmem:s30+$0x6860];
	_ =	sdelay $0x1  }
0x1a7: {  	(v2sf) =	vpush v8, $0x7  }
0x1a8: {  	v9 =	vmul.f32 v9, v28;
	_ =	sdelay $0x1  }
0x1a9: {  	v9 =	vmax.f32 v34, v9  }
0x1aa: {  	[tilespmem:s30+$0x6860] =	vst v9  }
0x1ab: {  	v9 =	vld [tilespmem:$0x6370];
	_ =	sdelay $0x1  }
0x1ac: {  	v35 =	vld [tilespmem:s30+$0x6870];
	_ =	sdelay $0x2  }
0x1ad: {  	v9 =	vmul.f32 v9, v28;
	_ =	sdelay $0x1  }
0x1ae: {  	v9 =	vmax.f32 v35, v9  }
0x1af: {  	[tilespmem:s30+$0x6870] =	vst v9  }
0x1b0: {  	v9 =	vld [tilespmem:$0x6380]  }
0x1b1: {  	s31 =	spop (v2sf)  }
0x1b2: {  	v36 =	vld [tilespmem:s31+$0x6800]  }
0x1b3: {  	v37 =	vbroadcast v7, $0x7;
	_ =	sdelay $0x1  }
0x1b4: {  	v9 =	vmul.f32 v9, v37;
	_ =	sdelay $0x1  }
0x1b5: {  	v9 =	vmax.f32 v36, v9  }
0x1b6: {  	[tilespmem:s31+$0x6800] =	vst v9  }
0x1b7: {  	v9 =	vld [tilespmem:$0x6390];
	_ =	sdelay $0x1  }
0x1b8: {  	v38 =	vld [tilespmem:s31+$0x6810];
	_ =	sdelay $0x2  }
0x1b9: {  	v9 =	vmul.f32 v9, v37;
	_ =	sdelay $0x1  }
0x1ba: {  	v9 =	vmax.f32 v38, v9  }
0x1bb: {  	[tilespmem:s31+$0x6810] =	vst v9  }
0x1bc: {  	v9 =	vld [tilespmem:$0x63A0];
	_ =	sdelay $0x1  }
0x1bd: {  	v39 =	vld [tilespmem:s31+$0x6820];
	_ =	sdelay $0x2  }
0x1be: {  	v9 =	vmul.f32 v9, v37;
	_ =	sdelay $0x1  }
0x1bf: {  	v9 =	vmax.f32 v39, v9  }
0x1c0: {  	[tilespmem:s31+$0x6820] =	vst v9  }
0x1c1: {  	v9 =	vld [tilespmem:$0x63B0];
	_ =	sdelay $0x1  }
0x1c2: {  	v40 =	vld [tilespmem:s31+$0x6830];
	_ =	sdelay $0x2  }
0x1c3: {  	v9 =	vmul.f32 v9, v37;
	_ =	sdelay $0x1  }
0x1c4: {  	v9 =	vmax.f32 v40, v9  }
0x1c5: {  	[tilespmem:s31+$0x6830] =	vst v9  }
0x1c6: {  	v9 =	vld [tilespmem:$0x63C0];
	_ =	sdelay $0x1  }
0x1c7: {  	v41 =	vld [tilespmem:s31+$0x6840];
	_ =	sdelay $0x2  }
0x1c8: {  	v9 =	vmul.f32 v9, v37;
	_ =	sdelay $0x1  }
0x1c9: {  	v9 =	vmax.f32 v41, v9  }
0x1ca: {  	[tilespmem:s31+$0x6840] =	vst v9  }
0x1cb: {  	v9 =	vld [tilespmem:$0x63D0];
	_ =	sdelay $0x1  }
0x1cc: {  	v42 =	vld [tilespmem:s31+$0x6850];
	_ =	sdelay $0x2  }
0x1cd: {  	v9 =	vmul.f32 v9, v37;
	_ =	sdelay $0x1  }
0x1ce: {  	v9 =	vmax.f32 v42, v9  }
0x1cf: {  	[tilespmem:s31+$0x6850] =	vst v9  }
0x1d0: {  	v9 =	vld [tilespmem:$0x63E0];
	_ =	sdelay $0x1  }
0x1d1: {  	v43 =	vld [tilespmem:s31+$0x6860];
	_ =	sdelay $0x1  }
0x1d2: {  	(v2sf) =	vpush v8, $0x8  }
0x1d3: {  	v9 =	vmul.f32 v9, v37;
	_ =	sdelay $0x1  }
0x1d4: {  	v9 =	vmax.f32 v43, v9  }
0x1d5: {  	[tilespmem:s31+$0x6860] =	vst v9  }
0x1d6: {  	v9 =	vld [tilespmem:$0x63F0];
	_ =	sdelay $0x1  }
0x1d7: {  	v44 =	vld [tilespmem:s31+$0x6870];
	_ =	sdelay $0x2  }
0x1d8: {  	v9 =	vmul.f32 v9, v37;
	_ =	sdelay $0x1  }
0x1d9: {  	v9 =	vmax.f32 v44, v9  }
0x1da: {  	[tilespmem:s31+$0x6870] =	vst v9  }
0x1db: {  	v9 =	vld [tilespmem:$0x6400]  }
0x1dc: {  	s23 =	spop (v2sf)  }
0x1dd: {  	v45 =	vld [tilespmem:s23+$0x6800]  }
0x1de: {  	v46 =	vbroadcast v7, $0x8;
	_ =	sdelay $0x1  }
0x1df: {  	v9 =	vmul.f32 v9, v46;
	_ =	sdelay $0x1  }
0x1e0: {  	v9 =	vmax.f32 v45, v9  }
0x1e1: {  	[tilespmem:s23+$0x6800] =	vst v9  }
0x1e2: {  	v9 =	vld [tilespmem:$0x6410];
	_ =	sdelay $0x1  }
0x1e3: {  	v47 =	vld [tilespmem:s23+$0x6810];
	_ =	sdelay $0x2  }
0x1e4: {  	v9 =	vmul.f32 v9, v46;
	_ =	sdelay $0x1  }
0x1e5: {  	v9 =	vmax.f32 v47, v9  }
0x1e6: {  	[tilespmem:s23+$0x6810] =	vst v9  }
0x1e7: {  	v9 =	vld [tilespmem:$0x6420];
	_ =	sdelay $0x1  }
0x1e8: {  	v48 =	vld [tilespmem:s23+$0x6820];
	_ =	sdelay $0x2  }
0x1e9: {  	v9 =	vmul.f32 v9, v46;
	_ =	sdelay $0x1  }
0x1ea: {  	v9 =	vmax.f32 v48, v9  }
0x1eb: {  	[tilespmem:s23+$0x6820] =	vst v9  }
0x1ec: {  	v9 =	vld [tilespmem:$0x6430];
	_ =	sdelay $0x1  }
0x1ed: {  	v49 =	vld [tilespmem:s23+$0x6830];
	_ =	sdelay $0x2  }
0x1ee: {  	v9 =	vmul.f32 v9, v46;
	_ =	sdelay $0x1  }
0x1ef: {  	v9 =	vmax.f32 v49, v9  }
0x1f0: {  	[tilespmem:s23+$0x6830] =	vst v9  }
0x1f1: {  	v9 =	vld [tilespmem:$0x6440];
	_ =	sdelay $0x1  }
0x1f2: {  	v50 =	vld [tilespmem:s23+$0x6840];
	_ =	sdelay $0x2  }
0x1f3: {  	v9 =	vmul.f32 v9, v46;
	_ =	sdelay $0x1  }
0x1f4: {  	v9 =	vmax.f32 v50, v9  }
0x1f5: {  	[tilespmem:s23+$0x6840] =	vst v9  }
0x1f6: {  	v9 =	vld [tilespmem:$0x6450];
	_ =	sdelay $0x1  }
0x1f7: {  	v51 =	vld [tilespmem:s23+$0x6850];
	_ =	sdelay $0x2  }
0x1f8: {  	v9 =	vmul.f32 v9, v46;
	_ =	sdelay $0x1  }
0x1f9: {  	v9 =	vmax.f32 v51, v9  }
0x1fa: {  	[tilespmem:s23+$0x6850] =	vst v9  }
0x1fb: {  	v9 =	vld [tilespmem:$0x6460];
	_ =	sdelay $0x1  }
0x1fc: {  	v52 =	vld [tilespmem:s23+$0x6860];
	_ =	sdelay $0x1  }
0x1fd: {  	(v2sf) =	vpush v8, $0x9  }
0x1fe: {  	v9 =	vmul.f32 v9, v46;
	_ =	sdelay $0x1  }
0x1ff: {  	v9 =	vmax.f32 v52, v9  }
0x200: {  	[tilespmem:s23+$0x6860] =	vst v9  }
0x201: {  	v9 =	vld [tilespmem:$0x6470];
	_ =	sdelay $0x1  }
0x202: {  	v53 =	vld [tilespmem:s23+$0x6870];
	_ =	sdelay $0x2  }
0x203: {  	v9 =	vmul.f32 v9, v46;
	_ =	sdelay $0x1  }
0x204: {  	v9 =	vmax.f32 v53, v9  }
0x205: {  	[tilespmem:s23+$0x6870] =	vst v9  }
0x206: {  	v9 =	vld [tilespmem:$0x6480]  }
0x207: {  	s24 =	spop (v2sf)  }
0x208: {  	v54 =	vld [tilespmem:s24+$0x6800]  }
0x209: {  	v55 =	vbroadcast v7, $0x9;
	_ =	sdelay $0x1  }
0x20a: {  	v9 =	vmul.f32 v9, v55;
	_ =	sdelay $0x1  }
0x20b: {  	v9 =	vmax.f32 v54, v9  }
0x20c: {  	[tilespmem:s24+$0x6800] =	vst v9  }
0x20d: {  	v9 =	vld [tilespmem:$0x6490];
	_ =	sdelay $0x1  }
0x20e: {  	v56 =	vld [tilespmem:s24+$0x6810];
	_ =	sdelay $0x2  }
0x20f: {  	v9 =	vmul.f32 v9, v55;
	_ =	sdelay $0x1  }
0x210: {  	v9 =	vmax.f32 v56, v9  }
0x211: {  	[tilespmem:s24+$0x6810] =	vst v9  }
0x212: {  	v9 =	vld [tilespmem:$0x64A0];
	_ =	sdelay $0x1  }
0x213: {  	v57 =	vld [tilespmem:s24+$0x6820];
	_ =	sdelay $0x2  }
0x214: {  	v9 =	vmul.f32 v9, v55;
	_ =	sdelay $0x1  }
0x215: {  	v9 =	vmax.f32 v57, v9  }
0x216: {  	[tilespmem:s24+$0x6820] =	vst v9  }
0x217: {  	v9 =	vld [tilespmem:$0x64B0];
	_ =	sdelay $0x1  }
0x218: {  	v58 =	vld [tilespmem:s24+$0x6830];
	_ =	sdelay $0x2  }
0x219: {  	v9 =	vmul.f32 v9, v55;
	_ =	sdelay $0x1  }
0x21a: {  	v9 =	vmax.f32 v58, v9  }
0x21b: {  	[tilespmem:s24+$0x6830] =	vst v9  }
0x21c: {  	v9 =	vld [tilespmem:$0x64C0];
	_ =	sdelay $0x1  }
0x21d: {  	v59 =	vld [tilespmem:s24+$0x6840];
	_ =	sdelay $0x2  }
0x21e: {  	v9 =	vmul.f32 v9, v55;
	_ =	sdelay $0x1  }
0x21f: {  	v9 =	vmax.f32 v59, v9  }
0x220: {  	[tilespmem:s24+$0x6840] =	vst v9  }
0x221: {  	v9 =	vld [tilespmem:$0x64D0];
	_ =	sdelay $0x1  }
0x222: {  	v60 =	vld [tilespmem:s24+$0x6850];
	_ =	sdelay $0x2  }
0x223: {  	v9 =	vmul.f32 v9, v55;
	_ =	sdelay $0x1  }
0x224: {  	v9 =	vmax.f32 v60, v9  }
0x225: {  	[tilespmem:s24+$0x6850] =	vst v9  }
0x226: {  	v9 =	vld [tilespmem:$0x64E0];
	_ =	sdelay $0x1  }
0x227: {  	v61 =	vld [tilespmem:s24+$0x6860];
	_ =	sdelay $0x1  }
0x228: {  	(v2sf) =	vpush v8, $0xA  }
0x229: {  	v9 =	vmul.f32 v9, v55;
	_ =	sdelay $0x1  }
0x22a: {  	v9 =	vmax.f32 v61, v9  }
0x22b: {  	[tilespmem:s24+$0x6860] =	vst v9  }
0x22c: {  	v9 =	vld [tilespmem:$0x64F0];
	_ =	sdelay $0x1  }
0x22d: {  	v62 =	vld [tilespmem:s24+$0x6870];
	_ =	sdelay $0x2  }
0x22e: {  	v9 =	vmul.f32 v9, v55;
	_ =	sdelay $0x1  }
0x22f: {  	v9 =	vmax.f32 v62, v9  }
0x230: {  	[tilespmem:s24+$0x6870] =	vst v9  }
0x231: {  	v9 =	vld [tilespmem:$0x6500]  }
0x232: {  	s25 =	spop (v2sf)  }
0x233: {  	v63 =	vld [tilespmem:s25+$0x6800]  }
0x234: {  	v12 =	vbroadcast v7, $0xA;
	_ =	sdelay $0x1  }
0x235: {  	v9 =	vmul.f32 v9, v12;
	_ =	sdelay $0x1  }
0x236: {  	v9 =	vmax.f32 v63, v9  }
0x237: {  	[tilespmem:s25+$0x6800] =	vst v9  }
0x238: {  	v9 =	vld [tilespmem:$0x6510];
	_ =	sdelay $0x1  }
0x239: {  	v13 =	vld [tilespmem:s25+$0x6810];
	_ =	sdelay $0x2  }
0x23a: {  	v9 =	vmul.f32 v9, v12;
	_ =	sdelay $0x1  }
0x23b: {  	v9 =	vmax.f32 v13, v9  }
0x23c: {  	[tilespmem:s25+$0x6810] =	vst v9  }
0x23d: {  	v9 =	vld [tilespmem:$0x6520];
	_ =	sdelay $0x1  }
0x23e: {  	v14 =	vld [tilespmem:s25+$0x6820];
	_ =	sdelay $0x2  }
0x23f: {  	v9 =	vmul.f32 v9, v12;
	_ =	sdelay $0x1  }
0x240: {  	v9 =	vmax.f32 v14, v9  }
0x241: {  	[tilespmem:s25+$0x6820] =	vst v9  }
0x242: {  	v9 =	vld [tilespmem:$0x6530];
	_ =	sdelay $0x1  }
0x243: {  	v15 =	vld [tilespmem:s25+$0x6830];
	_ =	sdelay $0x2  }
0x244: {  	v9 =	vmul.f32 v9, v12;
	_ =	sdelay $0x1  }
0x245: {  	v9 =	vmax.f32 v15, v9  }
0x246: {  	[tilespmem:s25+$0x6830] =	vst v9  }
0x247: {  	v9 =	vld [tilespmem:$0x6540];
	_ =	sdelay $0x1  }
0x248: {  	v16 =	vld [tilespmem:s25+$0x6840];
	_ =	sdelay $0x2  }
0x249: {  	v9 =	vmul.f32 v9, v12;
	_ =	sdelay $0x1  }
0x24a: {  	v9 =	vmax.f32 v16, v9  }
0x24b: {  	[tilespmem:s25+$0x6840] =	vst v9  }
0x24c: {  	v9 =	vld [tilespmem:$0x6550];
	_ =	sdelay $0x1  }
0x24d: {  	v17 =	vld [tilespmem:s25+$0x6850];
	_ =	sdelay $0x2  }
0x24e: {  	v9 =	vmul.f32 v9, v12;
	_ =	sdelay $0x1  }
0x24f: {  	v9 =	vmax.f32 v17, v9  }
0x250: {  	[tilespmem:s25+$0x6850] =	vst v9  }
0x251: {  	v9 =	vld [tilespmem:$0x6560];
	_ =	sdelay $0x1  }
0x252: {  	v18 =	vld [tilespmem:s25+$0x6860];
	_ =	sdelay $0x1  }
0x253: {  	(v2sf) =	vpush v8, $0xB  }
0x254: {  	v9 =	vmul.f32 v9, v12;
	_ =	sdelay $0x1  }
0x255: {  	v9 =	vmax.f32 v18, v9  }
0x256: {  	[tilespmem:s25+$0x6860] =	vst v9  }
0x257: {  	v9 =	vld [tilespmem:$0x6570];
	_ =	sdelay $0x1  }
0x258: {  	v19 =	vld [tilespmem:s25+$0x6870];
	_ =	sdelay $0x2  }
0x259: {  	v9 =	vmul.f32 v9, v12;
	_ =	sdelay $0x1  }
0x25a: {  	v9 =	vmax.f32 v19, v9  }
0x25b: {  	[tilespmem:s25+$0x6870] =	vst v9  }
0x25c: {  	v9 =	vld [tilespmem:$0x6580]  }
0x25d: {  	s26 =	spop (v2sf)  }
0x25e: {  	v20 =	vld [tilespmem:s26+$0x6800]  }
0x25f: {  	v21 =	vbroadcast v7, $0xB;
	_ =	sdelay $0x1  }
0x260: {  	v9 =	vmul.f32 v9, v21;
	_ =	sdelay $0x1  }
0x261: {  	v9 =	vmax.f32 v20, v9  }
0x262: {  	[tilespmem:s26+$0x6800] =	vst v9  }
0x263: {  	v9 =	vld [tilespmem:$0x6590];
	_ =	sdelay $0x1  }
0x264: {  	v22 =	vld [tilespmem:s26+$0x6810];
	_ =	sdelay $0x2  }
0x265: {  	v9 =	vmul.f32 v9, v21;
	_ =	sdelay $0x1  }
0x266: {  	v9 =	vmax.f32 v22, v9  }
0x267: {  	[tilespmem:s26+$0x6810] =	vst v9  }
0x268: {  	v9 =	vld [tilespmem:$0x65A0];
	_ =	sdelay $0x1  }
0x269: {  	v23 =	vld [tilespmem:s26+$0x6820];
	_ =	sdelay $0x2  }
0x26a: {  	v9 =	vmul.f32 v9, v21;
	_ =	sdelay $0x1  }
0x26b: {  	v9 =	vmax.f32 v23, v9  }
0x26c: {  	[tilespmem:s26+$0x6820] =	vst v9  }
0x26d: {  	v9 =	vld [tilespmem:$0x65B0];
	_ =	sdelay $0x1  }
0x26e: {  	v24 =	vld [tilespmem:s26+$0x6830];
	_ =	sdelay $0x2  }
0x26f: {  	v9 =	vmul.f32 v9, v21;
	_ =	sdelay $0x1  }
0x270: {  	v9 =	vmax.f32 v24, v9  }
0x271: {  	[tilespmem:s26+$0x6830] =	vst v9  }
0x272: {  	v9 =	vld [tilespmem:$0x65C0];
	_ =	sdelay $0x1  }
0x273: {  	v25 =	vld [tilespmem:s26+$0x6840];
	_ =	sdelay $0x2  }
0x274: {  	v9 =	vmul.f32 v9, v21;
	_ =	sdelay $0x1  }
0x275: {  	v9 =	vmax.f32 v25, v9  }
0x276: {  	[tilespmem:s26+$0x6840] =	vst v9  }
0x277: {  	v9 =	vld [tilespmem:$0x65D0];
	_ =	sdelay $0x1  }
0x278: {  	v26 =	vld [tilespmem:s26+$0x6850];
	_ =	sdelay $0x2  }
0x279: {  	v9 =	vmul.f32 v9, v21;
	_ =	sdelay $0x1  }
0x27a: {  	v9 =	vmax.f32 v26, v9  }
0x27b: {  	[tilespmem:s26+$0x6850] =	vst v9  }
0x27c: {  	v9 =	vld [tilespmem:$0x65E0];
	_ =	sdelay $0x1  }
0x27d: {  	v27 =	vld [tilespmem:s26+$0x6860];
	_ =	sdelay $0x1  }
0x27e: {  	(v2sf) =	vpush v8, $0xC  }
0x27f: {  	v9 =	vmul.f32 v9, v21;
	_ =	sdelay $0x1  }
0x280: {  	v9 =	vmax.f32 v27, v9  }
0x281: {  	[tilespmem:s26+$0x6860] =	vst v9  }
0x282: {  	v9 =	vld [tilespmem:$0x65F0];
	_ =	sdelay $0x1  }
0x283: {  	v28 =	vld [tilespmem:s26+$0x6870];
	_ =	sdelay $0x2  }
0x284: {  	v9 =	vmul.f32 v9, v21;
	_ =	sdelay $0x1  }
0x285: {  	v9 =	vmax.f32 v28, v9  }
0x286: {  	[tilespmem:s26+$0x6870] =	vst v9  }
0x287: {  	v9 =	vld [tilespmem:$0x6600]  }
0x288: {  	s28 =	spop (v2sf)  }
0x289: {  	v29 =	vld [tilespmem:s28+$0x6800]  }
0x28a: {  	v30 =	vbroadcast v7, $0xC;
	_ =	sdelay $0x1  }
0x28b: {  	v9 =	vmul.f32 v9, v30;
	_ =	sdelay $0x1  }
0x28c: {  	v9 =	vmax.f32 v29, v9  }
0x28d: {  	[tilespmem:s28+$0x6800] =	vst v9  }
0x28e: {  	v9 =	vld [tilespmem:$0x6610];
	_ =	sdelay $0x1  }
0x28f: {  	v31 =	vld [tilespmem:s28+$0x6810];
	_ =	sdelay $0x2  }
0x290: {  	v9 =	vmul.f32 v9, v30;
	_ =	sdelay $0x1  }
0x291: {  	v9 =	vmax.f32 v31, v9  }
0x292: {  	[tilespmem:s28+$0x6810] =	vst v9  }
0x293: {  	v9 =	vld [tilespmem:$0x6620];
	_ =	sdelay $0x1  }
0x294: {  	v32 =	vld [tilespmem:s28+$0x6820];
	_ =	sdelay $0x2  }
0x295: {  	v9 =	vmul.f32 v9, v30;
	_ =	sdelay $0x1  }
0x296: {  	v9 =	vmax.f32 v32, v9  }
0x297: {  	[tilespmem:s28+$0x6820] =	vst v9  }
0x298: {  	v9 =	vld [tilespmem:$0x6630];
	_ =	sdelay $0x1  }
0x299: {  	v33 =	vld [tilespmem:s28+$0x6830];
	_ =	sdelay $0x2  }
0x29a: {  	v9 =	vmul.f32 v9, v30;
	_ =	sdelay $0x1  }
0x29b: {  	v9 =	vmax.f32 v33, v9  }
0x29c: {  	[tilespmem:s28+$0x6830] =	vst v9  }
0x29d: {  	v9 =	vld [tilespmem:$0x6640];
	_ =	sdelay $0x1  }
0x29e: {  	v34 =	vld [tilespmem:s28+$0x6840];
	_ =	sdelay $0x2  }
0x29f: {  	v9 =	vmul.f32 v9, v30;
	_ =	sdelay $0x1  }
0x2a0: {  	v9 =	vmax.f32 v34, v9  }
0x2a1: {  	[tilespmem:s28+$0x6840] =	vst v9  }
0x2a2: {  	v9 =	vld [tilespmem:$0x6650];
	_ =	sdelay $0x1  }
0x2a3: {  	v35 =	vld [tilespmem:s28+$0x6850];
	_ =	sdelay $0x2  }
0x2a4: {  	v9 =	vmul.f32 v9, v30;
	_ =	sdelay $0x1  }
0x2a5: {  	v9 =	vmax.f32 v35, v9  }
0x2a6: {  	[tilespmem:s28+$0x6850] =	vst v9  }
0x2a7: {  	v9 =	vld [tilespmem:$0x6660];
	_ =	sdelay $0x1  }
0x2a8: {  	v36 =	vld [tilespmem:s28+$0x6860];
	_ =	sdelay $0x1  }
0x2a9: {  	(v2sf) =	vpush v8, $0xD  }
0x2aa: {  	v9 =	vmul.f32 v9, v30;
	_ =	sdelay $0x1  }
0x2ab: {  	v9 =	vmax.f32 v36, v9  }
0x2ac: {  	[tilespmem:s28+$0x6860] =	vst v9  }
0x2ad: {  	v9 =	vld [tilespmem:$0x6670];
	_ =	sdelay $0x1  }
0x2ae: {  	v37 =	vld [tilespmem:s28+$0x6870];
	_ =	sdelay $0x2  }
0x2af: {  	v9 =	vmul.f32 v9, v30;
	_ =	sdelay $0x1  }
0x2b0: {  	v9 =	vmax.f32 v37, v9  }
0x2b1: {  	[tilespmem:s28+$0x6870] =	vst v9  }
0x2b2: {  	v9 =	vld [tilespmem:$0x6680]  }
0x2b3: {  	s29 =	spop (v2sf)  }
0x2b4: {  	v38 =	vld [tilespmem:s29+$0x6800]  }
0x2b5: {  	v39 =	vbroadcast v7, $0xD;
	_ =	sdelay $0x1  }
0x2b6: {  	v9 =	vmul.f32 v9, v39;
	_ =	sdelay $0x1  }
0x2b7: {  	v9 =	vmax.f32 v38, v9  }
0x2b8: {  	[tilespmem:s29+$0x6800] =	vst v9  }
0x2b9: {  	v9 =	vld [tilespmem:$0x6690];
	_ =	sdelay $0x1  }
0x2ba: {  	v40 =	vld [tilespmem:s29+$0x6810];
	_ =	sdelay $0x2  }
0x2bb: {  	v9 =	vmul.f32 v9, v39;
	_ =	sdelay $0x1  }
0x2bc: {  	v9 =	vmax.f32 v40, v9  }
0x2bd: {  	[tilespmem:s29+$0x6810] =	vst v9  }
0x2be: {  	v9 =	vld [tilespmem:$0x66A0];
	_ =	sdelay $0x1  }
0x2bf: {  	v41 =	vld [tilespmem:s29+$0x6820];
	_ =	sdelay $0x2  }
0x2c0: {  	v9 =	vmul.f32 v9, v39;
	_ =	sdelay $0x1  }
0x2c1: {  	v9 =	vmax.f32 v41, v9  }
0x2c2: {  	[tilespmem:s29+$0x6820] =	vst v9  }
0x2c3: {  	v9 =	vld [tilespmem:$0x66B0];
	_ =	sdelay $0x1  }
0x2c4: {  	v42 =	vld [tilespmem:s29+$0x6830];
	_ =	sdelay $0x2  }
0x2c5: {  	v9 =	vmul.f32 v9, v39;
	_ =	sdelay $0x1  }
0x2c6: {  	v9 =	vmax.f32 v42, v9  }
0x2c7: {  	[tilespmem:s29+$0x6830] =	vst v9  }
0x2c8: {  	v9 =	vld [tilespmem:$0x66C0];
	_ =	sdelay $0x1  }
0x2c9: {  	v43 =	vld [tilespmem:s29+$0x6840];
	_ =	sdelay $0x2  }
0x2ca: {  	v9 =	vmul.f32 v9, v39;
	_ =	sdelay $0x1  }
0x2cb: {  	v9 =	vmax.f32 v43, v9  }
0x2cc: {  	[tilespmem:s29+$0x6840] =	vst v9  }
0x2cd: {  	v9 =	vld [tilespmem:$0x66D0];
	_ =	sdelay $0x1  }
0x2ce: {  	v44 =	vld [tilespmem:s29+$0x6850];
	_ =	sdelay $0x2  }
0x2cf: {  	v9 =	vmul.f32 v9, v39;
	_ =	sdelay $0x1  }
0x2d0: {  	v9 =	vmax.f32 v44, v9  }
0x2d1: {  	[tilespmem:s29+$0x6850] =	vst v9  }
0x2d2: {  	v9 =	vld [tilespmem:$0x66E0];
	_ =	sdelay $0x1  }
0x2d3: {  	v45 =	vld [tilespmem:s29+$0x6860];
	_ =	sdelay $0x1  }
0x2d4: {  	(v2sf) =	vpush v8, $0xE  }
0x2d5: {  	v9 =	vmul.f32 v9, v39;
	_ =	sdelay $0x1  }
0x2d6: {  	v9 =	vmax.f32 v45, v9  }
0x2d7: {  	[tilespmem:s29+$0x6860] =	vst v9  }
0x2d8: {  	v9 =	vld [tilespmem:$0x66F0];
	_ =	sdelay $0x1  }
0x2d9: {  	v46 =	vld [tilespmem:s29+$0x6870];
	_ =	sdelay $0x2  }
0x2da: {  	v9 =	vmul.f32 v9, v39;
	_ =	sdelay $0x1  }
0x2db: {  	v9 =	vmax.f32 v46, v9  }
0x2dc: {  	[tilespmem:s29+$0x6870] =	vst v9  }
0x2dd: {  	v9 =	vld [tilespmem:$0x6700]  }
0x2de: {  	s30 =	spop (v2sf)  }
0x2df: {  	v47 =	vld [tilespmem:s30+$0x6800]  }
0x2e0: {  	v48 =	vbroadcast v7, $0xE;
	_ =	sdelay $0x1  }
0x2e1: {  	v9 =	vmul.f32 v9, v48;
	_ =	sdelay $0x1  }
0x2e2: {  	v9 =	vmax.f32 v47, v9  }
0x2e3: {  	[tilespmem:s30+$0x6800] =	vst v9  }
0x2e4: {  	v9 =	vld [tilespmem:$0x6710];
	_ =	sdelay $0x1  }
0x2e5: {  	v49 =	vld [tilespmem:s30+$0x6810];
	_ =	sdelay $0x2  }
0x2e6: {  	v9 =	vmul.f32 v9, v48;
	_ =	sdelay $0x1  }
0x2e7: {  	v9 =	vmax.f32 v49, v9  }
0x2e8: {  	[tilespmem:s30+$0x6810] =	vst v9  }
0x2e9: {  	v9 =	vld [tilespmem:$0x6720];
	_ =	sdelay $0x1  }
0x2ea: {  	v50 =	vld [tilespmem:s30+$0x6820];
	_ =	sdelay $0x2  }
0x2eb: {  	v9 =	vmul.f32 v9, v48;
	_ =	sdelay $0x1  }
0x2ec: {  	v9 =	vmax.f32 v50, v9  }
0x2ed: {  	[tilespmem:s30+$0x6820] =	vst v9  }
0x2ee: {  	v9 =	vld [tilespmem:$0x6730];
	_ =	sdelay $0x1  }
0x2ef: {  	v51 =	vld [tilespmem:s30+$0x6830];
	_ =	sdelay $0x2  }
0x2f0: {  	v9 =	vmul.f32 v9, v48;
	_ =	sdelay $0x1  }
0x2f1: {  	v9 =	vmax.f32 v51, v9  }
0x2f2: {  	[tilespmem:s30+$0x6830] =	vst v9  }
0x2f3: {  	v9 =	vld [tilespmem:$0x6740];
	_ =	sdelay $0x1  }
0x2f4: {  	v52 =	vld [tilespmem:s30+$0x6840];
	_ =	sdelay $0x2  }
0x2f5: {  	v9 =	vmul.f32 v9, v48;
	_ =	sdelay $0x1  }
0x2f6: {  	v9 =	vmax.f32 v52, v9  }
0x2f7: {  	[tilespmem:s30+$0x6840] =	vst v9  }
0x2f8: {  	v9 =	vld [tilespmem:$0x6750];
	_ =	sdelay $0x1  }
0x2f9: {  	v53 =	vld [tilespmem:s30+$0x6850];
	_ =	sdelay $0x2  }
0x2fa: {  	v9 =	vmul.f32 v9, v48;
	_ =	sdelay $0x1  }
0x2fb: {  	v9 =	vmax.f32 v53, v9  }
0x2fc: {  	[tilespmem:s30+$0x6850] =	vst v9  }
0x2fd: {  	v9 =	vld [tilespmem:$0x6760];
	_ =	sdelay $0x1  }
0x2fe: {  	v54 =	vld [tilespmem:s30+$0x6860];
	_ =	sdelay $0x1  }
0x2ff: {  	(v2sf) =	vpush v8, $0xF  }
0x300: {  	v8 =	vmul.f32 v9, v48;
	_ =	sdelay $0x1  }
0x301: {  	v8 =	vmax.f32 v54, v8  }
0x302: {  	[tilespmem:s30+$0x6860] =	vst v8  }
0x303: {  	v8 =	vld [tilespmem:$0x6770];
	_ =	sdelay $0x1  }
0x304: {  	v55 =	vld [tilespmem:s30+$0x6870];
	_ =	sdelay $0x2  }
0x305: {  	v8 =	vmul.f32 v8, v48;
	_ =	sdelay $0x1  }
0x306: {  	v8 =	vmax.f32 v55, v8  }
0x307: {  	[tilespmem:s30+$0x6870] =	vst v8  }
0x308: {  	v8 =	vld [tilespmem:$0x6780]  }
0x309: {  	s31 =	spop (v2sf)  }
0x30a: {  	v56 =	vld [tilespmem:s31+$0x6800]  }
0x30b: {  	v7 =	vbroadcast v7, $0xF;
	_ =	sdelay $0x1  }
0x30c: {  	v8 =	vmul.f32 v8, v7;
	_ =	sdelay $0x1  }
0x30d: {  	v8 =	vmax.f32 v56, v8  }
0x30e: {  	[tilespmem:s31+$0x6800] =	vst v8  }
0x30f: {  	v8 =	vld [tilespmem:$0x6790];
	_ =	sdelay $0x1  }
0x310: {  	v57 =	vld [tilespmem:s31+$0x6810];
	_ =	sdelay $0x2  }
0x311: {  	v8 =	vmul.f32 v8, v7;
	_ =	sdelay $0x1  }
0x312: {  	v8 =	vmax.f32 v57, v8  }
0x313: {  	[tilespmem:s31+$0x6810] =	vst v8  }
0x314: {  	v8 =	vld [tilespmem:$0x67A0];
	_ =	sdelay $0x1  }
0x315: {  	v58 =	vld [tilespmem:s31+$0x6820];
	_ =	sdelay $0x2  }
0x316: {  	v8 =	vmul.f32 v8, v7;
	_ =	sdelay $0x1  }
0x317: {  	v8 =	vmax.f32 v58, v8  }
0x318: {  	[tilespmem:s31+$0x6820] =	vst v8  }
0x319: {  	v8 =	vld [tilespmem:$0x67B0];
	_ =	sdelay $0x1  }
0x31a: {  	v59 =	vld [tilespmem:s31+$0x6830];
	_ =	sdelay $0x2  }
0x31b: {  	v8 =	vmul.f32 v8, v7;
	_ =	sdelay $0x1  }
0x31c: {  	v8 =	vmax.f32 v59, v8  }
0x31d: {  	[tilespmem:s31+$0x6830] =	vst v8  }
0x31e: {  	v8 =	vld [tilespmem:$0x67C0];
	_ =	sdelay $0x1  }
0x31f: {  	v60 =	vld [tilespmem:s31+$0x6840];
	_ =	sdelay $0x2  }
0x320: {  	v8 =	vmul.f32 v8, v7;
	_ =	sdelay $0x1  }
0x321: {  	v8 =	vmax.f32 v60, v8  }
0x322: {  	[tilespmem:s31+$0x6840] =	vst v8  }
0x323: {  	v8 =	vld [tilespmem:$0x67D0];
	_ =	sdelay $0x1  }
0x324: {  	v61 =	vld [tilespmem:s31+$0x6850];
	_ =	sdelay $0x2  }
0x325: {  	v8 =	vmul.f32 v8, v7;
	_ =	sdelay $0x1  }
0x326: {  	v8 =	vmax.f32 v61, v8  }
0x327: {  	[tilespmem:s31+$0x6850] =	vst v8  }
0x328: {  	v8 =	vld [tilespmem:$0x67E0];
	_ =	sdelay $0x1  }
0x329: {  	v62 =	vld [tilespmem:s31+$0x6860];
	_ =	sdelay $0x2  }
0x32a: {  	v8 =	vmul.f32 v8, v7;
	_ =	sdelay $0x1  }
0x32b: {  	v8 =	vmax.f32 v62, v8  }
0x32c: {  	[tilespmem:s31+$0x6860] =	vst v8  }
0x32d: {  	v8 =	vld [tilespmem:$0x67F0];
	_ =	sdelay $0x1  }
0x32e: {  	v63 =	vld [tilespmem:s31+$0x6870]  }
0x32f: {  	p0 =	sne.s32 s20, $0x1  }
.Ltmp7:
0x330: {  	_ = 	snop;
	(pc) =	sbr.rel @p0 .LBB2_7-.Ltmp7, $3  }
0x331: {  	v7 =	vmul.f32 v8, v7;
	_ =	sdelay $0x1  }
0x332: {  	s18 =	sadd.s32 $0x10, s18;
	v7 =	vmax.f32 v63, v7  }
0x333: {  	s20 =	sadd.s32 $0xFFFFFFFF, s20;
	s19 =	sadd.s32 $0x10, s19;
	s21 =	sadd.s32 $0x10, s21;
	[tilespmem:s31+$0x6870] =	vst v7  }
.Ltmp8:
0x334: {  	_ = 	snop;
	(pc) =	sbr.rel .LBB2_8-.Ltmp8, $1  }
0x335: {  	_ =	sdelay $0x3  }
.LBB2_10:
0x336: {  	_ =	sfence.sel $0x180000  }
0x337: {  	[bflag:$0x0] =	sbarrier.arrive $0xFFFF  }
0x338: {  	p0 =	sne.s32 s0, $0x0;
	_ =	strace $0x90000047  }
0x339: {  	s0 =	sadd.s32 @!p0 $0x100000, s3;
	[bflag:$0x2] =	sbarrier.arrive $0xFFFF  }
0x33a: {  	[sflag:s0] =	ssyncadd.tile.s32 @!p0 $0x1;
	_ =	shalt  }
.Lfunc_end2:
_tile_overlayer_lowered:
.L_overlay_start_2:
0x33b: {  	(tag) =	ssettag $0x2  }
0x33c: {  	s0 =	rddreg [dreg:$0x0];
	s2 =	stileid.u32  }
0x33d: {  	s1 =	rddreg [dreg:$0x1];
	p0 =	sne.s32 s2, $0x0  }
0x33e: {  	s3 =	rddreg [dreg:$0x2];
	[bflag:$0x3] =	sbarrier.arrive $0xFFFF;
	s2 =	simm.s32 @!p0 $0x1C02  }
0x33f: {  	[timem:s3], [sflag:s2] =	dma.local @!p0 [hbm:s0], s1  }
0x340: {  	s0 =	simm.s32 @!p0 $0x2  }
0x341: {  	_ =	swait.ge @!p0 [sflag:s0], s1  }
0x342: {  	s1 =	ssub.s32 @!p0 $0x0, s1;
	[sflag:s0] =	ssyncset.done @!p0 $0x0  }
0x343: {  	[sflag:s0] =	ssyncadd.s32 @!p0 s1  }
0x344: {  	[bflag:$0x3] =	sbarrier.arrive $0xFFFF  }
0x345: {  	_ =	shalt  }

</sc_bundles>
